<compile_context>
chip_gen: v7x
topology: tpu7x:2x2x1
jax: 0.10.2.dev20260603
libtpu: 0.0.44.dev20260713+nightly
codegen_flags: <defaults>
</compile_context>

<pallas_src>
import functools

import jax
import jax.numpy as jnp
from jax import lax
from jax.experimental import pallas as pl
from jax.experimental.pallas import tpu as pltpu
from jax.experimental.pallas import tpu_sc as plsc

N, E, D = 10000, 160000, 256

NC, NS, LANES = 2, 16, 16
NW = NC * NS

EP = 163840
EDGES_PER_W = EP // NW
CHUNK = 128
NCHUNK = EDGES_PER_W // CHUNK
NPAD = 10112
ROWS_PER_TILE = NPAD // NS
DC = 128
SLAB = 128
ZROWS = 40
GCH0 = 40
GCH1 = (EP // CHUNK - NS * GCH0) // NS
GMAX = max(GCH0, GCH1)


def _mesh():
    return plsc.VectorSubcoreMesh(
        core_axis_name="c", subcore_axis_name="s", num_cores=NC, num_subcores=NS)



def _node_linear_body(h_ref, w_ref, b_ref, ah, bh, dh, eh):
    y = jnp.dot(h_ref[...], w_ref[...],
                preferred_element_type=jnp.float32) + b_ref[...]
    ah[...] = y[:, 0:D]
    b = lax.bitcast_convert_type(y, jnp.uint32)
    yb = b + jnp.uint32(0x7FFF) + ((b >> jnp.uint32(16)) & jnp.uint32(1))
    for tbl, c0 in ((bh, D), (dh, 2 * D), (eh, 3 * D)):
        lo = yb[:, c0:c0 + 128] >> jnp.uint32(16)
        hi = yb[:, c0 + 128:c0 + 256] & jnp.uint32(0xFFFF0000)
        tbl[...] = lax.bitcast_convert_type(hi | lo, jnp.int32)


def _unpack_bf16pair(ref):
    w = lax.bitcast_convert_type(ref[...], jnp.uint32)
    lo = lax.bitcast_convert_type(w << jnp.uint32(16), jnp.float32)
    hi = lax.bitcast_convert_type(w & jnp.uint32(0xFFFF0000), jnp.float32)
    return jnp.concatenate([lo, hi], axis=1)


def _pack_bf16pair(x):
    b = lax.bitcast_convert_type(x, jnp.uint32)
    yb = b + jnp.uint32(0x7FFF) + ((b >> jnp.uint32(16)) & jnp.uint32(1))
    lo = yb[:, 0:128] >> jnp.uint32(16)
    hi = yb[:, 128:256] & jnp.uint32(0xFFFF0000)
    return lax.bitcast_convert_type(hi | lo, jnp.int32)


def _edge_body(e_ref, d_ref, t_ref, b_ref, cw_ref, cb_ref,
               eij, ml, mh, sl, sh, stats):
    i = pl.program_id(0)
    x = jnp.dot(e_ref[...], cw_ref[...], preferred_element_type=jnp.float32)
    x = x + cb_ref[...] + _unpack_bf16pair(d_ref) + _unpack_bf16pair(t_ref)
    sg = jax.nn.sigmoid(x)
    eij[...] = _pack_bf16pair(x)
    msg = sg * _unpack_bf16pair(b_ref)
    ml[...] = msg[:, 0:128]
    mh[...] = msg[:, 128:256]
    sl[...] = sg[:, 0:128]
    sh[...] = sg[:, 128:256]

    @pl.when(i == 0)
    def _():
        stats[...] = jnp.zeros_like(stats)

    stats[0:1, :] += jnp.sum(x, axis=0, keepdims=True)
    stats[1:2, :] += jnp.sum(x * x, axis=0, keepdims=True)


def _agg_body(ah_ref, num_ref, den_ref, hagg, stats):
    i = pl.program_id(0)
    nm = num_ref[0] + num_ref[1]
    dn = den_ref[0] + den_ref[1]
    x = ah_ref[...] + nm / (dn + 1e-6)
    hagg[...] = x

    @pl.when(i == 0)
    def _():
        stats[...] = jnp.zeros_like(stats)

    stats[0:1, :] += jnp.sum(x, axis=0, keepdims=True)
    stats[1:2, :] += jnp.sum(x * x, axis=0, keepdims=True)


def _bn_residual_body(nrows, packed, res_ref, x_ref, stats_ref, g_ref, b_ref, out):
    st = stats_ref[...]
    mean = st[0:1, :] / nrows
    var = st[1:2, :] / nrows - mean * mean
    inv = lax.rsqrt(var + 1e-5)
    x = _unpack_bf16pair(x_ref) if packed else x_ref[...]
    xn = (x - mean) * inv * g_ref[...] + b_ref[...]
    out[...] = res_ref[...] + jnp.maximum(xn, 0.0)



@functools.cache
def _gather_sc():
    return pl.kernel(
        _gather_sc_body,
        out_type=(jax.ShapeDtypeStruct((EP, 128), jnp.int32),) * 3,
        mesh=_mesh(),
        scratch_types=[
            pltpu.VMEM((GMAX, CHUNK), jnp.int32),
            pltpu.VMEM((GMAX, CHUNK), jnp.int32),
            pltpu.VMEM((CHUNK, 128), jnp.int32),
            pltpu.VMEM((CHUNK, 128), jnp.int32),
            pltpu.VMEM((CHUNK, 128), jnp.int32),
            pltpu.SemaphoreType.DMA,
            pltpu.SemaphoreType.DMA,
            pltpu.SemaphoreType.DMA,
        ],
    )


def _gather_sc_body(dh, eh, bh, src2d, dst2d, dsrc, edst, bsrc,
                    sidx, didx, dbuf, ebuf, bbuf, s0, s1, s2):
    c = lax.axis_index("c")
    s = lax.axis_index("s")
    nch = jnp.where(c == 0, GCH0, GCH1)
    row0 = jnp.where(c == 0, s * GCH0, NS * GCH0 + s * GCH1)
    pltpu.sync_copy(src2d.at[pl.ds(row0, GMAX)], sidx)
    pltpu.sync_copy(dst2d.at[pl.ds(row0, GMAX)], didx)

    def body(j, carry):
        base = (row0 + j) * CHUNK
        cp0 = pltpu.async_copy(dh.at[sidx.at[j]], dbuf, s0)
        cp1 = pltpu.async_copy(eh.at[didx.at[j]], ebuf, s1)
        cp2 = pltpu.async_copy(bh.at[sidx.at[j]], bbuf, s2)
        cp0.wait()
        cp1.wait()
        cp2.wait()
        pltpu.sync_copy(dbuf, dsrc.at[pl.ds(base, CHUNK)])
        pltpu.sync_copy(ebuf, edst.at[pl.ds(base, CHUNK)])
        pltpu.sync_copy(bbuf, bsrc.at[pl.ds(base, CHUNK)])
        return carry

    lax.fori_loop(0, nch, body, 0)


@functools.cache
def _scatter_sc():
    return pl.kernel(
        _scatter_sc_body,
        out_type=(jax.ShapeDtypeStruct((NC, NPAD, D), jnp.float32),) * 2,
        mesh=_mesh(),
        scratch_types=[
            pltpu.VMEM((NCHUNK, CHUNK), jnp.int32),
            pltpu.VMEM((2, SLAB, DC), jnp.float32),
            pltpu.VMEM((ZROWS, DC), jnp.float32),
            pltpu.VMEM_SHARED((NPAD, DC), jnp.float32),
            pltpu.SemaphoreType.DMA,
            pltpu.SemaphoreType.DMA,
            pltpu.SemaphoreType.DMA,
            pltpu.SemaphoreType.DMA,
        ],
    )


def _scatter_sc_body(ml, mh, sl, sh, dst2d, num2, den2,
                     didx, buf, zbuf, acc, l0, l1, s0, s1):
    c = lax.axis_index("c")
    s = lax.axis_index("s")
    w = c * NS + s
    row0 = w * NCHUNK
    pltpu.sync_copy(dst2d.at[pl.ds(row0, NCHUNK)], didx)

    def zbody(i, carry):
        r = i // (DC // LANES)
        q = i % (DC // LANES)
        zbuf[r, pl.ds(q * LANES, LANES)] = jnp.zeros((LANES,), jnp.float32)
        return carry

    lax.fori_loop(0, ZROWS * (DC // LANES), zbody, 0)
    tr0 = s * ROWS_PER_TILE

    for p, arr in enumerate((ml, mh, sl, sh)):
        outp = num2 if p < 2 else den2
        hcol = (p % 2) * DC
        for z in range(ROWS_PER_TILE // ZROWS):
            pltpu.sync_copy(zbuf, acc.at[pl.ds(tr0 + z * ZROWS, ZROWS)])
        zrem = ROWS_PER_TILE % ZROWS
        if zrem:
            pltpu.sync_copy(
                zbuf.at[pl.ds(0, zrem)],
                acc.at[pl.ds(tr0 + (ROWS_PER_TILE // ZROWS) * ZROWS, zrem)])
        plsc.subcore_barrier()

        def issue_l(j, slot, lsem):
            ebase = w * EDGES_PER_W + j * SLAB
            pltpu.async_copy(arr.at[pl.ds(ebase, SLAB)], buf.at[slot], lsem)

        def wait_l(slot, lsem):
            pltpu.make_async_copy(arr.at[pl.ds(0, SLAB)], buf.at[slot],
                                  lsem).wait()

        def issue_s(j, slot, ssem):
            pltpu.async_copy(buf.at[slot], acc.at[didx.at[j]], ssem, add=True)

        def wait_s(slot, ssem):
            pltpu.make_async_copy(buf.at[slot], acc.at[didx.at[0]],
                                  ssem).wait()

        issue_l(0, 0, l0)

        def sbody(t, carry):
            j0 = 2 * t
            j1 = 2 * t + 1
            wait_l(0, l0)

            @pl.when(t > 0)
            def _():
                wait_s(1, s1)

            issue_l(j1, 1, l1)
            issue_s(j0, 0, s0)
            wait_l(1, l1)
            wait_s(0, s0)

            @pl.when(t < EDGES_PER_W // SLAB // 2 - 1)
            def _():
                issue_l(j0 + 2, 0, l0)

            issue_s(j1, 1, s1)
            return carry

        lax.fori_loop(0, EDGES_PER_W // SLAB // 2, sbody, 0)
        wait_s(1, s1)
        plsc.subcore_barrier()
        pltpu.sync_copy(acc.at[pl.ds(tr0, ROWS_PER_TILE)],
                        outp.at[c, pl.ds(tr0, ROWS_PER_TILE), pl.ds(hcol, DC)])
        plsc.subcore_barrier()



BN1 = 2000
BE = 2000


def kernel(h, e, edge_index, A_w, A_b, B_w, B_b, C_w, C_b, D_w, D_b, E_w, E_b,
           bn_h_gamma, bn_h_beta, bn_e_gamma, bn_e_beta):
    f32 = jnp.float32
    src = edge_index[0].astype(jnp.int32)
    dst = edge_index[1].astype(jnp.int32)
    pad = EP - E
    src2d = jnp.concatenate([src, jnp.zeros((pad,), jnp.int32)]).reshape(EP // CHUNK, CHUNK)
    dst2d_g = jnp.concatenate([dst, jnp.zeros((pad,), jnp.int32)]).reshape(EP // CHUNK, CHUNK)
    dst2d_s = jnp.concatenate([dst, jnp.full((pad,), N, jnp.int32)]).reshape(EP // CHUNK, CHUNK)

    Wc = jnp.concatenate([A_w, B_w, D_w, E_w], axis=0).T
    bc = jnp.concatenate([A_b, B_b, D_b, E_b]).reshape(1, 4 * D)
    CwT = C_w.T
    cb = C_b.reshape(1, D)

    ah, bh, dh, eh = pl.pallas_call(
        _node_linear_body,
        grid=(N // BN1,),
        in_specs=[pl.BlockSpec((BN1, D), lambda i: (i, 0)),
                  pl.BlockSpec((D, 4 * D), lambda i: (0, 0)),
                  pl.BlockSpec((1, 4 * D), lambda i: (0, 0))],
        out_specs=[pl.BlockSpec((BN1, D), lambda i: (i, 0))] + [
            pl.BlockSpec((BN1, 128), lambda i: (i, 0))] * 3,
        out_shape=[jax.ShapeDtypeStruct((N, D), f32)] + [
            jax.ShapeDtypeStruct((N, 128), jnp.int32)] * 3,
    )(h, Wc, bc)

    dsrc, edst, bsrc = _gather_sc()(dh, eh, bh, src2d, dst2d_g)

    eij, ml, mh, sl, sh, estats = pl.pallas_call(
        _edge_body,
        grid=(E // BE,),
        in_specs=[pl.BlockSpec((BE, D), lambda i: (i, 0))] + [
            pl.BlockSpec((BE, 128), lambda i: (i, 0))] * 3 + [
            pl.BlockSpec((D, D), lambda i: (0, 0)),
            pl.BlockSpec((1, D), lambda i: (0, 0))],
        out_specs=[pl.BlockSpec((BE, 128), lambda i: (i, 0))] * 5 + [
            pl.BlockSpec((2, D), lambda i: (0, 0))],
        out_shape=[jax.ShapeDtypeStruct((E, 128), jnp.int32)] + [
            jax.ShapeDtypeStruct((EP, 128), f32)] * 4 + [
            jax.ShapeDtypeStruct((2, D), f32)],
    )(e, dsrc, edst, bsrc, CwT, cb)

    num2, den2 = _scatter_sc()(ml, mh, sl, sh, dst2d_s)

    hagg, hstats = pl.pallas_call(
        _agg_body,
        grid=(N // BN1,),
        in_specs=[pl.BlockSpec((BN1, D), lambda i: (i, 0)),
                  pl.BlockSpec((NC, BN1, D), lambda i: (0, i, 0)),
                  pl.BlockSpec((NC, BN1, D), lambda i: (0, i, 0))],
        out_specs=[pl.BlockSpec((BN1, D), lambda i: (i, 0)),
                   pl.BlockSpec((2, D), lambda i: (0, 0))],
        out_shape=[jax.ShapeDtypeStruct((N, D), f32),
                   jax.ShapeDtypeStruct((2, D), f32)],
    )(ah, num2, den2)

    h_out = pl.pallas_call(
        functools.partial(_bn_residual_body, float(N), False),
        grid=(N // BN1,),
        in_specs=[pl.BlockSpec((BN1, D), lambda i: (i, 0)),
                  pl.BlockSpec((BN1, D), lambda i: (i, 0)),
                  pl.BlockSpec((2, D), lambda i: (0, 0)),
                  pl.BlockSpec((1, D), lambda i: (0, 0)),
                  pl.BlockSpec((1, D), lambda i: (0, 0))],
        out_specs=pl.BlockSpec((BN1, D), lambda i: (i, 0)),
        out_shape=jax.ShapeDtypeStruct((N, D), f32),
    )(h, hagg, hstats, bn_h_gamma.reshape(1, D), bn_h_beta.reshape(1, D))

    e_out = pl.pallas_call(
        functools.partial(_bn_residual_body, float(E), True),
        grid=(E // BE,),
        in_specs=[pl.BlockSpec((BE, D), lambda i: (i, 0)),
                  pl.BlockSpec((BE, 128), lambda i: (i, 0)),
                  pl.BlockSpec((2, D), lambda i: (0, 0)),
                  pl.BlockSpec((1, D), lambda i: (0, 0)),
                  pl.BlockSpec((1, D), lambda i: (0, 0))],
        out_specs=pl.BlockSpec((BE, D), lambda i: (i, 0)),
        out_shape=jax.ShapeDtypeStruct((E, D), f32),
    )(e, eij, estats, bn_e_gamma.reshape(1, D), bn_e_beta.reshape(1, D))

    return (h_out, e_out)

# --- scband reference (transcript-rebuilt; emitter-appended) ---
"""Pipeline reference for scband-gated-gcn-layer-11905649344612 (READ-ONLY COPY).

The authoritative reference and input builder live on the scoring server;
editing this copy changes nothing except your own understanding.
"""

import jax, jax.numpy as jnp
import numpy as np

N, E, D = 10000, 160000, 256

def _linear_params(key, d_in, d_out):
    k1, k2 = jax.random.split(key)
    bound = 1.0 / np.sqrt(d_in)
    W = jax.random.uniform(k1, (d_out, d_in), jnp.float32, -bound, bound)
    b = jax.random.uniform(k2, (d_out,), jnp.float32, -bound, bound)
    return W, b

def setup_inputs(seed: int = 0) -> dict:
    key = jax.random.key(seed)
    ks = jax.random.split(key, 10)
    h = jax.random.normal(ks[0], (N, D), jnp.float32)
    e = jax.random.normal(ks[1], (E, D), jnp.float32)
    edge_index = jax.random.randint(ks[2], (2, E), 0, N)
    A_w, A_b = _linear_params(ks[3], D, D)
    B_w, B_b = _linear_params(ks[4], D, D)
    C_w, C_b = _linear_params(ks[5], D, D)
    D_w, D_b = _linear_params(ks[6], D, D)
    E_w, E_b = _linear_params(ks[7], D, D)
    bn_h_gamma = jnp.ones((D,), jnp.float32)
    bn_h_beta = jnp.zeros((D,), jnp.float32)
    bn_e_gamma = jnp.ones((D,), jnp.float32)
    bn_e_beta = jnp.zeros((D,), jnp.float32)
    return {"h": h, "e": e, "edge_index": edge_index,
            "A_w": A_w, "A_b": A_b, "B_w": B_w, "B_b": B_b,
            "C_w": C_w, "C_b": C_b, "D_w": D_w, "D_b": D_b,
            "E_w": E_w, "E_b": E_b,
            "bn_h_gamma": bn_h_gamma, "bn_h_beta": bn_h_beta,
            "bn_e_gamma": bn_e_gamma, "bn_e_beta": bn_e_beta}

def _bn(x, gamma, beta, eps=1e-5):
    mean = jnp.mean(x, axis=0)
    var = jnp.var(x, axis=0)
    return gamma * (x - mean) / jnp.sqrt(var + eps) + beta

def reference(h, e, edge_index, A_w, A_b, B_w, B_b, C_w, C_b, D_w, D_b, E_w, E_b,
              bn_h_gamma, bn_h_beta, bn_e_gamma, bn_e_beta):
    src = edge_index[0]
    dst = edge_index[1]
    Ah = h @ A_w.T + A_b
    Bh = h @ B_w.T + B_b
    Dh = h @ D_w.T + D_b
    Eh = h @ E_w.T + E_b
    Ce = e @ C_w.T + C_b
    # message: e_ij = Ce + Dh[src] + Eh[dst]
    e_ij = Ce + jnp.take(Dh, src, axis=0) + jnp.take(Eh, dst, axis=0)
    sigma_ij = jax.nn.sigmoid(e_ij)
    Bh_j = jnp.take(Bh, src, axis=0)
    num = jax.ops.segment_sum(sigma_ij * Bh_j, dst, num_segments=N)
    den = jax.ops.segment_sum(sigma_ij, dst, num_segments=N)
    h_agg = Ah + num / (den + 1e-6)
    h_out = h + jax.nn.relu(_bn(h_agg, bn_h_gamma, bn_h_beta))
    e_out = e + jax.nn.relu(_bn(e_ij, bn_e_gamma, bn_e_beta))
    return (h_out, e_out)

if __name__ == "__main__":
    import jax
    _d = setup_inputs()
    print(jax.jit(kernel)(*tuple(_d.values())))

</pallas_src>

<mosaic_0001>
#map = affine_map<(d0, d1) -> (0, 0)>
#map1 = affine_map<(d0, d1) -> (0, 0, 0)>
module attributes {stable_mosaic.version = 14 : i64} {
  func.func @_scatter_sc_body(%arg0: i32, %arg1: i32, %arg2: memref<163840x128xf32, #tpu.memory_space<hbm>>, %arg3: memref<163840x128xf32, #tpu.memory_space<hbm>>, %arg4: memref<163840x128xf32, #tpu.memory_space<hbm>>, %arg5: memref<163840x128xf32, #tpu.memory_space<hbm>>, %arg6: memref<1280x128xi32, #tpu.memory_space<hbm>>, %arg7: memref<2x10112x256xf32, #tpu.memory_space<hbm>>, %arg8: memref<2x10112x256xf32, #tpu.memory_space<hbm>>, %arg9: memref<40x128xi32, #tpu.memory_space<vmem>>, %arg10: memref<2x128x128xf32, #tpu.memory_space<vmem>>, %arg11: memref<40x128xf32, #tpu.memory_space<vmem>>, %arg12: memref<10112x128xf32, #tpu.memory_space<vmem_shared>>, %arg13: memref<!tpu.dma_semaphore, #tpu.memory_space<semaphore_mem>>, %arg14: memref<!tpu.dma_semaphore, #tpu.memory_space<semaphore_mem>>, %arg15: memref<!tpu.dma_semaphore, #tpu.memory_space<semaphore_mem>>, %arg16: memref<!tpu.dma_semaphore, #tpu.memory_space<semaphore_mem>>) attributes {dimension_semantics = [#tpu.dimension_semantics<core_parallel>, #tpu.dimension_semantics<subcore_parallel>], iteration_bounds = array<i64: 2, 16>, scalar_prefetch = 0 : i64, scratch_operands = 8 : i64, tpu.core_type = #tpu.core_type<sc_vector_subcore>, window_params = [{transform_indices = #map}, {transform_indices = #map}, {transform_indices = #map}, {transform_indices = #map}, {transform_indices = #map}, {transform_indices = #map1}, {transform_indices = #map1}]} {
    %mul3A = arith.constant 16 : i32
    %mul3A_0 = arith.muli %arg0, %mul3A : i32
    %add3A = arith.addi %mul3A_0, %arg1 : i32
    %mul3A_1 = arith.constant 40 : i32
    %mul3A_2 = arith.muli %add3A, %mul3A_1 : i32
    "tpu.region"() ({
      %run_scoped3A = tpu.sem_alloc : memref<!tpu.dma_semaphore, #tpu.memory_space<semaphore_mem>>
      %dma_start3A_287 = arith.constant 0 : i32
      %dma_start3A_288 = tpu.memref_slice %arg6[%mul3A_2, %dma_start3A_287] : memref<1280x128xi32, #tpu.memory_space<hbm>> -> memref<40x128xi32, #tpu.memory_space<hbm>>
      %dma_start3A_289 = arith.constant 0 : i32
      %dma_start3A_290 = tpu.memref_slice %arg6[%mul3A_2, %dma_start3A_289] : memref<1280x128xi32, #tpu.memory_space<hbm>> -> memref<40x128xi32, #tpu.memory_space<hbm>>
      tpu.enqueue_dma source(%dma_start3A_290 : memref<40x128xi32, #tpu.memory_space<hbm>>) target(%arg9 : memref<40x128xi32, #tpu.memory_space<vmem>>) target_semaphore(%run_scoped3A : memref<!tpu.dma_semaphore, #tpu.memory_space<semaphore_mem>>)
      %dma_wait3A_291 = arith.constant 0 : i32
      %dma_wait3A_292 = tpu.memref_slice %arg6[%mul3A_2, %dma_wait3A_291] : memref<1280x128xi32, #tpu.memory_space<hbm>> -> memref<40x128xi32, #tpu.memory_space<hbm>>
      %dma_wait3A_293 = arith.constant 0 : i32
      %dma_wait3A_294 = tpu.memref_slice %arg6[%mul3A_2, %dma_wait3A_293] : memref<1280x128xi32, #tpu.memory_space<hbm>> -> memref<40x128xi32, #tpu.memory_space<hbm>>
      tpu.wait_dma2 semaphore(%run_scoped3A : memref<!tpu.dma_semaphore, #tpu.memory_space<semaphore_mem>>) src(%dma_wait3A_294 : memref<40x128xi32, #tpu.memory_space<hbm>>) dst(%arg9 : memref<40x128xi32, #tpu.memory_space<vmem>>)
      tpu.yield
    }) : () -> ()
    %scan3A = arith.constant 0 : i32
    %scan3A_3 = arith.constant 0 : i32
    %scan3A_4 = arith.constant 320 : i32
    %scan3A_5 = arith.addi %scan3A_3, %scan3A_4 : i32
    %scan3A_6 = arith.constant 1 : i32
    scf.for %scan3A_287 = %scan3A_3 to %scan3A_5 step %scan3A_6  : i32 {
      %jit3A = arith.constant 8 : i32
      %div3A = arith.divsi %scan3A_287, %jit3A : i32
      %sign3A = arith.constant 0 : i32
      %sign3A_288 = arith.cmpi sgt, %scan3A_287, %sign3A : i32
      %sign3A_289 = arith.extui %sign3A_288 : i1 to i32
      %sign3A_290 = arith.constant 0 : i32
      %sign3A_291 = arith.cmpi slt, %scan3A_287, %sign3A_290 : i32
      %sign3A_292 = arith.extui %sign3A_291 : i1 to i32
      %sign3A_293 = arith.subi %sign3A_289, %sign3A_292 : i32
      %sign3A_294 = arith.constant 0 : i32
      %sign3A_295 = arith.cmpi sgt, %jit3A, %sign3A_294 : i32
      %sign3A_296 = arith.extui %sign3A_295 : i1 to i32
      %sign3A_297 = arith.constant 0 : i32
      %sign3A_298 = arith.cmpi slt, %jit3A, %sign3A_297 : i32
      %sign3A_299 = arith.extui %sign3A_298 : i1 to i32
      %sign3A_300 = arith.subi %sign3A_296, %sign3A_299 : i32
      %ne3A = arith.cmpi ne, %sign3A_293, %sign3A_300 : i32
      %rem3A = arith.remsi %scan3A_287, %jit3A : i32
      %ne3A_301 = arith.constant 0 : i32
      %ne3A_302 = arith.cmpi ne, %rem3A, %ne3A_301 : i32
      %and3A = arith.andi %ne3A, %ne3A_302 : i1
      %sub3A = arith.constant 1 : i32
      %sub3A_303 = arith.subi %div3A, %sub3A : i32
      %select_n3A = arith.select %and3A, %sub3A_303, %div3A : i32
      %jit3A_304 = arith.constant 8 : i32
      %eq3A = arith.constant 0 : i32
      %eq3A_305 = arith.cmpi eq, %jit3A_304, %eq3A : i32
      %jit3A_306 = arith.constant 1 : i32
      %select_n3A_307 = arith.select %eq3A_305, %jit3A_306, %jit3A_304 : i32
      %rem3A_308 = arith.remsi %scan3A_287, %select_n3A_307 : i32
      %ne3A_309 = arith.constant 0 : i32
      %ne3A_310 = arith.cmpi ne, %rem3A_308, %ne3A_309 : i32
      %lt3A = arith.constant 0 : i32
      %lt3A_311 = arith.cmpi slt, %rem3A_308, %lt3A : i32
      %lt3A_312 = arith.constant 0 : i32
      %lt3A_313 = arith.cmpi slt, %select_n3A_307, %lt3A_312 : i32
      %ne3A_314 = arith.xori %lt3A_311, %lt3A_313 : i1
      %and3A_315 = arith.andi %ne3A_314, %ne3A_310 : i1
      %add3A_316 = arith.addi %rem3A_308, %select_n3A_307 : i32
      %select_n3A_317 = arith.select %and3A_315, %add3A_316, %rem3A_308 : i32
      %broadcast_in_dim3A = arith.constant 0.000000e+00 : f32
      %broadcast_in_dim3A_318 = vector.broadcast %broadcast_in_dim3A : f32 to vector<16xf32>
      %mul3A_319 = arith.constant 16 : i32
      %mul3A_320 = arith.muli %select_n3A_317, %mul3A_319 : i32
      %swap3A = arith.index_cast %select_n3A : i32 to index
      %swap3A_321 = arith.index_cast %mul3A_320 : i32 to index
      %swap3A_322 = tpu.vector_load %arg11[%swap3A, %swap3A_321] {strides = array<i32>} : memref<40x128xf32, #tpu.memory_space<vmem>>, vector<1x16xf32>,
      %swap3A_323 = vector.shape_cast %swap3A_322 : vector<1x16xf32> to vector<16xf32>
      %swap3A_324 = vector.shape_cast %broadcast_in_dim3A_318 : vector<16xf32> to vector<1x16xf32>
      tpu.vector_store %arg11[%swap3A, %swap3A_321], %swap3A_324 {strides = array<i32>} : memref<40x128xf32, #tpu.memory_space<vmem>>, vector<1x16xf32>,
    }
    %scan3A_7 = arith.constant 320 : i32
    %mul3A_8 = arith.constant 632 : i32
    %mul3A_9 = arith.muli %arg1, %mul3A_8 : i32
    %add3A_10 = arith.constant 0 : i32
    %add3A_11 = arith.addi %mul3A_9, %add3A_10 : i32
    "tpu.region"() ({
      %run_scoped3A = tpu.sem_alloc : memref<!tpu.dma_semaphore, #tpu.memory_space<semaphore_mem>>
      %dma_start3A_287 = arith.constant 0 : i32
      %dma_start3A_288 = tpu.memref_slice %arg12[%add3A_11, %dma_start3A_287] : memref<10112x128xf32, #tpu.memory_space<vmem_shared>> -> memref<40x128xf32, #tpu.memory_space<vmem_shared>>
      %dma_start3A_289 = arith.constant 0 : i32
      %dma_start3A_290 = tpu.memref_slice %arg12[%add3A_11, %dma_start3A_289] : memref<10112x128xf32, #tpu.memory_space<vmem_shared>> -> memref<40x128xf32, #tpu.memory_space<vmem_shared>>
      tpu.enqueue_dma source(%arg11 : memref<40x128xf32, #tpu.memory_space<vmem>>) target(%dma_start3A_290 : memref<40x128xf32, #tpu.memory_space<vmem_shared>>) target_semaphore(%run_scoped3A : memref<!tpu.dma_semaphore, #tpu.memory_space<semaphore_mem>>)
      %dma_wait3A_291 = arith.constant 0 : i32
      %dma_wait3A_292 = tpu.memref_slice %arg12[%add3A_11, %dma_wait3A_291] : memref<10112x128xf32, #tpu.memory_space<vmem_shared>> -> memref<40x128xf32, #tpu.memory_space<vmem_shared>>
      %dma_wait3A_293 = arith.constant 0 : i32
      %dma_wait3A_294 = tpu.memref_slice %arg12[%add3A_11, %dma_wait3A_293] : memref<10112x128xf32, #tpu.memory_space<vmem_shared>> -> memref<40x128xf32, #tpu.memory_space<vmem_shared>>
      tpu.wait_dma2 semaphore(%run_scoped3A : memref<!tpu.dma_semaphore, #tpu.memory_space<semaphore_mem>>) src(%arg11 : memref<40x128xf32, #tpu.memory_space<vmem>>) dst(%dma_wait3A_294 : memref<40x128xf32, #tpu.memory_space<vmem_shared>>)
      tpu.yield
    }) : () -> ()
    %add3A_12 = arith.constant 40 : i32
    %add3A_13 = arith.addi %mul3A_9, %add3A_12 : i32
    "tpu.region"() ({
      %run_scoped3A = tpu.sem_alloc : memref<!tpu.dma_semaphore, #tpu.memory_space<semaphore_mem>>
      %dma_start3A_287 = arith.constant 0 : i32
      %dma_start3A_288 = tpu.memref_slice %arg12[%add3A_13, %dma_start3A_287] : memref<10112x128xf32, #tpu.memory_space<vmem_shared>> -> memref<40x128xf32, #tpu.memory_space<vmem_shared>>
      %dma_start3A_289 = arith.constant 0 : i32
      %dma_start3A_290 = tpu.memref_slice %arg12[%add3A_13, %dma_start3A_289] : memref<10112x128xf32, #tpu.memory_space<vmem_shared>> -> memref<40x128xf32, #tpu.memory_space<vmem_shared>>
      tpu.enqueue_dma source(%arg11 : memref<40x128xf32, #tpu.memory_space<vmem>>) target(%dma_start3A_290 : memref<40x128xf32, #tpu.memory_space<vmem_shared>>) target_semaphore(%run_scoped3A : memref<!tpu.dma_semaphore, #tpu.memory_space<semaphore_mem>>)
      %dma_wait3A_291 = arith.constant 0 : i32
      %dma_wait3A_292 = tpu.memref_slice %arg12[%add3A_13, %dma_wait3A_291] : memref<10112x128xf32, #tpu.memory_space<vmem_shared>> -> memref<40x128xf32, #tpu.memory_space<vmem_shared>>
      %dma_wait3A_293 = arith.constant 0 : i32
      %dma_wait3A_294 = tpu.memref_slice %arg12[%add3A_13, %dma_wait3A_293] : memref<10112x128xf32, #tpu.memory_space<vmem_shared>> -> memref<40x128xf32, #tpu.memory_space<vmem_shared>>
      tpu.wait_dma2 semaphore(%run_scoped3A : memref<!tpu.dma_semaphore, #tpu.memory_space<semaphore_mem>>) src(%arg11 : memref<40x128xf32, #tpu.memory_space<vmem>>) dst(%dma_wait3A_294 : memref<40x128xf32, #tpu.memory_space<vmem_shared>>)
      tpu.yield
    }) : () -> ()
    %add3A_14 = arith.constant 80 : i32
    %add3A_15 = arith.addi %mul3A_9, %add3A_14 : i32
    "tpu.region"() ({
      %run_scoped3A = tpu.sem_alloc : memref<!tpu.dma_semaphore, #tpu.memory_space<semaphore_mem>>
      %dma_start3A_287 = arith.constant 0 : i32
      %dma_start3A_288 = tpu.memref_slice %arg12[%add3A_15, %dma_start3A_287] : memref<10112x128xf32, #tpu.memory_space<vmem_shared>> -> memref<40x128xf32, #tpu.memory_space<vmem_shared>>
      %dma_start3A_289 = arith.constant 0 : i32
      %dma_start3A_290 = tpu.memref_slice %arg12[%add3A_15, %dma_start3A_289] : memref<10112x128xf32, #tpu.memory_space<vmem_shared>> -> memref<40x128xf32, #tpu.memory_space<vmem_shared>>
      tpu.enqueue_dma source(%arg11 : memref<40x128xf32, #tpu.memory_space<vmem>>) target(%dma_start3A_290 : memref<40x128xf32, #tpu.memory_space<vmem_shared>>) target_semaphore(%run_scoped3A : memref<!tpu.dma_semaphore, #tpu.memory_space<semaphore_mem>>)
      %dma_wait3A_291 = arith.constant 0 : i32
      %dma_wait3A_292 = tpu.memref_slice %arg12[%add3A_15, %dma_wait3A_291] : memref<10112x128xf32, #tpu.memory_space<vmem_shared>> -> memref<40x128xf32, #tpu.memory_space<vmem_shared>>
      %dma_wait3A_293 = arith.constant 0 : i32
      %dma_wait3A_294 = tpu.memref_slice %arg12[%add3A_15, %dma_wait3A_293] : memref<10112x128xf32, #tpu.memory_space<vmem_shared>> -> memref<40x128xf32, #tpu.memory_space<vmem_shared>>
      tpu.wait_dma2 semaphore(%run_scoped3A : memref<!tpu.dma_semaphore, #tpu.memory_space<semaphore_mem>>) src(%arg11 : memref<40x128xf32, #tpu.memory_space<vmem>>) dst(%dma_wait3A_294 : memref<40x128xf32, #tpu.memory_space<vmem_shared>>)
      tpu.yield
    }) : () -> ()
    %add3A_16 = arith.constant 120 : i32
    %add3A_17 = arith.addi %mul3A_9, %add3A_16 : i32
    "tpu.region"() ({
      %run_scoped3A = tpu.sem_alloc : memref<!tpu.dma_semaphore, #tpu.memory_space<semaphore_mem>>
      %dma_start3A_287 = arith.constant 0 : i32
      %dma_start3A_288 = tpu.memref_slice %arg12[%add3A_17, %dma_start3A_287] : memref<10112x128xf32, #tpu.memory_space<vmem_shared>> -> memref<40x128xf32, #tpu.memory_space<vmem_shared>>
      %dma_start3A_289 = arith.constant 0 : i32
      %dma_start3A_290 = tpu.memref_slice %arg12[%add3A_17, %dma_start3A_289] : memref<10112x128xf32, #tpu.memory_space<vmem_shared>> -> memref<40x128xf32, #tpu.memory_space<vmem_shared>>
      tpu.enqueue_dma source(%arg11 : memref<40x128xf32, #tpu.memory_space<vmem>>) target(%dma_start3A_290 : memref<40x128xf32, #tpu.memory_space<vmem_shared>>) target_semaphore(%run_scoped3A : memref<!tpu.dma_semaphore, #tpu.memory_space<semaphore_mem>>)
      %dma_wait3A_291 = arith.constant 0 : i32
      %dma_wait3A_292 = tpu.memref_slice %arg12[%add3A_17, %dma_wait3A_291] : memref<10112x128xf32, #tpu.memory_space<vmem_shared>> -> memref<40x128xf32, #tpu.memory_space<vmem_shared>>
      %dma_wait3A_293 = arith.constant 0 : i32
      %dma_wait3A_294 = tpu.memref_slice %arg12[%add3A_17, %dma_wait3A_293] : memref<10112x128xf32, #tpu.memory_space<vmem_shared>> -> memref<40x128xf32, #tpu.memory_space<vmem_shared>>
      tpu.wait_dma2 semaphore(%run_scoped3A : memref<!tpu.dma_semaphore, #tpu.memory_space<semaphore_mem>>) src(%arg11 : memref<40x128xf32, #tpu.memory_space<vmem>>) dst(%dma_wait3A_294 : memref<40x128xf32, #tpu.memory_space<vmem_shared>>)
      tpu.yield
    }) : () -> ()
    %add3A_18 = arith.constant 160 : i32
    %add3A_19 = arith.addi %mul3A_9, %add3A_18 : i32
    "tpu.region"() ({
      %run_scoped3A = tpu.sem_alloc : memref<!tpu.dma_semaphore, #tpu.memory_space<semaphore_mem>>
      %dma_start3A_287 = arith.constant 0 : i32
      %dma_start3A_288 = tpu.memref_slice %arg12[%add3A_19, %dma_start3A_287] : memref<10112x128xf32, #tpu.memory_space<vmem_shared>> -> memref<40x128xf32, #tpu.memory_space<vmem_shared>>
      %dma_start3A_289 = arith.constant 0 : i32
      %dma_start3A_290 = tpu.memref_slice %arg12[%add3A_19, %dma_start3A_289] : memref<10112x128xf32, #tpu.memory_space<vmem_shared>> -> memref<40x128xf32, #tpu.memory_space<vmem_shared>>
      tpu.enqueue_dma source(%arg11 : memref<40x128xf32, #tpu.memory_space<vmem>>) target(%dma_start3A_290 : memref<40x128xf32, #tpu.memory_space<vmem_shared>>) target_semaphore(%run_scoped3A : memref<!tpu.dma_semaphore, #tpu.memory_space<semaphore_mem>>)
      %dma_wait3A_291 = arith.constant 0 : i32
      %dma_wait3A_292 = tpu.memref_slice %arg12[%add3A_19, %dma_wait3A_291] : memref<10112x128xf32, #tpu.memory_space<vmem_shared>> -> memref<40x128xf32, #tpu.memory_space<vmem_shared>>
      %dma_wait3A_293 = arith.constant 0 : i32
      %dma_wait3A_294 = tpu.memref_slice %arg12[%add3A_19, %dma_wait3A_293] : memref<10112x128xf32, #tpu.memory_space<vmem_shared>> -> memref<40x128xf32, #tpu.memory_space<vmem_shared>>
      tpu.wait_dma2 semaphore(%run_scoped3A : memref<!tpu.dma_semaphore, #tpu.memory_space<semaphore_mem>>) src(%arg11 : memref<40x128xf32, #tpu.memory_space<vmem>>) dst(%dma_wait3A_294 : memref<40x128xf32, #tpu.memory_space<vmem_shared>>)
      tpu.yield
    }) : () -> ()
    %add3A_20 = arith.constant 200 : i32
    %add3A_21 = arith.addi %mul3A_9, %add3A_20 : i32
    "tpu.region"() ({
      %run_scoped3A = tpu.sem_alloc : memref<!tpu.dma_semaphore, #tpu.memory_space<semaphore_mem>>
      %dma_start3A_287 = arith.constant 0 : i32
      %dma_start3A_288 = tpu.memref_slice %arg12[%add3A_21, %dma_start3A_287] : memref<10112x128xf32, #tpu.memory_space<vmem_shared>> -> memref<40x128xf32, #tpu.memory_space<vmem_shared>>
      %dma_start3A_289 = arith.constant 0 : i32
      %dma_start3A_290 = tpu.memref_slice %arg12[%add3A_21, %dma_start3A_289] : memref<10112x128xf32, #tpu.memory_space<vmem_shared>> -> memref<40x128xf32, #tpu.memory_space<vmem_shared>>
      tpu.enqueue_dma source(%arg11 : memref<40x128xf32, #tpu.memory_space<vmem>>) target(%dma_start3A_290 : memref<40x128xf32, #tpu.memory_space<vmem_shared>>) target_semaphore(%run_scoped3A : memref<!tpu.dma_semaphore, #tpu.memory_space<semaphore_mem>>)
      %dma_wait3A_291 = arith.constant 0 : i32
      %dma_wait3A_292 = tpu.memref_slice %arg12[%add3A_21, %dma_wait3A_291] : memref<10112x128xf32, #tpu.memory_space<vmem_shared>> -> memref<40x128xf32, #tpu.memory_space<vmem_shared>>
      %dma_wait3A_293 = arith.constant 0 : i32
      %dma_wait3A_294 = tpu.memref_slice %arg12[%add3A_21, %dma_wait3A_293] : memref<10112x128xf32, #tpu.memory_space<vmem_shared>> -> memref<40x128xf32, #tpu.memory_space<vmem_shared>>
      tpu.wait_dma2 semaphore(%run_scoped3A : memref<!tpu.dma_semaphore, #tpu.memory_space<semaphore_mem>>) src(%arg11 : memref<40x128xf32, #tpu.memory_space<vmem>>) dst(%dma_wait3A_294 : memref<40x128xf32, #tpu.memory_space<vmem_shared>>)
      tpu.yield
    }) : () -> ()
    %add3A_22 = arith.constant 240 : i32
    %add3A_23 = arith.addi %mul3A_9, %add3A_22 : i32
    "tpu.region"() ({
      %run_scoped3A = tpu.sem_alloc : memref<!tpu.dma_semaphore, #tpu.memory_space<semaphore_mem>>
      %dma_start3A_287 = arith.constant 0 : i32
      %dma_start3A_288 = tpu.memref_slice %arg12[%add3A_23, %dma_start3A_287] : memref<10112x128xf32, #tpu.memory_space<vmem_shared>> -> memref<40x128xf32, #tpu.memory_space<vmem_shared>>
      %dma_start3A_289 = arith.constant 0 : i32
      %dma_start3A_290 = tpu.memref_slice %arg12[%add3A_23, %dma_start3A_289] : memref<10112x128xf32, #tpu.memory_space<vmem_shared>> -> memref<40x128xf32, #tpu.memory_space<vmem_shared>>
      tpu.enqueue_dma source(%arg11 : memref<40x128xf32, #tpu.memory_space<vmem>>) target(%dma_start3A_290 : memref<40x128xf32, #tpu.memory_space<vmem_shared>>) target_semaphore(%run_scoped3A : memref<!tpu.dma_semaphore, #tpu.memory_space<semaphore_mem>>)
      %dma_wait3A_291 = arith.constant 0 : i32
      %dma_wait3A_292 = tpu.memref_slice %arg12[%add3A_23, %dma_wait3A_291] : memref<10112x128xf32, #tpu.memory_space<vmem_shared>> -> memref<40x128xf32, #tpu.memory_space<vmem_shared>>
      %dma_wait3A_293 = arith.constant 0 : i32
      %dma_wait3A_294 = tpu.memref_slice %arg12[%add3A_23, %dma_wait3A_293] : memref<10112x128xf32, #tpu.memory_space<vmem_shared>> -> memref<40x128xf32, #tpu.memory_space<vmem_shared>>
      tpu.wait_dma2 semaphore(%run_scoped3A : memref<!tpu.dma_semaphore, #tpu.memory_space<semaphore_mem>>) src(%arg11 : memref<40x128xf32, #tpu.memory_space<vmem>>) dst(%dma_wait3A_294 : memref<40x128xf32, #tpu.memory_space<vmem_shared>>)
      tpu.yield
    }) : () -> ()
    %add3A_24 = arith.constant 280 : i32
    %add3A_25 = arith.addi %mul3A_9, %add3A_24 : i32
    "tpu.region"() ({
      %run_scoped3A = tpu.sem_alloc : memref<!tpu.dma_semaphore, #tpu.memory_space<semaphore_mem>>
      %dma_start3A_287 = arith.constant 0 : i32
      %dma_start3A_288 = tpu.memref_slice %arg12[%add3A_25, %dma_start3A_287] : memref<10112x128xf32, #tpu.memory_space<vmem_shared>> -> memref<40x128xf32, #tpu.memory_space<vmem_shared>>
      %dma_start3A_289 = arith.constant 0 : i32
      %dma_start3A_290 = tpu.memref_slice %arg12[%add3A_25, %dma_start3A_289] : memref<10112x128xf32, #tpu.memory_space<vmem_shared>> -> memref<40x128xf32, #tpu.memory_space<vmem_shared>>
      tpu.enqueue_dma source(%arg11 : memref<40x128xf32, #tpu.memory_space<vmem>>) target(%dma_start3A_290 : memref<40x128xf32, #tpu.memory_space<vmem_shared>>) target_semaphore(%run_scoped3A : memref<!tpu.dma_semaphore, #tpu.memory_space<semaphore_mem>>)
      %dma_wait3A_291 = arith.constant 0 : i32
      %dma_wait3A_292 = tpu.memref_slice %arg12[%add3A_25, %dma_wait3A_291] : memref<10112x128xf32, #tpu.memory_space<vmem_shared>> -> memref<40x128xf32, #tpu.memory_space<vmem_shared>>
      %dma_wait3A_293 = arith.constant 0 : i32
      %dma_wait3A_294 = tpu.memref_slice %arg12[%add3A_25, %dma_wait3A_293] : memref<10112x128xf32, #tpu.memory_space<vmem_shared>> -> memref<40x128xf32, #tpu.memory_space<vmem_shared>>
      tpu.wait_dma2 semaphore(%run_scoped3A : memref<!tpu.dma_semaphore, #tpu.memory_space<semaphore_mem>>) src(%arg11 : memref<40x128xf32, #tpu.memory_space<vmem>>) dst(%dma_wait3A_294 : memref<40x128xf32, #tpu.memory_space<vmem_shared>>)
      tpu.yield
    }) : () -> ()
    %add3A_26 = arith.constant 320 : i32
    %add3A_27 = arith.addi %mul3A_9, %add3A_26 : i32
    "tpu.region"() ({
      %run_scoped3A = tpu.sem_alloc : memref<!tpu.dma_semaphore, #tpu.memory_space<semaphore_mem>>
      %dma_start3A_287 = arith.constant 0 : i32
      %dma_start3A_288 = tpu.memref_slice %arg12[%add3A_27, %dma_start3A_287] : memref<10112x128xf32, #tpu.memory_space<vmem_shared>> -> memref<40x128xf32, #tpu.memory_space<vmem_shared>>
      %dma_start3A_289 = arith.constant 0 : i32
      %dma_start3A_290 = tpu.memref_slice %arg12[%add3A_27, %dma_start3A_289] : memref<10112x128xf32, #tpu.memory_space<vmem_shared>> -> memref<40x128xf32, #tpu.memory_space<vmem_shared>>
      tpu.enqueue_dma source(%arg11 : memref<40x128xf32, #tpu.memory_space<vmem>>) target(%dma_start3A_290 : memref<40x128xf32, #tpu.memory_space<vmem_shared>>) target_semaphore(%run_scoped3A : memref<!tpu.dma_semaphore, #tpu.memory_space<semaphore_mem>>)
      %dma_wait3A_291 = arith.constant 0 : i32
      %dma_wait3A_292 = tpu.memref_slice %arg12[%add3A_27, %dma_wait3A_291] : memref<10112x128xf32, #tpu.memory_space<vmem_shared>> -> memref<40x128xf32, #tpu.memory_space<vmem_shared>>
      %dma_wait3A_293 = arith.constant 0 : i32
      %dma_wait3A_294 = tpu.memref_slice %arg12[%add3A_27, %dma_wait3A_293] : memref<10112x128xf32, #tpu.memory_space<vmem_shared>> -> memref<40x128xf32, #tpu.memory_space<vmem_shared>>
      tpu.wait_dma2 semaphore(%run_scoped3A : memref<!tpu.dma_semaphore, #tpu.memory_space<semaphore_mem>>) src(%arg11 : memref<40x128xf32, #tpu.memory_space<vmem>>) dst(%dma_wait3A_294 : memref<40x128xf32, #tpu.memory_space<vmem_shared>>)
      tpu.yield
    }) : () -> ()
    %add3A_28 = arith.constant 360 : i32
    %add3A_29 = arith.addi %mul3A_9, %add3A_28 : i32
    "tpu.region"() ({
      %run_scoped3A = tpu.sem_alloc : memref<!tpu.dma_semaphore, #tpu.memory_space<semaphore_mem>>
      %dma_start3A_287 = arith.constant 0 : i32
      %dma_start3A_288 = tpu.memref_slice %arg12[%add3A_29, %dma_start3A_287] : memref<10112x128xf32, #tpu.memory_space<vmem_shared>> -> memref<40x128xf32, #tpu.memory_space<vmem_shared>>
      %dma_start3A_289 = arith.constant 0 : i32
      %dma_start3A_290 = tpu.memref_slice %arg12[%add3A_29, %dma_start3A_289] : memref<10112x128xf32, #tpu.memory_space<vmem_shared>> -> memref<40x128xf32, #tpu.memory_space<vmem_shared>>
      tpu.enqueue_dma source(%arg11 : memref<40x128xf32, #tpu.memory_space<vmem>>) target(%dma_start3A_290 : memref<40x128xf32, #tpu.memory_space<vmem_shared>>) target_semaphore(%run_scoped3A : memref<!tpu.dma_semaphore, #tpu.memory_space<semaphore_mem>>)
      %dma_wait3A_291 = arith.constant 0 : i32
      %dma_wait3A_292 = tpu.memref_slice %arg12[%add3A_29, %dma_wait3A_291] : memref<10112x128xf32, #tpu.memory_space<vmem_shared>> -> memref<40x128xf32, #tpu.memory_space<vmem_shared>>
      %dma_wait3A_293 = arith.constant 0 : i32
      %dma_wait3A_294 = tpu.memref_slice %arg12[%add3A_29, %dma_wait3A_293] : memref<10112x128xf32, #tpu.memory_space<vmem_shared>> -> memref<40x128xf32, #tpu.memory_space<vmem_shared>>
      tpu.wait_dma2 semaphore(%run_scoped3A : memref<!tpu.dma_semaphore, #tpu.memory_space<semaphore_mem>>) src(%arg11 : memref<40x128xf32, #tpu.memory_space<vmem>>) dst(%dma_wait3A_294 : memref<40x128xf32, #tpu.memory_space<vmem_shared>>)
      tpu.yield
    }) : () -> ()
    %add3A_30 = arith.constant 400 : i32
    %add3A_31 = arith.addi %mul3A_9, %add3A_30 : i32
    "tpu.region"() ({
      %run_scoped3A = tpu.sem_alloc : memref<!tpu.dma_semaphore, #tpu.memory_space<semaphore_mem>>
      %dma_start3A_287 = arith.constant 0 : i32
      %dma_start3A_288 = tpu.memref_slice %arg12[%add3A_31, %dma_start3A_287] : memref<10112x128xf32, #tpu.memory_space<vmem_shared>> -> memref<40x128xf32, #tpu.memory_space<vmem_shared>>
      %dma_start3A_289 = arith.constant 0 : i32
      %dma_start3A_290 = tpu.memref_slice %arg12[%add3A_31, %dma_start3A_289] : memref<10112x128xf32, #tpu.memory_space<vmem_shared>> -> memref<40x128xf32, #tpu.memory_space<vmem_shared>>
      tpu.enqueue_dma source(%arg11 : memref<40x128xf32, #tpu.memory_space<vmem>>) target(%dma_start3A_290 : memref<40x128xf32, #tpu.memory_space<vmem_shared>>) target_semaphore(%run_scoped3A : memref<!tpu.dma_semaphore, #tpu.memory_space<semaphore_mem>>)
      %dma_wait3A_291 = arith.constant 0 : i32
      %dma_wait3A_292 = tpu.memref_slice %arg12[%add3A_31, %dma_wait3A_291] : memref<10112x128xf32, #tpu.memory_space<vmem_shared>> -> memref<40x128xf32, #tpu.memory_space<vmem_shared>>
      %dma_wait3A_293 = arith.constant 0 : i32
      %dma_wait3A_294 = tpu.memref_slice %arg12[%add3A_31, %dma_wait3A_293] : memref<10112x128xf32, #tpu.memory_space<vmem_shared>> -> memref<40x128xf32, #tpu.memory_space<vmem_shared>>
      tpu.wait_dma2 semaphore(%run_scoped3A : memref<!tpu.dma_semaphore, #tpu.memory_space<semaphore_mem>>) src(%arg11 : memref<40x128xf32, #tpu.memory_space<vmem>>) dst(%dma_wait3A_294 : memref<40x128xf32, #tpu.memory_space<vmem_shared>>)
      tpu.yield
    }) : () -> ()
    %add3A_32 = arith.constant 440 : i32
    %add3A_33 = arith.addi %mul3A_9, %add3A_32 : i32
    "tpu.region"() ({
      %run_scoped3A = tpu.sem_alloc : memref<!tpu.dma_semaphore, #tpu.memory_space<semaphore_mem>>
      %dma_start3A_287 = arith.constant 0 : i32
      %dma_start3A_288 = tpu.memref_slice %arg12[%add3A_33, %dma_start3A_287] : memref<10112x128xf32, #tpu.memory_space<vmem_shared>> -> memref<40x128xf32, #tpu.memory_space<vmem_shared>>
      %dma_start3A_289 = arith.constant 0 : i32
      %dma_start3A_290 = tpu.memref_slice %arg12[%add3A_33, %dma_start3A_289] : memref<10112x128xf32, #tpu.memory_space<vmem_shared>> -> memref<40x128xf32, #tpu.memory_space<vmem_shared>>
      tpu.enqueue_dma source(%arg11 : memref<40x128xf32, #tpu.memory_space<vmem>>) target(%dma_start3A_290 : memref<40x128xf32, #tpu.memory_space<vmem_shared>>) target_semaphore(%run_scoped3A : memref<!tpu.dma_semaphore, #tpu.memory_space<semaphore_mem>>)
      %dma_wait3A_291 = arith.constant 0 : i32
      %dma_wait3A_292 = tpu.memref_slice %arg12[%add3A_33, %dma_wait3A_291] : memref<10112x128xf32, #tpu.memory_space<vmem_shared>> -> memref<40x128xf32, #tpu.memory_space<vmem_shared>>
      %dma_wait3A_293 = arith.constant 0 : i32
      %dma_wait3A_294 = tpu.memref_slice %arg12[%add3A_33, %dma_wait3A_293] : memref<10112x128xf32, #tpu.memory_space<vmem_shared>> -> memref<40x128xf32, #tpu.memory_space<vmem_shared>>
      tpu.wait_dma2 semaphore(%run_scoped3A : memref<!tpu.dma_semaphore, #tpu.memory_space<semaphore_mem>>) src(%arg11 : memref<40x128xf32, #tpu.memory_space<vmem>>) dst(%dma_wait3A_294 : memref<40x128xf32, #tpu.memory_space<vmem_shared>>)
      tpu.yield
    }) : () -> ()
    %add3A_34 = arith.constant 480 : i32
    %add3A_35 = arith.addi %mul3A_9, %add3A_34 : i32
    "tpu.region"() ({
      %run_scoped3A = tpu.sem_alloc : memref<!tpu.dma_semaphore, #tpu.memory_space<semaphore_mem>>
      %dma_start3A_287 = arith.constant 0 : i32
      %dma_start3A_288 = tpu.memref_slice %arg12[%add3A_35, %dma_start3A_287] : memref<10112x128xf32, #tpu.memory_space<vmem_shared>> -> memref<40x128xf32, #tpu.memory_space<vmem_shared>>
      %dma_start3A_289 = arith.constant 0 : i32
      %dma_start3A_290 = tpu.memref_slice %arg12[%add3A_35, %dma_start3A_289] : memref<10112x128xf32, #tpu.memory_space<vmem_shared>> -> memref<40x128xf32, #tpu.memory_space<vmem_shared>>
      tpu.enqueue_dma source(%arg11 : memref<40x128xf32, #tpu.memory_space<vmem>>) target(%dma_start3A_290 : memref<40x128xf32, #tpu.memory_space<vmem_shared>>) target_semaphore(%run_scoped3A : memref<!tpu.dma_semaphore, #tpu.memory_space<semaphore_mem>>)
      %dma_wait3A_291 = arith.constant 0 : i32
      %dma_wait3A_292 = tpu.memref_slice %arg12[%add3A_35, %dma_wait3A_291] : memref<10112x128xf32, #tpu.memory_space<vmem_shared>> -> memref<40x128xf32, #tpu.memory_space<vmem_shared>>
      %dma_wait3A_293 = arith.constant 0 : i32
      %dma_wait3A_294 = tpu.memref_slice %arg12[%add3A_35, %dma_wait3A_293] : memref<10112x128xf32, #tpu.memory_space<vmem_shared>> -> memref<40x128xf32, #tpu.memory_space<vmem_shared>>
      tpu.wait_dma2 semaphore(%run_scoped3A : memref<!tpu.dma_semaphore, #tpu.memory_space<semaphore_mem>>) src(%arg11 : memref<40x128xf32, #tpu.memory_space<vmem>>) dst(%dma_wait3A_294 : memref<40x128xf32, #tpu.memory_space<vmem_shared>>)
      tpu.yield
    }) : () -> ()
    %add3A_36 = arith.constant 520 : i32
    %add3A_37 = arith.addi %mul3A_9, %add3A_36 : i32
    "tpu.region"() ({
      %run_scoped3A = tpu.sem_alloc : memref<!tpu.dma_semaphore, #tpu.memory_space<semaphore_mem>>
      %dma_start3A_287 = arith.constant 0 : i32
      %dma_start3A_288 = tpu.memref_slice %arg12[%add3A_37, %dma_start3A_287] : memref<10112x128xf32, #tpu.memory_space<vmem_shared>> -> memref<40x128xf32, #tpu.memory_space<vmem_shared>>
      %dma_start3A_289 = arith.constant 0 : i32
      %dma_start3A_290 = tpu.memref_slice %arg12[%add3A_37, %dma_start3A_289] : memref<10112x128xf32, #tpu.memory_space<vmem_shared>> -> memref<40x128xf32, #tpu.memory_space<vmem_shared>>
      tpu.enqueue_dma source(%arg11 : memref<40x128xf32, #tpu.memory_space<vmem>>) target(%dma_start3A_290 : memref<40x128xf32, #tpu.memory_space<vmem_shared>>) target_semaphore(%run_scoped3A : memref<!tpu.dma_semaphore, #tpu.memory_space<semaphore_mem>>)
      %dma_wait3A_291 = arith.constant 0 : i32
      %dma_wait3A_292 = tpu.memref_slice %arg12[%add3A_37, %dma_wait3A_291] : memref<10112x128xf32, #tpu.memory_space<vmem_shared>> -> memref<40x128xf32, #tpu.memory_space<vmem_shared>>
      %dma_wait3A_293 = arith.constant 0 : i32
      %dma_wait3A_294 = tpu.memref_slice %arg12[%add3A_37, %dma_wait3A_293] : memref<10112x128xf32, #tpu.memory_space<vmem_shared>> -> memref<40x128xf32, #tpu.memory_space<vmem_shared>>
      tpu.wait_dma2 semaphore(%run_scoped3A : memref<!tpu.dma_semaphore, #tpu.memory_space<semaphore_mem>>) src(%arg11 : memref<40x128xf32, #tpu.memory_space<vmem>>) dst(%dma_wait3A_294 : memref<40x128xf32, #tpu.memory_space<vmem_shared>>)
      tpu.yield
    }) : () -> ()
    %add3A_38 = arith.constant 560 : i32
    %add3A_39 = arith.addi %mul3A_9, %add3A_38 : i32
    "tpu.region"() ({
      %run_scoped3A = tpu.sem_alloc : memref<!tpu.dma_semaphore, #tpu.memory_space<semaphore_mem>>
      %dma_start3A_287 = arith.constant 0 : i32
      %dma_start3A_288 = tpu.memref_slice %arg12[%add3A_39, %dma_start3A_287] : memref<10112x128xf32, #tpu.memory_space<vmem_shared>> -> memref<40x128xf32, #tpu.memory_space<vmem_shared>>
      %dma_start3A_289 = arith.constant 0 : i32
      %dma_start3A_290 = tpu.memref_slice %arg12[%add3A_39, %dma_start3A_289] : memref<10112x128xf32, #tpu.memory_space<vmem_shared>> -> memref<40x128xf32, #tpu.memory_space<vmem_shared>>
      tpu.enqueue_dma source(%arg11 : memref<40x128xf32, #tpu.memory_space<vmem>>) target(%dma_start3A_290 : memref<40x128xf32, #tpu.memory_space<vmem_shared>>) target_semaphore(%run_scoped3A : memref<!tpu.dma_semaphore, #tpu.memory_space<semaphore_mem>>)
      %dma_wait3A_291 = arith.constant 0 : i32
      %dma_wait3A_292 = tpu.memref_slice %arg12[%add3A_39, %dma_wait3A_291] : memref<10112x128xf32, #tpu.memory_space<vmem_shared>> -> memref<40x128xf32, #tpu.memory_space<vmem_shared>>
      %dma_wait3A_293 = arith.constant 0 : i32
      %dma_wait3A_294 = tpu.memref_slice %arg12[%add3A_39, %dma_wait3A_293] : memref<10112x128xf32, #tpu.memory_space<vmem_shared>> -> memref<40x128xf32, #tpu.memory_space<vmem_shared>>
      tpu.wait_dma2 semaphore(%run_scoped3A : memref<!tpu.dma_semaphore, #tpu.memory_space<semaphore_mem>>) src(%arg11 : memref<40x128xf32, #tpu.memory_space<vmem>>) dst(%dma_wait3A_294 : memref<40x128xf32, #tpu.memory_space<vmem_shared>>)
      tpu.yield
    }) : () -> ()
    %add3A_40 = arith.constant 600 : i32
    %add3A_41 = arith.addi %mul3A_9, %add3A_40 : i32
    "tpu.region"() ({
      %run_scoped3A = tpu.sem_alloc : memref<!tpu.dma_semaphore, #tpu.memory_space<semaphore_mem>>
      %dma_start3A_287 = arith.constant 0 : i32
      %dma_start3A_288 = arith.constant 0 : i32
      %dma_start3A_289 = tpu.memref_slice %arg11[%dma_start3A_287, %dma_start3A_288] : memref<40x128xf32, #tpu.memory_space<vmem>> -> memref<32x128xf32, #tpu.memory_space<vmem>>
      %dma_start3A_290 = arith.constant 0 : i32
      %dma_start3A_291 = tpu.memref_slice %arg12[%add3A_41, %dma_start3A_290] : memref<10112x128xf32, #tpu.memory_space<vmem_shared>> -> memref<32x128xf32, #tpu.memory_space<vmem_shared>>
      %dma_start3A_292 = arith.constant 0 : i32
      %dma_start3A_293 = tpu.memref_slice %arg12[%add3A_41, %dma_start3A_292] : memref<10112x128xf32, #tpu.memory_space<vmem_shared>> -> memref<32x128xf32, #tpu.memory_space<vmem_shared>>
      %dma_start3A_294 = arith.constant 0 : i32
      %dma_start3A_295 = arith.constant 0 : i32
      %dma_start3A_296 = tpu.memref_slice %arg11[%dma_start3A_294, %dma_start3A_295] : memref<40x128xf32, #tpu.memory_space<vmem>> -> memref<32x128xf32, #tpu.memory_space<vmem>>
      tpu.enqueue_dma source(%dma_start3A_296 : memref<32x128xf32, #tpu.memory_space<vmem>>) target(%dma_start3A_293 : memref<32x128xf32, #tpu.memory_space<vmem_shared>>) target_semaphore(%run_scoped3A : memref<!tpu.dma_semaphore, #tpu.memory_space<semaphore_mem>>)
      %dma_wait3A_297 = arith.constant 0 : i32
      %dma_wait3A_298 = arith.constant 0 : i32
      %dma_wait3A_299 = tpu.memref_slice %arg11[%dma_wait3A_297, %dma_wait3A_298] : memref<40x128xf32, #tpu.memory_space<vmem>> -> memref<32x128xf32, #tpu.memory_space<vmem>>
      %dma_wait3A_300 = arith.constant 0 : i32
      %dma_wait3A_301 = tpu.memref_slice %arg12[%add3A_41, %dma_wait3A_300] : memref<10112x128xf32, #tpu.memory_space<vmem_shared>> -> memref<32x128xf32, #tpu.memory_space<vmem_shared>>
      %dma_wait3A_302 = arith.constant 0 : i32
      %dma_wait3A_303 = tpu.memref_slice %arg12[%add3A_41, %dma_wait3A_302] : memref<10112x128xf32, #tpu.memory_space<vmem_shared>> -> memref<32x128xf32, #tpu.memory_space<vmem_shared>>
      %dma_wait3A_304 = arith.constant 0 : i32
      %dma_wait3A_305 = arith.constant 0 : i32
      %dma_wait3A_306 = tpu.memref_slice %arg11[%dma_wait3A_304, %dma_wait3A_305] : memref<40x128xf32, #tpu.memory_space<vmem>> -> memref<32x128xf32, #tpu.memory_space<vmem>>
      tpu.wait_dma2 semaphore(%run_scoped3A : memref<!tpu.dma_semaphore, #tpu.memory_space<semaphore_mem>>) src(%dma_wait3A_306 : memref<32x128xf32, #tpu.memory_space<vmem>>) dst(%dma_wait3A_303 : memref<32x128xf32, #tpu.memory_space<vmem_shared>>)
      tpu.yield
    }) : () -> ()
    %barrier3A = arith.constant 0 : index
    tpu.barrier barrier_id(%barrier3A)
    %mul3A_42 = arith.constant 5120 : i32
    %mul3A_43 = arith.muli %add3A, %mul3A_42 : i32
    %add3A_44 = arith.constant 0 : i32
    %add3A_45 = arith.addi %mul3A_43, %add3A_44 : i32
    %dma_start3A = arith.constant 0 : i32
    %dma_start3A_46 = arith.constant 0 : i32
    %dma_start3A_47 = arith.constant 0 : i32
    %dma_start3A_48 = tpu.memref_slice %arg10[%dma_start3A, %dma_start3A_46, %dma_start3A_47] : memref<2x128x128xf32, #tpu.memory_space<vmem>> -> memref<1x128x128xf32, #tpu.memory_space<vmem>>
    %dma_start3A_49 = tpu.memref_squeeze %dma_start3A_48 : memref<1x128x128xf32, #tpu.memory_space<vmem>> -> memref<128x128xf32, #tpu.memory_space<vmem>>
    %dma_start3A_50 = arith.constant 0 : i32
    %dma_start3A_51 = tpu.memref_slice %arg2[%add3A_45, %dma_start3A_50] : memref<163840x128xf32, #tpu.memory_space<hbm>> -> memref<128x128xf32, #tpu.memory_space<hbm>>
    %dma_start3A_52 = arith.constant 0 : i32
    %dma_start3A_53 = arith.constant 0 : i32
    %dma_start3A_54 = tpu.memref_slice %arg10[%dma_start3A, %dma_start3A_52, %dma_start3A_53] : memref<2x128x128xf32, #tpu.memory_space<vmem>> -> memref<1x128x128xf32, #tpu.memory_space<vmem>>
    %dma_start3A_55 = tpu.memref_squeeze %dma_start3A_54 : memref<1x128x128xf32, #tpu.memory_space<vmem>> -> memref<128x128xf32, #tpu.memory_space<vmem>>
    %dma_start3A_56 = arith.constant 0 : i32
    %dma_start3A_57 = tpu.memref_slice %arg2[%add3A_45, %dma_start3A_56] : memref<163840x128xf32, #tpu.memory_space<hbm>> -> memref<128x128xf32, #tpu.memory_space<hbm>>
    tpu.enqueue_dma source(%dma_start3A_57 : memref<128x128xf32, #tpu.memory_space<hbm>>) target(%dma_start3A_55 : memref<128x128xf32, #tpu.memory_space<vmem>>) target_semaphore(%arg13 : memref<!tpu.dma_semaphore, #tpu.memory_space<semaphore_mem>>)
    %scan3A_58 = arith.constant 0 : i32
    %scan3A_59 = arith.constant 0 : i32
    %scan3A_60 = arith.constant 20 : i32
    %scan3A_61 = arith.addi %scan3A_59, %scan3A_60 : i32
    %scan3A_62 = arith.constant 1 : i32
    scf.for %scan3A_287 = %scan3A_59 to %scan3A_61 step %scan3A_62  : i32 {
      %mul3A_288 = arith.constant 2 : i32
      %mul3A_289 = arith.muli %mul3A_288, %scan3A_287 : i32
      %mul3A_290 = arith.constant 2 : i32
      %mul3A_291 = arith.muli %mul3A_290, %scan3A_287 : i32
      %add3A_292 = arith.constant 1 : i32
      %add3A_293 = arith.addi %mul3A_291, %add3A_292 : i32
      %dma_wait3A_294 = arith.constant 0 : i32
      %dma_wait3A_295 = arith.constant 0 : i32
      %dma_wait3A_296 = arith.constant 0 : i32
      %dma_wait3A_297 = tpu.memref_slice %arg10[%dma_wait3A_294, %dma_wait3A_295, %dma_wait3A_296] : memref<2x128x128xf32, #tpu.memory_space<vmem>> -> memref<1x128x128xf32, #tpu.memory_space<vmem>>
      %dma_wait3A_298 = tpu.memref_squeeze %dma_wait3A_297 : memref<1x128x128xf32, #tpu.memory_space<vmem>> -> memref<128x128xf32, #tpu.memory_space<vmem>>
      %dma_wait3A_299 = arith.constant 0 : i32
      %dma_wait3A_300 = arith.constant 0 : i32
      %dma_wait3A_301 = tpu.memref_slice %arg2[%dma_wait3A_299, %dma_wait3A_300] : memref<163840x128xf32, #tpu.memory_space<hbm>> -> memref<128x128xf32, #tpu.memory_space<hbm>>
      %dma_wait3A_302 = arith.constant 0 : i32
      %dma_wait3A_303 = arith.constant 0 : i32
      %dma_wait3A_304 = tpu.memref_slice %arg10[%dma_wait3A_294, %dma_wait3A_302, %dma_wait3A_303] : memref<2x128x128xf32, #tpu.memory_space<vmem>> -> memref<1x128x128xf32, #tpu.memory_space<vmem>>
      %dma_wait3A_305 = tpu.memref_squeeze %dma_wait3A_304 : memref<1x128x128xf32, #tpu.memory_space<vmem>> -> memref<128x128xf32, #tpu.memory_space<vmem>>
      %dma_wait3A_306 = arith.constant 0 : i32
      %dma_wait3A_307 = arith.constant 0 : i32
      %dma_wait3A_308 = tpu.memref_slice %arg2[%dma_wait3A_306, %dma_wait3A_307] : memref<163840x128xf32, #tpu.memory_space<hbm>> -> memref<128x128xf32, #tpu.memory_space<hbm>>
      tpu.wait_dma2 semaphore(%arg13 : memref<!tpu.dma_semaphore, #tpu.memory_space<semaphore_mem>>) src(%dma_wait3A_308 : memref<128x128xf32, #tpu.memory_space<hbm>>) dst(%dma_wait3A_305 : memref<128x128xf32, #tpu.memory_space<vmem>>)
      %gt3A = arith.constant 0 : i32
      %gt3A_309 = arith.cmpi sgt, %scan3A_287, %gt3A : i32
      %convert_element_type3A = arith.extui %gt3A_309 : i1 to i32
      %cond3A = arith.constant 0 : i32
      %cond3A_310 = arith.cmpi ne, %convert_element_type3A, %cond3A : i32
      scf.if %cond3A_310 {
        %dma_wait3A_382 = arith.constant 1 : i32
        %dma_wait3A_383 = arith.constant 0 : i32
        %dma_wait3A_384 = arith.constant 0 : i32
        %dma_wait3A_385 = arith.constant 0 : i32
        %dma_wait3A_386 = tpu.memref_slice %arg10[%dma_wait3A_382, %dma_wait3A_384, %dma_wait3A_385] : memref<2x128x128xf32, #tpu.memory_space<vmem>> -> memref<1x128x128xf32, #tpu.memory_space<vmem>>
        %dma_wait3A_387 = tpu.memref_squeeze %dma_wait3A_386 : memref<1x128x128xf32, #tpu.memory_space<vmem>> -> memref<128x128xf32, #tpu.memory_space<vmem>>
        %dma_wait3A_388 = arith.constant 0 : i32
        %dma_wait3A_389 = tpu.memref_slice %arg9[%dma_wait3A_383, %dma_wait3A_388] : memref<40x128xi32, #tpu.memory_space<vmem>> -> memref<1x128xi32, #tpu.memory_space<vmem>>
        %dma_wait3A_390 = tpu.memref_squeeze %dma_wait3A_389 : memref<1x128xi32, #tpu.memory_space<vmem>> -> memref<128xi32, #tpu.memory_space<vmem>>
        %dma_wait3A_391 = arith.constant 0 : i32
        %dma_wait3A_392 = arith.constant 0 : i32
        %dma_wait3A_393 = tpu.memref_slice %arg12[%dma_wait3A_391, %dma_wait3A_392] : memref<10112x128xf32, #tpu.memory_space<vmem_shared>> -> memref<10112x128xf32, #tpu.memory_space<vmem_shared>>
        tpu.wait_indirect_dma semaphore(%arg16 : memref<!tpu.dma_semaphore, #tpu.memory_space<semaphore_mem>>) src(%dma_wait3A_387 : memref<128x128xf32, #tpu.memory_space<vmem>>) dst(%dma_wait3A_393 : memref<10112x128xf32, #tpu.memory_space<vmem_shared>>)
      } else {
      }
      %mul3A_311 = arith.constant 5120 : i32
      %mul3A_312 = arith.muli %add3A, %mul3A_311 : i32
      %mul3A_313 = arith.constant 128 : i32
      %mul3A_314 = arith.muli %add3A_293, %mul3A_313 : i32
      %add3A_315 = arith.addi %mul3A_312, %mul3A_314 : i32
      %dma_start3A_316 = arith.constant 1 : i32
      %dma_start3A_317 = arith.constant 0 : i32
      %dma_start3A_318 = arith.constant 0 : i32
      %dma_start3A_319 = tpu.memref_slice %arg10[%dma_start3A_316, %dma_start3A_317, %dma_start3A_318] : memref<2x128x128xf32, #tpu.memory_space<vmem>> -> memref<1x128x128xf32, #tpu.memory_space<vmem>>
      %dma_start3A_320 = tpu.memref_squeeze %dma_start3A_319 : memref<1x128x128xf32, #tpu.memory_space<vmem>> -> memref<128x128xf32, #tpu.memory_space<vmem>>
      %dma_start3A_321 = arith.constant 0 : i32
      %dma_start3A_322 = tpu.memref_slice %arg2[%add3A_315, %dma_start3A_321] : memref<163840x128xf32, #tpu.memory_space<hbm>> -> memref<128x128xf32, #tpu.memory_space<hbm>>
      %dma_start3A_323 = arith.constant 0 : i32
      %dma_start3A_324 = arith.constant 0 : i32
      %dma_start3A_325 = tpu.memref_slice %arg10[%dma_start3A_316, %dma_start3A_323, %dma_start3A_324] : memref<2x128x128xf32, #tpu.memory_space<vmem>> -> memref<1x128x128xf32, #tpu.memory_space<vmem>>
      %dma_start3A_326 = tpu.memref_squeeze %dma_start3A_325 : memref<1x128x128xf32, #tpu.memory_space<vmem>> -> memref<128x128xf32, #tpu.memory_space<vmem>>
      %dma_start3A_327 = arith.constant 0 : i32
      %dma_start3A_328 = tpu.memref_slice %arg2[%add3A_315, %dma_start3A_327] : memref<163840x128xf32, #tpu.memory_space<hbm>> -> memref<128x128xf32, #tpu.memory_space<hbm>>
      tpu.enqueue_dma source(%dma_start3A_328 : memref<128x128xf32, #tpu.memory_space<hbm>>) target(%dma_start3A_326 : memref<128x128xf32, #tpu.memory_space<vmem>>) target_semaphore(%arg14 : memref<!tpu.dma_semaphore, #tpu.memory_space<semaphore_mem>>)
      %dma_start3A_329 = arith.constant 0 : i32
      %dma_start3A_330 = arith.constant 0 : i32
      %dma_start3A_331 = arith.constant 0 : i32
      %dma_start3A_332 = tpu.memref_slice %arg10[%dma_start3A_329, %dma_start3A_330, %dma_start3A_331] : memref<2x128x128xf32, #tpu.memory_space<vmem>> -> memref<1x128x128xf32, #tpu.memory_space<vmem>>
      %dma_start3A_333 = tpu.memref_squeeze %dma_start3A_332 : memref<1x128x128xf32, #tpu.memory_space<vmem>> -> memref<128x128xf32, #tpu.memory_space<vmem>>
      %dma_start3A_334 = arith.constant 0 : i32
      %dma_start3A_335 = tpu.memref_slice %arg9[%mul3A_289, %dma_start3A_334] : memref<40x128xi32, #tpu.memory_space<vmem>> -> memref<1x128xi32, #tpu.memory_space<vmem>>
      %dma_start3A_336 = tpu.memref_squeeze %dma_start3A_335 : memref<1x128xi32, #tpu.memory_space<vmem>> -> memref<128xi32, #tpu.memory_space<vmem>>
      %dma_start3A_337 = arith.constant 0 : i32
      %dma_start3A_338 = arith.constant 0 : i32
      %dma_start3A_339 = tpu.memref_slice %arg12[%dma_start3A_337, %dma_start3A_338] : memref<10112x128xf32, #tpu.memory_space<vmem_shared>> -> memref<10112x128xf32, #tpu.memory_space<vmem_shared>>
      tpu.enqueue_indirect_dma source(%dma_start3A_333 : memref<128x128xf32, #tpu.memory_space<vmem>>) target(%dma_start3A_339 : memref<10112x128xf32, #tpu.memory_space<vmem_shared>>) offsets(%dma_start3A_336 : memref<128xi32, #tpu.memory_space<vmem>>) semaphore(%arg15 : memref<!tpu.dma_semaphore, #tpu.memory_space<semaphore_mem>>) {add = true}
      %dma_wait3A_340 = arith.constant 1 : i32
      %dma_wait3A_341 = arith.constant 0 : i32
      %dma_wait3A_342 = arith.constant 0 : i32
      %dma_wait3A_343 = tpu.memref_slice %arg10[%dma_wait3A_340, %dma_wait3A_341, %dma_wait3A_342] : memref<2x128x128xf32, #tpu.memory_space<vmem>> -> memref<1x128x128xf32, #tpu.memory_space<vmem>>
      %dma_wait3A_344 = tpu.memref_squeeze %dma_wait3A_343 : memref<1x128x128xf32, #tpu.memory_space<vmem>> -> memref<128x128xf32, #tpu.memory_space<vmem>>
      %dma_wait3A_345 = arith.constant 0 : i32
      %dma_wait3A_346 = arith.constant 0 : i32
      %dma_wait3A_347 = tpu.memref_slice %arg2[%dma_wait3A_345, %dma_wait3A_346] : memref<163840x128xf32, #tpu.memory_space<hbm>> -> memref<128x128xf32, #tpu.memory_space<hbm>>
      %dma_wait3A_348 = arith.constant 0 : i32
      %dma_wait3A_349 = arith.constant 0 : i32
      %dma_wait3A_350 = tpu.memref_slice %arg10[%dma_wait3A_340, %dma_wait3A_348, %dma_wait3A_349] : memref<2x128x128xf32, #tpu.memory_space<vmem>> -> memref<1x128x128xf32, #tpu.memory_space<vmem>>
      %dma_wait3A_351 = tpu.memref_squeeze %dma_wait3A_350 : memref<1x128x128xf32, #tpu.memory_space<vmem>> -> memref<128x128xf32, #tpu.memory_space<vmem>>
      %dma_wait3A_352 = arith.constant 0 : i32
      %dma_wait3A_353 = arith.constant 0 : i32
      %dma_wait3A_354 = tpu.memref_slice %arg2[%dma_wait3A_352, %dma_wait3A_353] : memref<163840x128xf32, #tpu.memory_space<hbm>> -> memref<128x128xf32, #tpu.memory_space<hbm>>
      tpu.wait_dma2 semaphore(%arg14 : memref<!tpu.dma_semaphore, #tpu.memory_space<semaphore_mem>>) src(%dma_wait3A_354 : memref<128x128xf32, #tpu.memory_space<hbm>>) dst(%dma_wait3A_351 : memref<128x128xf32, #tpu.memory_space<vmem>>)
      %dma_wait3A_355 = arith.constant 0 : i32
      %dma_wait3A_356 = arith.constant 0 : i32
      %dma_wait3A_357 = arith.constant 0 : i32
      %dma_wait3A_358 = arith.constant 0 : i32
      %dma_wait3A_359 = tpu.memref_slice %arg10[%dma_wait3A_355, %dma_wait3A_357, %dma_wait3A_358] : memref<2x128x128xf32, #tpu.memory_space<vmem>> -> memref<1x128x128xf32, #tpu.memory_space<vmem>>
      %dma_wait3A_360 = tpu.memref_squeeze %dma_wait3A_359 : memref<1x128x128xf32, #tpu.memory_space<vmem>> -> memref<128x128xf32, #tpu.memory_space<vmem>>
      %dma_wait3A_361 = arith.constant 0 : i32
      %dma_wait3A_362 = tpu.memref_slice %arg9[%dma_wait3A_356, %dma_wait3A_361] : memref<40x128xi32, #tpu.memory_space<vmem>> -> memref<1x128xi32, #tpu.memory_space<vmem>>
      %dma_wait3A_363 = tpu.memref_squeeze %dma_wait3A_362 : memref<1x128xi32, #tpu.memory_space<vmem>> -> memref<128xi32, #tpu.memory_space<vmem>>
      %dma_wait3A_364 = arith.constant 0 : i32
      %dma_wait3A_365 = arith.constant 0 : i32
      %dma_wait3A_366 = tpu.memref_slice %arg12[%dma_wait3A_364, %dma_wait3A_365] : memref<10112x128xf32, #tpu.memory_space<vmem_shared>> -> memref<10112x128xf32, #tpu.memory_space<vmem_shared>>
      tpu.wait_indirect_dma semaphore(%arg15 : memref<!tpu.dma_semaphore, #tpu.memory_space<semaphore_mem>>) src(%dma_wait3A_360 : memref<128x128xf32, #tpu.memory_space<vmem>>) dst(%dma_wait3A_366 : memref<10112x128xf32, #tpu.memory_space<vmem_shared>>)
      %lt3A = arith.constant 19 : i32
      %lt3A_367 = arith.cmpi slt, %scan3A_287, %lt3A : i32
      %convert_element_type3A_368 = arith.extui %lt3A_367 : i1 to i32
      %cond3A_369 = arith.constant 0 : i32
      %cond3A_370 = arith.cmpi ne, %convert_element_type3A_368, %cond3A_369 : i32
      scf.if %cond3A_370 {
        %add3A_382 = arith.constant 2 : i32
        %add3A_383 = arith.addi %mul3A_289, %add3A_382 : i32
        %mul3A_384 = arith.constant 5120 : i32
        %mul3A_385 = arith.muli %add3A, %mul3A_384 : i32
        %mul3A_386 = arith.constant 128 : i32
        %mul3A_387 = arith.muli %add3A_383, %mul3A_386 : i32
        %add3A_388 = arith.addi %mul3A_385, %mul3A_387 : i32
        %dma_start3A_389 = arith.constant 0 : i32
        %dma_start3A_390 = arith.constant 0 : i32
        %dma_start3A_391 = arith.constant 0 : i32
        %dma_start3A_392 = tpu.memref_slice %arg10[%dma_start3A_389, %dma_start3A_390, %dma_start3A_391] : memref<2x128x128xf32, #tpu.memory_space<vmem>> -> memref<1x128x128xf32, #tpu.memory_space<vmem>>
        %dma_start3A_393 = tpu.memref_squeeze %dma_start3A_392 : memref<1x128x128xf32, #tpu.memory_space<vmem>> -> memref<128x128xf32, #tpu.memory_space<vmem>>
        %dma_start3A_394 = arith.constant 0 : i32
        %dma_start3A_395 = tpu.memref_slice %arg2[%add3A_388, %dma_start3A_394] : memref<163840x128xf32, #tpu.memory_space<hbm>> -> memref<128x128xf32, #tpu.memory_space<hbm>>
        %dma_start3A_396 = arith.constant 0 : i32
        %dma_start3A_397 = arith.constant 0 : i32
        %dma_start3A_398 = tpu.memref_slice %arg10[%dma_start3A_389, %dma_start3A_396, %dma_start3A_397] : memref<2x128x128xf32, #tpu.memory_space<vmem>> -> memref<1x128x128xf32, #tpu.memory_space<vmem>>
        %dma_start3A_399 = tpu.memref_squeeze %dma_start3A_398 : memref<1x128x128xf32, #tpu.memory_space<vmem>> -> memref<128x128xf32, #tpu.memory_space<vmem>>
        %dma_start3A_400 = arith.constant 0 : i32
        %dma_start3A_401 = tpu.memref_slice %arg2[%add3A_388, %dma_start3A_400] : memref<163840x128xf32, #tpu.memory_space<hbm>> -> memref<128x128xf32, #tpu.memory_space<hbm>>
        tpu.enqueue_dma source(%dma_start3A_401 : memref<128x128xf32, #tpu.memory_space<hbm>>) target(%dma_start3A_399 : memref<128x128xf32, #tpu.memory_space<vmem>>) target_semaphore(%arg13 : memref<!tpu.dma_semaphore, #tpu.memory_space<semaphore_mem>>)
      } else {
      }
      %dma_start3A_371 = arith.constant 1 : i32
      %dma_start3A_372 = arith.constant 0 : i32
      %dma_start3A_373 = arith.constant 0 : i32
      %dma_start3A_374 = tpu.memref_slice %arg10[%dma_start3A_371, %dma_start3A_372, %dma_start3A_373] : memref<2x128x128xf32, #tpu.memory_space<vmem>> -> memref<1x128x128xf32, #tpu.memory_space<vmem>>
      %dma_start3A_375 = tpu.memref_squeeze %dma_start3A_374 : memref<1x128x128xf32, #tpu.memory_space<vmem>> -> memref<128x128xf32, #tpu.memory_space<vmem>>
      %dma_start3A_376 = arith.constant 0 : i32
      %dma_start3A_377 = tpu.memref_slice %arg9[%add3A_293, %dma_start3A_376] : memref<40x128xi32, #tpu.memory_space<vmem>> -> memref<1x128xi32, #tpu.memory_space<vmem>>
      %dma_start3A_378 = tpu.memref_squeeze %dma_start3A_377 : memref<1x128xi32, #tpu.memory_space<vmem>> -> memref<128xi32, #tpu.memory_space<vmem>>
      %dma_start3A_379 = arith.constant 0 : i32
      %dma_start3A_380 = arith.constant 0 : i32
      %dma_start3A_381 = tpu.memref_slice %arg12[%dma_start3A_379, %dma_start3A_380] : memref<10112x128xf32, #tpu.memory_space<vmem_shared>> -> memref<10112x128xf32, #tpu.memory_space<vmem_shared>>
      tpu.enqueue_indirect_dma source(%dma_start3A_375 : memref<128x128xf32, #tpu.memory_space<vmem>>) target(%dma_start3A_381 : memref<10112x128xf32, #tpu.memory_space<vmem_shared>>) offsets(%dma_start3A_378 : memref<128xi32, #tpu.memory_space<vmem>>) semaphore(%arg16 : memref<!tpu.dma_semaphore, #tpu.memory_space<semaphore_mem>>) {add = true}
    }
    %scan3A_63 = arith.constant 20 : i32
    %dma_wait3A = arith.constant 1 : i32
    %dma_wait3A_64 = arith.constant 0 : i32
    %dma_wait3A_65 = arith.constant 0 : i32
    %dma_wait3A_66 = arith.constant 0 : i32
    %dma_wait3A_67 = tpu.memref_slice %arg10[%dma_wait3A, %dma_wait3A_65, %dma_wait3A_66] : memref<2x128x128xf32, #tpu.memory_space<vmem>> -> memref<1x128x128xf32, #tpu.memory_space<vmem>>
    %dma_wait3A_68 = tpu.memref_squeeze %dma_wait3A_67 : memref<1x128x128xf32, #tpu.memory_space<vmem>> -> memref<128x128xf32, #tpu.memory_space<vmem>>
    %dma_wait3A_69 = arith.constant 0 : i32
    %dma_wait3A_70 = tpu.memref_slice %arg9[%dma_wait3A_64, %dma_wait3A_69] : memref<40x128xi32, #tpu.memory_space<vmem>> -> memref<1x128xi32, #tpu.memory_space<vmem>>
    %dma_wait3A_71 = tpu.memref_squeeze %dma_wait3A_70 : memref<1x128xi32, #tpu.memory_space<vmem>> -> memref<128xi32, #tpu.memory_space<vmem>>
    %dma_wait3A_72 = arith.constant 0 : i32
    %dma_wait3A_73 = arith.constant 0 : i32
    %dma_wait3A_74 = tpu.memref_slice %arg12[%dma_wait3A_72, %dma_wait3A_73] : memref<10112x128xf32, #tpu.memory_space<vmem_shared>> -> memref<10112x128xf32, #tpu.memory_space<vmem_shared>>
    tpu.wait_indirect_dma semaphore(%arg16 : memref<!tpu.dma_semaphore, #tpu.memory_space<semaphore_mem>>) src(%dma_wait3A_68 : memref<128x128xf32, #tpu.memory_space<vmem>>) dst(%dma_wait3A_74 : memref<10112x128xf32, #tpu.memory_space<vmem_shared>>)
    %barrier3A_75 = arith.constant 0 : index
    tpu.barrier barrier_id(%barrier3A_75)
    "tpu.region"() ({
      %run_scoped3A = tpu.sem_alloc : memref<!tpu.dma_semaphore, #tpu.memory_space<semaphore_mem>>
      %dma_start3A_287 = arith.constant 0 : i32
      %dma_start3A_288 = tpu.memref_slice %arg7[%arg0, %mul3A_9, %dma_start3A_287] : memref<2x10112x256xf32, #tpu.memory_space<hbm>> -> memref<1x632x128xf32, #tpu.memory_space<hbm>>
      %dma_start3A_289 = tpu.memref_squeeze %dma_start3A_288 : memref<1x632x128xf32, #tpu.memory_space<hbm>> -> memref<632x128xf32, #tpu.memory_space<hbm>>
      %dma_start3A_290 = arith.constant 0 : i32
      %dma_start3A_291 = tpu.memref_slice %arg12[%mul3A_9, %dma_start3A_290] : memref<10112x128xf32, #tpu.memory_space<vmem_shared>> -> memref<632x128xf32, #tpu.memory_space<vmem_shared>>
      tpu.enqueue_dma source(%dma_start3A_291 : memref<632x128xf32, #tpu.memory_space<vmem_shared>>) target(%dma_start3A_289 : memref<632x128xf32, #tpu.memory_space<hbm>>) target_semaphore(%run_scoped3A : memref<!tpu.dma_semaphore, #tpu.memory_space<semaphore_mem>>)
      %dma_wait3A_292 = arith.constant 0 : i32
      %dma_wait3A_293 = tpu.memref_slice %arg7[%arg0, %mul3A_9, %dma_wait3A_292] : memref<2x10112x256xf32, #tpu.memory_space<hbm>> -> memref<1x632x128xf32, #tpu.memory_space<hbm>>
      %dma_wait3A_294 = tpu.memref_squeeze %dma_wait3A_293 : memref<1x632x128xf32, #tpu.memory_space<hbm>> -> memref<632x128xf32, #tpu.memory_space<hbm>>
      %dma_wait3A_295 = arith.constant 0 : i32
      %dma_wait3A_296 = tpu.memref_slice %arg12[%mul3A_9, %dma_wait3A_295] : memref<10112x128xf32, #tpu.memory_space<vmem_shared>> -> memref<632x128xf32, #tpu.memory_space<vmem_shared>>
      tpu.wait_dma2 semaphore(%run_scoped3A : memref<!tpu.dma_semaphore, #tpu.memory_space<semaphore_mem>>) src(%dma_wait3A_296 : memref<632x128xf32, #tpu.memory_space<vmem_shared>>) dst(%dma_wait3A_294 : memref<632x128xf32, #tpu.memory_space<hbm>>)
      tpu.yield
    }) : () -> ()
    %barrier3A_76 = arith.constant 0 : index
    tpu.barrier barrier_id(%barrier3A_76)
    %add3A_77 = arith.constant 0 : i32
    %add3A_78 = arith.addi %mul3A_9, %add3A_77 : i32
    "tpu.region"() ({
      %run_scoped3A = tpu.sem_alloc : memref<!tpu.dma_semaphore, #tpu.memory_space<semaphore_mem>>
      %dma_start3A_287 = arith.constant 0 : i32
      %dma_start3A_288 = tpu.memref_slice %arg12[%add3A_78, %dma_start3A_287] : memref<10112x128xf32, #tpu.memory_space<vmem_shared>> -> memref<40x128xf32, #tpu.memory_space<vmem_shared>>
      %dma_start3A_289 = arith.constant 0 : i32
      %dma_start3A_290 = tpu.memref_slice %arg12[%add3A_78, %dma_start3A_289] : memref<10112x128xf32, #tpu.memory_space<vmem_shared>> -> memref<40x128xf32, #tpu.memory_space<vmem_shared>>
      tpu.enqueue_dma source(%arg11 : memref<40x128xf32, #tpu.memory_space<vmem>>) target(%dma_start3A_290 : memref<40x128xf32, #tpu.memory_space<vmem_shared>>) target_semaphore(%run_scoped3A : memref<!tpu.dma_semaphore, #tpu.memory_space<semaphore_mem>>)
      %dma_wait3A_291 = arith.constant 0 : i32
      %dma_wait3A_292 = tpu.memref_slice %arg12[%add3A_78, %dma_wait3A_291] : memref<10112x128xf32, #tpu.memory_space<vmem_shared>> -> memref<40x128xf32, #tpu.memory_space<vmem_shared>>
      %dma_wait3A_293 = arith.constant 0 : i32
      %dma_wait3A_294 = tpu.memref_slice %arg12[%add3A_78, %dma_wait3A_293] : memref<10112x128xf32, #tpu.memory_space<vmem_shared>> -> memref<40x128xf32, #tpu.memory_space<vmem_shared>>
      tpu.wait_dma2 semaphore(%run_scoped3A : memref<!tpu.dma_semaphore, #tpu.memory_space<semaphore_mem>>) src(%arg11 : memref<40x128xf32, #tpu.memory_space<vmem>>) dst(%dma_wait3A_294 : memref<40x128xf32, #tpu.memory_space<vmem_shared>>)
      tpu.yield
    }) : () -> ()
    %add3A_79 = arith.constant 40 : i32
    %add3A_80 = arith.addi %mul3A_9, %add3A_79 : i32
    "tpu.region"() ({
      %run_scoped3A = tpu.sem_alloc : memref<!tpu.dma_semaphore, #tpu.memory_space<semaphore_mem>>
      %dma_start3A_287 = arith.constant 0 : i32
      %dma_start3A_288 = tpu.memref_slice %arg12[%add3A_80, %dma_start3A_287] : memref<10112x128xf32, #tpu.memory_space<vmem_shared>> -> memref<40x128xf32, #tpu.memory_space<vmem_shared>>
      %dma_start3A_289 = arith.constant 0 : i32
      %dma_start3A_290 = tpu.memref_slice %arg12[%add3A_80, %dma_start3A_289] : memref<10112x128xf32, #tpu.memory_space<vmem_shared>> -> memref<40x128xf32, #tpu.memory_space<vmem_shared>>
      tpu.enqueue_dma source(%arg11 : memref<40x128xf32, #tpu.memory_space<vmem>>) target(%dma_start3A_290 : memref<40x128xf32, #tpu.memory_space<vmem_shared>>) target_semaphore(%run_scoped3A : memref<!tpu.dma_semaphore, #tpu.memory_space<semaphore_mem>>)
      %dma_wait3A_291 = arith.constant 0 : i32
      %dma_wait3A_292 = tpu.memref_slice %arg12[%add3A_80, %dma_wait3A_291] : memref<10112x128xf32, #tpu.memory_space<vmem_shared>> -> memref<40x128xf32, #tpu.memory_space<vmem_shared>>
      %dma_wait3A_293 = arith.constant 0 : i32
      %dma_wait3A_294 = tpu.memref_slice %arg12[%add3A_80, %dma_wait3A_293] : memref<10112x128xf32, #tpu.memory_space<vmem_shared>> -> memref<40x128xf32, #tpu.memory_space<vmem_shared>>
      tpu.wait_dma2 semaphore(%run_scoped3A : memref<!tpu.dma_semaphore, #tpu.memory_space<semaphore_mem>>) src(%arg11 : memref<40x128xf32, #tpu.memory_space<vmem>>) dst(%dma_wait3A_294 : memref<40x128xf32, #tpu.memory_space<vmem_shared>>)
      tpu.yield
    }) : () -> ()
    %add3A_81 = arith.constant 80 : i32
    %add3A_82 = arith.addi %mul3A_9, %add3A_81 : i32
    "tpu.region"() ({
      %run_scoped3A = tpu.sem_alloc : memref<!tpu.dma_semaphore, #tpu.memory_space<semaphore_mem>>
      %dma_start3A_287 = arith.constant 0 : i32
      %dma_start3A_288 = tpu.memref_slice %arg12[%add3A_82, %dma_start3A_287] : memref<10112x128xf32, #tpu.memory_space<vmem_shared>> -> memref<40x128xf32, #tpu.memory_space<vmem_shared>>
      %dma_start3A_289 = arith.constant 0 : i32
      %dma_start3A_290 = tpu.memref_slice %arg12[%add3A_82, %dma_start3A_289] : memref<10112x128xf32, #tpu.memory_space<vmem_shared>> -> memref<40x128xf32, #tpu.memory_space<vmem_shared>>
      tpu.enqueue_dma source(%arg11 : memref<40x128xf32, #tpu.memory_space<vmem>>) target(%dma_start3A_290 : memref<40x128xf32, #tpu.memory_space<vmem_shared>>) target_semaphore(%run_scoped3A : memref<!tpu.dma_semaphore, #tpu.memory_space<semaphore_mem>>)
      %dma_wait3A_291 = arith.constant 0 : i32
      %dma_wait3A_292 = tpu.memref_slice %arg12[%add3A_82, %dma_wait3A_291] : memref<10112x128xf32, #tpu.memory_space<vmem_shared>> -> memref<40x128xf32, #tpu.memory_space<vmem_shared>>
      %dma_wait3A_293 = arith.constant 0 : i32
      %dma_wait3A_294 = tpu.memref_slice %arg12[%add3A_82, %dma_wait3A_293] : memref<10112x128xf32, #tpu.memory_space<vmem_shared>> -> memref<40x128xf32, #tpu.memory_space<vmem_shared>>
      tpu.wait_dma2 semaphore(%run_scoped3A : memref<!tpu.dma_semaphore, #tpu.memory_space<semaphore_mem>>) src(%arg11 : memref<40x128xf32, #tpu.memory_space<vmem>>) dst(%dma_wait3A_294 : memref<40x128xf32, #tpu.memory_space<vmem_shared>>)
      tpu.yield
    }) : () -> ()
    %add3A_83 = arith.constant 120 : i32
    %add3A_84 = arith.addi %mul3A_9, %add3A_83 : i32
    "tpu.region"() ({
      %run_scoped3A = tpu.sem_alloc : memref<!tpu.dma_semaphore, #tpu.memory_space<semaphore_mem>>
      %dma_start3A_287 = arith.constant 0 : i32
      %dma_start3A_288 = tpu.memref_slice %arg12[%add3A_84, %dma_start3A_287] : memref<10112x128xf32, #tpu.memory_space<vmem_shared>> -> memref<40x128xf32, #tpu.memory_space<vmem_shared>>
      %dma_start3A_289 = arith.constant 0 : i32
      %dma_start3A_290 = tpu.memref_slice %arg12[%add3A_84, %dma_start3A_289] : memref<10112x128xf32, #tpu.memory_space<vmem_shared>> -> memref<40x128xf32, #tpu.memory_space<vmem_shared>>
      tpu.enqueue_dma source(%arg11 : memref<40x128xf32, #tpu.memory_space<vmem>>) target(%dma_start3A_290 : memref<40x128xf32, #tpu.memory_space<vmem_shared>>) target_semaphore(%run_scoped3A : memref<!tpu.dma_semaphore, #tpu.memory_space<semaphore_mem>>)
      %dma_wait3A_291 = arith.constant 0 : i32
      %dma_wait3A_292 = tpu.memref_slice %arg12[%add3A_84, %dma_wait3A_291] : memref<10112x128xf32, #tpu.memory_space<vmem_shared>> -> memref<40x128xf32, #tpu.memory_space<vmem_shared>>
      %dma_wait3A_293 = arith.constant 0 : i32
      %dma_wait3A_294 = tpu.memref_slice %arg12[%add3A_84, %dma_wait3A_293] : memref<10112x128xf32, #tpu.memory_space<vmem_shared>> -> memref<40x128xf32, #tpu.memory_space<vmem_shared>>
      tpu.wait_dma2 semaphore(%run_scoped3A : memref<!tpu.dma_semaphore, #tpu.memory_space<semaphore_mem>>) src(%arg11 : memref<40x128xf32, #tpu.memory_space<vmem>>) dst(%dma_wait3A_294 : memref<40x128xf32, #tpu.memory_space<vmem_shared>>)
      tpu.yield
    }) : () -> ()
    %add3A_85 = arith.constant 160 : i32
    %add3A_86 = arith.addi %mul3A_9, %add3A_85 : i32
    "tpu.region"() ({
      %run_scoped3A = tpu.sem_alloc : memref<!tpu.dma_semaphore, #tpu.memory_space<semaphore_mem>>
      %dma_start3A_287 = arith.constant 0 : i32
      %dma_start3A_288 = tpu.memref_slice %arg12[%add3A_86, %dma_start3A_287] : memref<10112x128xf32, #tpu.memory_space<vmem_shared>> -> memref<40x128xf32, #tpu.memory_space<vmem_shared>>
      %dma_start3A_289 = arith.constant 0 : i32
      %dma_start3A_290 = tpu.memref_slice %arg12[%add3A_86, %dma_start3A_289] : memref<10112x128xf32, #tpu.memory_space<vmem_shared>> -> memref<40x128xf32, #tpu.memory_space<vmem_shared>>
      tpu.enqueue_dma source(%arg11 : memref<40x128xf32, #tpu.memory_space<vmem>>) target(%dma_start3A_290 : memref<40x128xf32, #tpu.memory_space<vmem_shared>>) target_semaphore(%run_scoped3A : memref<!tpu.dma_semaphore, #tpu.memory_space<semaphore_mem>>)
      %dma_wait3A_291 = arith.constant 0 : i32
      %dma_wait3A_292 = tpu.memref_slice %arg12[%add3A_86, %dma_wait3A_291] : memref<10112x128xf32, #tpu.memory_space<vmem_shared>> -> memref<40x128xf32, #tpu.memory_space<vmem_shared>>
      %dma_wait3A_293 = arith.constant 0 : i32
      %dma_wait3A_294 = tpu.memref_slice %arg12[%add3A_86, %dma_wait3A_293] : memref<10112x128xf32, #tpu.memory_space<vmem_shared>> -> memref<40x128xf32, #tpu.memory_space<vmem_shared>>
      tpu.wait_dma2 semaphore(%run_scoped3A : memref<!tpu.dma_semaphore, #tpu.memory_space<semaphore_mem>>) src(%arg11 : memref<40x128xf32, #tpu.memory_space<vmem>>) dst(%dma_wait3A_294 : memref<40x128xf32, #tpu.memory_space<vmem_shared>>)
      tpu.yield
    }) : () -> ()
    %add3A_87 = arith.constant 200 : i32
    %add3A_88 = arith.addi %mul3A_9, %add3A_87 : i32
    "tpu.region"() ({
      %run_scoped3A = tpu.sem_alloc : memref<!tpu.dma_semaphore, #tpu.memory_space<semaphore_mem>>
      %dma_start3A_287 = arith.constant 0 : i32
      %dma_start3A_288 = tpu.memref_slice %arg12[%add3A_88, %dma_start3A_287] : memref<10112x128xf32, #tpu.memory_space<vmem_shared>> -> memref<40x128xf32, #tpu.memory_space<vmem_shared>>
      %dma_start3A_289 = arith.constant 0 : i32
      %dma_start3A_290 = tpu.memref_slice %arg12[%add3A_88, %dma_start3A_289] : memref<10112x128xf32, #tpu.memory_space<vmem_shared>> -> memref<40x128xf32, #tpu.memory_space<vmem_shared>>
      tpu.enqueue_dma source(%arg11 : memref<40x128xf32, #tpu.memory_space<vmem>>) target(%dma_start3A_290 : memref<40x128xf32, #tpu.memory_space<vmem_shared>>) target_semaphore(%run_scoped3A : memref<!tpu.dma_semaphore, #tpu.memory_space<semaphore_mem>>)
      %dma_wait3A_291 = arith.constant 0 : i32
      %dma_wait3A_292 = tpu.memref_slice %arg12[%add3A_88, %dma_wait3A_291] : memref<10112x128xf32, #tpu.memory_space<vmem_shared>> -> memref<40x128xf32, #tpu.memory_space<vmem_shared>>
      %dma_wait3A_293 = arith.constant 0 : i32
      %dma_wait3A_294 = tpu.memref_slice %arg12[%add3A_88, %dma_wait3A_293] : memref<10112x128xf32, #tpu.memory_space<vmem_shared>> -> memref<40x128xf32, #tpu.memory_space<vmem_shared>>
      tpu.wait_dma2 semaphore(%run_scoped3A : memref<!tpu.dma_semaphore, #tpu.memory_space<semaphore_mem>>) src(%arg11 : memref<40x128xf32, #tpu.memory_space<vmem>>) dst(%dma_wait3A_294 : memref<40x128xf32, #tpu.memory_space<vmem_shared>>)
      tpu.yield
    }) : () -> ()
    %add3A_89 = arith.constant 240 : i32
    %add3A_90 = arith.addi %mul3A_9, %add3A_89 : i32
    "tpu.region"() ({
      %run_scoped3A = tpu.sem_alloc : memref<!tpu.dma_semaphore, #tpu.memory_space<semaphore_mem>>
      %dma_start3A_287 = arith.constant 0 : i32
      %dma_start3A_288 = tpu.memref_slice %arg12[%add3A_90, %dma_start3A_287] : memref<10112x128xf32, #tpu.memory_space<vmem_shared>> -> memref<40x128xf32, #tpu.memory_space<vmem_shared>>
      %dma_start3A_289 = arith.constant 0 : i32
      %dma_start3A_290 = tpu.memref_slice %arg12[%add3A_90, %dma_start3A_289] : memref<10112x128xf32, #tpu.memory_space<vmem_shared>> -> memref<40x128xf32, #tpu.memory_space<vmem_shared>>
      tpu.enqueue_dma source(%arg11 : memref<40x128xf32, #tpu.memory_space<vmem>>) target(%dma_start3A_290 : memref<40x128xf32, #tpu.memory_space<vmem_shared>>) target_semaphore(%run_scoped3A : memref<!tpu.dma_semaphore, #tpu.memory_space<semaphore_mem>>)
      %dma_wait3A_291 = arith.constant 0 : i32
      %dma_wait3A_292 = tpu.memref_slice %arg12[%add3A_90, %dma_wait3A_291] : memref<10112x128xf32, #tpu.memory_space<vmem_shared>> -> memref<40x128xf32, #tpu.memory_space<vmem_shared>>
      %dma_wait3A_293 = arith.constant 0 : i32
      %dma_wait3A_294 = tpu.memref_slice %arg12[%add3A_90, %dma_wait3A_293] : memref<10112x128xf32, #tpu.memory_space<vmem_shared>> -> memref<40x128xf32, #tpu.memory_space<vmem_shared>>
      tpu.wait_dma2 semaphore(%run_scoped3A : memref<!tpu.dma_semaphore, #tpu.memory_space<semaphore_mem>>) src(%arg11 : memref<40x128xf32, #tpu.memory_space<vmem>>) dst(%dma_wait3A_294 : memref<40x128xf32, #tpu.memory_space<vmem_shared>>)
      tpu.yield
    }) : () -> ()
    %add3A_91 = arith.constant 280 : i32
    %add3A_92 = arith.addi %mul3A_9, %add3A_91 : i32
    "tpu.region"() ({
      %run_scoped3A = tpu.sem_alloc : memref<!tpu.dma_semaphore, #tpu.memory_space<semaphore_mem>>
      %dma_start3A_287 = arith.constant 0 : i32
      %dma_start3A_288 = tpu.memref_slice %arg12[%add3A_92, %dma_start3A_287] : memref<10112x128xf32, #tpu.memory_space<vmem_shared>> -> memref<40x128xf32, #tpu.memory_space<vmem_shared>>
      %dma_start3A_289 = arith.constant 0 : i32
      %dma_start3A_290 = tpu.memref_slice %arg12[%add3A_92, %dma_start3A_289] : memref<10112x128xf32, #tpu.memory_space<vmem_shared>> -> memref<40x128xf32, #tpu.memory_space<vmem_shared>>
      tpu.enqueue_dma source(%arg11 : memref<40x128xf32, #tpu.memory_space<vmem>>) target(%dma_start3A_290 : memref<40x128xf32, #tpu.memory_space<vmem_shared>>) target_semaphore(%run_scoped3A : memref<!tpu.dma_semaphore, #tpu.memory_space<semaphore_mem>>)
      %dma_wait3A_291 = arith.constant 0 : i32
      %dma_wait3A_292 = tpu.memref_slice %arg12[%add3A_92, %dma_wait3A_291] : memref<10112x128xf32, #tpu.memory_space<vmem_shared>> -> memref<40x128xf32, #tpu.memory_space<vmem_shared>>
      %dma_wait3A_293 = arith.constant 0 : i32
      %dma_wait3A_294 = tpu.memref_slice %arg12[%add3A_92, %dma_wait3A_293] : memref<10112x128xf32, #tpu.memory_space<vmem_shared>> -> memref<40x128xf32, #tpu.memory_space<vmem_shared>>
      tpu.wait_dma2 semaphore(%run_scoped3A : memref<!tpu.dma_semaphore, #tpu.memory_space<semaphore_mem>>) src(%arg11 : memref<40x128xf32, #tpu.memory_space<vmem>>) dst(%dma_wait3A_294 : memref<40x128xf32, #tpu.memory_space<vmem_shared>>)
      tpu.yield
    }) : () -> ()
    %add3A_93 = arith.constant 320 : i32
    %add3A_94 = arith.addi %mul3A_9, %add3A_93 : i32
    "tpu.region"() ({
      %run_scoped3A = tpu.sem_alloc : memref<!tpu.dma_semaphore, #tpu.memory_space<semaphore_mem>>
      %dma_start3A_287 = arith.constant 0 : i32
      %dma_start3A_288 = tpu.memref_slice %arg12[%add3A_94, %dma_start3A_287] : memref<10112x128xf32, #tpu.memory_space<vmem_shared>> -> memref<40x128xf32, #tpu.memory_space<vmem_shared>>
      %dma_start3A_289 = arith.constant 0 : i32
      %dma_start3A_290 = tpu.memref_slice %arg12[%add3A_94, %dma_start3A_289] : memref<10112x128xf32, #tpu.memory_space<vmem_shared>> -> memref<40x128xf32, #tpu.memory_space<vmem_shared>>
      tpu.enqueue_dma source(%arg11 : memref<40x128xf32, #tpu.memory_space<vmem>>) target(%dma_start3A_290 : memref<40x128xf32, #tpu.memory_space<vmem_shared>>) target_semaphore(%run_scoped3A : memref<!tpu.dma_semaphore, #tpu.memory_space<semaphore_mem>>)
      %dma_wait3A_291 = arith.constant 0 : i32
      %dma_wait3A_292 = tpu.memref_slice %arg12[%add3A_94, %dma_wait3A_291] : memref<10112x128xf32, #tpu.memory_space<vmem_shared>> -> memref<40x128xf32, #tpu.memory_space<vmem_shared>>
      %dma_wait3A_293 = arith.constant 0 : i32
      %dma_wait3A_294 = tpu.memref_slice %arg12[%add3A_94, %dma_wait3A_293] : memref<10112x128xf32, #tpu.memory_space<vmem_shared>> -> memref<40x128xf32, #tpu.memory_space<vmem_shared>>
      tpu.wait_dma2 semaphore(%run_scoped3A : memref<!tpu.dma_semaphore, #tpu.memory_space<semaphore_mem>>) src(%arg11 : memref<40x128xf32, #tpu.memory_space<vmem>>) dst(%dma_wait3A_294 : memref<40x128xf32, #tpu.memory_space<vmem_shared>>)
      tpu.yield
    }) : () -> ()
    %add3A_95 = arith.constant 360 : i32
    %add3A_96 = arith.addi %mul3A_9, %add3A_95 : i32
    "tpu.region"() ({
      %run_scoped3A = tpu.sem_alloc : memref<!tpu.dma_semaphore, #tpu.memory_space<semaphore_mem>>
      %dma_start3A_287 = arith.constant 0 : i32
      %dma_start3A_288 = tpu.memref_slice %arg12[%add3A_96, %dma_start3A_287] : memref<10112x128xf32, #tpu.memory_space<vmem_shared>> -> memref<40x128xf32, #tpu.memory_space<vmem_shared>>
      %dma_start3A_289 = arith.constant 0 : i32
      %dma_start3A_290 = tpu.memref_slice %arg12[%add3A_96, %dma_start3A_289] : memref<10112x128xf32, #tpu.memory_space<vmem_shared>> -> memref<40x128xf32, #tpu.memory_space<vmem_shared>>
      tpu.enqueue_dma source(%arg11 : memref<40x128xf32, #tpu.memory_space<vmem>>) target(%dma_start3A_290 : memref<40x128xf32, #tpu.memory_space<vmem_shared>>) target_semaphore(%run_scoped3A : memref<!tpu.dma_semaphore, #tpu.memory_space<semaphore_mem>>)
      %dma_wait3A_291 = arith.constant 0 : i32
      %dma_wait3A_292 = tpu.memref_slice %arg12[%add3A_96, %dma_wait3A_291] : memref<10112x128xf32, #tpu.memory_space<vmem_shared>> -> memref<40x128xf32, #tpu.memory_space<vmem_shared>>
      %dma_wait3A_293 = arith.constant 0 : i32
      %dma_wait3A_294 = tpu.memref_slice %arg12[%add3A_96, %dma_wait3A_293] : memref<10112x128xf32, #tpu.memory_space<vmem_shared>> -> memref<40x128xf32, #tpu.memory_space<vmem_shared>>
      tpu.wait_dma2 semaphore(%run_scoped3A : memref<!tpu.dma_semaphore, #tpu.memory_space<semaphore_mem>>) src(%arg11 : memref<40x128xf32, #tpu.memory_space<vmem>>) dst(%dma_wait3A_294 : memref<40x128xf32, #tpu.memory_space<vmem_shared>>)
      tpu.yield
    }) : () -> ()
    %add3A_97 = arith.constant 400 : i32
    %add3A_98 = arith.addi %mul3A_9, %add3A_97 : i32
    "tpu.region"() ({
      %run_scoped3A = tpu.sem_alloc : memref<!tpu.dma_semaphore, #tpu.memory_space<semaphore_mem>>
      %dma_start3A_287 = arith.constant 0 : i32
      %dma_start3A_288 = tpu.memref_slice %arg12[%add3A_98, %dma_start3A_287] : memref<10112x128xf32, #tpu.memory_space<vmem_shared>> -> memref<40x128xf32, #tpu.memory_space<vmem_shared>>
      %dma_start3A_289 = arith.constant 0 : i32
      %dma_start3A_290 = tpu.memref_slice %arg12[%add3A_98, %dma_start3A_289] : memref<10112x128xf32, #tpu.memory_space<vmem_shared>> -> memref<40x128xf32, #tpu.memory_space<vmem_shared>>
      tpu.enqueue_dma source(%arg11 : memref<40x128xf32, #tpu.memory_space<vmem>>) target(%dma_start3A_290 : memref<40x128xf32, #tpu.memory_space<vmem_shared>>) target_semaphore(%run_scoped3A : memref<!tpu.dma_semaphore, #tpu.memory_space<semaphore_mem>>)
      %dma_wait3A_291 = arith.constant 0 : i32
      %dma_wait3A_292 = tpu.memref_slice %arg12[%add3A_98, %dma_wait3A_291] : memref<10112x128xf32, #tpu.memory_space<vmem_shared>> -> memref<40x128xf32, #tpu.memory_space<vmem_shared>>
      %dma_wait3A_293 = arith.constant 0 : i32
      %dma_wait3A_294 = tpu.memref_slice %arg12[%add3A_98, %dma_wait3A_293] : memref<10112x128xf32, #tpu.memory_space<vmem_shared>> -> memref<40x128xf32, #tpu.memory_space<vmem_shared>>
      tpu.wait_dma2 semaphore(%run_scoped3A : memref<!tpu.dma_semaphore, #tpu.memory_space<semaphore_mem>>) src(%arg11 : memref<40x128xf32, #tpu.memory_space<vmem>>) dst(%dma_wait3A_294 : memref<40x128xf32, #tpu.memory_space<vmem_shared>>)
      tpu.yield
    }) : () -> ()
    %add3A_99 = arith.constant 440 : i32
    %add3A_100 = arith.addi %mul3A_9, %add3A_99 : i32
    "tpu.region"() ({
      %run_scoped3A = tpu.sem_alloc : memref<!tpu.dma_semaphore, #tpu.memory_space<semaphore_mem>>
      %dma_start3A_287 = arith.constant 0 : i32
      %dma_start3A_288 = tpu.memref_slice %arg12[%add3A_100, %dma_start3A_287] : memref<10112x128xf32, #tpu.memory_space<vmem_shared>> -> memref<40x128xf32, #tpu.memory_space<vmem_shared>>
      %dma_start3A_289 = arith.constant 0 : i32
      %dma_start3A_290 = tpu.memref_slice %arg12[%add3A_100, %dma_start3A_289] : memref<10112x128xf32, #tpu.memory_space<vmem_shared>> -> memref<40x128xf32, #tpu.memory_space<vmem_shared>>
      tpu.enqueue_dma source(%arg11 : memref<40x128xf32, #tpu.memory_space<vmem>>) target(%dma_start3A_290 : memref<40x128xf32, #tpu.memory_space<vmem_shared>>) target_semaphore(%run_scoped3A : memref<!tpu.dma_semaphore, #tpu.memory_space<semaphore_mem>>)
      %dma_wait3A_291 = arith.constant 0 : i32
      %dma_wait3A_292 = tpu.memref_slice %arg12[%add3A_100, %dma_wait3A_291] : memref<10112x128xf32, #tpu.memory_space<vmem_shared>> -> memref<40x128xf32, #tpu.memory_space<vmem_shared>>
      %dma_wait3A_293 = arith.constant 0 : i32
      %dma_wait3A_294 = tpu.memref_slice %arg12[%add3A_100, %dma_wait3A_293] : memref<10112x128xf32, #tpu.memory_space<vmem_shared>> -> memref<40x128xf32, #tpu.memory_space<vmem_shared>>
      tpu.wait_dma2 semaphore(%run_scoped3A : memref<!tpu.dma_semaphore, #tpu.memory_space<semaphore_mem>>) src(%arg11 : memref<40x128xf32, #tpu.memory_space<vmem>>) dst(%dma_wait3A_294 : memref<40x128xf32, #tpu.memory_space<vmem_shared>>)
      tpu.yield
    }) : () -> ()
    %add3A_101 = arith.constant 480 : i32
    %add3A_102 = arith.addi %mul3A_9, %add3A_101 : i32
    "tpu.region"() ({
      %run_scoped3A = tpu.sem_alloc : memref<!tpu.dma_semaphore, #tpu.memory_space<semaphore_mem>>
      %dma_start3A_287 = arith.constant 0 : i32
      %dma_start3A_288 = tpu.memref_slice %arg12[%add3A_102, %dma_start3A_287] : memref<10112x128xf32, #tpu.memory_space<vmem_shared>> -> memref<40x128xf32, #tpu.memory_space<vmem_shared>>
      %dma_start3A_289 = arith.constant 0 : i32
      %dma_start3A_290 = tpu.memref_slice %arg12[%add3A_102, %dma_start3A_289] : memref<10112x128xf32, #tpu.memory_space<vmem_shared>> -> memref<40x128xf32, #tpu.memory_space<vmem_shared>>
      tpu.enqueue_dma source(%arg11 : memref<40x128xf32, #tpu.memory_space<vmem>>) target(%dma_start3A_290 : memref<40x128xf32, #tpu.memory_space<vmem_shared>>) target_semaphore(%run_scoped3A : memref<!tpu.dma_semaphore, #tpu.memory_space<semaphore_mem>>)
      %dma_wait3A_291 = arith.constant 0 : i32
      %dma_wait3A_292 = tpu.memref_slice %arg12[%add3A_102, %dma_wait3A_291] : memref<10112x128xf32, #tpu.memory_space<vmem_shared>> -> memref<40x128xf32, #tpu.memory_space<vmem_shared>>
      %dma_wait3A_293 = arith.constant 0 : i32
      %dma_wait3A_294 = tpu.memref_slice %arg12[%add3A_102, %dma_wait3A_293] : memref<10112x128xf32, #tpu.memory_space<vmem_shared>> -> memref<40x128xf32, #tpu.memory_space<vmem_shared>>
      tpu.wait_dma2 semaphore(%run_scoped3A : memref<!tpu.dma_semaphore, #tpu.memory_space<semaphore_mem>>) src(%arg11 : memref<40x128xf32, #tpu.memory_space<vmem>>) dst(%dma_wait3A_294 : memref<40x128xf32, #tpu.memory_space<vmem_shared>>)
      tpu.yield
    }) : () -> ()
    %add3A_103 = arith.constant 520 : i32
    %add3A_104 = arith.addi %mul3A_9, %add3A_103 : i32
    "tpu.region"() ({
      %run_scoped3A = tpu.sem_alloc : memref<!tpu.dma_semaphore, #tpu.memory_space<semaphore_mem>>
      %dma_start3A_287 = arith.constant 0 : i32
      %dma_start3A_288 = tpu.memref_slice %arg12[%add3A_104, %dma_start3A_287] : memref<10112x128xf32, #tpu.memory_space<vmem_shared>> -> memref<40x128xf32, #tpu.memory_space<vmem_shared>>
      %dma_start3A_289 = arith.constant 0 : i32
      %dma_start3A_290 = tpu.memref_slice %arg12[%add3A_104, %dma_start3A_289] : memref<10112x128xf32, #tpu.memory_space<vmem_shared>> -> memref<40x128xf32, #tpu.memory_space<vmem_shared>>
      tpu.enqueue_dma source(%arg11 : memref<40x128xf32, #tpu.memory_space<vmem>>) target(%dma_start3A_290 : memref<40x128xf32, #tpu.memory_space<vmem_shared>>) target_semaphore(%run_scoped3A : memref<!tpu.dma_semaphore, #tpu.memory_space<semaphore_mem>>)
      %dma_wait3A_291 = arith.constant 0 : i32
      %dma_wait3A_292 = tpu.memref_slice %arg12[%add3A_104, %dma_wait3A_291] : memref<10112x128xf32, #tpu.memory_space<vmem_shared>> -> memref<40x128xf32, #tpu.memory_space<vmem_shared>>
      %dma_wait3A_293 = arith.constant 0 : i32
      %dma_wait3A_294 = tpu.memref_slice %arg12[%add3A_104, %dma_wait3A_293] : memref<10112x128xf32, #tpu.memory_space<vmem_shared>> -> memref<40x128xf32, #tpu.memory_space<vmem_shared>>
      tpu.wait_dma2 semaphore(%run_scoped3A : memref<!tpu.dma_semaphore, #tpu.memory_space<semaphore_mem>>) src(%arg11 : memref<40x128xf32, #tpu.memory_space<vmem>>) dst(%dma_wait3A_294 : memref<40x128xf32, #tpu.memory_space<vmem_shared>>)
      tpu.yield
    }) : () -> ()
    %add3A_105 = arith.constant 560 : i32
    %add3A_106 = arith.addi %mul3A_9, %add3A_105 : i32
    "tpu.region"() ({
      %run_scoped3A = tpu.sem_alloc : memref<!tpu.dma_semaphore, #tpu.memory_space<semaphore_mem>>
      %dma_start3A_287 = arith.constant 0 : i32
      %dma_start3A_288 = tpu.memref_slice %arg12[%add3A_106, %dma_start3A_287] : memref<10112x128xf32, #tpu.memory_space<vmem_shared>> -> memref<40x128xf32, #tpu.memory_space<vmem_shared>>
      %dma_start3A_289 = arith.constant 0 : i32
      %dma_start3A_290 = tpu.memref_slice %arg12[%add3A_106, %dma_start3A_289] : memref<10112x128xf32, #tpu.memory_space<vmem_shared>> -> memref<40x128xf32, #tpu.memory_space<vmem_shared>>
      tpu.enqueue_dma source(%arg11 : memref<40x128xf32, #tpu.memory_space<vmem>>) target(%dma_start3A_290 : memref<40x128xf32, #tpu.memory_space<vmem_shared>>) target_semaphore(%run_scoped3A : memref<!tpu.dma_semaphore, #tpu.memory_space<semaphore_mem>>)
      %dma_wait3A_291 = arith.constant 0 : i32
      %dma_wait3A_292 = tpu.memref_slice %arg12[%add3A_106, %dma_wait3A_291] : memref<10112x128xf32, #tpu.memory_space<vmem_shared>> -> memref<40x128xf32, #tpu.memory_space<vmem_shared>>
      %dma_wait3A_293 = arith.constant 0 : i32
      %dma_wait3A_294 = tpu.memref_slice %arg12[%add3A_106, %dma_wait3A_293] : memref<10112x128xf32, #tpu.memory_space<vmem_shared>> -> memref<40x128xf32, #tpu.memory_space<vmem_shared>>
      tpu.wait_dma2 semaphore(%run_scoped3A : memref<!tpu.dma_semaphore, #tpu.memory_space<semaphore_mem>>) src(%arg11 : memref<40x128xf32, #tpu.memory_space<vmem>>) dst(%dma_wait3A_294 : memref<40x128xf32, #tpu.memory_space<vmem_shared>>)
      tpu.yield
    }) : () -> ()
    %add3A_107 = arith.constant 600 : i32
    %add3A_108 = arith.addi %mul3A_9, %add3A_107 : i32
    "tpu.region"() ({
      %run_scoped3A = tpu.sem_alloc : memref<!tpu.dma_semaphore, #tpu.memory_space<semaphore_mem>>
      %dma_start3A_287 = arith.constant 0 : i32
      %dma_start3A_288 = arith.constant 0 : i32
      %dma_start3A_289 = tpu.memref_slice %arg11[%dma_start3A_287, %dma_start3A_288] : memref<40x128xf32, #tpu.memory_space<vmem>> -> memref<32x128xf32, #tpu.memory_space<vmem>>
      %dma_start3A_290 = arith.constant 0 : i32
      %dma_start3A_291 = tpu.memref_slice %arg12[%add3A_108, %dma_start3A_290] : memref<10112x128xf32, #tpu.memory_space<vmem_shared>> -> memref<32x128xf32, #tpu.memory_space<vmem_shared>>
      %dma_start3A_292 = arith.constant 0 : i32
      %dma_start3A_293 = tpu.memref_slice %arg12[%add3A_108, %dma_start3A_292] : memref<10112x128xf32, #tpu.memory_space<vmem_shared>> -> memref<32x128xf32, #tpu.memory_space<vmem_shared>>
      %dma_start3A_294 = arith.constant 0 : i32
      %dma_start3A_295 = arith.constant 0 : i32
      %dma_start3A_296 = tpu.memref_slice %arg11[%dma_start3A_294, %dma_start3A_295] : memref<40x128xf32, #tpu.memory_space<vmem>> -> memref<32x128xf32, #tpu.memory_space<vmem>>
      tpu.enqueue_dma source(%dma_start3A_296 : memref<32x128xf32, #tpu.memory_space<vmem>>) target(%dma_start3A_293 : memref<32x128xf32, #tpu.memory_space<vmem_shared>>) target_semaphore(%run_scoped3A : memref<!tpu.dma_semaphore, #tpu.memory_space<semaphore_mem>>)
      %dma_wait3A_297 = arith.constant 0 : i32
      %dma_wait3A_298 = arith.constant 0 : i32
      %dma_wait3A_299 = tpu.memref_slice %arg11[%dma_wait3A_297, %dma_wait3A_298] : memref<40x128xf32, #tpu.memory_space<vmem>> -> memref<32x128xf32, #tpu.memory_space<vmem>>
      %dma_wait3A_300 = arith.constant 0 : i32
      %dma_wait3A_301 = tpu.memref_slice %arg12[%add3A_108, %dma_wait3A_300] : memref<10112x128xf32, #tpu.memory_space<vmem_shared>> -> memref<32x128xf32, #tpu.memory_space<vmem_shared>>
      %dma_wait3A_302 = arith.constant 0 : i32
      %dma_wait3A_303 = tpu.memref_slice %arg12[%add3A_108, %dma_wait3A_302] : memref<10112x128xf32, #tpu.memory_space<vmem_shared>> -> memref<32x128xf32, #tpu.memory_space<vmem_shared>>
      %dma_wait3A_304 = arith.constant 0 : i32
      %dma_wait3A_305 = arith.constant 0 : i32
      %dma_wait3A_306 = tpu.memref_slice %arg11[%dma_wait3A_304, %dma_wait3A_305] : memref<40x128xf32, #tpu.memory_space<vmem>> -> memref<32x128xf32, #tpu.memory_space<vmem>>
      tpu.wait_dma2 semaphore(%run_scoped3A : memref<!tpu.dma_semaphore, #tpu.memory_space<semaphore_mem>>) src(%dma_wait3A_306 : memref<32x128xf32, #tpu.memory_space<vmem>>) dst(%dma_wait3A_303 : memref<32x128xf32, #tpu.memory_space<vmem_shared>>)
      tpu.yield
    }) : () -> ()
    %barrier3A_109 = arith.constant 0 : index
    tpu.barrier barrier_id(%barrier3A_109)
    %mul3A_110 = arith.constant 5120 : i32
    %mul3A_111 = arith.muli %add3A, %mul3A_110 : i32
    %add3A_112 = arith.constant 0 : i32
    %add3A_113 = arith.addi %mul3A_111, %add3A_112 : i32
    %dma_start3A_114 = arith.constant 0 : i32
    %dma_start3A_115 = arith.constant 0 : i32
    %dma_start3A_116 = arith.constant 0 : i32
    %dma_start3A_117 = tpu.memref_slice %arg10[%dma_start3A_114, %dma_start3A_115, %dma_start3A_116] : memref<2x128x128xf32, #tpu.memory_space<vmem>> -> memref<1x128x128xf32, #tpu.memory_space<vmem>>
    %dma_start3A_118 = tpu.memref_squeeze %dma_start3A_117 : memref<1x128x128xf32, #tpu.memory_space<vmem>> -> memref<128x128xf32, #tpu.memory_space<vmem>>
    %dma_start3A_119 = arith.constant 0 : i32
    %dma_start3A_120 = tpu.memref_slice %arg3[%add3A_113, %dma_start3A_119] : memref<163840x128xf32, #tpu.memory_space<hbm>> -> memref<128x128xf32, #tpu.memory_space<hbm>>
    %dma_start3A_121 = arith.constant 0 : i32
    %dma_start3A_122 = arith.constant 0 : i32
    %dma_start3A_123 = tpu.memref_slice %arg10[%dma_start3A_114, %dma_start3A_121, %dma_start3A_122] : memref<2x128x128xf32, #tpu.memory_space<vmem>> -> memref<1x128x128xf32, #tpu.memory_space<vmem>>
    %dma_start3A_124 = tpu.memref_squeeze %dma_start3A_123 : memref<1x128x128xf32, #tpu.memory_space<vmem>> -> memref<128x128xf32, #tpu.memory_space<vmem>>
    %dma_start3A_125 = arith.constant 0 : i32
    %dma_start3A_126 = tpu.memref_slice %arg3[%add3A_113, %dma_start3A_125] : memref<163840x128xf32, #tpu.memory_space<hbm>> -> memref<128x128xf32, #tpu.memory_space<hbm>>
    tpu.enqueue_dma source(%dma_start3A_126 : memref<128x128xf32, #tpu.memory_space<hbm>>) target(%dma_start3A_124 : memref<128x128xf32, #tpu.memory_space<vmem>>) target_semaphore(%arg13 : memref<!tpu.dma_semaphore, #tpu.memory_space<semaphore_mem>>)
    %scan3A_127 = arith.constant 0 : i32
    %scan3A_128 = arith.constant 0 : i32
    %scan3A_129 = arith.constant 20 : i32
    %scan3A_130 = arith.addi %scan3A_128, %scan3A_129 : i32
    %scan3A_131 = arith.constant 1 : i32
    scf.for %scan3A_287 = %scan3A_128 to %scan3A_130 step %scan3A_131  : i32 {
      %mul3A_288 = arith.constant 2 : i32
      %mul3A_289 = arith.muli %mul3A_288, %scan3A_287 : i32
      %mul3A_290 = arith.constant 2 : i32
      %mul3A_291 = arith.muli %mul3A_290, %scan3A_287 : i32
      %add3A_292 = arith.constant 1 : i32
      %add3A_293 = arith.addi %mul3A_291, %add3A_292 : i32
      %dma_wait3A_294 = arith.constant 0 : i32
      %dma_wait3A_295 = arith.constant 0 : i32
      %dma_wait3A_296 = arith.constant 0 : i32
      %dma_wait3A_297 = tpu.memref_slice %arg10[%dma_wait3A_294, %dma_wait3A_295, %dma_wait3A_296] : memref<2x128x128xf32, #tpu.memory_space<vmem>> -> memref<1x128x128xf32, #tpu.memory_space<vmem>>
      %dma_wait3A_298 = tpu.memref_squeeze %dma_wait3A_297 : memref<1x128x128xf32, #tpu.memory_space<vmem>> -> memref<128x128xf32, #tpu.memory_space<vmem>>
      %dma_wait3A_299 = arith.constant 0 : i32
      %dma_wait3A_300 = arith.constant 0 : i32
      %dma_wait3A_301 = tpu.memref_slice %arg3[%dma_wait3A_299, %dma_wait3A_300] : memref<163840x128xf32, #tpu.memory_space<hbm>> -> memref<128x128xf32, #tpu.memory_space<hbm>>
      %dma_wait3A_302 = arith.constant 0 : i32
      %dma_wait3A_303 = arith.constant 0 : i32
      %dma_wait3A_304 = tpu.memref_slice %arg10[%dma_wait3A_294, %dma_wait3A_302, %dma_wait3A_303] : memref<2x128x128xf32, #tpu.memory_space<vmem>> -> memref<1x128x128xf32, #tpu.memory_space<vmem>>
      %dma_wait3A_305 = tpu.memref_squeeze %dma_wait3A_304 : memref<1x128x128xf32, #tpu.memory_space<vmem>> -> memref<128x128xf32, #tpu.memory_space<vmem>>
      %dma_wait3A_306 = arith.constant 0 : i32
      %dma_wait3A_307 = arith.constant 0 : i32
      %dma_wait3A_308 = tpu.memref_slice %arg3[%dma_wait3A_306, %dma_wait3A_307] : memref<163840x128xf32, #tpu.memory_space<hbm>> -> memref<128x128xf32, #tpu.memory_space<hbm>>
      tpu.wait_dma2 semaphore(%arg13 : memref<!tpu.dma_semaphore, #tpu.memory_space<semaphore_mem>>) src(%dma_wait3A_308 : memref<128x128xf32, #tpu.memory_space<hbm>>) dst(%dma_wait3A_305 : memref<128x128xf32, #tpu.memory_space<vmem>>)
      %gt3A = arith.constant 0 : i32
      %gt3A_309 = arith.cmpi sgt, %scan3A_287, %gt3A : i32
      %convert_element_type3A = arith.extui %gt3A_309 : i1 to i32
      %cond3A = arith.constant 0 : i32
      %cond3A_310 = arith.cmpi ne, %convert_element_type3A, %cond3A : i32
      scf.if %cond3A_310 {
        %dma_wait3A_382 = arith.constant 1 : i32
        %dma_wait3A_383 = arith.constant 0 : i32
        %dma_wait3A_384 = arith.constant 0 : i32
        %dma_wait3A_385 = arith.constant 0 : i32
        %dma_wait3A_386 = tpu.memref_slice %arg10[%dma_wait3A_382, %dma_wait3A_384, %dma_wait3A_385] : memref<2x128x128xf32, #tpu.memory_space<vmem>> -> memref<1x128x128xf32, #tpu.memory_space<vmem>>
        %dma_wait3A_387 = tpu.memref_squeeze %dma_wait3A_386 : memref<1x128x128xf32, #tpu.memory_space<vmem>> -> memref<128x128xf32, #tpu.memory_space<vmem>>
        %dma_wait3A_388 = arith.constant 0 : i32
        %dma_wait3A_389 = tpu.memref_slice %arg9[%dma_wait3A_383, %dma_wait3A_388] : memref<40x128xi32, #tpu.memory_space<vmem>> -> memref<1x128xi32, #tpu.memory_space<vmem>>
        %dma_wait3A_390 = tpu.memref_squeeze %dma_wait3A_389 : memref<1x128xi32, #tpu.memory_space<vmem>> -> memref<128xi32, #tpu.memory_space<vmem>>
        %dma_wait3A_391 = arith.constant 0 : i32
        %dma_wait3A_392 = arith.constant 0 : i32
        %dma_wait3A_393 = tpu.memref_slice %arg12[%dma_wait3A_391, %dma_wait3A_392] : memref<10112x128xf32, #tpu.memory_space<vmem_shared>> -> memref<10112x128xf32, #tpu.memory_space<vmem_shared>>
        tpu.wait_indirect_dma semaphore(%arg16 : memref<!tpu.dma_semaphore, #tpu.memory_space<semaphore_mem>>) src(%dma_wait3A_387 : memref<128x128xf32, #tpu.memory_space<vmem>>) dst(%dma_wait3A_393 : memref<10112x128xf32, #tpu.memory_space<vmem_shared>>)
      } else {
      }
      %mul3A_311 = arith.constant 5120 : i32
      %mul3A_312 = arith.muli %add3A, %mul3A_311 : i32
      %mul3A_313 = arith.constant 128 : i32
      %mul3A_314 = arith.muli %add3A_293, %mul3A_313 : i32
      %add3A_315 = arith.addi %mul3A_312, %mul3A_314 : i32
      %dma_start3A_316 = arith.constant 1 : i32
      %dma_start3A_317 = arith.constant 0 : i32
      %dma_start3A_318 = arith.constant 0 : i32
      %dma_start3A_319 = tpu.memref_slice %arg10[%dma_start3A_316, %dma_start3A_317, %dma_start3A_318] : memref<2x128x128xf32, #tpu.memory_space<vmem>> -> memref<1x128x128xf32, #tpu.memory_space<vmem>>
      %dma_start3A_320 = tpu.memref_squeeze %dma_start3A_319 : memref<1x128x128xf32, #tpu.memory_space<vmem>> -> memref<128x128xf32, #tpu.memory_space<vmem>>
      %dma_start3A_321 = arith.constant 0 : i32
      %dma_start3A_322 = tpu.memref_slice %arg3[%add3A_315, %dma_start3A_321] : memref<163840x128xf32, #tpu.memory_space<hbm>> -> memref<128x128xf32, #tpu.memory_space<hbm>>
      %dma_start3A_323 = arith.constant 0 : i32
      %dma_start3A_324 = arith.constant 0 : i32
      %dma_start3A_325 = tpu.memref_slice %arg10[%dma_start3A_316, %dma_start3A_323, %dma_start3A_324] : memref<2x128x128xf32, #tpu.memory_space<vmem>> -> memref<1x128x128xf32, #tpu.memory_space<vmem>>
      %dma_start3A_326 = tpu.memref_squeeze %dma_start3A_325 : memref<1x128x128xf32, #tpu.memory_space<vmem>> -> memref<128x128xf32, #tpu.memory_space<vmem>>
      %dma_start3A_327 = arith.constant 0 : i32
      %dma_start3A_328 = tpu.memref_slice %arg3[%add3A_315, %dma_start3A_327] : memref<163840x128xf32, #tpu.memory_space<hbm>> -> memref<128x128xf32, #tpu.memory_space<hbm>>
      tpu.enqueue_dma source(%dma_start3A_328 : memref<128x128xf32, #tpu.memory_space<hbm>>) target(%dma_start3A_326 : memref<128x128xf32, #tpu.memory_space<vmem>>) target_semaphore(%arg14 : memref<!tpu.dma_semaphore, #tpu.memory_space<semaphore_mem>>)
      %dma_start3A_329 = arith.constant 0 : i32
      %dma_start3A_330 = arith.constant 0 : i32
      %dma_start3A_331 = arith.constant 0 : i32
      %dma_start3A_332 = tpu.memref_slice %arg10[%dma_start3A_329, %dma_start3A_330, %dma_start3A_331] : memref<2x128x128xf32, #tpu.memory_space<vmem>> -> memref<1x128x128xf32, #tpu.memory_space<vmem>>
      %dma_start3A_333 = tpu.memref_squeeze %dma_start3A_332 : memref<1x128x128xf32, #tpu.memory_space<vmem>> -> memref<128x128xf32, #tpu.memory_space<vmem>>
      %dma_start3A_334 = arith.constant 0 : i32
      %dma_start3A_335 = tpu.memref_slice %arg9[%mul3A_289, %dma_start3A_334] : memref<40x128xi32, #tpu.memory_space<vmem>> -> memref<1x128xi32, #tpu.memory_space<vmem>>
      %dma_start3A_336 = tpu.memref_squeeze %dma_start3A_335 : memref<1x128xi32, #tpu.memory_space<vmem>> -> memref<128xi32, #tpu.memory_space<vmem>>
      %dma_start3A_337 = arith.constant 0 : i32
      %dma_start3A_338 = arith.constant 0 : i32
      %dma_start3A_339 = tpu.memref_slice %arg12[%dma_start3A_337, %dma_start3A_338] : memref<10112x128xf32, #tpu.memory_space<vmem_shared>> -> memref<10112x128xf32, #tpu.memory_space<vmem_shared>>
      tpu.enqueue_indirect_dma source(%dma_start3A_333 : memref<128x128xf32, #tpu.memory_space<vmem>>) target(%dma_start3A_339 : memref<10112x128xf32, #tpu.memory_space<vmem_shared>>) offsets(%dma_start3A_336 : memref<128xi32, #tpu.memory_space<vmem>>) semaphore(%arg15 : memref<!tpu.dma_semaphore, #tpu.memory_space<semaphore_mem>>) {add = true}
      %dma_wait3A_340 = arith.constant 1 : i32
      %dma_wait3A_341 = arith.constant 0 : i32
      %dma_wait3A_342 = arith.constant 0 : i32
      %dma_wait3A_343 = tpu.memref_slice %arg10[%dma_wait3A_340, %dma_wait3A_341, %dma_wait3A_342] : memref<2x128x128xf32, #tpu.memory_space<vmem>> -> memref<1x128x128xf32, #tpu.memory_space<vmem>>
      %dma_wait3A_344 = tpu.memref_squeeze %dma_wait3A_343 : memref<1x128x128xf32, #tpu.memory_space<vmem>> -> memref<128x128xf32, #tpu.memory_space<vmem>>
      %dma_wait3A_345 = arith.constant 0 : i32
      %dma_wait3A_346 = arith.constant 0 : i32
      %dma_wait3A_347 = tpu.memref_slice %arg3[%dma_wait3A_345, %dma_wait3A_346] : memref<163840x128xf32, #tpu.memory_space<hbm>> -> memref<128x128xf32, #tpu.memory_space<hbm>>
      %dma_wait3A_348 = arith.constant 0 : i32
      %dma_wait3A_349 = arith.constant 0 : i32
      %dma_wait3A_350 = tpu.memref_slice %arg10[%dma_wait3A_340, %dma_wait3A_348, %dma_wait3A_349] : memref<2x128x128xf32, #tpu.memory_space<vmem>> -> memref<1x128x128xf32, #tpu.memory_space<vmem>>
      %dma_wait3A_351 = tpu.memref_squeeze %dma_wait3A_350 : memref<1x128x128xf32, #tpu.memory_space<vmem>> -> memref<128x128xf32, #tpu.memory_space<vmem>>
      %dma_wait3A_352 = arith.constant 0 : i32
      %dma_wait3A_353 = arith.constant 0 : i32
      %dma_wait3A_354 = tpu.memref_slice %arg3[%dma_wait3A_352, %dma_wait3A_353] : memref<163840x128xf32, #tpu.memory_space<hbm>> -> memref<128x128xf32, #tpu.memory_space<hbm>>
      tpu.wait_dma2 semaphore(%arg14 : memref<!tpu.dma_semaphore, #tpu.memory_space<semaphore_mem>>) src(%dma_wait3A_354 : memref<128x128xf32, #tpu.memory_space<hbm>>) dst(%dma_wait3A_351 : memref<128x128xf32, #tpu.memory_space<vmem>>)
      %dma_wait3A_355 = arith.constant 0 : i32
      %dma_wait3A_356 = arith.constant 0 : i32
      %dma_wait3A_357 = arith.constant 0 : i32
      %dma_wait3A_358 = arith.constant 0 : i32
      %dma_wait3A_359 = tpu.memref_slice %arg10[%dma_wait3A_355, %dma_wait3A_357, %dma_wait3A_358] : memref<2x128x128xf32, #tpu.memory_space<vmem>> -> memref<1x128x128xf32, #tpu.memory_space<vmem>>
      %dma_wait3A_360 = tpu.memref_squeeze %dma_wait3A_359 : memref<1x128x128xf32, #tpu.memory_space<vmem>> -> memref<128x128xf32, #tpu.memory_space<vmem>>
      %dma_wait3A_361 = arith.constant 0 : i32
      %dma_wait3A_362 = tpu.memref_slice %arg9[%dma_wait3A_356, %dma_wait3A_361] : memref<40x128xi32, #tpu.memory_space<vmem>> -> memref<1x128xi32, #tpu.memory_space<vmem>>
      %dma_wait3A_363 = tpu.memref_squeeze %dma_wait3A_362 : memref<1x128xi32, #tpu.memory_space<vmem>> -> memref<128xi32, #tpu.memory_space<vmem>>
      %dma_wait3A_364 = arith.constant 0 : i32
      %dma_wait3A_365 = arith.constant 0 : i32
      %dma_wait3A_366 = tpu.memref_slice %arg12[%dma_wait3A_364, %dma_wait3A_365] : memref<10112x128xf32, #tpu.memory_space<vmem_shared>> -> memref<10112x128xf32, #tpu.memory_space<vmem_shared>>
      tpu.wait_indirect_dma semaphore(%arg15 : memref<!tpu.dma_semaphore, #tpu.memory_space<semaphore_mem>>) src(%dma_wait3A_360 : memref<128x128xf32, #tpu.memory_space<vmem>>) dst(%dma_wait3A_366 : memref<10112x128xf32, #tpu.memory_space<vmem_shared>>)
      %lt3A = arith.constant 19 : i32
      %lt3A_367 = arith.cmpi slt, %scan3A_287, %lt3A : i32
      %convert_element_type3A_368 = arith.extui %lt3A_367 : i1 to i32
      %cond3A_369 = arith.constant 0 : i32
      %cond3A_370 = arith.cmpi ne, %convert_element_type3A_368, %cond3A_369 : i32
      scf.if %cond3A_370 {
        %add3A_382 = arith.constant 2 : i32
        %add3A_383 = arith.addi %mul3A_289, %add3A_382 : i32
        %mul3A_384 = arith.constant 5120 : i32
        %mul3A_385 = arith.muli %add3A, %mul3A_384 : i32
        %mul3A_386 = arith.constant 128 : i32
        %mul3A_387 = arith.muli %add3A_383, %mul3A_386 : i32
        %add3A_388 = arith.addi %mul3A_385, %mul3A_387 : i32
        %dma_start3A_389 = arith.constant 0 : i32
        %dma_start3A_390 = arith.constant 0 : i32
        %dma_start3A_391 = arith.constant 0 : i32
        %dma_start3A_392 = tpu.memref_slice %arg10[%dma_start3A_389, %dma_start3A_390, %dma_start3A_391] : memref<2x128x128xf32, #tpu.memory_space<vmem>> -> memref<1x128x128xf32, #tpu.memory_space<vmem>>
        %dma_start3A_393 = tpu.memref_squeeze %dma_start3A_392 : memref<1x128x128xf32, #tpu.memory_space<vmem>> -> memref<128x128xf32, #tpu.memory_space<vmem>>
        %dma_start3A_394 = arith.constant 0 : i32
        %dma_start3A_395 = tpu.memref_slice %arg3[%add3A_388, %dma_start3A_394] : memref<163840x128xf32, #tpu.memory_space<hbm>> -> memref<128x128xf32, #tpu.memory_space<hbm>>
        %dma_start3A_396 = arith.constant 0 : i32
        %dma_start3A_397 = arith.constant 0 : i32
        %dma_start3A_398 = tpu.memref_slice %arg10[%dma_start3A_389, %dma_start3A_396, %dma_start3A_397] : memref<2x128x128xf32, #tpu.memory_space<vmem>> -> memref<1x128x128xf32, #tpu.memory_space<vmem>>
        %dma_start3A_399 = tpu.memref_squeeze %dma_start3A_398 : memref<1x128x128xf32, #tpu.memory_space<vmem>> -> memref<128x128xf32, #tpu.memory_space<vmem>>
        %dma_start3A_400 = arith.constant 0 : i32
        %dma_start3A_401 = tpu.memref_slice %arg3[%add3A_388, %dma_start3A_400] : memref<163840x128xf32, #tpu.memory_space<hbm>> -> memref<128x128xf32, #tpu.memory_space<hbm>>
        tpu.enqueue_dma source(%dma_start3A_401 : memref<128x128xf32, #tpu.memory_space<hbm>>) target(%dma_start3A_399 : memref<128x128xf32, #tpu.memory_space<vmem>>) target_semaphore(%arg13 : memref<!tpu.dma_semaphore, #tpu.memory_space<semaphore_mem>>)
      } else {
      }
      %dma_start3A_371 = arith.constant 1 : i32
      %dma_start3A_372 = arith.constant 0 : i32
      %dma_start3A_373 = arith.constant 0 : i32
      %dma_start3A_374 = tpu.memref_slice %arg10[%dma_start3A_371, %dma_start3A_372, %dma_start3A_373] : memref<2x128x128xf32, #tpu.memory_space<vmem>> -> memref<1x128x128xf32, #tpu.memory_space<vmem>>
      %dma_start3A_375 = tpu.memref_squeeze %dma_start3A_374 : memref<1x128x128xf32, #tpu.memory_space<vmem>> -> memref<128x128xf32, #tpu.memory_space<vmem>>
      %dma_start3A_376 = arith.constant 0 : i32
      %dma_start3A_377 = tpu.memref_slice %arg9[%add3A_293, %dma_start3A_376] : memref<40x128xi32, #tpu.memory_space<vmem>> -> memref<1x128xi32, #tpu.memory_space<vmem>>
      %dma_start3A_378 = tpu.memref_squeeze %dma_start3A_377 : memref<1x128xi32, #tpu.memory_space<vmem>> -> memref<128xi32, #tpu.memory_space<vmem>>
      %dma_start3A_379 = arith.constant 0 : i32
      %dma_start3A_380 = arith.constant 0 : i32
      %dma_start3A_381 = tpu.memref_slice %arg12[%dma_start3A_379, %dma_start3A_380] : memref<10112x128xf32, #tpu.memory_space<vmem_shared>> -> memref<10112x128xf32, #tpu.memory_space<vmem_shared>>
      tpu.enqueue_indirect_dma source(%dma_start3A_375 : memref<128x128xf32, #tpu.memory_space<vmem>>) target(%dma_start3A_381 : memref<10112x128xf32, #tpu.memory_space<vmem_shared>>) offsets(%dma_start3A_378 : memref<128xi32, #tpu.memory_space<vmem>>) semaphore(%arg16 : memref<!tpu.dma_semaphore, #tpu.memory_space<semaphore_mem>>) {add = true}
    }
    %scan3A_132 = arith.constant 20 : i32
    %dma_wait3A_133 = arith.constant 1 : i32
    %dma_wait3A_134 = arith.constant 0 : i32
    %dma_wait3A_135 = arith.constant 0 : i32
    %dma_wait3A_136 = arith.constant 0 : i32
    %dma_wait3A_137 = tpu.memref_slice %arg10[%dma_wait3A_133, %dma_wait3A_135, %dma_wait3A_136] : memref<2x128x128xf32, #tpu.memory_space<vmem>> -> memref<1x128x128xf32, #tpu.memory_space<vmem>>
    %dma_wait3A_138 = tpu.memref_squeeze %dma_wait3A_137 : memref<1x128x128xf32, #tpu.memory_space<vmem>> -> memref<128x128xf32, #tpu.memory_space<vmem>>
    %dma_wait3A_139 = arith.constant 0 : i32
    %dma_wait3A_140 = tpu.memref_slice %arg9[%dma_wait3A_134, %dma_wait3A_139] : memref<40x128xi32, #tpu.memory_space<vmem>> -> memref<1x128xi32, #tpu.memory_space<vmem>>
    %dma_wait3A_141 = tpu.memref_squeeze %dma_wait3A_140 : memref<1x128xi32, #tpu.memory_space<vmem>> -> memref<128xi32, #tpu.memory_space<vmem>>
    %dma_wait3A_142 = arith.constant 0 : i32
    %dma_wait3A_143 = arith.constant 0 : i32
    %dma_wait3A_144 = tpu.memref_slice %arg12[%dma_wait3A_142, %dma_wait3A_143] : memref<10112x128xf32, #tpu.memory_space<vmem_shared>> -> memref<10112x128xf32, #tpu.memory_space<vmem_shared>>
    tpu.wait_indirect_dma semaphore(%arg16 : memref<!tpu.dma_semaphore, #tpu.memory_space<semaphore_mem>>) src(%dma_wait3A_138 : memref<128x128xf32, #tpu.memory_space<vmem>>) dst(%dma_wait3A_144 : memref<10112x128xf32, #tpu.memory_space<vmem_shared>>)
    %barrier3A_145 = arith.constant 0 : index
    tpu.barrier barrier_id(%barrier3A_145)
    "tpu.region"() ({
      %run_scoped3A = tpu.sem_alloc : memref<!tpu.dma_semaphore, #tpu.memory_space<semaphore_mem>>
      %dma_start3A_287 = arith.constant 128 : i32
      %dma_start3A_288 = tpu.memref_slice %arg7[%arg0, %mul3A_9, %dma_start3A_287] : memref<2x10112x256xf32, #tpu.memory_space<hbm>> -> memref<1x632x128xf32, #tpu.memory_space<hbm>>
      %dma_start3A_289 = tpu.memref_squeeze %dma_start3A_288 : memref<1x632x128xf32, #tpu.memory_space<hbm>> -> memref<632x128xf32, #tpu.memory_space<hbm>>
      %dma_start3A_290 = arith.constant 0 : i32
      %dma_start3A_291 = tpu.memref_slice %arg12[%mul3A_9, %dma_start3A_290] : memref<10112x128xf32, #tpu.memory_space<vmem_shared>> -> memref<632x128xf32, #tpu.memory_space<vmem_shared>>
      tpu.enqueue_dma source(%dma_start3A_291 : memref<632x128xf32, #tpu.memory_space<vmem_shared>>) target(%dma_start3A_289 : memref<632x128xf32, #tpu.memory_space<hbm>>) target_semaphore(%run_scoped3A : memref<!tpu.dma_semaphore, #tpu.memory_space<semaphore_mem>>)
      %dma_wait3A_292 = arith.constant 128 : i32
      %dma_wait3A_293 = tpu.memref_slice %arg7[%arg0, %mul3A_9, %dma_wait3A_292] : memref<2x10112x256xf32, #tpu.memory_space<hbm>> -> memref<1x632x128xf32, #tpu.memory_space<hbm>>
      %dma_wait3A_294 = tpu.memref_squeeze %dma_wait3A_293 : memref<1x632x128xf32, #tpu.memory_space<hbm>> -> memref<632x128xf32, #tpu.memory_space<hbm>>
      %dma_wait3A_295 = arith.constant 0 : i32
      %dma_wait3A_296 = tpu.memref_slice %arg12[%mul3A_9, %dma_wait3A_295] : memref<10112x128xf32, #tpu.memory_space<vmem_shared>> -> memref<632x128xf32, #tpu.memory_space<vmem_shared>>
      tpu.wait_dma2 semaphore(%run_scoped3A : memref<!tpu.dma_semaphore, #tpu.memory_space<semaphore_mem>>) src(%dma_wait3A_296 : memref<632x128xf32, #tpu.memory_space<vmem_shared>>) dst(%dma_wait3A_294 : memref<632x128xf32, #tpu.memory_space<hbm>>)
      tpu.yield
    }) : () -> ()
    %barrier3A_146 = arith.constant 0 : index
    tpu.barrier barrier_id(%barrier3A_146)
    %add3A_147 = arith.constant 0 : i32
    %add3A_148 = arith.addi %mul3A_9, %add3A_147 : i32
    "tpu.region"() ({
      %run_scoped3A = tpu.sem_alloc : memref<!tpu.dma_semaphore, #tpu.memory_space<semaphore_mem>>
      %dma_start3A_287 = arith.constant 0 : i32
      %dma_start3A_288 = tpu.memref_slice %arg12[%add3A_148, %dma_start3A_287] : memref<10112x128xf32, #tpu.memory_space<vmem_shared>> -> memref<40x128xf32, #tpu.memory_space<vmem_shared>>
      %dma_start3A_289 = arith.constant 0 : i32
      %dma_start3A_290 = tpu.memref_slice %arg12[%add3A_148, %dma_start3A_289] : memref<10112x128xf32, #tpu.memory_space<vmem_shared>> -> memref<40x128xf32, #tpu.memory_space<vmem_shared>>
      tpu.enqueue_dma source(%arg11 : memref<40x128xf32, #tpu.memory_space<vmem>>) target(%dma_start3A_290 : memref<40x128xf32, #tpu.memory_space<vmem_shared>>) target_semaphore(%run_scoped3A : memref<!tpu.dma_semaphore, #tpu.memory_space<semaphore_mem>>)
      %dma_wait3A_291 = arith.constant 0 : i32
      %dma_wait3A_292 = tpu.memref_slice %arg12[%add3A_148, %dma_wait3A_291] : memref<10112x128xf32, #tpu.memory_space<vmem_shared>> -> memref<40x128xf32, #tpu.memory_space<vmem_shared>>
      %dma_wait3A_293 = arith.constant 0 : i32
      %dma_wait3A_294 = tpu.memref_slice %arg12[%add3A_148, %dma_wait3A_293] : memref<10112x128xf32, #tpu.memory_space<vmem_shared>> -> memref<40x128xf32, #tpu.memory_space<vmem_shared>>
      tpu.wait_dma2 semaphore(%run_scoped3A : memref<!tpu.dma_semaphore, #tpu.memory_space<semaphore_mem>>) src(%arg11 : memref<40x128xf32, #tpu.memory_space<vmem>>) dst(%dma_wait3A_294 : memref<40x128xf32, #tpu.memory_space<vmem_shared>>)
      tpu.yield
    }) : () -> ()
    %add3A_149 = arith.constant 40 : i32
    %add3A_150 = arith.addi %mul3A_9, %add3A_149 : i32
    "tpu.region"() ({
      %run_scoped3A = tpu.sem_alloc : memref<!tpu.dma_semaphore, #tpu.memory_space<semaphore_mem>>
      %dma_start3A_287 = arith.constant 0 : i32
      %dma_start3A_288 = tpu.memref_slice %arg12[%add3A_150, %dma_start3A_287] : memref<10112x128xf32, #tpu.memory_space<vmem_shared>> -> memref<40x128xf32, #tpu.memory_space<vmem_shared>>
      %dma_start3A_289 = arith.constant 0 : i32
      %dma_start3A_290 = tpu.memref_slice %arg12[%add3A_150, %dma_start3A_289] : memref<10112x128xf32, #tpu.memory_space<vmem_shared>> -> memref<40x128xf32, #tpu.memory_space<vmem_shared>>
      tpu.enqueue_dma source(%arg11 : memref<40x128xf32, #tpu.memory_space<vmem>>) target(%dma_start3A_290 : memref<40x128xf32, #tpu.memory_space<vmem_shared>>) target_semaphore(%run_scoped3A : memref<!tpu.dma_semaphore, #tpu.memory_space<semaphore_mem>>)
      %dma_wait3A_291 = arith.constant 0 : i32
      %dma_wait3A_292 = tpu.memref_slice %arg12[%add3A_150, %dma_wait3A_291] : memref<10112x128xf32, #tpu.memory_space<vmem_shared>> -> memref<40x128xf32, #tpu.memory_space<vmem_shared>>
      %dma_wait3A_293 = arith.constant 0 : i32
      %dma_wait3A_294 = tpu.memref_slice %arg12[%add3A_150, %dma_wait3A_293] : memref<10112x128xf32, #tpu.memory_space<vmem_shared>> -> memref<40x128xf32, #tpu.memory_space<vmem_shared>>
      tpu.wait_dma2 semaphore(%run_scoped3A : memref<!tpu.dma_semaphore, #tpu.memory_space<semaphore_mem>>) src(%arg11 : memref<40x128xf32, #tpu.memory_space<vmem>>) dst(%dma_wait3A_294 : memref<40x128xf32, #tpu.memory_space<vmem_shared>>)
      tpu.yield
    }) : () -> ()
    %add3A_151 = arith.constant 80 : i32
    %add3A_152 = arith.addi %mul3A_9, %add3A_151 : i32
    "tpu.region"() ({
      %run_scoped3A = tpu.sem_alloc : memref<!tpu.dma_semaphore, #tpu.memory_space<semaphore_mem>>
      %dma_start3A_287 = arith.constant 0 : i32
      %dma_start3A_288 = tpu.memref_slice %arg12[%add3A_152, %dma_start3A_287] : memref<10112x128xf32, #tpu.memory_space<vmem_shared>> -> memref<40x128xf32, #tpu.memory_space<vmem_shared>>
      %dma_start3A_289 = arith.constant 0 : i32
      %dma_start3A_290 = tpu.memref_slice %arg12[%add3A_152, %dma_start3A_289] : memref<10112x128xf32, #tpu.memory_space<vmem_shared>> -> memref<40x128xf32, #tpu.memory_space<vmem_shared>>
      tpu.enqueue_dma source(%arg11 : memref<40x128xf32, #tpu.memory_space<vmem>>) target(%dma_start3A_290 : memref<40x128xf32, #tpu.memory_space<vmem_shared>>) target_semaphore(%run_scoped3A : memref<!tpu.dma_semaphore, #tpu.memory_space<semaphore_mem>>)
      %dma_wait3A_291 = arith.constant 0 : i32
      %dma_wait3A_292 = tpu.memref_slice %arg12[%add3A_152, %dma_wait3A_291] : memref<10112x128xf32, #tpu.memory_space<vmem_shared>> -> memref<40x128xf32, #tpu.memory_space<vmem_shared>>
      %dma_wait3A_293 = arith.constant 0 : i32
      %dma_wait3A_294 = tpu.memref_slice %arg12[%add3A_152, %dma_wait3A_293] : memref<10112x128xf32, #tpu.memory_space<vmem_shared>> -> memref<40x128xf32, #tpu.memory_space<vmem_shared>>
      tpu.wait_dma2 semaphore(%run_scoped3A : memref<!tpu.dma_semaphore, #tpu.memory_space<semaphore_mem>>) src(%arg11 : memref<40x128xf32, #tpu.memory_space<vmem>>) dst(%dma_wait3A_294 : memref<40x128xf32, #tpu.memory_space<vmem_shared>>)
      tpu.yield
    }) : () -> ()
    %add3A_153 = arith.constant 120 : i32
    %add3A_154 = arith.addi %mul3A_9, %add3A_153 : i32
    "tpu.region"() ({
      %run_scoped3A = tpu.sem_alloc : memref<!tpu.dma_semaphore, #tpu.memory_space<semaphore_mem>>
      %dma_start3A_287 = arith.constant 0 : i32
      %dma_start3A_288 = tpu.memref_slice %arg12[%add3A_154, %dma_start3A_287] : memref<10112x128xf32, #tpu.memory_space<vmem_shared>> -> memref<40x128xf32, #tpu.memory_space<vmem_shared>>
      %dma_start3A_289 = arith.constant 0 : i32
      %dma_start3A_290 = tpu.memref_slice %arg12[%add3A_154, %dma_start3A_289] : memref<10112x128xf32, #tpu.memory_space<vmem_shared>> -> memref<40x128xf32, #tpu.memory_space<vmem_shared>>
      tpu.enqueue_dma source(%arg11 : memref<40x128xf32, #tpu.memory_space<vmem>>) target(%dma_start3A_290 : memref<40x128xf32, #tpu.memory_space<vmem_shared>>) target_semaphore(%run_scoped3A : memref<!tpu.dma_semaphore, #tpu.memory_space<semaphore_mem>>)
      %dma_wait3A_291 = arith.constant 0 : i32
      %dma_wait3A_292 = tpu.memref_slice %arg12[%add3A_154, %dma_wait3A_291] : memref<10112x128xf32, #tpu.memory_space<vmem_shared>> -> memref<40x128xf32, #tpu.memory_space<vmem_shared>>
      %dma_wait3A_293 = arith.constant 0 : i32
      %dma_wait3A_294 = tpu.memref_slice %arg12[%add3A_154, %dma_wait3A_293] : memref<10112x128xf32, #tpu.memory_space<vmem_shared>> -> memref<40x128xf32, #tpu.memory_space<vmem_shared>>
      tpu.wait_dma2 semaphore(%run_scoped3A : memref<!tpu.dma_semaphore, #tpu.memory_space<semaphore_mem>>) src(%arg11 : memref<40x128xf32, #tpu.memory_space<vmem>>) dst(%dma_wait3A_294 : memref<40x128xf32, #tpu.memory_space<vmem_shared>>)
      tpu.yield
    }) : () -> ()
    %add3A_155 = arith.constant 160 : i32
    %add3A_156 = arith.addi %mul3A_9, %add3A_155 : i32
    "tpu.region"() ({
      %run_scoped3A = tpu.sem_alloc : memref<!tpu.dma_semaphore, #tpu.memory_space<semaphore_mem>>
      %dma_start3A_287 = arith.constant 0 : i32
      %dma_start3A_288 = tpu.memref_slice %arg12[%add3A_156, %dma_start3A_287] : memref<10112x128xf32, #tpu.memory_space<vmem_shared>> -> memref<40x128xf32, #tpu.memory_space<vmem_shared>>
      %dma_start3A_289 = arith.constant 0 : i32
      %dma_start3A_290 = tpu.memref_slice %arg12[%add3A_156, %dma_start3A_289] : memref<10112x128xf32, #tpu.memory_space<vmem_shared>> -> memref<40x128xf32, #tpu.memory_space<vmem_shared>>
      tpu.enqueue_dma source(%arg11 : memref<40x128xf32, #tpu.memory_space<vmem>>) target(%dma_start3A_290 : memref<40x128xf32, #tpu.memory_space<vmem_shared>>) target_semaphore(%run_scoped3A : memref<!tpu.dma_semaphore, #tpu.memory_space<semaphore_mem>>)
      %dma_wait3A_291 = arith.constant 0 : i32
      %dma_wait3A_292 = tpu.memref_slice %arg12[%add3A_156, %dma_wait3A_291] : memref<10112x128xf32, #tpu.memory_space<vmem_shared>> -> memref<40x128xf32, #tpu.memory_space<vmem_shared>>
      %dma_wait3A_293 = arith.constant 0 : i32
      %dma_wait3A_294 = tpu.memref_slice %arg12[%add3A_156, %dma_wait3A_293] : memref<10112x128xf32, #tpu.memory_space<vmem_shared>> -> memref<40x128xf32, #tpu.memory_space<vmem_shared>>
      tpu.wait_dma2 semaphore(%run_scoped3A : memref<!tpu.dma_semaphore, #tpu.memory_space<semaphore_mem>>) src(%arg11 : memref<40x128xf32, #tpu.memory_space<vmem>>) dst(%dma_wait3A_294 : memref<40x128xf32, #tpu.memory_space<vmem_shared>>)
      tpu.yield
    }) : () -> ()
    %add3A_157 = arith.constant 200 : i32
    %add3A_158 = arith.addi %mul3A_9, %add3A_157 : i32
    "tpu.region"() ({
      %run_scoped3A = tpu.sem_alloc : memref<!tpu.dma_semaphore, #tpu.memory_space<semaphore_mem>>
      %dma_start3A_287 = arith.constant 0 : i32
      %dma_start3A_288 = tpu.memref_slice %arg12[%add3A_158, %dma_start3A_287] : memref<10112x128xf32, #tpu.memory_space<vmem_shared>> -> memref<40x128xf32, #tpu.memory_space<vmem_shared>>
      %dma_start3A_289 = arith.constant 0 : i32
      %dma_start3A_290 = tpu.memref_slice %arg12[%add3A_158, %dma_start3A_289] : memref<10112x128xf32, #tpu.memory_space<vmem_shared>> -> memref<40x128xf32, #tpu.memory_space<vmem_shared>>
      tpu.enqueue_dma source(%arg11 : memref<40x128xf32, #tpu.memory_space<vmem>>) target(%dma_start3A_290 : memref<40x128xf32, #tpu.memory_space<vmem_shared>>) target_semaphore(%run_scoped3A : memref<!tpu.dma_semaphore, #tpu.memory_space<semaphore_mem>>)
      %dma_wait3A_291 = arith.constant 0 : i32
      %dma_wait3A_292 = tpu.memref_slice %arg12[%add3A_158, %dma_wait3A_291] : memref<10112x128xf32, #tpu.memory_space<vmem_shared>> -> memref<40x128xf32, #tpu.memory_space<vmem_shared>>
      %dma_wait3A_293 = arith.constant 0 : i32
      %dma_wait3A_294 = tpu.memref_slice %arg12[%add3A_158, %dma_wait3A_293] : memref<10112x128xf32, #tpu.memory_space<vmem_shared>> -> memref<40x128xf32, #tpu.memory_space<vmem_shared>>
      tpu.wait_dma2 semaphore(%run_scoped3A : memref<!tpu.dma_semaphore, #tpu.memory_space<semaphore_mem>>) src(%arg11 : memref<40x128xf32, #tpu.memory_space<vmem>>) dst(%dma_wait3A_294 : memref<40x128xf32, #tpu.memory_space<vmem_shared>>)
      tpu.yield
    }) : () -> ()
    %add3A_159 = arith.constant 240 : i32
    %add3A_160 = arith.addi %mul3A_9, %add3A_159 : i32
    "tpu.region"() ({
      %run_scoped3A = tpu.sem_alloc : memref<!tpu.dma_semaphore, #tpu.memory_space<semaphore_mem>>
      %dma_start3A_287 = arith.constant 0 : i32
      %dma_start3A_288 = tpu.memref_slice %arg12[%add3A_160, %dma_start3A_287] : memref<10112x128xf32, #tpu.memory_space<vmem_shared>> -> memref<40x128xf32, #tpu.memory_space<vmem_shared>>
      %dma_start3A_289 = arith.constant 0 : i32
      %dma_start3A_290 = tpu.memref_slice %arg12[%add3A_160, %dma_start3A_289] : memref<10112x128xf32, #tpu.memory_space<vmem_shared>> -> memref<40x128xf32, #tpu.memory_space<vmem_shared>>
      tpu.enqueue_dma source(%arg11 : memref<40x128xf32, #tpu.memory_space<vmem>>) target(%dma_start3A_290 : memref<40x128xf32, #tpu.memory_space<vmem_shared>>) target_semaphore(%run_scoped3A : memref<!tpu.dma_semaphore, #tpu.memory_space<semaphore_mem>>)
      %dma_wait3A_291 = arith.constant 0 : i32
      %dma_wait3A_292 = tpu.memref_slice %arg12[%add3A_160, %dma_wait3A_291] : memref<10112x128xf32, #tpu.memory_space<vmem_shared>> -> memref<40x128xf32, #tpu.memory_space<vmem_shared>>
      %dma_wait3A_293 = arith.constant 0 : i32
      %dma_wait3A_294 = tpu.memref_slice %arg12[%add3A_160, %dma_wait3A_293] : memref<10112x128xf32, #tpu.memory_space<vmem_shared>> -> memref<40x128xf32, #tpu.memory_space<vmem_shared>>
      tpu.wait_dma2 semaphore(%run_scoped3A : memref<!tpu.dma_semaphore, #tpu.memory_space<semaphore_mem>>) src(%arg11 : memref<40x128xf32, #tpu.memory_space<vmem>>) dst(%dma_wait3A_294 : memref<40x128xf32, #tpu.memory_space<vmem_shared>>)
      tpu.yield
    }) : () -> ()
    %add3A_161 = arith.constant 280 : i32
    %add3A_162 = arith.addi %mul3A_9, %add3A_161 : i32
    "tpu.region"() ({
      %run_scoped3A = tpu.sem_alloc : memref<!tpu.dma_semaphore, #tpu.memory_space<semaphore_mem>>
      %dma_start3A_287 = arith.constant 0 : i32
      %dma_start3A_288 = tpu.memref_slice %arg12[%add3A_162, %dma_start3A_287] : memref<10112x128xf32, #tpu.memory_space<vmem_shared>> -> memref<40x128xf32, #tpu.memory_space<vmem_shared>>
      %dma_start3A_289 = arith.constant 0 : i32
      %dma_start3A_290 = tpu.memref_slice %arg12[%add3A_162, %dma_start3A_289] : memref<10112x128xf32, #tpu.memory_space<vmem_shared>> -> memref<40x128xf32, #tpu.memory_space<vmem_shared>>
      tpu.enqueue_dma source(%arg11 : memref<40x128xf32, #tpu.memory_space<vmem>>) target(%dma_start3A_290 : memref<40x128xf32, #tpu.memory_space<vmem_shared>>) target_semaphore(%run_scoped3A : memref<!tpu.dma_semaphore, #tpu.memory_space<semaphore_mem>>)
      %dma_wait3A_291 = arith.constant 0 : i32
      %dma_wait3A_292 = tpu.memref_slice %arg12[%add3A_162, %dma_wait3A_291] : memref<10112x128xf32, #tpu.memory_space<vmem_shared>> -> memref<40x128xf32, #tpu.memory_space<vmem_shared>>
      %dma_wait3A_293 = arith.constant 0 : i32
      %dma_wait3A_294 = tpu.memref_slice %arg12[%add3A_162, %dma_wait3A_293] : memref<10112x128xf32, #tpu.memory_space<vmem_shared>> -> memref<40x128xf32, #tpu.memory_space<vmem_shared>>
      tpu.wait_dma2 semaphore(%run_scoped3A : memref<!tpu.dma_semaphore, #tpu.memory_space<semaphore_mem>>) src(%arg11 : memref<40x128xf32, #tpu.memory_space<vmem>>) dst(%dma_wait3A_294 : memref<40x128xf32, #tpu.memory_space<vmem_shared>>)
      tpu.yield
    }) : () -> ()
    %add3A_163 = arith.constant 320 : i32
    %add3A_164 = arith.addi %mul3A_9, %add3A_163 : i32
    "tpu.region"() ({
      %run_scoped3A = tpu.sem_alloc : memref<!tpu.dma_semaphore, #tpu.memory_space<semaphore_mem>>
      %dma_start3A_287 = arith.constant 0 : i32
      %dma_start3A_288 = tpu.memref_slice %arg12[%add3A_164, %dma_start3A_287] : memref<10112x128xf32, #tpu.memory_space<vmem_shared>> -> memref<40x128xf32, #tpu.memory_space<vmem_shared>>
      %dma_start3A_289 = arith.constant 0 : i32
      %dma_start3A_290 = tpu.memref_slice %arg12[%add3A_164, %dma_start3A_289] : memref<10112x128xf32, #tpu.memory_space<vmem_shared>> -> memref<40x128xf32, #tpu.memory_space<vmem_shared>>
      tpu.enqueue_dma source(%arg11 : memref<40x128xf32, #tpu.memory_space<vmem>>) target(%dma_start3A_290 : memref<40x128xf32, #tpu.memory_space<vmem_shared>>) target_semaphore(%run_scoped3A : memref<!tpu.dma_semaphore, #tpu.memory_space<semaphore_mem>>)
      %dma_wait3A_291 = arith.constant 0 : i32
      %dma_wait3A_292 = tpu.memref_slice %arg12[%add3A_164, %dma_wait3A_291] : memref<10112x128xf32, #tpu.memory_space<vmem_shared>> -> memref<40x128xf32, #tpu.memory_space<vmem_shared>>
      %dma_wait3A_293 = arith.constant 0 : i32
      %dma_wait3A_294 = tpu.memref_slice %arg12[%add3A_164, %dma_wait3A_293] : memref<10112x128xf32, #tpu.memory_space<vmem_shared>> -> memref<40x128xf32, #tpu.memory_space<vmem_shared>>
      tpu.wait_dma2 semaphore(%run_scoped3A : memref<!tpu.dma_semaphore, #tpu.memory_space<semaphore_mem>>) src(%arg11 : memref<40x128xf32, #tpu.memory_space<vmem>>) dst(%dma_wait3A_294 : memref<40x128xf32, #tpu.memory_space<vmem_shared>>)
      tpu.yield
    }) : () -> ()
    %add3A_165 = arith.constant 360 : i32
    %add3A_166 = arith.addi %mul3A_9, %add3A_165 : i32
    "tpu.region"() ({
      %run_scoped3A = tpu.sem_alloc : memref<!tpu.dma_semaphore, #tpu.memory_space<semaphore_mem>>
      %dma_start3A_287 = arith.constant 0 : i32
      %dma_start3A_288 = tpu.memref_slice %arg12[%add3A_166, %dma_start3A_287] : memref<10112x128xf32, #tpu.memory_space<vmem_shared>> -> memref<40x128xf32, #tpu.memory_space<vmem_shared>>
      %dma_start3A_289 = arith.constant 0 : i32
      %dma_start3A_290 = tpu.memref_slice %arg12[%add3A_166, %dma_start3A_289] : memref<10112x128xf32, #tpu.memory_space<vmem_shared>> -> memref<40x128xf32, #tpu.memory_space<vmem_shared>>
      tpu.enqueue_dma source(%arg11 : memref<40x128xf32, #tpu.memory_space<vmem>>) target(%dma_start3A_290 : memref<40x128xf32, #tpu.memory_space<vmem_shared>>) target_semaphore(%run_scoped3A : memref<!tpu.dma_semaphore, #tpu.memory_space<semaphore_mem>>)
      %dma_wait3A_291 = arith.constant 0 : i32
      %dma_wait3A_292 = tpu.memref_slice %arg12[%add3A_166, %dma_wait3A_291] : memref<10112x128xf32, #tpu.memory_space<vmem_shared>> -> memref<40x128xf32, #tpu.memory_space<vmem_shared>>
      %dma_wait3A_293 = arith.constant 0 : i32
      %dma_wait3A_294 = tpu.memref_slice %arg12[%add3A_166, %dma_wait3A_293] : memref<10112x128xf32, #tpu.memory_space<vmem_shared>> -> memref<40x128xf32, #tpu.memory_space<vmem_shared>>
      tpu.wait_dma2 semaphore(%run_scoped3A : memref<!tpu.dma_semaphore, #tpu.memory_space<semaphore_mem>>) src(%arg11 : memref<40x128xf32, #tpu.memory_space<vmem>>) dst(%dma_wait3A_294 : memref<40x128xf32, #tpu.memory_space<vmem_shared>>)
      tpu.yield
    }) : () -> ()
    %add3A_167 = arith.constant 400 : i32
    %add3A_168 = arith.addi %mul3A_9, %add3A_167 : i32
    "tpu.region"() ({
      %run_scoped3A = tpu.sem_alloc : memref<!tpu.dma_semaphore, #tpu.memory_space<semaphore_mem>>
      %dma_start3A_287 = arith.constant 0 : i32
      %dma_start3A_288 = tpu.memref_slice %arg12[%add3A_168, %dma_start3A_287] : memref<10112x128xf32, #tpu.memory_space<vmem_shared>> -> memref<40x128xf32, #tpu.memory_space<vmem_shared>>
      %dma_start3A_289 = arith.constant 0 : i32
      %dma_start3A_290 = tpu.memref_slice %arg12[%add3A_168, %dma_start3A_289] : memref<10112x128xf32, #tpu.memory_space<vmem_shared>> -> memref<40x128xf32, #tpu.memory_space<vmem_shared>>
      tpu.enqueue_dma source(%arg11 : memref<40x128xf32, #tpu.memory_space<vmem>>) target(%dma_start3A_290 : memref<40x128xf32, #tpu.memory_space<vmem_shared>>) target_semaphore(%run_scoped3A : memref<!tpu.dma_semaphore, #tpu.memory_space<semaphore_mem>>)
      %dma_wait3A_291 = arith.constant 0 : i32
      %dma_wait3A_292 = tpu.memref_slice %arg12[%add3A_168, %dma_wait3A_291] : memref<10112x128xf32, #tpu.memory_space<vmem_shared>> -> memref<40x128xf32, #tpu.memory_space<vmem_shared>>
      %dma_wait3A_293 = arith.constant 0 : i32
      %dma_wait3A_294 = tpu.memref_slice %arg12[%add3A_168, %dma_wait3A_293] : memref<10112x128xf32, #tpu.memory_space<vmem_shared>> -> memref<40x128xf32, #tpu.memory_space<vmem_shared>>
      tpu.wait_dma2 semaphore(%run_scoped3A : memref<!tpu.dma_semaphore, #tpu.memory_space<semaphore_mem>>) src(%arg11 : memref<40x128xf32, #tpu.memory_space<vmem>>) dst(%dma_wait3A_294 : memref<40x128xf32, #tpu.memory_space<vmem_shared>>)
      tpu.yield
    }) : () -> ()
    %add3A_169 = arith.constant 440 : i32
    %add3A_170 = arith.addi %mul3A_9, %add3A_169 : i32
    "tpu.region"() ({
      %run_scoped3A = tpu.sem_alloc : memref<!tpu.dma_semaphore, #tpu.memory_space<semaphore_mem>>
      %dma_start3A_287 = arith.constant 0 : i32
      %dma_start3A_288 = tpu.memref_slice %arg12[%add3A_170, %dma_start3A_287] : memref<10112x128xf32, #tpu.memory_space<vmem_shared>> -> memref<40x128xf32, #tpu.memory_space<vmem_shared>>
      %dma_start3A_289 = arith.constant 0 : i32
      %dma_start3A_290 = tpu.memref_slice %arg12[%add3A_170, %dma_start3A_289] : memref<10112x128xf32, #tpu.memory_space<vmem_shared>> -> memref<40x128xf32, #tpu.memory_space<vmem_shared>>
      tpu.enqueue_dma source(%arg11 : memref<40x128xf32, #tpu.memory_space<vmem>>) target(%dma_start3A_290 : memref<40x128xf32, #tpu.memory_space<vmem_shared>>) target_semaphore(%run_scoped3A : memref<!tpu.dma_semaphore, #tpu.memory_space<semaphore_mem>>)
      %dma_wait3A_291 = arith.constant 0 : i32
      %dma_wait3A_292 = tpu.memref_slice %arg12[%add3A_170, %dma_wait3A_291] : memref<10112x128xf32, #tpu.memory_space<vmem_shared>> -> memref<40x128xf32, #tpu.memory_space<vmem_shared>>
      %dma_wait3A_293 = arith.constant 0 : i32
      %dma_wait3A_294 = tpu.memref_slice %arg12[%add3A_170, %dma_wait3A_293] : memref<10112x128xf32, #tpu.memory_space<vmem_shared>> -> memref<40x128xf32, #tpu.memory_space<vmem_shared>>
      tpu.wait_dma2 semaphore(%run_scoped3A : memref<!tpu.dma_semaphore, #tpu.memory_space<semaphore_mem>>) src(%arg11 : memref<40x128xf32, #tpu.memory_space<vmem>>) dst(%dma_wait3A_294 : memref<40x128xf32, #tpu.memory_space<vmem_shared>>)
      tpu.yield
    }) : () -> ()
    %add3A_171 = arith.constant 480 : i32
    %add3A_172 = arith.addi %mul3A_9, %add3A_171 : i32
    "tpu.region"() ({
      %run_scoped3A = tpu.sem_alloc : memref<!tpu.dma_semaphore, #tpu.memory_space<semaphore_mem>>
      %dma_start3A_287 = arith.constant 0 : i32
      %dma_start3A_288 = tpu.memref_slice %arg12[%add3A_172, %dma_start3A_287] : memref<10112x128xf32, #tpu.memory_space<vmem_shared>> -> memref<40x128xf32, #tpu.memory_space<vmem_shared>>
      %dma_start3A_289 = arith.constant 0 : i32
      %dma_start3A_290 = tpu.memref_slice %arg12[%add3A_172, %dma_start3A_289] : memref<10112x128xf32, #tpu.memory_space<vmem_shared>> -> memref<40x128xf32, #tpu.memory_space<vmem_shared>>
      tpu.enqueue_dma source(%arg11 : memref<40x128xf32, #tpu.memory_space<vmem>>) target(%dma_start3A_290 : memref<40x128xf32, #tpu.memory_space<vmem_shared>>) target_semaphore(%run_scoped3A : memref<!tpu.dma_semaphore, #tpu.memory_space<semaphore_mem>>)
      %dma_wait3A_291 = arith.constant 0 : i32
      %dma_wait3A_292 = tpu.memref_slice %arg12[%add3A_172, %dma_wait3A_291] : memref<10112x128xf32, #tpu.memory_space<vmem_shared>> -> memref<40x128xf32, #tpu.memory_space<vmem_shared>>
      %dma_wait3A_293 = arith.constant 0 : i32
      %dma_wait3A_294 = tpu.memref_slice %arg12[%add3A_172, %dma_wait3A_293] : memref<10112x128xf32, #tpu.memory_space<vmem_shared>> -> memref<40x128xf32, #tpu.memory_space<vmem_shared>>
      tpu.wait_dma2 semaphore(%run_scoped3A : memref<!tpu.dma_semaphore, #tpu.memory_space<semaphore_mem>>) src(%arg11 : memref<40x128xf32, #tpu.memory_space<vmem>>) dst(%dma_wait3A_294 : memref<40x128xf32, #tpu.memory_space<vmem_shared>>)
      tpu.yield
    }) : () -> ()
    %add3A_173 = arith.constant 520 : i32
    %add3A_174 = arith.addi %mul3A_9, %add3A_173 : i32
    "tpu.region"() ({
      %run_scoped3A = tpu.sem_alloc : memref<!tpu.dma_semaphore, #tpu.memory_space<semaphore_mem>>
      %dma_start3A_287 = arith.constant 0 : i32
      %dma_start3A_288 = tpu.memref_slice %arg12[%add3A_174, %dma_start3A_287] : memref<10112x128xf32, #tpu.memory_space<vmem_shared>> -> memref<40x128xf32, #tpu.memory_space<vmem_shared>>
      %dma_start3A_289 = arith.constant 0 : i32
      %dma_start3A_290 = tpu.memref_slice %arg12[%add3A_174, %dma_start3A_289] : memref<10112x128xf32, #tpu.memory_space<vmem_shared>> -> memref<40x128xf32, #tpu.memory_space<vmem_shared>>
      tpu.enqueue_dma source(%arg11 : memref<40x128xf32, #tpu.memory_space<vmem>>) target(%dma_start3A_290 : memref<40x128xf32, #tpu.memory_space<vmem_shared>>) target_semaphore(%run_scoped3A : memref<!tpu.dma_semaphore, #tpu.memory_space<semaphore_mem>>)
      %dma_wait3A_291 = arith.constant 0 : i32
      %dma_wait3A_292 = tpu.memref_slice %arg12[%add3A_174, %dma_wait3A_291] : memref<10112x128xf32, #tpu.memory_space<vmem_shared>> -> memref<40x128xf32, #tpu.memory_space<vmem_shared>>
      %dma_wait3A_293 = arith.constant 0 : i32
      %dma_wait3A_294 = tpu.memref_slice %arg12[%add3A_174, %dma_wait3A_293] : memref<10112x128xf32, #tpu.memory_space<vmem_shared>> -> memref<40x128xf32, #tpu.memory_space<vmem_shared>>
      tpu.wait_dma2 semaphore(%run_scoped3A : memref<!tpu.dma_semaphore, #tpu.memory_space<semaphore_mem>>) src(%arg11 : memref<40x128xf32, #tpu.memory_space<vmem>>) dst(%dma_wait3A_294 : memref<40x128xf32, #tpu.memory_space<vmem_shared>>)
      tpu.yield
    }) : () -> ()
    %add3A_175 = arith.constant 560 : i32
    %add3A_176 = arith.addi %mul3A_9, %add3A_175 : i32
    "tpu.region"() ({
      %run_scoped3A = tpu.sem_alloc : memref<!tpu.dma_semaphore, #tpu.memory_space<semaphore_mem>>
      %dma_start3A_287 = arith.constant 0 : i32
      %dma_start3A_288 = tpu.memref_slice %arg12[%add3A_176, %dma_start3A_287] : memref<10112x128xf32, #tpu.memory_space<vmem_shared>> -> memref<40x128xf32, #tpu.memory_space<vmem_shared>>
      %dma_start3A_289 = arith.constant 0 : i32
      %dma_start3A_290 = tpu.memref_slice %arg12[%add3A_176, %dma_start3A_289] : memref<10112x128xf32, #tpu.memory_space<vmem_shared>> -> memref<40x128xf32, #tpu.memory_space<vmem_shared>>
      tpu.enqueue_dma source(%arg11 : memref<40x128xf32, #tpu.memory_space<vmem>>) target(%dma_start3A_290 : memref<40x128xf32, #tpu.memory_space<vmem_shared>>) target_semaphore(%run_scoped3A : memref<!tpu.dma_semaphore, #tpu.memory_space<semaphore_mem>>)
      %dma_wait3A_291 = arith.constant 0 : i32
      %dma_wait3A_292 = tpu.memref_slice %arg12[%add3A_176, %dma_wait3A_291] : memref<10112x128xf32, #tpu.memory_space<vmem_shared>> -> memref<40x128xf32, #tpu.memory_space<vmem_shared>>
      %dma_wait3A_293 = arith.constant 0 : i32
      %dma_wait3A_294 = tpu.memref_slice %arg12[%add3A_176, %dma_wait3A_293] : memref<10112x128xf32, #tpu.memory_space<vmem_shared>> -> memref<40x128xf32, #tpu.memory_space<vmem_shared>>
      tpu.wait_dma2 semaphore(%run_scoped3A : memref<!tpu.dma_semaphore, #tpu.memory_space<semaphore_mem>>) src(%arg11 : memref<40x128xf32, #tpu.memory_space<vmem>>) dst(%dma_wait3A_294 : memref<40x128xf32, #tpu.memory_space<vmem_shared>>)
      tpu.yield
    }) : () -> ()
    %add3A_177 = arith.constant 600 : i32
    %add3A_178 = arith.addi %mul3A_9, %add3A_177 : i32
    "tpu.region"() ({
      %run_scoped3A = tpu.sem_alloc : memref<!tpu.dma_semaphore, #tpu.memory_space<semaphore_mem>>
      %dma_start3A_287 = arith.constant 0 : i32
      %dma_start3A_288 = arith.constant 0 : i32
      %dma_start3A_289 = tpu.memref_slice %arg11[%dma_start3A_287, %dma_start3A_288] : memref<40x128xf32, #tpu.memory_space<vmem>> -> memref<32x128xf32, #tpu.memory_space<vmem>>
      %dma_start3A_290 = arith.constant 0 : i32
      %dma_start3A_291 = tpu.memref_slice %arg12[%add3A_178, %dma_start3A_290] : memref<10112x128xf32, #tpu.memory_space<vmem_shared>> -> memref<32x128xf32, #tpu.memory_space<vmem_shared>>
      %dma_start3A_292 = arith.constant 0 : i32
      %dma_start3A_293 = tpu.memref_slice %arg12[%add3A_178, %dma_start3A_292] : memref<10112x128xf32, #tpu.memory_space<vmem_shared>> -> memref<32x128xf32, #tpu.memory_space<vmem_shared>>
      %dma_start3A_294 = arith.constant 0 : i32
      %dma_start3A_295 = arith.constant 0 : i32
      %dma_start3A_296 = tpu.memref_slice %arg11[%dma_start3A_294, %dma_start3A_295] : memref<40x128xf32, #tpu.memory_space<vmem>> -> memref<32x128xf32, #tpu.memory_space<vmem>>
      tpu.enqueue_dma source(%dma_start3A_296 : memref<32x128xf32, #tpu.memory_space<vmem>>) target(%dma_start3A_293 : memref<32x128xf32, #tpu.memory_space<vmem_shared>>) target_semaphore(%run_scoped3A : memref<!tpu.dma_semaphore, #tpu.memory_space<semaphore_mem>>)
      %dma_wait3A_297 = arith.constant 0 : i32
      %dma_wait3A_298 = arith.constant 0 : i32
      %dma_wait3A_299 = tpu.memref_slice %arg11[%dma_wait3A_297, %dma_wait3A_298] : memref<40x128xf32, #tpu.memory_space<vmem>> -> memref<32x128xf32, #tpu.memory_space<vmem>>
      %dma_wait3A_300 = arith.constant 0 : i32
      %dma_wait3A_301 = tpu.memref_slice %arg12[%add3A_178, %dma_wait3A_300] : memref<10112x128xf32, #tpu.memory_space<vmem_shared>> -> memref<32x128xf32, #tpu.memory_space<vmem_shared>>
      %dma_wait3A_302 = arith.constant 0 : i32
      %dma_wait3A_303 = tpu.memref_slice %arg12[%add3A_178, %dma_wait3A_302] : memref<10112x128xf32, #tpu.memory_space<vmem_shared>> -> memref<32x128xf32, #tpu.memory_space<vmem_shared>>
      %dma_wait3A_304 = arith.constant 0 : i32
      %dma_wait3A_305 = arith.constant 0 : i32
      %dma_wait3A_306 = tpu.memref_slice %arg11[%dma_wait3A_304, %dma_wait3A_305] : memref<40x128xf32, #tpu.memory_space<vmem>> -> memref<32x128xf32, #tpu.memory_space<vmem>>
      tpu.wait_dma2 semaphore(%run_scoped3A : memref<!tpu.dma_semaphore, #tpu.memory_space<semaphore_mem>>) src(%dma_wait3A_306 : memref<32x128xf32, #tpu.memory_space<vmem>>) dst(%dma_wait3A_303 : memref<32x128xf32, #tpu.memory_space<vmem_shared>>)
      tpu.yield
    }) : () -> ()
    %barrier3A_179 = arith.constant 0 : index
    tpu.barrier barrier_id(%barrier3A_179)
    %mul3A_180 = arith.constant 5120 : i32
    %mul3A_181 = arith.muli %add3A, %mul3A_180 : i32
    %add3A_182 = arith.constant 0 : i32
    %add3A_183 = arith.addi %mul3A_181, %add3A_182 : i32
    %dma_start3A_184 = arith.constant 0 : i32
    %dma_start3A_185 = arith.constant 0 : i32
    %dma_start3A_186 = arith.constant 0 : i32
    %dma_start3A_187 = tpu.memref_slice %arg10[%dma_start3A_184, %dma_start3A_185, %dma_start3A_186] : memref<2x128x128xf32, #tpu.memory_space<vmem>> -> memref<1x128x128xf32, #tpu.memory_space<vmem>>
    %dma_start3A_188 = tpu.memref_squeeze %dma_start3A_187 : memref<1x128x128xf32, #tpu.memory_space<vmem>> -> memref<128x128xf32, #tpu.memory_space<vmem>>
    %dma_start3A_189 = arith.constant 0 : i32
    %dma_start3A_190 = tpu.memref_slice %arg4[%add3A_183, %dma_start3A_189] : memref<163840x128xf32, #tpu.memory_space<hbm>> -> memref<128x128xf32, #tpu.memory_space<hbm>>
    %dma_start3A_191 = arith.constant 0 : i32
    %dma_start3A_192 = arith.constant 0 : i32
    %dma_start3A_193 = tpu.memref_slice %arg10[%dma_start3A_184, %dma_start3A_191, %dma_start3A_192] : memref<2x128x128xf32, #tpu.memory_space<vmem>> -> memref<1x128x128xf32, #tpu.memory_space<vmem>>
    %dma_start3A_194 = tpu.memref_squeeze %dma_start3A_193 : memref<1x128x128xf32, #tpu.memory_space<vmem>> -> memref<128x128xf32, #tpu.memory_space<vmem>>
    %dma_start3A_195 = arith.constant 0 : i32
    %dma_start3A_196 = tpu.memref_slice %arg4[%add3A_183, %dma_start3A_195] : memref<163840x128xf32, #tpu.memory_space<hbm>> -> memref<128x128xf32, #tpu.memory_space<hbm>>
    tpu.enqueue_dma source(%dma_start3A_196 : memref<128x128xf32, #tpu.memory_space<hbm>>) target(%dma_start3A_194 : memref<128x128xf32, #tpu.memory_space<vmem>>) target_semaphore(%arg13 : memref<!tpu.dma_semaphore, #tpu.memory_space<semaphore_mem>>)
    %scan3A_197 = arith.constant 0 : i32
    %scan3A_198 = arith.constant 0 : i32
    %scan3A_199 = arith.constant 20 : i32
    %scan3A_200 = arith.addi %scan3A_198, %scan3A_199 : i32
    %scan3A_201 = arith.constant 1 : i32
    scf.for %scan3A_287 = %scan3A_198 to %scan3A_200 step %scan3A_201  : i32 {
      %mul3A_288 = arith.constant 2 : i32
      %mul3A_289 = arith.muli %mul3A_288, %scan3A_287 : i32
      %mul3A_290 = arith.constant 2 : i32
      %mul3A_291 = arith.muli %mul3A_290, %scan3A_287 : i32
      %add3A_292 = arith.constant 1 : i32
      %add3A_293 = arith.addi %mul3A_291, %add3A_292 : i32
      %dma_wait3A_294 = arith.constant 0 : i32
      %dma_wait3A_295 = arith.constant 0 : i32
      %dma_wait3A_296 = arith.constant 0 : i32
      %dma_wait3A_297 = tpu.memref_slice %arg10[%dma_wait3A_294, %dma_wait3A_295, %dma_wait3A_296] : memref<2x128x128xf32, #tpu.memory_space<vmem>> -> memref<1x128x128xf32, #tpu.memory_space<vmem>>
      %dma_wait3A_298 = tpu.memref_squeeze %dma_wait3A_297 : memref<1x128x128xf32, #tpu.memory_space<vmem>> -> memref<128x128xf32, #tpu.memory_space<vmem>>
      %dma_wait3A_299 = arith.constant 0 : i32
      %dma_wait3A_300 = arith.constant 0 : i32
      %dma_wait3A_301 = tpu.memref_slice %arg4[%dma_wait3A_299, %dma_wait3A_300] : memref<163840x128xf32, #tpu.memory_space<hbm>> -> memref<128x128xf32, #tpu.memory_space<hbm>>
      %dma_wait3A_302 = arith.constant 0 : i32
      %dma_wait3A_303 = arith.constant 0 : i32
      %dma_wait3A_304 = tpu.memref_slice %arg10[%dma_wait3A_294, %dma_wait3A_302, %dma_wait3A_303] : memref<2x128x128xf32, #tpu.memory_space<vmem>> -> memref<1x128x128xf32, #tpu.memory_space<vmem>>
      %dma_wait3A_305 = tpu.memref_squeeze %dma_wait3A_304 : memref<1x128x128xf32, #tpu.memory_space<vmem>> -> memref<128x128xf32, #tpu.memory_space<vmem>>
      %dma_wait3A_306 = arith.constant 0 : i32
      %dma_wait3A_307 = arith.constant 0 : i32
      %dma_wait3A_308 = tpu.memref_slice %arg4[%dma_wait3A_306, %dma_wait3A_307] : memref<163840x128xf32, #tpu.memory_space<hbm>> -> memref<128x128xf32, #tpu.memory_space<hbm>>
      tpu.wait_dma2 semaphore(%arg13 : memref<!tpu.dma_semaphore, #tpu.memory_space<semaphore_mem>>) src(%dma_wait3A_308 : memref<128x128xf32, #tpu.memory_space<hbm>>) dst(%dma_wait3A_305 : memref<128x128xf32, #tpu.memory_space<vmem>>)
      %gt3A = arith.constant 0 : i32
      %gt3A_309 = arith.cmpi sgt, %scan3A_287, %gt3A : i32
      %convert_element_type3A = arith.extui %gt3A_309 : i1 to i32
      %cond3A = arith.constant 0 : i32
      %cond3A_310 = arith.cmpi ne, %convert_element_type3A, %cond3A : i32
      scf.if %cond3A_310 {
        %dma_wait3A_382 = arith.constant 1 : i32
        %dma_wait3A_383 = arith.constant 0 : i32
        %dma_wait3A_384 = arith.constant 0 : i32
        %dma_wait3A_385 = arith.constant 0 : i32
        %dma_wait3A_386 = tpu.memref_slice %arg10[%dma_wait3A_382, %dma_wait3A_384, %dma_wait3A_385] : memref<2x128x128xf32, #tpu.memory_space<vmem>> -> memref<1x128x128xf32, #tpu.memory_space<vmem>>
        %dma_wait3A_387 = tpu.memref_squeeze %dma_wait3A_386 : memref<1x128x128xf32, #tpu.memory_space<vmem>> -> memref<128x128xf32, #tpu.memory_space<vmem>>
        %dma_wait3A_388 = arith.constant 0 : i32
        %dma_wait3A_389 = tpu.memref_slice %arg9[%dma_wait3A_383, %dma_wait3A_388] : memref<40x128xi32, #tpu.memory_space<vmem>> -> memref<1x128xi32, #tpu.memory_space<vmem>>
        %dma_wait3A_390 = tpu.memref_squeeze %dma_wait3A_389 : memref<1x128xi32, #tpu.memory_space<vmem>> -> memref<128xi32, #tpu.memory_space<vmem>>
        %dma_wait3A_391 = arith.constant 0 : i32
        %dma_wait3A_392 = arith.constant 0 : i32
        %dma_wait3A_393 = tpu.memref_slice %arg12[%dma_wait3A_391, %dma_wait3A_392] : memref<10112x128xf32, #tpu.memory_space<vmem_shared>> -> memref<10112x128xf32, #tpu.memory_space<vmem_shared>>
        tpu.wait_indirect_dma semaphore(%arg16 : memref<!tpu.dma_semaphore, #tpu.memory_space<semaphore_mem>>) src(%dma_wait3A_387 : memref<128x128xf32, #tpu.memory_space<vmem>>) dst(%dma_wait3A_393 : memref<10112x128xf32, #tpu.memory_space<vmem_shared>>)
      } else {
      }
      %mul3A_311 = arith.constant 5120 : i32
      %mul3A_312 = arith.muli %add3A, %mul3A_311 : i32
      %mul3A_313 = arith.constant 128 : i32
      %mul3A_314 = arith.muli %add3A_293, %mul3A_313 : i32
      %add3A_315 = arith.addi %mul3A_312, %mul3A_314 : i32
      %dma_start3A_316 = arith.constant 1 : i32
      %dma_start3A_317 = arith.constant 0 : i32
      %dma_start3A_318 = arith.constant 0 : i32
      %dma_start3A_319 = tpu.memref_slice %arg10[%dma_start3A_316, %dma_start3A_317, %dma_start3A_318] : memref<2x128x128xf32, #tpu.memory_space<vmem>> -> memref<1x128x128xf32, #tpu.memory_space<vmem>>
      %dma_start3A_320 = tpu.memref_squeeze %dma_start3A_319 : memref<1x128x128xf32, #tpu.memory_space<vmem>> -> memref<128x128xf32, #tpu.memory_space<vmem>>
      %dma_start3A_321 = arith.constant 0 : i32
      %dma_start3A_322 = tpu.memref_slice %arg4[%add3A_315, %dma_start3A_321] : memref<163840x128xf32, #tpu.memory_space<hbm>> -> memref<128x128xf32, #tpu.memory_space<hbm>>
      %dma_start3A_323 = arith.constant 0 : i32
      %dma_start3A_324 = arith.constant 0 : i32
      %dma_start3A_325 = tpu.memref_slice %arg10[%dma_start3A_316, %dma_start3A_323, %dma_start3A_324] : memref<2x128x128xf32, #tpu.memory_space<vmem>> -> memref<1x128x128xf32, #tpu.memory_space<vmem>>
      %dma_start3A_326 = tpu.memref_squeeze %dma_start3A_325 : memref<1x128x128xf32, #tpu.memory_space<vmem>> -> memref<128x128xf32, #tpu.memory_space<vmem>>
      %dma_start3A_327 = arith.constant 0 : i32
      %dma_start3A_328 = tpu.memref_slice %arg4[%add3A_315, %dma_start3A_327] : memref<163840x128xf32, #tpu.memory_space<hbm>> -> memref<128x128xf32, #tpu.memory_space<hbm>>
      tpu.enqueue_dma source(%dma_start3A_328 : memref<128x128xf32, #tpu.memory_space<hbm>>) target(%dma_start3A_326 : memref<128x128xf32, #tpu.memory_space<vmem>>) target_semaphore(%arg14 : memref<!tpu.dma_semaphore, #tpu.memory_space<semaphore_mem>>)
      %dma_start3A_329 = arith.constant 0 : i32
      %dma_start3A_330 = arith.constant 0 : i32
      %dma_start3A_331 = arith.constant 0 : i32
      %dma_start3A_332 = tpu.memref_slice %arg10[%dma_start3A_329, %dma_start3A_330, %dma_start3A_331] : memref<2x128x128xf32, #tpu.memory_space<vmem>> -> memref<1x128x128xf32, #tpu.memory_space<vmem>>
      %dma_start3A_333 = tpu.memref_squeeze %dma_start3A_332 : memref<1x128x128xf32, #tpu.memory_space<vmem>> -> memref<128x128xf32, #tpu.memory_space<vmem>>
      %dma_start3A_334 = arith.constant 0 : i32
      %dma_start3A_335 = tpu.memref_slice %arg9[%mul3A_289, %dma_start3A_334] : memref<40x128xi32, #tpu.memory_space<vmem>> -> memref<1x128xi32, #tpu.memory_space<vmem>>
      %dma_start3A_336 = tpu.memref_squeeze %dma_start3A_335 : memref<1x128xi32, #tpu.memory_space<vmem>> -> memref<128xi32, #tpu.memory_space<vmem>>
      %dma_start3A_337 = arith.constant 0 : i32
      %dma_start3A_338 = arith.constant 0 : i32
      %dma_start3A_339 = tpu.memref_slice %arg12[%dma_start3A_337, %dma_start3A_338] : memref<10112x128xf32, #tpu.memory_space<vmem_shared>> -> memref<10112x128xf32, #tpu.memory_space<vmem_shared>>
      tpu.enqueue_indirect_dma source(%dma_start3A_333 : memref<128x128xf32, #tpu.memory_space<vmem>>) target(%dma_start3A_339 : memref<10112x128xf32, #tpu.memory_space<vmem_shared>>) offsets(%dma_start3A_336 : memref<128xi32, #tpu.memory_space<vmem>>) semaphore(%arg15 : memref<!tpu.dma_semaphore, #tpu.memory_space<semaphore_mem>>) {add = true}
      %dma_wait3A_340 = arith.constant 1 : i32
      %dma_wait3A_341 = arith.constant 0 : i32
      %dma_wait3A_342 = arith.constant 0 : i32
      %dma_wait3A_343 = tpu.memref_slice %arg10[%dma_wait3A_340, %dma_wait3A_341, %dma_wait3A_342] : memref<2x128x128xf32, #tpu.memory_space<vmem>> -> memref<1x128x128xf32, #tpu.memory_space<vmem>>
      %dma_wait3A_344 = tpu.memref_squeeze %dma_wait3A_343 : memref<1x128x128xf32, #tpu.memory_space<vmem>> -> memref<128x128xf32, #tpu.memory_space<vmem>>
      %dma_wait3A_345 = arith.constant 0 : i32
      %dma_wait3A_346 = arith.constant 0 : i32
      %dma_wait3A_347 = tpu.memref_slice %arg4[%dma_wait3A_345, %dma_wait3A_346] : memref<163840x128xf32, #tpu.memory_space<hbm>> -> memref<128x128xf32, #tpu.memory_space<hbm>>
      %dma_wait3A_348 = arith.constant 0 : i32
      %dma_wait3A_349 = arith.constant 0 : i32
      %dma_wait3A_350 = tpu.memref_slice %arg10[%dma_wait3A_340, %dma_wait3A_348, %dma_wait3A_349] : memref<2x128x128xf32, #tpu.memory_space<vmem>> -> memref<1x128x128xf32, #tpu.memory_space<vmem>>
      %dma_wait3A_351 = tpu.memref_squeeze %dma_wait3A_350 : memref<1x128x128xf32, #tpu.memory_space<vmem>> -> memref<128x128xf32, #tpu.memory_space<vmem>>
      %dma_wait3A_352 = arith.constant 0 : i32
      %dma_wait3A_353 = arith.constant 0 : i32
      %dma_wait3A_354 = tpu.memref_slice %arg4[%dma_wait3A_352, %dma_wait3A_353] : memref<163840x128xf32, #tpu.memory_space<hbm>> -> memref<128x128xf32, #tpu.memory_space<hbm>>
      tpu.wait_dma2 semaphore(%arg14 : memref<!tpu.dma_semaphore, #tpu.memory_space<semaphore_mem>>) src(%dma_wait3A_354 : memref<128x128xf32, #tpu.memory_space<hbm>>) dst(%dma_wait3A_351 : memref<128x128xf32, #tpu.memory_space<vmem>>)
      %dma_wait3A_355 = arith.constant 0 : i32
      %dma_wait3A_356 = arith.constant 0 : i32
      %dma_wait3A_357 = arith.constant 0 : i32
      %dma_wait3A_358 = arith.constant 0 : i32
      %dma_wait3A_359 = tpu.memref_slice %arg10[%dma_wait3A_355, %dma_wait3A_357, %dma_wait3A_358] : memref<2x128x128xf32, #tpu.memory_space<vmem>> -> memref<1x128x128xf32, #tpu.memory_space<vmem>>
      %dma_wait3A_360 = tpu.memref_squeeze %dma_wait3A_359 : memref<1x128x128xf32, #tpu.memory_space<vmem>> -> memref<128x128xf32, #tpu.memory_space<vmem>>
      %dma_wait3A_361 = arith.constant 0 : i32
      %dma_wait3A_362 = tpu.memref_slice %arg9[%dma_wait3A_356, %dma_wait3A_361] : memref<40x128xi32, #tpu.memory_space<vmem>> -> memref<1x128xi32, #tpu.memory_space<vmem>>
      %dma_wait3A_363 = tpu.memref_squeeze %dma_wait3A_362 : memref<1x128xi32, #tpu.memory_space<vmem>> -> memref<128xi32, #tpu.memory_space<vmem>>
      %dma_wait3A_364 = arith.constant 0 : i32
      %dma_wait3A_365 = arith.constant 0 : i32
      %dma_wait3A_366 = tpu.memref_slice %arg12[%dma_wait3A_364, %dma_wait3A_365] : memref<10112x128xf32, #tpu.memory_space<vmem_shared>> -> memref<10112x128xf32, #tpu.memory_space<vmem_shared>>
      tpu.wait_indirect_dma semaphore(%arg15 : memref<!tpu.dma_semaphore, #tpu.memory_space<semaphore_mem>>) src(%dma_wait3A_360 : memref<128x128xf32, #tpu.memory_space<vmem>>) dst(%dma_wait3A_366 : memref<10112x128xf32, #tpu.memory_space<vmem_shared>>)
      %lt3A = arith.constant 19 : i32
      %lt3A_367 = arith.cmpi slt, %scan3A_287, %lt3A : i32
      %convert_element_type3A_368 = arith.extui %lt3A_367 : i1 to i32
      %cond3A_369 = arith.constant 0 : i32
      %cond3A_370 = arith.cmpi ne, %convert_element_type3A_368, %cond3A_369 : i32
      scf.if %cond3A_370 {
        %add3A_382 = arith.constant 2 : i32
        %add3A_383 = arith.addi %mul3A_289, %add3A_382 : i32
        %mul3A_384 = arith.constant 5120 : i32
        %mul3A_385 = arith.muli %add3A, %mul3A_384 : i32
        %mul3A_386 = arith.constant 128 : i32
        %mul3A_387 = arith.muli %add3A_383, %mul3A_386 : i32
        %add3A_388 = arith.addi %mul3A_385, %mul3A_387 : i32
        %dma_start3A_389 = arith.constant 0 : i32
        %dma_start3A_390 = arith.constant 0 : i32
        %dma_start3A_391 = arith.constant 0 : i32
        %dma_start3A_392 = tpu.memref_slice %arg10[%dma_start3A_389, %dma_start3A_390, %dma_start3A_391] : memref<2x128x128xf32, #tpu.memory_space<vmem>> -> memref<1x128x128xf32, #tpu.memory_space<vmem>>
        %dma_start3A_393 = tpu.memref_squeeze %dma_start3A_392 : memref<1x128x128xf32, #tpu.memory_space<vmem>> -> memref<128x128xf32, #tpu.memory_space<vmem>>
        %dma_start3A_394 = arith.constant 0 : i32
        %dma_start3A_395 = tpu.memref_slice %arg4[%add3A_388, %dma_start3A_394] : memref<163840x128xf32, #tpu.memory_space<hbm>> -> memref<128x128xf32, #tpu.memory_space<hbm>>
        %dma_start3A_396 = arith.constant 0 : i32
        %dma_start3A_397 = arith.constant 0 : i32
        %dma_start3A_398 = tpu.memref_slice %arg10[%dma_start3A_389, %dma_start3A_396, %dma_start3A_397] : memref<2x128x128xf32, #tpu.memory_space<vmem>> -> memref<1x128x128xf32, #tpu.memory_space<vmem>>
        %dma_start3A_399 = tpu.memref_squeeze %dma_start3A_398 : memref<1x128x128xf32, #tpu.memory_space<vmem>> -> memref<128x128xf32, #tpu.memory_space<vmem>>
        %dma_start3A_400 = arith.constant 0 : i32
        %dma_start3A_401 = tpu.memref_slice %arg4[%add3A_388, %dma_start3A_400] : memref<163840x128xf32, #tpu.memory_space<hbm>> -> memref<128x128xf32, #tpu.memory_space<hbm>>
        tpu.enqueue_dma source(%dma_start3A_401 : memref<128x128xf32, #tpu.memory_space<hbm>>) target(%dma_start3A_399 : memref<128x128xf32, #tpu.memory_space<vmem>>) target_semaphore(%arg13 : memref<!tpu.dma_semaphore, #tpu.memory_space<semaphore_mem>>)
      } else {
      }
      %dma_start3A_371 = arith.constant 1 : i32
      %dma_start3A_372 = arith.constant 0 : i32
      %dma_start3A_373 = arith.constant 0 : i32
      %dma_start3A_374 = tpu.memref_slice %arg10[%dma_start3A_371, %dma_start3A_372, %dma_start3A_373] : memref<2x128x128xf32, #tpu.memory_space<vmem>> -> memref<1x128x128xf32, #tpu.memory_space<vmem>>
      %dma_start3A_375 = tpu.memref_squeeze %dma_start3A_374 : memref<1x128x128xf32, #tpu.memory_space<vmem>> -> memref<128x128xf32, #tpu.memory_space<vmem>>
      %dma_start3A_376 = arith.constant 0 : i32
      %dma_start3A_377 = tpu.memref_slice %arg9[%add3A_293, %dma_start3A_376] : memref<40x128xi32, #tpu.memory_space<vmem>> -> memref<1x128xi32, #tpu.memory_space<vmem>>
      %dma_start3A_378 = tpu.memref_squeeze %dma_start3A_377 : memref<1x128xi32, #tpu.memory_space<vmem>> -> memref<128xi32, #tpu.memory_space<vmem>>
      %dma_start3A_379 = arith.constant 0 : i32
      %dma_start3A_380 = arith.constant 0 : i32
      %dma_start3A_381 = tpu.memref_slice %arg12[%dma_start3A_379, %dma_start3A_380] : memref<10112x128xf32, #tpu.memory_space<vmem_shared>> -> memref<10112x128xf32, #tpu.memory_space<vmem_shared>>
      tpu.enqueue_indirect_dma source(%dma_start3A_375 : memref<128x128xf32, #tpu.memory_space<vmem>>) target(%dma_start3A_381 : memref<10112x128xf32, #tpu.memory_space<vmem_shared>>) offsets(%dma_start3A_378 : memref<128xi32, #tpu.memory_space<vmem>>) semaphore(%arg16 : memref<!tpu.dma_semaphore, #tpu.memory_space<semaphore_mem>>) {add = true}
    }
    %scan3A_202 = arith.constant 20 : i32
    %dma_wait3A_203 = arith.constant 1 : i32
    %dma_wait3A_204 = arith.constant 0 : i32
    %dma_wait3A_205 = arith.constant 0 : i32
    %dma_wait3A_206 = arith.constant 0 : i32
    %dma_wait3A_207 = tpu.memref_slice %arg10[%dma_wait3A_203, %dma_wait3A_205, %dma_wait3A_206] : memref<2x128x128xf32, #tpu.memory_space<vmem>> -> memref<1x128x128xf32, #tpu.memory_space<vmem>>
    %dma_wait3A_208 = tpu.memref_squeeze %dma_wait3A_207 : memref<1x128x128xf32, #tpu.memory_space<vmem>> -> memref<128x128xf32, #tpu.memory_space<vmem>>
    %dma_wait3A_209 = arith.constant 0 : i32
    %dma_wait3A_210 = tpu.memref_slice %arg9[%dma_wait3A_204, %dma_wait3A_209] : memref<40x128xi32, #tpu.memory_space<vmem>> -> memref<1x128xi32, #tpu.memory_space<vmem>>
    %dma_wait3A_211 = tpu.memref_squeeze %dma_wait3A_210 : memref<1x128xi32, #tpu.memory_space<vmem>> -> memref<128xi32, #tpu.memory_space<vmem>>
    %dma_wait3A_212 = arith.constant 0 : i32
    %dma_wait3A_213 = arith.constant 0 : i32
    %dma_wait3A_214 = tpu.memref_slice %arg12[%dma_wait3A_212, %dma_wait3A_213] : memref<10112x128xf32, #tpu.memory_space<vmem_shared>> -> memref<10112x128xf32, #tpu.memory_space<vmem_shared>>
    tpu.wait_indirect_dma semaphore(%arg16 : memref<!tpu.dma_semaphore, #tpu.memory_space<semaphore_mem>>) src(%dma_wait3A_208 : memref<128x128xf32, #tpu.memory_space<vmem>>) dst(%dma_wait3A_214 : memref<10112x128xf32, #tpu.memory_space<vmem_shared>>)
    %barrier3A_215 = arith.constant 0 : index
    tpu.barrier barrier_id(%barrier3A_215)
    "tpu.region"() ({
      %run_scoped3A = tpu.sem_alloc : memref<!tpu.dma_semaphore, #tpu.memory_space<semaphore_mem>>
      %dma_start3A_287 = arith.constant 0 : i32
      %dma_start3A_288 = tpu.memref_slice %arg8[%arg0, %mul3A_9, %dma_start3A_287] : memref<2x10112x256xf32, #tpu.memory_space<hbm>> -> memref<1x632x128xf32, #tpu.memory_space<hbm>>
      %dma_start3A_289 = tpu.memref_squeeze %dma_start3A_288 : memref<1x632x128xf32, #tpu.memory_space<hbm>> -> memref<632x128xf32, #tpu.memory_space<hbm>>
      %dma_start3A_290 = arith.constant 0 : i32
      %dma_start3A_291 = tpu.memref_slice %arg12[%mul3A_9, %dma_start3A_290] : memref<10112x128xf32, #tpu.memory_space<vmem_shared>> -> memref<632x128xf32, #tpu.memory_space<vmem_shared>>
      tpu.enqueue_dma source(%dma_start3A_291 : memref<632x128xf32, #tpu.memory_space<vmem_shared>>) target(%dma_start3A_289 : memref<632x128xf32, #tpu.memory_space<hbm>>) target_semaphore(%run_scoped3A : memref<!tpu.dma_semaphore, #tpu.memory_space<semaphore_mem>>)
      %dma_wait3A_292 = arith.constant 0 : i32
      %dma_wait3A_293 = tpu.memref_slice %arg8[%arg0, %mul3A_9, %dma_wait3A_292] : memref<2x10112x256xf32, #tpu.memory_space<hbm>> -> memref<1x632x128xf32, #tpu.memory_space<hbm>>
      %dma_wait3A_294 = tpu.memref_squeeze %dma_wait3A_293 : memref<1x632x128xf32, #tpu.memory_space<hbm>> -> memref<632x128xf32, #tpu.memory_space<hbm>>
      %dma_wait3A_295 = arith.constant 0 : i32
      %dma_wait3A_296 = tpu.memref_slice %arg12[%mul3A_9, %dma_wait3A_295] : memref<10112x128xf32, #tpu.memory_space<vmem_shared>> -> memref<632x128xf32, #tpu.memory_space<vmem_shared>>
      tpu.wait_dma2 semaphore(%run_scoped3A : memref<!tpu.dma_semaphore, #tpu.memory_space<semaphore_mem>>) src(%dma_wait3A_296 : memref<632x128xf32, #tpu.memory_space<vmem_shared>>) dst(%dma_wait3A_294 : memref<632x128xf32, #tpu.memory_space<hbm>>)
      tpu.yield
    }) : () -> ()
    %barrier3A_216 = arith.constant 0 : index
    tpu.barrier barrier_id(%barrier3A_216)
    %add3A_217 = arith.constant 0 : i32
    %add3A_218 = arith.addi %mul3A_9, %add3A_217 : i32
    "tpu.region"() ({
      %run_scoped3A = tpu.sem_alloc : memref<!tpu.dma_semaphore, #tpu.memory_space<semaphore_mem>>
      %dma_start3A_287 = arith.constant 0 : i32
      %dma_start3A_288 = tpu.memref_slice %arg12[%add3A_218, %dma_start3A_287] : memref<10112x128xf32, #tpu.memory_space<vmem_shared>> -> memref<40x128xf32, #tpu.memory_space<vmem_shared>>
      %dma_start3A_289 = arith.constant 0 : i32
      %dma_start3A_290 = tpu.memref_slice %arg12[%add3A_218, %dma_start3A_289] : memref<10112x128xf32, #tpu.memory_space<vmem_shared>> -> memref<40x128xf32, #tpu.memory_space<vmem_shared>>
      tpu.enqueue_dma source(%arg11 : memref<40x128xf32, #tpu.memory_space<vmem>>) target(%dma_start3A_290 : memref<40x128xf32, #tpu.memory_space<vmem_shared>>) target_semaphore(%run_scoped3A : memref<!tpu.dma_semaphore, #tpu.memory_space<semaphore_mem>>)
      %dma_wait3A_291 = arith.constant 0 : i32
      %dma_wait3A_292 = tpu.memref_slice %arg12[%add3A_218, %dma_wait3A_291] : memref<10112x128xf32, #tpu.memory_space<vmem_shared>> -> memref<40x128xf32, #tpu.memory_space<vmem_shared>>
      %dma_wait3A_293 = arith.constant 0 : i32
      %dma_wait3A_294 = tpu.memref_slice %arg12[%add3A_218, %dma_wait3A_293] : memref<10112x128xf32, #tpu.memory_space<vmem_shared>> -> memref<40x128xf32, #tpu.memory_space<vmem_shared>>
      tpu.wait_dma2 semaphore(%run_scoped3A : memref<!tpu.dma_semaphore, #tpu.memory_space<semaphore_mem>>) src(%arg11 : memref<40x128xf32, #tpu.memory_space<vmem>>) dst(%dma_wait3A_294 : memref<40x128xf32, #tpu.memory_space<vmem_shared>>)
      tpu.yield
    }) : () -> ()
    %add3A_219 = arith.constant 40 : i32
    %add3A_220 = arith.addi %mul3A_9, %add3A_219 : i32
    "tpu.region"() ({
      %run_scoped3A = tpu.sem_alloc : memref<!tpu.dma_semaphore, #tpu.memory_space<semaphore_mem>>
      %dma_start3A_287 = arith.constant 0 : i32
      %dma_start3A_288 = tpu.memref_slice %arg12[%add3A_220, %dma_start3A_287] : memref<10112x128xf32, #tpu.memory_space<vmem_shared>> -> memref<40x128xf32, #tpu.memory_space<vmem_shared>>
      %dma_start3A_289 = arith.constant 0 : i32
      %dma_start3A_290 = tpu.memref_slice %arg12[%add3A_220, %dma_start3A_289] : memref<10112x128xf32, #tpu.memory_space<vmem_shared>> -> memref<40x128xf32, #tpu.memory_space<vmem_shared>>
      tpu.enqueue_dma source(%arg11 : memref<40x128xf32, #tpu.memory_space<vmem>>) target(%dma_start3A_290 : memref<40x128xf32, #tpu.memory_space<vmem_shared>>) target_semaphore(%run_scoped3A : memref<!tpu.dma_semaphore, #tpu.memory_space<semaphore_mem>>)
      %dma_wait3A_291 = arith.constant 0 : i32
      %dma_wait3A_292 = tpu.memref_slice %arg12[%add3A_220, %dma_wait3A_291] : memref<10112x128xf32, #tpu.memory_space<vmem_shared>> -> memref<40x128xf32, #tpu.memory_space<vmem_shared>>
      %dma_wait3A_293 = arith.constant 0 : i32
      %dma_wait3A_294 = tpu.memref_slice %arg12[%add3A_220, %dma_wait3A_293] : memref<10112x128xf32, #tpu.memory_space<vmem_shared>> -> memref<40x128xf32, #tpu.memory_space<vmem_shared>>
      tpu.wait_dma2 semaphore(%run_scoped3A : memref<!tpu.dma_semaphore, #tpu.memory_space<semaphore_mem>>) src(%arg11 : memref<40x128xf32, #tpu.memory_space<vmem>>) dst(%dma_wait3A_294 : memref<40x128xf32, #tpu.memory_space<vmem_shared>>)
      tpu.yield
    }) : () -> ()
    %add3A_221 = arith.constant 80 : i32
    %add3A_222 = arith.addi %mul3A_9, %add3A_221 : i32
    "tpu.region"() ({
      %run_scoped3A = tpu.sem_alloc : memref<!tpu.dma_semaphore, #tpu.memory_space<semaphore_mem>>
      %dma_start3A_287 = arith.constant 0 : i32
      %dma_start3A_288 = tpu.memref_slice %arg12[%add3A_222, %dma_start3A_287] : memref<10112x128xf32, #tpu.memory_space<vmem_shared>> -> memref<40x128xf32, #tpu.memory_space<vmem_shared>>
      %dma_start3A_289 = arith.constant 0 : i32
      %dma_start3A_290 = tpu.memref_slice %arg12[%add3A_222, %dma_start3A_289] : memref<10112x128xf32, #tpu.memory_space<vmem_shared>> -> memref<40x128xf32, #tpu.memory_space<vmem_shared>>
      tpu.enqueue_dma source(%arg11 : memref<40x128xf32, #tpu.memory_space<vmem>>) target(%dma_start3A_290 : memref<40x128xf32, #tpu.memory_space<vmem_shared>>) target_semaphore(%run_scoped3A : memref<!tpu.dma_semaphore, #tpu.memory_space<semaphore_mem>>)
      %dma_wait3A_291 = arith.constant 0 : i32
      %dma_wait3A_292 = tpu.memref_slice %arg12[%add3A_222, %dma_wait3A_291] : memref<10112x128xf32, #tpu.memory_space<vmem_shared>> -> memref<40x128xf32, #tpu.memory_space<vmem_shared>>
      %dma_wait3A_293 = arith.constant 0 : i32
      %dma_wait3A_294 = tpu.memref_slice %arg12[%add3A_222, %dma_wait3A_293] : memref<10112x128xf32, #tpu.memory_space<vmem_shared>> -> memref<40x128xf32, #tpu.memory_space<vmem_shared>>
      tpu.wait_dma2 semaphore(%run_scoped3A : memref<!tpu.dma_semaphore, #tpu.memory_space<semaphore_mem>>) src(%arg11 : memref<40x128xf32, #tpu.memory_space<vmem>>) dst(%dma_wait3A_294 : memref<40x128xf32, #tpu.memory_space<vmem_shared>>)
      tpu.yield
    }) : () -> ()
    %add3A_223 = arith.constant 120 : i32
    %add3A_224 = arith.addi %mul3A_9, %add3A_223 : i32
    "tpu.region"() ({
      %run_scoped3A = tpu.sem_alloc : memref<!tpu.dma_semaphore, #tpu.memory_space<semaphore_mem>>
      %dma_start3A_287 = arith.constant 0 : i32
      %dma_start3A_288 = tpu.memref_slice %arg12[%add3A_224, %dma_start3A_287] : memref<10112x128xf32, #tpu.memory_space<vmem_shared>> -> memref<40x128xf32, #tpu.memory_space<vmem_shared>>
      %dma_start3A_289 = arith.constant 0 : i32
      %dma_start3A_290 = tpu.memref_slice %arg12[%add3A_224, %dma_start3A_289] : memref<10112x128xf32, #tpu.memory_space<vmem_shared>> -> memref<40x128xf32, #tpu.memory_space<vmem_shared>>
      tpu.enqueue_dma source(%arg11 : memref<40x128xf32, #tpu.memory_space<vmem>>) target(%dma_start3A_290 : memref<40x128xf32, #tpu.memory_space<vmem_shared>>) target_semaphore(%run_scoped3A : memref<!tpu.dma_semaphore, #tpu.memory_space<semaphore_mem>>)
      %dma_wait3A_291 = arith.constant 0 : i32
      %dma_wait3A_292 = tpu.memref_slice %arg12[%add3A_224, %dma_wait3A_291] : memref<10112x128xf32, #tpu.memory_space<vmem_shared>> -> memref<40x128xf32, #tpu.memory_space<vmem_shared>>
      %dma_wait3A_293 = arith.constant 0 : i32
      %dma_wait3A_294 = tpu.memref_slice %arg12[%add3A_224, %dma_wait3A_293] : memref<10112x128xf32, #tpu.memory_space<vmem_shared>> -> memref<40x128xf32, #tpu.memory_space<vmem_shared>>
      tpu.wait_dma2 semaphore(%run_scoped3A : memref<!tpu.dma_semaphore, #tpu.memory_space<semaphore_mem>>) src(%arg11 : memref<40x128xf32, #tpu.memory_space<vmem>>) dst(%dma_wait3A_294 : memref<40x128xf32, #tpu.memory_space<vmem_shared>>)
      tpu.yield
    }) : () -> ()
    %add3A_225 = arith.constant 160 : i32
    %add3A_226 = arith.addi %mul3A_9, %add3A_225 : i32
    "tpu.region"() ({
      %run_scoped3A = tpu.sem_alloc : memref<!tpu.dma_semaphore, #tpu.memory_space<semaphore_mem>>
      %dma_start3A_287 = arith.constant 0 : i32
      %dma_start3A_288 = tpu.memref_slice %arg12[%add3A_226, %dma_start3A_287] : memref<10112x128xf32, #tpu.memory_space<vmem_shared>> -> memref<40x128xf32, #tpu.memory_space<vmem_shared>>
      %dma_start3A_289 = arith.constant 0 : i32
      %dma_start3A_290 = tpu.memref_slice %arg12[%add3A_226, %dma_start3A_289] : memref<10112x128xf32, #tpu.memory_space<vmem_shared>> -> memref<40x128xf32, #tpu.memory_space<vmem_shared>>
      tpu.enqueue_dma source(%arg11 : memref<40x128xf32, #tpu.memory_space<vmem>>) target(%dma_start3A_290 : memref<40x128xf32, #tpu.memory_space<vmem_shared>>) target_semaphore(%run_scoped3A : memref<!tpu.dma_semaphore, #tpu.memory_space<semaphore_mem>>)
      %dma_wait3A_291 = arith.constant 0 : i32
      %dma_wait3A_292 = tpu.memref_slice %arg12[%add3A_226, %dma_wait3A_291] : memref<10112x128xf32, #tpu.memory_space<vmem_shared>> -> memref<40x128xf32, #tpu.memory_space<vmem_shared>>
      %dma_wait3A_293 = arith.constant 0 : i32
      %dma_wait3A_294 = tpu.memref_slice %arg12[%add3A_226, %dma_wait3A_293] : memref<10112x128xf32, #tpu.memory_space<vmem_shared>> -> memref<40x128xf32, #tpu.memory_space<vmem_shared>>
      tpu.wait_dma2 semaphore(%run_scoped3A : memref<!tpu.dma_semaphore, #tpu.memory_space<semaphore_mem>>) src(%arg11 : memref<40x128xf32, #tpu.memory_space<vmem>>) dst(%dma_wait3A_294 : memref<40x128xf32, #tpu.memory_space<vmem_shared>>)
      tpu.yield
    }) : () -> ()
    %add3A_227 = arith.constant 200 : i32
    %add3A_228 = arith.addi %mul3A_9, %add3A_227 : i32
    "tpu.region"() ({
      %run_scoped3A = tpu.sem_alloc : memref<!tpu.dma_semaphore, #tpu.memory_space<semaphore_mem>>
      %dma_start3A_287 = arith.constant 0 : i32
      %dma_start3A_288 = tpu.memref_slice %arg12[%add3A_228, %dma_start3A_287] : memref<10112x128xf32, #tpu.memory_space<vmem_shared>> -> memref<40x128xf32, #tpu.memory_space<vmem_shared>>
      %dma_start3A_289 = arith.constant 0 : i32
      %dma_start3A_290 = tpu.memref_slice %arg12[%add3A_228, %dma_start3A_289] : memref<10112x128xf32, #tpu.memory_space<vmem_shared>> -> memref<40x128xf32, #tpu.memory_space<vmem_shared>>
      tpu.enqueue_dma source(%arg11 : memref<40x128xf32, #tpu.memory_space<vmem>>) target(%dma_start3A_290 : memref<40x128xf32, #tpu.memory_space<vmem_shared>>) target_semaphore(%run_scoped3A : memref<!tpu.dma_semaphore, #tpu.memory_space<semaphore_mem>>)
      %dma_wait3A_291 = arith.constant 0 : i32
      %dma_wait3A_292 = tpu.memref_slice %arg12[%add3A_228, %dma_wait3A_291] : memref<10112x128xf32, #tpu.memory_space<vmem_shared>> -> memref<40x128xf32, #tpu.memory_space<vmem_shared>>
      %dma_wait3A_293 = arith.constant 0 : i32
      %dma_wait3A_294 = tpu.memref_slice %arg12[%add3A_228, %dma_wait3A_293] : memref<10112x128xf32, #tpu.memory_space<vmem_shared>> -> memref<40x128xf32, #tpu.memory_space<vmem_shared>>
      tpu.wait_dma2 semaphore(%run_scoped3A : memref<!tpu.dma_semaphore, #tpu.memory_space<semaphore_mem>>) src(%arg11 : memref<40x128xf32, #tpu.memory_space<vmem>>) dst(%dma_wait3A_294 : memref<40x128xf32, #tpu.memory_space<vmem_shared>>)
      tpu.yield
    }) : () -> ()
    %add3A_229 = arith.constant 240 : i32
    %add3A_230 = arith.addi %mul3A_9, %add3A_229 : i32
    "tpu.region"() ({
      %run_scoped3A = tpu.sem_alloc : memref<!tpu.dma_semaphore, #tpu.memory_space<semaphore_mem>>
      %dma_start3A_287 = arith.constant 0 : i32
      %dma_start3A_288 = tpu.memref_slice %arg12[%add3A_230, %dma_start3A_287] : memref<10112x128xf32, #tpu.memory_space<vmem_shared>> -> memref<40x128xf32, #tpu.memory_space<vmem_shared>>
      %dma_start3A_289 = arith.constant 0 : i32
      %dma_start3A_290 = tpu.memref_slice %arg12[%add3A_230, %dma_start3A_289] : memref<10112x128xf32, #tpu.memory_space<vmem_shared>> -> memref<40x128xf32, #tpu.memory_space<vmem_shared>>
      tpu.enqueue_dma source(%arg11 : memref<40x128xf32, #tpu.memory_space<vmem>>) target(%dma_start3A_290 : memref<40x128xf32, #tpu.memory_space<vmem_shared>>) target_semaphore(%run_scoped3A : memref<!tpu.dma_semaphore, #tpu.memory_space<semaphore_mem>>)
      %dma_wait3A_291 = arith.constant 0 : i32
      %dma_wait3A_292 = tpu.memref_slice %arg12[%add3A_230, %dma_wait3A_291] : memref<10112x128xf32, #tpu.memory_space<vmem_shared>> -> memref<40x128xf32, #tpu.memory_space<vmem_shared>>
      %dma_wait3A_293 = arith.constant 0 : i32
      %dma_wait3A_294 = tpu.memref_slice %arg12[%add3A_230, %dma_wait3A_293] : memref<10112x128xf32, #tpu.memory_space<vmem_shared>> -> memref<40x128xf32, #tpu.memory_space<vmem_shared>>
      tpu.wait_dma2 semaphore(%run_scoped3A : memref<!tpu.dma_semaphore, #tpu.memory_space<semaphore_mem>>) src(%arg11 : memref<40x128xf32, #tpu.memory_space<vmem>>) dst(%dma_wait3A_294 : memref<40x128xf32, #tpu.memory_space<vmem_shared>>)
      tpu.yield
    }) : () -> ()
    %add3A_231 = arith.constant 280 : i32
    %add3A_232 = arith.addi %mul3A_9, %add3A_231 : i32
    "tpu.region"() ({
      %run_scoped3A = tpu.sem_alloc : memref<!tpu.dma_semaphore, #tpu.memory_space<semaphore_mem>>
      %dma_start3A_287 = arith.constant 0 : i32
      %dma_start3A_288 = tpu.memref_slice %arg12[%add3A_232, %dma_start3A_287] : memref<10112x128xf32, #tpu.memory_space<vmem_shared>> -> memref<40x128xf32, #tpu.memory_space<vmem_shared>>
      %dma_start3A_289 = arith.constant 0 : i32
      %dma_start3A_290 = tpu.memref_slice %arg12[%add3A_232, %dma_start3A_289] : memref<10112x128xf32, #tpu.memory_space<vmem_shared>> -> memref<40x128xf32, #tpu.memory_space<vmem_shared>>
      tpu.enqueue_dma source(%arg11 : memref<40x128xf32, #tpu.memory_space<vmem>>) target(%dma_start3A_290 : memref<40x128xf32, #tpu.memory_space<vmem_shared>>) target_semaphore(%run_scoped3A : memref<!tpu.dma_semaphore, #tpu.memory_space<semaphore_mem>>)
      %dma_wait3A_291 = arith.constant 0 : i32
      %dma_wait3A_292 = tpu.memref_slice %arg12[%add3A_232, %dma_wait3A_291] : memref<10112x128xf32, #tpu.memory_space<vmem_shared>> -> memref<40x128xf32, #tpu.memory_space<vmem_shared>>
      %dma_wait3A_293 = arith.constant 0 : i32
      %dma_wait3A_294 = tpu.memref_slice %arg12[%add3A_232, %dma_wait3A_293] : memref<10112x128xf32, #tpu.memory_space<vmem_shared>> -> memref<40x128xf32, #tpu.memory_space<vmem_shared>>
      tpu.wait_dma2 semaphore(%run_scoped3A : memref<!tpu.dma_semaphore, #tpu.memory_space<semaphore_mem>>) src(%arg11 : memref<40x128xf32, #tpu.memory_space<vmem>>) dst(%dma_wait3A_294 : memref<40x128xf32, #tpu.memory_space<vmem_shared>>)
      tpu.yield
    }) : () -> ()
    %add3A_233 = arith.constant 320 : i32
    %add3A_234 = arith.addi %mul3A_9, %add3A_233 : i32
    "tpu.region"() ({
      %run_scoped3A = tpu.sem_alloc : memref<!tpu.dma_semaphore, #tpu.memory_space<semaphore_mem>>
      %dma_start3A_287 = arith.constant 0 : i32
      %dma_start3A_288 = tpu.memref_slice %arg12[%add3A_234, %dma_start3A_287] : memref<10112x128xf32, #tpu.memory_space<vmem_shared>> -> memref<40x128xf32, #tpu.memory_space<vmem_shared>>
      %dma_start3A_289 = arith.constant 0 : i32
      %dma_start3A_290 = tpu.memref_slice %arg12[%add3A_234, %dma_start3A_289] : memref<10112x128xf32, #tpu.memory_space<vmem_shared>> -> memref<40x128xf32, #tpu.memory_space<vmem_shared>>
      tpu.enqueue_dma source(%arg11 : memref<40x128xf32, #tpu.memory_space<vmem>>) target(%dma_start3A_290 : memref<40x128xf32, #tpu.memory_space<vmem_shared>>) target_semaphore(%run_scoped3A : memref<!tpu.dma_semaphore, #tpu.memory_space<semaphore_mem>>)
      %dma_wait3A_291 = arith.constant 0 : i32
      %dma_wait3A_292 = tpu.memref_slice %arg12[%add3A_234, %dma_wait3A_291] : memref<10112x128xf32, #tpu.memory_space<vmem_shared>> -> memref<40x128xf32, #tpu.memory_space<vmem_shared>>
      %dma_wait3A_293 = arith.constant 0 : i32
      %dma_wait3A_294 = tpu.memref_slice %arg12[%add3A_234, %dma_wait3A_293] : memref<10112x128xf32, #tpu.memory_space<vmem_shared>> -> memref<40x128xf32, #tpu.memory_space<vmem_shared>>
      tpu.wait_dma2 semaphore(%run_scoped3A : memref<!tpu.dma_semaphore, #tpu.memory_space<semaphore_mem>>) src(%arg11 : memref<40x128xf32, #tpu.memory_space<vmem>>) dst(%dma_wait3A_294 : memref<40x128xf32, #tpu.memory_space<vmem_shared>>)
      tpu.yield
    }) : () -> ()
    %add3A_235 = arith.constant 360 : i32
    %add3A_236 = arith.addi %mul3A_9, %add3A_235 : i32
    "tpu.region"() ({
      %run_scoped3A = tpu.sem_alloc : memref<!tpu.dma_semaphore, #tpu.memory_space<semaphore_mem>>
      %dma_start3A_287 = arith.constant 0 : i32
      %dma_start3A_288 = tpu.memref_slice %arg12[%add3A_236, %dma_start3A_287] : memref<10112x128xf32, #tpu.memory_space<vmem_shared>> -> memref<40x128xf32, #tpu.memory_space<vmem_shared>>
      %dma_start3A_289 = arith.constant 0 : i32
      %dma_start3A_290 = tpu.memref_slice %arg12[%add3A_236, %dma_start3A_289] : memref<10112x128xf32, #tpu.memory_space<vmem_shared>> -> memref<40x128xf32, #tpu.memory_space<vmem_shared>>
      tpu.enqueue_dma source(%arg11 : memref<40x128xf32, #tpu.memory_space<vmem>>) target(%dma_start3A_290 : memref<40x128xf32, #tpu.memory_space<vmem_shared>>) target_semaphore(%run_scoped3A : memref<!tpu.dma_semaphore, #tpu.memory_space<semaphore_mem>>)
      %dma_wait3A_291 = arith.constant 0 : i32
      %dma_wait3A_292 = tpu.memref_slice %arg12[%add3A_236, %dma_wait3A_291] : memref<10112x128xf32, #tpu.memory_space<vmem_shared>> -> memref<40x128xf32, #tpu.memory_space<vmem_shared>>
      %dma_wait3A_293 = arith.constant 0 : i32
      %dma_wait3A_294 = tpu.memref_slice %arg12[%add3A_236, %dma_wait3A_293] : memref<10112x128xf32, #tpu.memory_space<vmem_shared>> -> memref<40x128xf32, #tpu.memory_space<vmem_shared>>
      tpu.wait_dma2 semaphore(%run_scoped3A : memref<!tpu.dma_semaphore, #tpu.memory_space<semaphore_mem>>) src(%arg11 : memref<40x128xf32, #tpu.memory_space<vmem>>) dst(%dma_wait3A_294 : memref<40x128xf32, #tpu.memory_space<vmem_shared>>)
      tpu.yield
    }) : () -> ()
    %add3A_237 = arith.constant 400 : i32
    %add3A_238 = arith.addi %mul3A_9, %add3A_237 : i32
    "tpu.region"() ({
      %run_scoped3A = tpu.sem_alloc : memref<!tpu.dma_semaphore, #tpu.memory_space<semaphore_mem>>
      %dma_start3A_287 = arith.constant 0 : i32
      %dma_start3A_288 = tpu.memref_slice %arg12[%add3A_238, %dma_start3A_287] : memref<10112x128xf32, #tpu.memory_space<vmem_shared>> -> memref<40x128xf32, #tpu.memory_space<vmem_shared>>
      %dma_start3A_289 = arith.constant 0 : i32
      %dma_start3A_290 = tpu.memref_slice %arg12[%add3A_238, %dma_start3A_289] : memref<10112x128xf32, #tpu.memory_space<vmem_shared>> -> memref<40x128xf32, #tpu.memory_space<vmem_shared>>
      tpu.enqueue_dma source(%arg11 : memref<40x128xf32, #tpu.memory_space<vmem>>) target(%dma_start3A_290 : memref<40x128xf32, #tpu.memory_space<vmem_shared>>) target_semaphore(%run_scoped3A : memref<!tpu.dma_semaphore, #tpu.memory_space<semaphore_mem>>)
      %dma_wait3A_291 = arith.constant 0 : i32
      %dma_wait3A_292 = tpu.memref_slice %arg12[%add3A_238, %dma_wait3A_291] : memref<10112x128xf32, #tpu.memory_space<vmem_shared>> -> memref<40x128xf32, #tpu.memory_space<vmem_shared>>
      %dma_wait3A_293 = arith.constant 0 : i32
      %dma_wait3A_294 = tpu.memref_slice %arg12[%add3A_238, %dma_wait3A_293] : memref<10112x128xf32, #tpu.memory_space<vmem_shared>> -> memref<40x128xf32, #tpu.memory_space<vmem_shared>>
      tpu.wait_dma2 semaphore(%run_scoped3A : memref<!tpu.dma_semaphore, #tpu.memory_space<semaphore_mem>>) src(%arg11 : memref<40x128xf32, #tpu.memory_space<vmem>>) dst(%dma_wait3A_294 : memref<40x128xf32, #tpu.memory_space<vmem_shared>>)
      tpu.yield
    }) : () -> ()
    %add3A_239 = arith.constant 440 : i32
    %add3A_240 = arith.addi %mul3A_9, %add3A_239 : i32
    "tpu.region"() ({
      %run_scoped3A = tpu.sem_alloc : memref<!tpu.dma_semaphore, #tpu.memory_space<semaphore_mem>>
      %dma_start3A_287 = arith.constant 0 : i32
      %dma_start3A_288 = tpu.memref_slice %arg12[%add3A_240, %dma_start3A_287] : memref<10112x128xf32, #tpu.memory_space<vmem_shared>> -> memref<40x128xf32, #tpu.memory_space<vmem_shared>>
      %dma_start3A_289 = arith.constant 0 : i32
      %dma_start3A_290 = tpu.memref_slice %arg12[%add3A_240, %dma_start3A_289] : memref<10112x128xf32, #tpu.memory_space<vmem_shared>> -> memref<40x128xf32, #tpu.memory_space<vmem_shared>>
      tpu.enqueue_dma source(%arg11 : memref<40x128xf32, #tpu.memory_space<vmem>>) target(%dma_start3A_290 : memref<40x128xf32, #tpu.memory_space<vmem_shared>>) target_semaphore(%run_scoped3A : memref<!tpu.dma_semaphore, #tpu.memory_space<semaphore_mem>>)
      %dma_wait3A_291 = arith.constant 0 : i32
      %dma_wait3A_292 = tpu.memref_slice %arg12[%add3A_240, %dma_wait3A_291] : memref<10112x128xf32, #tpu.memory_space<vmem_shared>> -> memref<40x128xf32, #tpu.memory_space<vmem_shared>>
      %dma_wait3A_293 = arith.constant 0 : i32
      %dma_wait3A_294 = tpu.memref_slice %arg12[%add3A_240, %dma_wait3A_293] : memref<10112x128xf32, #tpu.memory_space<vmem_shared>> -> memref<40x128xf32, #tpu.memory_space<vmem_shared>>
      tpu.wait_dma2 semaphore(%run_scoped3A : memref<!tpu.dma_semaphore, #tpu.memory_space<semaphore_mem>>) src(%arg11 : memref<40x128xf32, #tpu.memory_space<vmem>>) dst(%dma_wait3A_294 : memref<40x128xf32, #tpu.memory_space<vmem_shared>>)
      tpu.yield
    }) : () -> ()
    %add3A_241 = arith.constant 480 : i32
    %add3A_242 = arith.addi %mul3A_9, %add3A_241 : i32
    "tpu.region"() ({
      %run_scoped3A = tpu.sem_alloc : memref<!tpu.dma_semaphore, #tpu.memory_space<semaphore_mem>>
      %dma_start3A_287 = arith.constant 0 : i32
      %dma_start3A_288 = tpu.memref_slice %arg12[%add3A_242, %dma_start3A_287] : memref<10112x128xf32, #tpu.memory_space<vmem_shared>> -> memref<40x128xf32, #tpu.memory_space<vmem_shared>>
      %dma_start3A_289 = arith.constant 0 : i32
      %dma_start3A_290 = tpu.memref_slice %arg12[%add3A_242, %dma_start3A_289] : memref<10112x128xf32, #tpu.memory_space<vmem_shared>> -> memref<40x128xf32, #tpu.memory_space<vmem_shared>>
      tpu.enqueue_dma source(%arg11 : memref<40x128xf32, #tpu.memory_space<vmem>>) target(%dma_start3A_290 : memref<40x128xf32, #tpu.memory_space<vmem_shared>>) target_semaphore(%run_scoped3A : memref<!tpu.dma_semaphore, #tpu.memory_space<semaphore_mem>>)
      %dma_wait3A_291 = arith.constant 0 : i32
      %dma_wait3A_292 = tpu.memref_slice %arg12[%add3A_242, %dma_wait3A_291] : memref<10112x128xf32, #tpu.memory_space<vmem_shared>> -> memref<40x128xf32, #tpu.memory_space<vmem_shared>>
      %dma_wait3A_293 = arith.constant 0 : i32
      %dma_wait3A_294 = tpu.memref_slice %arg12[%add3A_242, %dma_wait3A_293] : memref<10112x128xf32, #tpu.memory_space<vmem_shared>> -> memref<40x128xf32, #tpu.memory_space<vmem_shared>>
      tpu.wait_dma2 semaphore(%run_scoped3A : memref<!tpu.dma_semaphore, #tpu.memory_space<semaphore_mem>>) src(%arg11 : memref<40x128xf32, #tpu.memory_space<vmem>>) dst(%dma_wait3A_294 : memref<40x128xf32, #tpu.memory_space<vmem_shared>>)
      tpu.yield
    }) : () -> ()
    %add3A_243 = arith.constant 520 : i32
    %add3A_244 = arith.addi %mul3A_9, %add3A_243 : i32
    "tpu.region"() ({
      %run_scoped3A = tpu.sem_alloc : memref<!tpu.dma_semaphore, #tpu.memory_space<semaphore_mem>>
      %dma_start3A_287 = arith.constant 0 : i32
      %dma_start3A_288 = tpu.memref_slice %arg12[%add3A_244, %dma_start3A_287] : memref<10112x128xf32, #tpu.memory_space<vmem_shared>> -> memref<40x128xf32, #tpu.memory_space<vmem_shared>>
      %dma_start3A_289 = arith.constant 0 : i32
      %dma_start3A_290 = tpu.memref_slice %arg12[%add3A_244, %dma_start3A_289] : memref<10112x128xf32, #tpu.memory_space<vmem_shared>> -> memref<40x128xf32, #tpu.memory_space<vmem_shared>>
      tpu.enqueue_dma source(%arg11 : memref<40x128xf32, #tpu.memory_space<vmem>>) target(%dma_start3A_290 : memref<40x128xf32, #tpu.memory_space<vmem_shared>>) target_semaphore(%run_scoped3A : memref<!tpu.dma_semaphore, #tpu.memory_space<semaphore_mem>>)
      %dma_wait3A_291 = arith.constant 0 : i32
      %dma_wait3A_292 = tpu.memref_slice %arg12[%add3A_244, %dma_wait3A_291] : memref<10112x128xf32, #tpu.memory_space<vmem_shared>> -> memref<40x128xf32, #tpu.memory_space<vmem_shared>>
      %dma_wait3A_293 = arith.constant 0 : i32
      %dma_wait3A_294 = tpu.memref_slice %arg12[%add3A_244, %dma_wait3A_293] : memref<10112x128xf32, #tpu.memory_space<vmem_shared>> -> memref<40x128xf32, #tpu.memory_space<vmem_shared>>
      tpu.wait_dma2 semaphore(%run_scoped3A : memref<!tpu.dma_semaphore, #tpu.memory_space<semaphore_mem>>) src(%arg11 : memref<40x128xf32, #tpu.memory_space<vmem>>) dst(%dma_wait3A_294 : memref<40x128xf32, #tpu.memory_space<vmem_shared>>)
      tpu.yield
    }) : () -> ()
    %add3A_245 = arith.constant 560 : i32
    %add3A_246 = arith.addi %mul3A_9, %add3A_245 : i32
    "tpu.region"() ({
      %run_scoped3A = tpu.sem_alloc : memref<!tpu.dma_semaphore, #tpu.memory_space<semaphore_mem>>
      %dma_start3A_287 = arith.constant 0 : i32
      %dma_start3A_288 = tpu.memref_slice %arg12[%add3A_246, %dma_start3A_287] : memref<10112x128xf32, #tpu.memory_space<vmem_shared>> -> memref<40x128xf32, #tpu.memory_space<vmem_shared>>
      %dma_start3A_289 = arith.constant 0 : i32
      %dma_start3A_290 = tpu.memref_slice %arg12[%add3A_246, %dma_start3A_289] : memref<10112x128xf32, #tpu.memory_space<vmem_shared>> -> memref<40x128xf32, #tpu.memory_space<vmem_shared>>
      tpu.enqueue_dma source(%arg11 : memref<40x128xf32, #tpu.memory_space<vmem>>) target(%dma_start3A_290 : memref<40x128xf32, #tpu.memory_space<vmem_shared>>) target_semaphore(%run_scoped3A : memref<!tpu.dma_semaphore, #tpu.memory_space<semaphore_mem>>)
      %dma_wait3A_291 = arith.constant 0 : i32
      %dma_wait3A_292 = tpu.memref_slice %arg12[%add3A_246, %dma_wait3A_291] : memref<10112x128xf32, #tpu.memory_space<vmem_shared>> -> memref<40x128xf32, #tpu.memory_space<vmem_shared>>
      %dma_wait3A_293 = arith.constant 0 : i32
      %dma_wait3A_294 = tpu.memref_slice %arg12[%add3A_246, %dma_wait3A_293] : memref<10112x128xf32, #tpu.memory_space<vmem_shared>> -> memref<40x128xf32, #tpu.memory_space<vmem_shared>>
      tpu.wait_dma2 semaphore(%run_scoped3A : memref<!tpu.dma_semaphore, #tpu.memory_space<semaphore_mem>>) src(%arg11 : memref<40x128xf32, #tpu.memory_space<vmem>>) dst(%dma_wait3A_294 : memref<40x128xf32, #tpu.memory_space<vmem_shared>>)
      tpu.yield
    }) : () -> ()
    %add3A_247 = arith.constant 600 : i32
    %add3A_248 = arith.addi %mul3A_9, %add3A_247 : i32
    "tpu.region"() ({
      %run_scoped3A = tpu.sem_alloc : memref<!tpu.dma_semaphore, #tpu.memory_space<semaphore_mem>>
      %dma_start3A_287 = arith.constant 0 : i32
      %dma_start3A_288 = arith.constant 0 : i32
      %dma_start3A_289 = tpu.memref_slice %arg11[%dma_start3A_287, %dma_start3A_288] : memref<40x128xf32, #tpu.memory_space<vmem>> -> memref<32x128xf32, #tpu.memory_space<vmem>>
      %dma_start3A_290 = arith.constant 0 : i32
      %dma_start3A_291 = tpu.memref_slice %arg12[%add3A_248, %dma_start3A_290] : memref<10112x128xf32, #tpu.memory_space<vmem_shared>> -> memref<32x128xf32, #tpu.memory_space<vmem_shared>>
      %dma_start3A_292 = arith.constant 0 : i32
      %dma_start3A_293 = tpu.memref_slice %arg12[%add3A_248, %dma_start3A_292] : memref<10112x128xf32, #tpu.memory_space<vmem_shared>> -> memref<32x128xf32, #tpu.memory_space<vmem_shared>>
      %dma_start3A_294 = arith.constant 0 : i32
      %dma_start3A_295 = arith.constant 0 : i32
      %dma_start3A_296 = tpu.memref_slice %arg11[%dma_start3A_294, %dma_start3A_295] : memref<40x128xf32, #tpu.memory_space<vmem>> -> memref<32x128xf32, #tpu.memory_space<vmem>>
      tpu.enqueue_dma source(%dma_start3A_296 : memref<32x128xf32, #tpu.memory_space<vmem>>) target(%dma_start3A_293 : memref<32x128xf32, #tpu.memory_space<vmem_shared>>) target_semaphore(%run_scoped3A : memref<!tpu.dma_semaphore, #tpu.memory_space<semaphore_mem>>)
      %dma_wait3A_297 = arith.constant 0 : i32
      %dma_wait3A_298 = arith.constant 0 : i32
      %dma_wait3A_299 = tpu.memref_slice %arg11[%dma_wait3A_297, %dma_wait3A_298] : memref<40x128xf32, #tpu.memory_space<vmem>> -> memref<32x128xf32, #tpu.memory_space<vmem>>
      %dma_wait3A_300 = arith.constant 0 : i32
      %dma_wait3A_301 = tpu.memref_slice %arg12[%add3A_248, %dma_wait3A_300] : memref<10112x128xf32, #tpu.memory_space<vmem_shared>> -> memref<32x128xf32, #tpu.memory_space<vmem_shared>>
      %dma_wait3A_302 = arith.constant 0 : i32
      %dma_wait3A_303 = tpu.memref_slice %arg12[%add3A_248, %dma_wait3A_302] : memref<10112x128xf32, #tpu.memory_space<vmem_shared>> -> memref<32x128xf32, #tpu.memory_space<vmem_shared>>
      %dma_wait3A_304 = arith.constant 0 : i32
      %dma_wait3A_305 = arith.constant 0 : i32
      %dma_wait3A_306 = tpu.memref_slice %arg11[%dma_wait3A_304, %dma_wait3A_305] : memref<40x128xf32, #tpu.memory_space<vmem>> -> memref<32x128xf32, #tpu.memory_space<vmem>>
      tpu.wait_dma2 semaphore(%run_scoped3A : memref<!tpu.dma_semaphore, #tpu.memory_space<semaphore_mem>>) src(%dma_wait3A_306 : memref<32x128xf32, #tpu.memory_space<vmem>>) dst(%dma_wait3A_303 : memref<32x128xf32, #tpu.memory_space<vmem_shared>>)
      tpu.yield
    }) : () -> ()
    %barrier3A_249 = arith.constant 0 : index
    tpu.barrier barrier_id(%barrier3A_249)
    %mul3A_250 = arith.constant 5120 : i32
    %mul3A_251 = arith.muli %add3A, %mul3A_250 : i32
    %add3A_252 = arith.constant 0 : i32
    %add3A_253 = arith.addi %mul3A_251, %add3A_252 : i32
    %dma_start3A_254 = arith.constant 0 : i32
    %dma_start3A_255 = arith.constant 0 : i32
    %dma_start3A_256 = arith.constant 0 : i32
    %dma_start3A_257 = tpu.memref_slice %arg10[%dma_start3A_254, %dma_start3A_255, %dma_start3A_256] : memref<2x128x128xf32, #tpu.memory_space<vmem>> -> memref<1x128x128xf32, #tpu.memory_space<vmem>>
    %dma_start3A_258 = tpu.memref_squeeze %dma_start3A_257 : memref<1x128x128xf32, #tpu.memory_space<vmem>> -> memref<128x128xf32, #tpu.memory_space<vmem>>
    %dma_start3A_259 = arith.constant 0 : i32
    %dma_start3A_260 = tpu.memref_slice %arg5[%add3A_253, %dma_start3A_259] : memref<163840x128xf32, #tpu.memory_space<hbm>> -> memref<128x128xf32, #tpu.memory_space<hbm>>
    %dma_start3A_261 = arith.constant 0 : i32
    %dma_start3A_262 = arith.constant 0 : i32
    %dma_start3A_263 = tpu.memref_slice %arg10[%dma_start3A_254, %dma_start3A_261, %dma_start3A_262] : memref<2x128x128xf32, #tpu.memory_space<vmem>> -> memref<1x128x128xf32, #tpu.memory_space<vmem>>
    %dma_start3A_264 = tpu.memref_squeeze %dma_start3A_263 : memref<1x128x128xf32, #tpu.memory_space<vmem>> -> memref<128x128xf32, #tpu.memory_space<vmem>>
    %dma_start3A_265 = arith.constant 0 : i32
    %dma_start3A_266 = tpu.memref_slice %arg5[%add3A_253, %dma_start3A_265] : memref<163840x128xf32, #tpu.memory_space<hbm>> -> memref<128x128xf32, #tpu.memory_space<hbm>>
    tpu.enqueue_dma source(%dma_start3A_266 : memref<128x128xf32, #tpu.memory_space<hbm>>) target(%dma_start3A_264 : memref<128x128xf32, #tpu.memory_space<vmem>>) target_semaphore(%arg13 : memref<!tpu.dma_semaphore, #tpu.memory_space<semaphore_mem>>)
    %scan3A_267 = arith.constant 0 : i32
    %scan3A_268 = arith.constant 0 : i32
    %scan3A_269 = arith.constant 20 : i32
    %scan3A_270 = arith.addi %scan3A_268, %scan3A_269 : i32
    %scan3A_271 = arith.constant 1 : i32
    scf.for %scan3A_287 = %scan3A_268 to %scan3A_270 step %scan3A_271  : i32 {
      %mul3A_288 = arith.constant 2 : i32
      %mul3A_289 = arith.muli %mul3A_288, %scan3A_287 : i32
      %mul3A_290 = arith.constant 2 : i32
      %mul3A_291 = arith.muli %mul3A_290, %scan3A_287 : i32
      %add3A_292 = arith.constant 1 : i32
      %add3A_293 = arith.addi %mul3A_291, %add3A_292 : i32
      %dma_wait3A_294 = arith.constant 0 : i32
      %dma_wait3A_295 = arith.constant 0 : i32
      %dma_wait3A_296 = arith.constant 0 : i32
      %dma_wait3A_297 = tpu.memref_slice %arg10[%dma_wait3A_294, %dma_wait3A_295, %dma_wait3A_296] : memref<2x128x128xf32, #tpu.memory_space<vmem>> -> memref<1x128x128xf32, #tpu.memory_space<vmem>>
      %dma_wait3A_298 = tpu.memref_squeeze %dma_wait3A_297 : memref<1x128x128xf32, #tpu.memory_space<vmem>> -> memref<128x128xf32, #tpu.memory_space<vmem>>
      %dma_wait3A_299 = arith.constant 0 : i32
      %dma_wait3A_300 = arith.constant 0 : i32
      %dma_wait3A_301 = tpu.memref_slice %arg5[%dma_wait3A_299, %dma_wait3A_300] : memref<163840x128xf32, #tpu.memory_space<hbm>> -> memref<128x128xf32, #tpu.memory_space<hbm>>
      %dma_wait3A_302 = arith.constant 0 : i32
      %dma_wait3A_303 = arith.constant 0 : i32
      %dma_wait3A_304 = tpu.memref_slice %arg10[%dma_wait3A_294, %dma_wait3A_302, %dma_wait3A_303] : memref<2x128x128xf32, #tpu.memory_space<vmem>> -> memref<1x128x128xf32, #tpu.memory_space<vmem>>
      %dma_wait3A_305 = tpu.memref_squeeze %dma_wait3A_304 : memref<1x128x128xf32, #tpu.memory_space<vmem>> -> memref<128x128xf32, #tpu.memory_space<vmem>>
      %dma_wait3A_306 = arith.constant 0 : i32
      %dma_wait3A_307 = arith.constant 0 : i32
      %dma_wait3A_308 = tpu.memref_slice %arg5[%dma_wait3A_306, %dma_wait3A_307] : memref<163840x128xf32, #tpu.memory_space<hbm>> -> memref<128x128xf32, #tpu.memory_space<hbm>>
      tpu.wait_dma2 semaphore(%arg13 : memref<!tpu.dma_semaphore, #tpu.memory_space<semaphore_mem>>) src(%dma_wait3A_308 : memref<128x128xf32, #tpu.memory_space<hbm>>) dst(%dma_wait3A_305 : memref<128x128xf32, #tpu.memory_space<vmem>>)
      %gt3A = arith.constant 0 : i32
      %gt3A_309 = arith.cmpi sgt, %scan3A_287, %gt3A : i32
      %convert_element_type3A = arith.extui %gt3A_309 : i1 to i32
      %cond3A = arith.constant 0 : i32
      %cond3A_310 = arith.cmpi ne, %convert_element_type3A, %cond3A : i32
      scf.if %cond3A_310 {
        %dma_wait3A_382 = arith.constant 1 : i32
        %dma_wait3A_383 = arith.constant 0 : i32
        %dma_wait3A_384 = arith.constant 0 : i32
        %dma_wait3A_385 = arith.constant 0 : i32
        %dma_wait3A_386 = tpu.memref_slice %arg10[%dma_wait3A_382, %dma_wait3A_384, %dma_wait3A_385] : memref<2x128x128xf32, #tpu.memory_space<vmem>> -> memref<1x128x128xf32, #tpu.memory_space<vmem>>
        %dma_wait3A_387 = tpu.memref_squeeze %dma_wait3A_386 : memref<1x128x128xf32, #tpu.memory_space<vmem>> -> memref<128x128xf32, #tpu.memory_space<vmem>>
        %dma_wait3A_388 = arith.constant 0 : i32
        %dma_wait3A_389 = tpu.memref_slice %arg9[%dma_wait3A_383, %dma_wait3A_388] : memref<40x128xi32, #tpu.memory_space<vmem>> -> memref<1x128xi32, #tpu.memory_space<vmem>>
        %dma_wait3A_390 = tpu.memref_squeeze %dma_wait3A_389 : memref<1x128xi32, #tpu.memory_space<vmem>> -> memref<128xi32, #tpu.memory_space<vmem>>
        %dma_wait3A_391 = arith.constant 0 : i32
        %dma_wait3A_392 = arith.constant 0 : i32
        %dma_wait3A_393 = tpu.memref_slice %arg12[%dma_wait3A_391, %dma_wait3A_392] : memref<10112x128xf32, #tpu.memory_space<vmem_shared>> -> memref<10112x128xf32, #tpu.memory_space<vmem_shared>>
        tpu.wait_indirect_dma semaphore(%arg16 : memref<!tpu.dma_semaphore, #tpu.memory_space<semaphore_mem>>) src(%dma_wait3A_387 : memref<128x128xf32, #tpu.memory_space<vmem>>) dst(%dma_wait3A_393 : memref<10112x128xf32, #tpu.memory_space<vmem_shared>>)
      } else {
      }
      %mul3A_311 = arith.constant 5120 : i32
      %mul3A_312 = arith.muli %add3A, %mul3A_311 : i32
      %mul3A_313 = arith.constant 128 : i32
      %mul3A_314 = arith.muli %add3A_293, %mul3A_313 : i32
      %add3A_315 = arith.addi %mul3A_312, %mul3A_314 : i32
      %dma_start3A_316 = arith.constant 1 : i32
      %dma_start3A_317 = arith.constant 0 : i32
      %dma_start3A_318 = arith.constant 0 : i32
      %dma_start3A_319 = tpu.memref_slice %arg10[%dma_start3A_316, %dma_start3A_317, %dma_start3A_318] : memref<2x128x128xf32, #tpu.memory_space<vmem>> -> memref<1x128x128xf32, #tpu.memory_space<vmem>>
      %dma_start3A_320 = tpu.memref_squeeze %dma_start3A_319 : memref<1x128x128xf32, #tpu.memory_space<vmem>> -> memref<128x128xf32, #tpu.memory_space<vmem>>
      %dma_start3A_321 = arith.constant 0 : i32
      %dma_start3A_322 = tpu.memref_slice %arg5[%add3A_315, %dma_start3A_321] : memref<163840x128xf32, #tpu.memory_space<hbm>> -> memref<128x128xf32, #tpu.memory_space<hbm>>
      %dma_start3A_323 = arith.constant 0 : i32
      %dma_start3A_324 = arith.constant 0 : i32
      %dma_start3A_325 = tpu.memref_slice %arg10[%dma_start3A_316, %dma_start3A_323, %dma_start3A_324] : memref<2x128x128xf32, #tpu.memory_space<vmem>> -> memref<1x128x128xf32, #tpu.memory_space<vmem>>
      %dma_start3A_326 = tpu.memref_squeeze %dma_start3A_325 : memref<1x128x128xf32, #tpu.memory_space<vmem>> -> memref<128x128xf32, #tpu.memory_space<vmem>>
      %dma_start3A_327 = arith.constant 0 : i32
      %dma_start3A_328 = tpu.memref_slice %arg5[%add3A_315, %dma_start3A_327] : memref<163840x128xf32, #tpu.memory_space<hbm>> -> memref<128x128xf32, #tpu.memory_space<hbm>>
      tpu.enqueue_dma source(%dma_start3A_328 : memref<128x128xf32, #tpu.memory_space<hbm>>) target(%dma_start3A_326 : memref<128x128xf32, #tpu.memory_space<vmem>>) target_semaphore(%arg14 : memref<!tpu.dma_semaphore, #tpu.memory_space<semaphore_mem>>)
      %dma_start3A_329 = arith.constant 0 : i32
      %dma_start3A_330 = arith.constant 0 : i32
      %dma_start3A_331 = arith.constant 0 : i32
      %dma_start3A_332 = tpu.memref_slice %arg10[%dma_start3A_329, %dma_start3A_330, %dma_start3A_331] : memref<2x128x128xf32, #tpu.memory_space<vmem>> -> memref<1x128x128xf32, #tpu.memory_space<vmem>>
      %dma_start3A_333 = tpu.memref_squeeze %dma_start3A_332 : memref<1x128x128xf32, #tpu.memory_space<vmem>> -> memref<128x128xf32, #tpu.memory_space<vmem>>
      %dma_start3A_334 = arith.constant 0 : i32
      %dma_start3A_335 = tpu.memref_slice %arg9[%mul3A_289, %dma_start3A_334] : memref<40x128xi32, #tpu.memory_space<vmem>> -> memref<1x128xi32, #tpu.memory_space<vmem>>
      %dma_start3A_336 = tpu.memref_squeeze %dma_start3A_335 : memref<1x128xi32, #tpu.memory_space<vmem>> -> memref<128xi32, #tpu.memory_space<vmem>>
      %dma_start3A_337 = arith.constant 0 : i32
      %dma_start3A_338 = arith.constant 0 : i32
      %dma_start3A_339 = tpu.memref_slice %arg12[%dma_start3A_337, %dma_start3A_338] : memref<10112x128xf32, #tpu.memory_space<vmem_shared>> -> memref<10112x128xf32, #tpu.memory_space<vmem_shared>>
      tpu.enqueue_indirect_dma source(%dma_start3A_333 : memref<128x128xf32, #tpu.memory_space<vmem>>) target(%dma_start3A_339 : memref<10112x128xf32, #tpu.memory_space<vmem_shared>>) offsets(%dma_start3A_336 : memref<128xi32, #tpu.memory_space<vmem>>) semaphore(%arg15 : memref<!tpu.dma_semaphore, #tpu.memory_space<semaphore_mem>>) {add = true}
      %dma_wait3A_340 = arith.constant 1 : i32
      %dma_wait3A_341 = arith.constant 0 : i32
      %dma_wait3A_342 = arith.constant 0 : i32
      %dma_wait3A_343 = tpu.memref_slice %arg10[%dma_wait3A_340, %dma_wait3A_341, %dma_wait3A_342] : memref<2x128x128xf32, #tpu.memory_space<vmem>> -> memref<1x128x128xf32, #tpu.memory_space<vmem>>
      %dma_wait3A_344 = tpu.memref_squeeze %dma_wait3A_343 : memref<1x128x128xf32, #tpu.memory_space<vmem>> -> memref<128x128xf32, #tpu.memory_space<vmem>>
      %dma_wait3A_345 = arith.constant 0 : i32
      %dma_wait3A_346 = arith.constant 0 : i32
      %dma_wait3A_347 = tpu.memref_slice %arg5[%dma_wait3A_345, %dma_wait3A_346] : memref<163840x128xf32, #tpu.memory_space<hbm>> -> memref<128x128xf32, #tpu.memory_space<hbm>>
      %dma_wait3A_348 = arith.constant 0 : i32
      %dma_wait3A_349 = arith.constant 0 : i32
      %dma_wait3A_350 = tpu.memref_slice %arg10[%dma_wait3A_340, %dma_wait3A_348, %dma_wait3A_349] : memref<2x128x128xf32, #tpu.memory_space<vmem>> -> memref<1x128x128xf32, #tpu.memory_space<vmem>>
      %dma_wait3A_351 = tpu.memref_squeeze %dma_wait3A_350 : memref<1x128x128xf32, #tpu.memory_space<vmem>> -> memref<128x128xf32, #tpu.memory_space<vmem>>
      %dma_wait3A_352 = arith.constant 0 : i32
      %dma_wait3A_353 = arith.constant 0 : i32
      %dma_wait3A_354 = tpu.memref_slice %arg5[%dma_wait3A_352, %dma_wait3A_353] : memref<163840x128xf32, #tpu.memory_space<hbm>> -> memref<128x128xf32, #tpu.memory_space<hbm>>
      tpu.wait_dma2 semaphore(%arg14 : memref<!tpu.dma_semaphore, #tpu.memory_space<semaphore_mem>>) src(%dma_wait3A_354 : memref<128x128xf32, #tpu.memory_space<hbm>>) dst(%dma_wait3A_351 : memref<128x128xf32, #tpu.memory_space<vmem>>)
      %dma_wait3A_355 = arith.constant 0 : i32
      %dma_wait3A_356 = arith.constant 0 : i32
      %dma_wait3A_357 = arith.constant 0 : i32
      %dma_wait3A_358 = arith.constant 0 : i32
      %dma_wait3A_359 = tpu.memref_slice %arg10[%dma_wait3A_355, %dma_wait3A_357, %dma_wait3A_358] : memref<2x128x128xf32, #tpu.memory_space<vmem>> -> memref<1x128x128xf32, #tpu.memory_space<vmem>>
      %dma_wait3A_360 = tpu.memref_squeeze %dma_wait3A_359 : memref<1x128x128xf32, #tpu.memory_space<vmem>> -> memref<128x128xf32, #tpu.memory_space<vmem>>
      %dma_wait3A_361 = arith.constant 0 : i32
      %dma_wait3A_362 = tpu.memref_slice %arg9[%dma_wait3A_356, %dma_wait3A_361] : memref<40x128xi32, #tpu.memory_space<vmem>> -> memref<1x128xi32, #tpu.memory_space<vmem>>
      %dma_wait3A_363 = tpu.memref_squeeze %dma_wait3A_362 : memref<1x128xi32, #tpu.memory_space<vmem>> -> memref<128xi32, #tpu.memory_space<vmem>>
      %dma_wait3A_364 = arith.constant 0 : i32
      %dma_wait3A_365 = arith.constant 0 : i32
      %dma_wait3A_366 = tpu.memref_slice %arg12[%dma_wait3A_364, %dma_wait3A_365] : memref<10112x128xf32, #tpu.memory_space<vmem_shared>> -> memref<10112x128xf32, #tpu.memory_space<vmem_shared>>
      tpu.wait_indirect_dma semaphore(%arg15 : memref<!tpu.dma_semaphore, #tpu.memory_space<semaphore_mem>>) src(%dma_wait3A_360 : memref<128x128xf32, #tpu.memory_space<vmem>>) dst(%dma_wait3A_366 : memref<10112x128xf32, #tpu.memory_space<vmem_shared>>)
      %lt3A = arith.constant 19 : i32
      %lt3A_367 = arith.cmpi slt, %scan3A_287, %lt3A : i32
      %convert_element_type3A_368 = arith.extui %lt3A_367 : i1 to i32
      %cond3A_369 = arith.constant 0 : i32
      %cond3A_370 = arith.cmpi ne, %convert_element_type3A_368, %cond3A_369 : i32
      scf.if %cond3A_370 {
        %add3A_382 = arith.constant 2 : i32
        %add3A_383 = arith.addi %mul3A_289, %add3A_382 : i32
        %mul3A_384 = arith.constant 5120 : i32
        %mul3A_385 = arith.muli %add3A, %mul3A_384 : i32
        %mul3A_386 = arith.constant 128 : i32
        %mul3A_387 = arith.muli %add3A_383, %mul3A_386 : i32
        %add3A_388 = arith.addi %mul3A_385, %mul3A_387 : i32
        %dma_start3A_389 = arith.constant 0 : i32
        %dma_start3A_390 = arith.constant 0 : i32
        %dma_start3A_391 = arith.constant 0 : i32
        %dma_start3A_392 = tpu.memref_slice %arg10[%dma_start3A_389, %dma_start3A_390, %dma_start3A_391] : memref<2x128x128xf32, #tpu.memory_space<vmem>> -> memref<1x128x128xf32, #tpu.memory_space<vmem>>
        %dma_start3A_393 = tpu.memref_squeeze %dma_start3A_392 : memref<1x128x128xf32, #tpu.memory_space<vmem>> -> memref<128x128xf32, #tpu.memory_space<vmem>>
        %dma_start3A_394 = arith.constant 0 : i32
        %dma_start3A_395 = tpu.memref_slice %arg5[%add3A_388, %dma_start3A_394] : memref<163840x128xf32, #tpu.memory_space<hbm>> -> memref<128x128xf32, #tpu.memory_space<hbm>>
        %dma_start3A_396 = arith.constant 0 : i32
        %dma_start3A_397 = arith.constant 0 : i32
        %dma_start3A_398 = tpu.memref_slice %arg10[%dma_start3A_389, %dma_start3A_396, %dma_start3A_397] : memref<2x128x128xf32, #tpu.memory_space<vmem>> -> memref<1x128x128xf32, #tpu.memory_space<vmem>>
        %dma_start3A_399 = tpu.memref_squeeze %dma_start3A_398 : memref<1x128x128xf32, #tpu.memory_space<vmem>> -> memref<128x128xf32, #tpu.memory_space<vmem>>
        %dma_start3A_400 = arith.constant 0 : i32
        %dma_start3A_401 = tpu.memref_slice %arg5[%add3A_388, %dma_start3A_400] : memref<163840x128xf32, #tpu.memory_space<hbm>> -> memref<128x128xf32, #tpu.memory_space<hbm>>
        tpu.enqueue_dma source(%dma_start3A_401 : memref<128x128xf32, #tpu.memory_space<hbm>>) target(%dma_start3A_399 : memref<128x128xf32, #tpu.memory_space<vmem>>) target_semaphore(%arg13 : memref<!tpu.dma_semaphore, #tpu.memory_space<semaphore_mem>>)
      } else {
      }
      %dma_start3A_371 = arith.constant 1 : i32
      %dma_start3A_372 = arith.constant 0 : i32
      %dma_start3A_373 = arith.constant 0 : i32
      %dma_start3A_374 = tpu.memref_slice %arg10[%dma_start3A_371, %dma_start3A_372, %dma_start3A_373] : memref<2x128x128xf32, #tpu.memory_space<vmem>> -> memref<1x128x128xf32, #tpu.memory_space<vmem>>
      %dma_start3A_375 = tpu.memref_squeeze %dma_start3A_374 : memref<1x128x128xf32, #tpu.memory_space<vmem>> -> memref<128x128xf32, #tpu.memory_space<vmem>>
      %dma_start3A_376 = arith.constant 0 : i32
      %dma_start3A_377 = tpu.memref_slice %arg9[%add3A_293, %dma_start3A_376] : memref<40x128xi32, #tpu.memory_space<vmem>> -> memref<1x128xi32, #tpu.memory_space<vmem>>
      %dma_start3A_378 = tpu.memref_squeeze %dma_start3A_377 : memref<1x128xi32, #tpu.memory_space<vmem>> -> memref<128xi32, #tpu.memory_space<vmem>>
      %dma_start3A_379 = arith.constant 0 : i32
      %dma_start3A_380 = arith.constant 0 : i32
      %dma_start3A_381 = tpu.memref_slice %arg12[%dma_start3A_379, %dma_start3A_380] : memref<10112x128xf32, #tpu.memory_space<vmem_shared>> -> memref<10112x128xf32, #tpu.memory_space<vmem_shared>>
      tpu.enqueue_indirect_dma source(%dma_start3A_375 : memref<128x128xf32, #tpu.memory_space<vmem>>) target(%dma_start3A_381 : memref<10112x128xf32, #tpu.memory_space<vmem_shared>>) offsets(%dma_start3A_378 : memref<128xi32, #tpu.memory_space<vmem>>) semaphore(%arg16 : memref<!tpu.dma_semaphore, #tpu.memory_space<semaphore_mem>>) {add = true}
    }
    %scan3A_272 = arith.constant 20 : i32
    %dma_wait3A_273 = arith.constant 1 : i32
    %dma_wait3A_274 = arith.constant 0 : i32
    %dma_wait3A_275 = arith.constant 0 : i32
    %dma_wait3A_276 = arith.constant 0 : i32
    %dma_wait3A_277 = tpu.memref_slice %arg10[%dma_wait3A_273, %dma_wait3A_275, %dma_wait3A_276] : memref<2x128x128xf32, #tpu.memory_space<vmem>> -> memref<1x128x128xf32, #tpu.memory_space<vmem>>
    %dma_wait3A_278 = tpu.memref_squeeze %dma_wait3A_277 : memref<1x128x128xf32, #tpu.memory_space<vmem>> -> memref<128x128xf32, #tpu.memory_space<vmem>>
    %dma_wait3A_279 = arith.constant 0 : i32
    %dma_wait3A_280 = tpu.memref_slice %arg9[%dma_wait3A_274, %dma_wait3A_279] : memref<40x128xi32, #tpu.memory_space<vmem>> -> memref<1x128xi32, #tpu.memory_space<vmem>>
    %dma_wait3A_281 = tpu.memref_squeeze %dma_wait3A_280 : memref<1x128xi32, #tpu.memory_space<vmem>> -> memref<128xi32, #tpu.memory_space<vmem>>
    %dma_wait3A_282 = arith.constant 0 : i32
    %dma_wait3A_283 = arith.constant 0 : i32
    %dma_wait3A_284 = tpu.memref_slice %arg12[%dma_wait3A_282, %dma_wait3A_283] : memref<10112x128xf32, #tpu.memory_space<vmem_shared>> -> memref<10112x128xf32, #tpu.memory_space<vmem_shared>>
    tpu.wait_indirect_dma semaphore(%arg16 : memref<!tpu.dma_semaphore, #tpu.memory_space<semaphore_mem>>) src(%dma_wait3A_278 : memref<128x128xf32, #tpu.memory_space<vmem>>) dst(%dma_wait3A_284 : memref<10112x128xf32, #tpu.memory_space<vmem_shared>>)
    %barrier3A_285 = arith.constant 0 : index
    tpu.barrier barrier_id(%barrier3A_285)
    "tpu.region"() ({
      %run_scoped3A = tpu.sem_alloc : memref<!tpu.dma_semaphore, #tpu.memory_space<semaphore_mem>>
      %dma_start3A_287 = arith.constant 128 : i32
      %dma_start3A_288 = tpu.memref_slice %arg8[%arg0, %mul3A_9, %dma_start3A_287] : memref<2x10112x256xf32, #tpu.memory_space<hbm>> -> memref<1x632x128xf32, #tpu.memory_space<hbm>>
      %dma_start3A_289 = tpu.memref_squeeze %dma_start3A_288 : memref<1x632x128xf32, #tpu.memory_space<hbm>> -> memref<632x128xf32, #tpu.memory_space<hbm>>
      %dma_start3A_290 = arith.constant 0 : i32
      %dma_start3A_291 = tpu.memref_slice %arg12[%mul3A_9, %dma_start3A_290] : memref<10112x128xf32, #tpu.memory_space<vmem_shared>> -> memref<632x128xf32, #tpu.memory_space<vmem_shared>>
      tpu.enqueue_dma source(%dma_start3A_291 : memref<632x128xf32, #tpu.memory_space<vmem_shared>>) target(%dma_start3A_289 : memref<632x128xf32, #tpu.memory_space<hbm>>) target_semaphore(%run_scoped3A : memref<!tpu.dma_semaphore, #tpu.memory_space<semaphore_mem>>)
      %dma_wait3A_292 = arith.constant 128 : i32
      %dma_wait3A_293 = tpu.memref_slice %arg8[%arg0, %mul3A_9, %dma_wait3A_292] : memref<2x10112x256xf32, #tpu.memory_space<hbm>> -> memref<1x632x128xf32, #tpu.memory_space<hbm>>
      %dma_wait3A_294 = tpu.memref_squeeze %dma_wait3A_293 : memref<1x632x128xf32, #tpu.memory_space<hbm>> -> memref<632x128xf32, #tpu.memory_space<hbm>>
      %dma_wait3A_295 = arith.constant 0 : i32
      %dma_wait3A_296 = tpu.memref_slice %arg12[%mul3A_9, %dma_wait3A_295] : memref<10112x128xf32, #tpu.memory_space<vmem_shared>> -> memref<632x128xf32, #tpu.memory_space<vmem_shared>>
      tpu.wait_dma2 semaphore(%run_scoped3A : memref<!tpu.dma_semaphore, #tpu.memory_space<semaphore_mem>>) src(%dma_wait3A_296 : memref<632x128xf32, #tpu.memory_space<vmem_shared>>) dst(%dma_wait3A_294 : memref<632x128xf32, #tpu.memory_space<hbm>>)
      tpu.yield
    }) : () -> ()
    %barrier3A_286 = arith.constant 0 : index
    tpu.barrier barrier_id(%barrier3A_286)
    return
  }
}

#map = affine_map<(d0, d1) -> (0, 0)>
module attributes {stable_mosaic.version = 14 : i64} {
  func.func @_gather_sc_body(%arg0: i32, %arg1: i32, %arg2: memref<10000x128xi32, #tpu.memory_space<hbm>>, %arg3: memref<10000x128xi32, #tpu.memory_space<hbm>>, %arg4: memref<10000x128xi32, #tpu.memory_space<hbm>>, %arg5: memref<1280x128xi32, #tpu.memory_space<hbm>>, %arg6: memref<1280x128xi32, #tpu.memory_space<hbm>>, %arg7: memref<163840x128xi32, #tpu.memory_space<hbm>>, %arg8: memref<163840x128xi32, #tpu.memory_space<hbm>>, %arg9: memref<163840x128xi32, #tpu.memory_space<hbm>>, %arg10: memref<40x128xi32, #tpu.memory_space<vmem>>, %arg11: memref<40x128xi32, #tpu.memory_space<vmem>>, %arg12: memref<128x128xi32, #tpu.memory_space<vmem>>, %arg13: memref<128x128xi32, #tpu.memory_space<vmem>>, %arg14: memref<128x128xi32, #tpu.memory_space<vmem>>, %arg15: memref<!tpu.dma_semaphore, #tpu.memory_space<semaphore_mem>>, %arg16: memref<!tpu.dma_semaphore, #tpu.memory_space<semaphore_mem>>, %arg17: memref<!tpu.dma_semaphore, #tpu.memory_space<semaphore_mem>>) attributes {dimension_semantics = [#tpu.dimension_semantics<core_parallel>, #tpu.dimension_semantics<subcore_parallel>], iteration_bounds = array<i64: 2, 16>, scalar_prefetch = 0 : i64, scratch_operands = 8 : i64, tpu.core_type = #tpu.core_type<sc_vector_subcore>, window_params = [{transform_indices = #map}, {transform_indices = #map}, {transform_indices = #map}, {transform_indices = #map}, {transform_indices = #map}, {transform_indices = #map}, {transform_indices = #map}, {transform_indices = #map}]} {
    %eq3A = arith.constant 0 : i32
    %eq3A_0 = arith.cmpi eq, %arg0, %eq3A : i32
    %jit3A = arith.constant 40 : i32
    %jit3A_1 = arith.constant 40 : i32
    %select_n3A = arith.select %eq3A_0, %jit3A, %jit3A_1 : i32
    %eq3A_2 = arith.constant 0 : i32
    %eq3A_3 = arith.cmpi eq, %arg0, %eq3A_2 : i32
    %mul3A = arith.constant 40 : i32
    %mul3A_4 = arith.muli %arg1, %mul3A : i32
    %mul3A_5 = arith.constant 40 : i32
    %mul3A_6 = arith.muli %arg1, %mul3A_5 : i32
    %add3A = arith.constant 640 : i32
    %add3A_7 = arith.addi %add3A, %mul3A_6 : i32
    %select_n3A_8 = arith.select %eq3A_3, %mul3A_4, %add3A_7 : i32
    "tpu.region"() ({
      %run_scoped3A = tpu.sem_alloc : memref<!tpu.dma_semaphore, #tpu.memory_space<semaphore_mem>>
      %dma_start3A = arith.constant 0 : i32
      %dma_start3A_18 = tpu.memref_slice %arg5[%select_n3A_8, %dma_start3A] : memref<1280x128xi32, #tpu.memory_space<hbm>> -> memref<40x128xi32, #tpu.memory_space<hbm>>
      %dma_start3A_19 = arith.constant 0 : i32
      %dma_start3A_20 = tpu.memref_slice %arg5[%select_n3A_8, %dma_start3A_19] : memref<1280x128xi32, #tpu.memory_space<hbm>> -> memref<40x128xi32, #tpu.memory_space<hbm>>
      tpu.enqueue_dma source(%dma_start3A_20 : memref<40x128xi32, #tpu.memory_space<hbm>>) target(%arg10 : memref<40x128xi32, #tpu.memory_space<vmem>>) target_semaphore(%run_scoped3A : memref<!tpu.dma_semaphore, #tpu.memory_space<semaphore_mem>>)
      %dma_wait3A = arith.constant 0 : i32
      %dma_wait3A_21 = tpu.memref_slice %arg5[%select_n3A_8, %dma_wait3A] : memref<1280x128xi32, #tpu.memory_space<hbm>> -> memref<40x128xi32, #tpu.memory_space<hbm>>
      %dma_wait3A_22 = arith.constant 0 : i32
      %dma_wait3A_23 = tpu.memref_slice %arg5[%select_n3A_8, %dma_wait3A_22] : memref<1280x128xi32, #tpu.memory_space<hbm>> -> memref<40x128xi32, #tpu.memory_space<hbm>>
      tpu.wait_dma2 semaphore(%run_scoped3A : memref<!tpu.dma_semaphore, #tpu.memory_space<semaphore_mem>>) src(%dma_wait3A_23 : memref<40x128xi32, #tpu.memory_space<hbm>>) dst(%arg10 : memref<40x128xi32, #tpu.memory_space<vmem>>)
      tpu.yield
    }) : () -> ()
    "tpu.region"() ({
      %run_scoped3A = tpu.sem_alloc : memref<!tpu.dma_semaphore, #tpu.memory_space<semaphore_mem>>
      %dma_start3A = arith.constant 0 : i32
      %dma_start3A_18 = tpu.memref_slice %arg6[%select_n3A_8, %dma_start3A] : memref<1280x128xi32, #tpu.memory_space<hbm>> -> memref<40x128xi32, #tpu.memory_space<hbm>>
      %dma_start3A_19 = arith.constant 0 : i32
      %dma_start3A_20 = tpu.memref_slice %arg6[%select_n3A_8, %dma_start3A_19] : memref<1280x128xi32, #tpu.memory_space<hbm>> -> memref<40x128xi32, #tpu.memory_space<hbm>>
      tpu.enqueue_dma source(%dma_start3A_20 : memref<40x128xi32, #tpu.memory_space<hbm>>) target(%arg11 : memref<40x128xi32, #tpu.memory_space<vmem>>) target_semaphore(%run_scoped3A : memref<!tpu.dma_semaphore, #tpu.memory_space<semaphore_mem>>)
      %dma_wait3A = arith.constant 0 : i32
      %dma_wait3A_21 = tpu.memref_slice %arg6[%select_n3A_8, %dma_wait3A] : memref<1280x128xi32, #tpu.memory_space<hbm>> -> memref<40x128xi32, #tpu.memory_space<hbm>>
      %dma_wait3A_22 = arith.constant 0 : i32
      %dma_wait3A_23 = tpu.memref_slice %arg6[%select_n3A_8, %dma_wait3A_22] : memref<1280x128xi32, #tpu.memory_space<hbm>> -> memref<40x128xi32, #tpu.memory_space<hbm>>
      tpu.wait_dma2 semaphore(%run_scoped3A : memref<!tpu.dma_semaphore, #tpu.memory_space<semaphore_mem>>) src(%dma_wait3A_23 : memref<40x128xi32, #tpu.memory_space<hbm>>) dst(%arg11 : memref<40x128xi32, #tpu.memory_space<vmem>>)
      tpu.yield
    }) : () -> ()
    %while3A = arith.constant 0 : i32
    %while3A_9 = arith.constant 0 : i32
    %while3A_10 = arith.subi %select_n3A, %while3A_9 : i32
    %while3A_11 = arith.addi %while3A_9, %while3A_10 : i32
    %while3A_12 = arith.constant 1 : i32
    %while3A_13 = arith.divsi %while3A_10, %while3A_12 : i32
    %while3A_14 = arith.muli %while3A_13, %while3A_12 : i32
    %while3A_15 = arith.addi %while3A_9, %while3A_14 : i32
    %while3A_16 = arith.constant 1 : i32
    scf.for %while3A_18 = %while3A_9 to %while3A_15 step %while3A_16  : i32 {
      %add3A_19 = arith.addi %select_n3A_8, %while3A_18 : i32
      %mul3A_20 = arith.constant 128 : i32
      %mul3A_21 = arith.muli %add3A_19, %mul3A_20 : i32
      %dma_start3A = arith.constant 0 : i32
      %dma_start3A_22 = tpu.memref_slice %arg10[%while3A_18, %dma_start3A] : memref<40x128xi32, #tpu.memory_space<vmem>> -> memref<1x128xi32, #tpu.memory_space<vmem>>
      %dma_start3A_23 = tpu.memref_squeeze %dma_start3A_22 : memref<1x128xi32, #tpu.memory_space<vmem>> -> memref<128xi32, #tpu.memory_space<vmem>>
      %dma_start3A_24 = arith.constant 0 : i32
      %dma_start3A_25 = arith.constant 0 : i32
      %dma_start3A_26 = tpu.memref_slice %arg2[%dma_start3A_24, %dma_start3A_25] : memref<10000x128xi32, #tpu.memory_space<hbm>> -> memref<10000x128xi32, #tpu.memory_space<hbm>>
      tpu.enqueue_indirect_dma source(%dma_start3A_26 : memref<10000x128xi32, #tpu.memory_space<hbm>>) target(%arg12 : memref<128x128xi32, #tpu.memory_space<vmem>>) offsets(%dma_start3A_23 : memref<128xi32, #tpu.memory_space<vmem>>) semaphore(%arg15 : memref<!tpu.dma_semaphore, #tpu.memory_space<semaphore_mem>>)
      %dma_start3A_27 = arith.constant 0 : i32
      %dma_start3A_28 = tpu.memref_slice %arg11[%while3A_18, %dma_start3A_27] : memref<40x128xi32, #tpu.memory_space<vmem>> -> memref<1x128xi32, #tpu.memory_space<vmem>>
      %dma_start3A_29 = tpu.memref_squeeze %dma_start3A_28 : memref<1x128xi32, #tpu.memory_space<vmem>> -> memref<128xi32, #tpu.memory_space<vmem>>
      %dma_start3A_30 = arith.constant 0 : i32
      %dma_start3A_31 = arith.constant 0 : i32
      %dma_start3A_32 = tpu.memref_slice %arg3[%dma_start3A_30, %dma_start3A_31] : memref<10000x128xi32, #tpu.memory_space<hbm>> -> memref<10000x128xi32, #tpu.memory_space<hbm>>
      tpu.enqueue_indirect_dma source(%dma_start3A_32 : memref<10000x128xi32, #tpu.memory_space<hbm>>) target(%arg13 : memref<128x128xi32, #tpu.memory_space<vmem>>) offsets(%dma_start3A_29 : memref<128xi32, #tpu.memory_space<vmem>>) semaphore(%arg16 : memref<!tpu.dma_semaphore, #tpu.memory_space<semaphore_mem>>)
      %dma_start3A_33 = arith.constant 0 : i32
      %dma_start3A_34 = tpu.memref_slice %arg10[%while3A_18, %dma_start3A_33] : memref<40x128xi32, #tpu.memory_space<vmem>> -> memref<1x128xi32, #tpu.memory_space<vmem>>
      %dma_start3A_35 = tpu.memref_squeeze %dma_start3A_34 : memref<1x128xi32, #tpu.memory_space<vmem>> -> memref<128xi32, #tpu.memory_space<vmem>>
      %dma_start3A_36 = arith.constant 0 : i32
      %dma_start3A_37 = arith.constant 0 : i32
      %dma_start3A_38 = tpu.memref_slice %arg4[%dma_start3A_36, %dma_start3A_37] : memref<10000x128xi32, #tpu.memory_space<hbm>> -> memref<10000x128xi32, #tpu.memory_space<hbm>>
      tpu.enqueue_indirect_dma source(%dma_start3A_38 : memref<10000x128xi32, #tpu.memory_space<hbm>>) target(%arg14 : memref<128x128xi32, #tpu.memory_space<vmem>>) offsets(%dma_start3A_35 : memref<128xi32, #tpu.memory_space<vmem>>) semaphore(%arg17 : memref<!tpu.dma_semaphore, #tpu.memory_space<semaphore_mem>>)
      %dma_wait3A = arith.constant 0 : i32
      %dma_wait3A_39 = tpu.memref_slice %arg10[%while3A_18, %dma_wait3A] : memref<40x128xi32, #tpu.memory_space<vmem>> -> memref<1x128xi32, #tpu.memory_space<vmem>>
      %dma_wait3A_40 = tpu.memref_squeeze %dma_wait3A_39 : memref<1x128xi32, #tpu.memory_space<vmem>> -> memref<128xi32, #tpu.memory_space<vmem>>
      %dma_wait3A_41 = arith.constant 0 : i32
      %dma_wait3A_42 = arith.constant 0 : i32
      %dma_wait3A_43 = tpu.memref_slice %arg2[%dma_wait3A_41, %dma_wait3A_42] : memref<10000x128xi32, #tpu.memory_space<hbm>> -> memref<10000x128xi32, #tpu.memory_space<hbm>>
      tpu.wait_indirect_dma semaphore(%arg15 : memref<!tpu.dma_semaphore, #tpu.memory_space<semaphore_mem>>) src(%dma_wait3A_43 : memref<10000x128xi32, #tpu.memory_space<hbm>>) dst(%arg12 : memref<128x128xi32, #tpu.memory_space<vmem>>)
      %dma_wait3A_44 = arith.constant 0 : i32
      %dma_wait3A_45 = tpu.memref_slice %arg11[%while3A_18, %dma_wait3A_44] : memref<40x128xi32, #tpu.memory_space<vmem>> -> memref<1x128xi32, #tpu.memory_space<vmem>>
      %dma_wait3A_46 = tpu.memref_squeeze %dma_wait3A_45 : memref<1x128xi32, #tpu.memory_space<vmem>> -> memref<128xi32, #tpu.memory_space<vmem>>
      %dma_wait3A_47 = arith.constant 0 : i32
      %dma_wait3A_48 = arith.constant 0 : i32
      %dma_wait3A_49 = tpu.memref_slice %arg3[%dma_wait3A_47, %dma_wait3A_48] : memref<10000x128xi32, #tpu.memory_space<hbm>> -> memref<10000x128xi32, #tpu.memory_space<hbm>>
      tpu.wait_indirect_dma semaphore(%arg16 : memref<!tpu.dma_semaphore, #tpu.memory_space<semaphore_mem>>) src(%dma_wait3A_49 : memref<10000x128xi32, #tpu.memory_space<hbm>>) dst(%arg13 : memref<128x128xi32, #tpu.memory_space<vmem>>)
      %dma_wait3A_50 = arith.constant 0 : i32
      %dma_wait3A_51 = tpu.memref_slice %arg10[%while3A_18, %dma_wait3A_50] : memref<40x128xi32, #tpu.memory_space<vmem>> -> memref<1x128xi32, #tpu.memory_space<vmem>>
      %dma_wait3A_52 = tpu.memref_squeeze %dma_wait3A_51 : memref<1x128xi32, #tpu.memory_space<vmem>> -> memref<128xi32, #tpu.memory_space<vmem>>
      %dma_wait3A_53 = arith.constant 0 : i32
      %dma_wait3A_54 = arith.constant 0 : i32
      %dma_wait3A_55 = tpu.memref_slice %arg4[%dma_wait3A_53, %dma_wait3A_54] : memref<10000x128xi32, #tpu.memory_space<hbm>> -> memref<10000x128xi32, #tpu.memory_space<hbm>>
      tpu.wait_indirect_dma semaphore(%arg17 : memref<!tpu.dma_semaphore, #tpu.memory_space<semaphore_mem>>) src(%dma_wait3A_55 : memref<10000x128xi32, #tpu.memory_space<hbm>>) dst(%arg14 : memref<128x128xi32, #tpu.memory_space<vmem>>)
      "tpu.region"() ({
        %run_scoped3A = tpu.sem_alloc : memref<!tpu.dma_semaphore, #tpu.memory_space<semaphore_mem>>
        %dma_start3A_56 = arith.constant 0 : i32
        %dma_start3A_57 = tpu.memref_slice %arg7[%mul3A_21, %dma_start3A_56] : memref<163840x128xi32, #tpu.memory_space<hbm>> -> memref<128x128xi32, #tpu.memory_space<hbm>>
        %dma_start3A_58 = arith.constant 0 : i32
        %dma_start3A_59 = tpu.memref_slice %arg7[%mul3A_21, %dma_start3A_58] : memref<163840x128xi32, #tpu.memory_space<hbm>> -> memref<128x128xi32, #tpu.memory_space<hbm>>
        tpu.enqueue_dma source(%arg12 : memref<128x128xi32, #tpu.memory_space<vmem>>) target(%dma_start3A_59 : memref<128x128xi32, #tpu.memory_space<hbm>>) target_semaphore(%run_scoped3A : memref<!tpu.dma_semaphore, #tpu.memory_space<semaphore_mem>>)
        %dma_wait3A_60 = arith.constant 0 : i32
        %dma_wait3A_61 = tpu.memref_slice %arg7[%mul3A_21, %dma_wait3A_60] : memref<163840x128xi32, #tpu.memory_space<hbm>> -> memref<128x128xi32, #tpu.memory_space<hbm>>
        %dma_wait3A_62 = arith.constant 0 : i32
        %dma_wait3A_63 = tpu.memref_slice %arg7[%mul3A_21, %dma_wait3A_62] : memref<163840x128xi32, #tpu.memory_space<hbm>> -> memref<128x128xi32, #tpu.memory_space<hbm>>
        tpu.wait_dma2 semaphore(%run_scoped3A : memref<!tpu.dma_semaphore, #tpu.memory_space<semaphore_mem>>) src(%arg12 : memref<128x128xi32, #tpu.memory_space<vmem>>) dst(%dma_wait3A_63 : memref<128x128xi32, #tpu.memory_space<hbm>>)
        tpu.yield
      }) : () -> ()
      "tpu.region"() ({
        %run_scoped3A = tpu.sem_alloc : memref<!tpu.dma_semaphore, #tpu.memory_space<semaphore_mem>>
        %dma_start3A_56 = arith.constant 0 : i32
        %dma_start3A_57 = tpu.memref_slice %arg8[%mul3A_21, %dma_start3A_56] : memref<163840x128xi32, #tpu.memory_space<hbm>> -> memref<128x128xi32, #tpu.memory_space<hbm>>
        %dma_start3A_58 = arith.constant 0 : i32
        %dma_start3A_59 = tpu.memref_slice %arg8[%mul3A_21, %dma_start3A_58] : memref<163840x128xi32, #tpu.memory_space<hbm>> -> memref<128x128xi32, #tpu.memory_space<hbm>>
        tpu.enqueue_dma source(%arg13 : memref<128x128xi32, #tpu.memory_space<vmem>>) target(%dma_start3A_59 : memref<128x128xi32, #tpu.memory_space<hbm>>) target_semaphore(%run_scoped3A : memref<!tpu.dma_semaphore, #tpu.memory_space<semaphore_mem>>)
        %dma_wait3A_60 = arith.constant 0 : i32
        %dma_wait3A_61 = tpu.memref_slice %arg8[%mul3A_21, %dma_wait3A_60] : memref<163840x128xi32, #tpu.memory_space<hbm>> -> memref<128x128xi32, #tpu.memory_space<hbm>>
        %dma_wait3A_62 = arith.constant 0 : i32
        %dma_wait3A_63 = tpu.memref_slice %arg8[%mul3A_21, %dma_wait3A_62] : memref<163840x128xi32, #tpu.memory_space<hbm>> -> memref<128x128xi32, #tpu.memory_space<hbm>>
        tpu.wait_dma2 semaphore(%run_scoped3A : memref<!tpu.dma_semaphore, #tpu.memory_space<semaphore_mem>>) src(%arg13 : memref<128x128xi32, #tpu.memory_space<vmem>>) dst(%dma_wait3A_63 : memref<128x128xi32, #tpu.memory_space<hbm>>)
        tpu.yield
      }) : () -> ()
      "tpu.region"() ({
        %run_scoped3A = tpu.sem_alloc : memref<!tpu.dma_semaphore, #tpu.memory_space<semaphore_mem>>
        %dma_start3A_56 = arith.constant 0 : i32
        %dma_start3A_57 = tpu.memref_slice %arg9[%mul3A_21, %dma_start3A_56] : memref<163840x128xi32, #tpu.memory_space<hbm>> -> memref<128x128xi32, #tpu.memory_space<hbm>>
        %dma_start3A_58 = arith.constant 0 : i32
        %dma_start3A_59 = tpu.memref_slice %arg9[%mul3A_21, %dma_start3A_58] : memref<163840x128xi32, #tpu.memory_space<hbm>> -> memref<128x128xi32, #tpu.memory_space<hbm>>
        tpu.enqueue_dma source(%arg14 : memref<128x128xi32, #tpu.memory_space<vmem>>) target(%dma_start3A_59 : memref<128x128xi32, #tpu.memory_space<hbm>>) target_semaphore(%run_scoped3A : memref<!tpu.dma_semaphore, #tpu.memory_space<semaphore_mem>>)
        %dma_wait3A_60 = arith.constant 0 : i32
        %dma_wait3A_61 = tpu.memref_slice %arg9[%mul3A_21, %dma_wait3A_60] : memref<163840x128xi32, #tpu.memory_space<hbm>> -> memref<128x128xi32, #tpu.memory_space<hbm>>
        %dma_wait3A_62 = arith.constant 0 : i32
        %dma_wait3A_63 = tpu.memref_slice %arg9[%mul3A_21, %dma_wait3A_62] : memref<163840x128xi32, #tpu.memory_space<hbm>> -> memref<128x128xi32, #tpu.memory_space<hbm>>
        tpu.wait_dma2 semaphore(%run_scoped3A : memref<!tpu.dma_semaphore, #tpu.memory_space<semaphore_mem>>) src(%arg14 : memref<128x128xi32, #tpu.memory_space<vmem>>) dst(%dma_wait3A_63 : memref<128x128xi32, #tpu.memory_space<hbm>>)
        tpu.yield
      }) : () -> ()
    }
    %while3A_17 = arith.constant 1 : i32
    scf.for %while3A_18 = %while3A_15 to %while3A_11 step %while3A_17  : i32 {
      %add3A_19 = arith.addi %select_n3A_8, %while3A_18 : i32
      %mul3A_20 = arith.constant 128 : i32
      %mul3A_21 = arith.muli %add3A_19, %mul3A_20 : i32
      %dma_start3A = arith.constant 0 : i32
      %dma_start3A_22 = tpu.memref_slice %arg10[%while3A_18, %dma_start3A] : memref<40x128xi32, #tpu.memory_space<vmem>> -> memref<1x128xi32, #tpu.memory_space<vmem>>
      %dma_start3A_23 = tpu.memref_squeeze %dma_start3A_22 : memref<1x128xi32, #tpu.memory_space<vmem>> -> memref<128xi32, #tpu.memory_space<vmem>>
      %dma_start3A_24 = arith.constant 0 : i32
      %dma_start3A_25 = arith.constant 0 : i32
      %dma_start3A_26 = tpu.memref_slice %arg2[%dma_start3A_24, %dma_start3A_25] : memref<10000x128xi32, #tpu.memory_space<hbm>> -> memref<10000x128xi32, #tpu.memory_space<hbm>>
      tpu.enqueue_indirect_dma source(%dma_start3A_26 : memref<10000x128xi32, #tpu.memory_space<hbm>>) target(%arg12 : memref<128x128xi32, #tpu.memory_space<vmem>>) offsets(%dma_start3A_23 : memref<128xi32, #tpu.memory_space<vmem>>) semaphore(%arg15 : memref<!tpu.dma_semaphore, #tpu.memory_space<semaphore_mem>>)
      %dma_start3A_27 = arith.constant 0 : i32
      %dma_start3A_28 = tpu.memref_slice %arg11[%while3A_18, %dma_start3A_27] : memref<40x128xi32, #tpu.memory_space<vmem>> -> memref<1x128xi32, #tpu.memory_space<vmem>>
      %dma_start3A_29 = tpu.memref_squeeze %dma_start3A_28 : memref<1x128xi32, #tpu.memory_space<vmem>> -> memref<128xi32, #tpu.memory_space<vmem>>
      %dma_start3A_30 = arith.constant 0 : i32
      %dma_start3A_31 = arith.constant 0 : i32
      %dma_start3A_32 = tpu.memref_slice %arg3[%dma_start3A_30, %dma_start3A_31] : memref<10000x128xi32, #tpu.memory_space<hbm>> -> memref<10000x128xi32, #tpu.memory_space<hbm>>
      tpu.enqueue_indirect_dma source(%dma_start3A_32 : memref<10000x128xi32, #tpu.memory_space<hbm>>) target(%arg13 : memref<128x128xi32, #tpu.memory_space<vmem>>) offsets(%dma_start3A_29 : memref<128xi32, #tpu.memory_space<vmem>>) semaphore(%arg16 : memref<!tpu.dma_semaphore, #tpu.memory_space<semaphore_mem>>)
      %dma_start3A_33 = arith.constant 0 : i32
      %dma_start3A_34 = tpu.memref_slice %arg10[%while3A_18, %dma_start3A_33] : memref<40x128xi32, #tpu.memory_space<vmem>> -> memref<1x128xi32, #tpu.memory_space<vmem>>
      %dma_start3A_35 = tpu.memref_squeeze %dma_start3A_34 : memref<1x128xi32, #tpu.memory_space<vmem>> -> memref<128xi32, #tpu.memory_space<vmem>>
      %dma_start3A_36 = arith.constant 0 : i32
      %dma_start3A_37 = arith.constant 0 : i32
      %dma_start3A_38 = tpu.memref_slice %arg4[%dma_start3A_36, %dma_start3A_37] : memref<10000x128xi32, #tpu.memory_space<hbm>> -> memref<10000x128xi32, #tpu.memory_space<hbm>>
      tpu.enqueue_indirect_dma source(%dma_start3A_38 : memref<10000x128xi32, #tpu.memory_space<hbm>>) target(%arg14 : memref<128x128xi32, #tpu.memory_space<vmem>>) offsets(%dma_start3A_35 : memref<128xi32, #tpu.memory_space<vmem>>) semaphore(%arg17 : memref<!tpu.dma_semaphore, #tpu.memory_space<semaphore_mem>>)
      %dma_wait3A = arith.constant 0 : i32
      %dma_wait3A_39 = tpu.memref_slice %arg10[%while3A_18, %dma_wait3A] : memref<40x128xi32, #tpu.memory_space<vmem>> -> memref<1x128xi32, #tpu.memory_space<vmem>>
      %dma_wait3A_40 = tpu.memref_squeeze %dma_wait3A_39 : memref<1x128xi32, #tpu.memory_space<vmem>> -> memref<128xi32, #tpu.memory_space<vmem>>
      %dma_wait3A_41 = arith.constant 0 : i32
      %dma_wait3A_42 = arith.constant 0 : i32
      %dma_wait3A_43 = tpu.memref_slice %arg2[%dma_wait3A_41, %dma_wait3A_42] : memref<10000x128xi32, #tpu.memory_space<hbm>> -> memref<10000x128xi32, #tpu.memory_space<hbm>>
      tpu.wait_indirect_dma semaphore(%arg15 : memref<!tpu.dma_semaphore, #tpu.memory_space<semaphore_mem>>) src(%dma_wait3A_43 : memref<10000x128xi32, #tpu.memory_space<hbm>>) dst(%arg12 : memref<128x128xi32, #tpu.memory_space<vmem>>)
      %dma_wait3A_44 = arith.constant 0 : i32
      %dma_wait3A_45 = tpu.memref_slice %arg11[%while3A_18, %dma_wait3A_44] : memref<40x128xi32, #tpu.memory_space<vmem>> -> memref<1x128xi32, #tpu.memory_space<vmem>>
      %dma_wait3A_46 = tpu.memref_squeeze %dma_wait3A_45 : memref<1x128xi32, #tpu.memory_space<vmem>> -> memref<128xi32, #tpu.memory_space<vmem>>
      %dma_wait3A_47 = arith.constant 0 : i32
      %dma_wait3A_48 = arith.constant 0 : i32
      %dma_wait3A_49 = tpu.memref_slice %arg3[%dma_wait3A_47, %dma_wait3A_48] : memref<10000x128xi32, #tpu.memory_space<hbm>> -> memref<10000x128xi32, #tpu.memory_space<hbm>>
      tpu.wait_indirect_dma semaphore(%arg16 : memref<!tpu.dma_semaphore, #tpu.memory_space<semaphore_mem>>) src(%dma_wait3A_49 : memref<10000x128xi32, #tpu.memory_space<hbm>>) dst(%arg13 : memref<128x128xi32, #tpu.memory_space<vmem>>)
      %dma_wait3A_50 = arith.constant 0 : i32
      %dma_wait3A_51 = tpu.memref_slice %arg10[%while3A_18, %dma_wait3A_50] : memref<40x128xi32, #tpu.memory_space<vmem>> -> memref<1x128xi32, #tpu.memory_space<vmem>>
      %dma_wait3A_52 = tpu.memref_squeeze %dma_wait3A_51 : memref<1x128xi32, #tpu.memory_space<vmem>> -> memref<128xi32, #tpu.memory_space<vmem>>
      %dma_wait3A_53 = arith.constant 0 : i32
      %dma_wait3A_54 = arith.constant 0 : i32
      %dma_wait3A_55 = tpu.memref_slice %arg4[%dma_wait3A_53, %dma_wait3A_54] : memref<10000x128xi32, #tpu.memory_space<hbm>> -> memref<10000x128xi32, #tpu.memory_space<hbm>>
      tpu.wait_indirect_dma semaphore(%arg17 : memref<!tpu.dma_semaphore, #tpu.memory_space<semaphore_mem>>) src(%dma_wait3A_55 : memref<10000x128xi32, #tpu.memory_space<hbm>>) dst(%arg14 : memref<128x128xi32, #tpu.memory_space<vmem>>)
      "tpu.region"() ({
        %run_scoped3A = tpu.sem_alloc : memref<!tpu.dma_semaphore, #tpu.memory_space<semaphore_mem>>
        %dma_start3A_56 = arith.constant 0 : i32
        %dma_start3A_57 = tpu.memref_slice %arg7[%mul3A_21, %dma_start3A_56] : memref<163840x128xi32, #tpu.memory_space<hbm>> -> memref<128x128xi32, #tpu.memory_space<hbm>>
        %dma_start3A_58 = arith.constant 0 : i32
        %dma_start3A_59 = tpu.memref_slice %arg7[%mul3A_21, %dma_start3A_58] : memref<163840x128xi32, #tpu.memory_space<hbm>> -> memref<128x128xi32, #tpu.memory_space<hbm>>
        tpu.enqueue_dma source(%arg12 : memref<128x128xi32, #tpu.memory_space<vmem>>) target(%dma_start3A_59 : memref<128x128xi32, #tpu.memory_space<hbm>>) target_semaphore(%run_scoped3A : memref<!tpu.dma_semaphore, #tpu.memory_space<semaphore_mem>>)
        %dma_wait3A_60 = arith.constant 0 : i32
        %dma_wait3A_61 = tpu.memref_slice %arg7[%mul3A_21, %dma_wait3A_60] : memref<163840x128xi32, #tpu.memory_space<hbm>> -> memref<128x128xi32, #tpu.memory_space<hbm>>
        %dma_wait3A_62 = arith.constant 0 : i32
        %dma_wait3A_63 = tpu.memref_slice %arg7[%mul3A_21, %dma_wait3A_62] : memref<163840x128xi32, #tpu.memory_space<hbm>> -> memref<128x128xi32, #tpu.memory_space<hbm>>
        tpu.wait_dma2 semaphore(%run_scoped3A : memref<!tpu.dma_semaphore, #tpu.memory_space<semaphore_mem>>) src(%arg12 : memref<128x128xi32, #tpu.memory_space<vmem>>) dst(%dma_wait3A_63 : memref<128x128xi32, #tpu.memory_space<hbm>>)
        tpu.yield
      }) : () -> ()
      "tpu.region"() ({
        %run_scoped3A = tpu.sem_alloc : memref<!tpu.dma_semaphore, #tpu.memory_space<semaphore_mem>>
        %dma_start3A_56 = arith.constant 0 : i32
        %dma_start3A_57 = tpu.memref_slice %arg8[%mul3A_21, %dma_start3A_56] : memref<163840x128xi32, #tpu.memory_space<hbm>> -> memref<128x128xi32, #tpu.memory_space<hbm>>
        %dma_start3A_58 = arith.constant 0 : i32
        %dma_start3A_59 = tpu.memref_slice %arg8[%mul3A_21, %dma_start3A_58] : memref<163840x128xi32, #tpu.memory_space<hbm>> -> memref<128x128xi32, #tpu.memory_space<hbm>>
        tpu.enqueue_dma source(%arg13 : memref<128x128xi32, #tpu.memory_space<vmem>>) target(%dma_start3A_59 : memref<128x128xi32, #tpu.memory_space<hbm>>) target_semaphore(%run_scoped3A : memref<!tpu.dma_semaphore, #tpu.memory_space<semaphore_mem>>)
        %dma_wait3A_60 = arith.constant 0 : i32
        %dma_wait3A_61 = tpu.memref_slice %arg8[%mul3A_21, %dma_wait3A_60] : memref<163840x128xi32, #tpu.memory_space<hbm>> -> memref<128x128xi32, #tpu.memory_space<hbm>>
        %dma_wait3A_62 = arith.constant 0 : i32
        %dma_wait3A_63 = tpu.memref_slice %arg8[%mul3A_21, %dma_wait3A_62] : memref<163840x128xi32, #tpu.memory_space<hbm>> -> memref<128x128xi32, #tpu.memory_space<hbm>>
        tpu.wait_dma2 semaphore(%run_scoped3A : memref<!tpu.dma_semaphore, #tpu.memory_space<semaphore_mem>>) src(%arg13 : memref<128x128xi32, #tpu.memory_space<vmem>>) dst(%dma_wait3A_63 : memref<128x128xi32, #tpu.memory_space<hbm>>)
        tpu.yield
      }) : () -> ()
      "tpu.region"() ({
        %run_scoped3A = tpu.sem_alloc : memref<!tpu.dma_semaphore, #tpu.memory_space<semaphore_mem>>
        %dma_start3A_56 = arith.constant 0 : i32
        %dma_start3A_57 = tpu.memref_slice %arg9[%mul3A_21, %dma_start3A_56] : memref<163840x128xi32, #tpu.memory_space<hbm>> -> memref<128x128xi32, #tpu.memory_space<hbm>>
        %dma_start3A_58 = arith.constant 0 : i32
        %dma_start3A_59 = tpu.memref_slice %arg9[%mul3A_21, %dma_start3A_58] : memref<163840x128xi32, #tpu.memory_space<hbm>> -> memref<128x128xi32, #tpu.memory_space<hbm>>
        tpu.enqueue_dma source(%arg14 : memref<128x128xi32, #tpu.memory_space<vmem>>) target(%dma_start3A_59 : memref<128x128xi32, #tpu.memory_space<hbm>>) target_semaphore(%run_scoped3A : memref<!tpu.dma_semaphore, #tpu.memory_space<semaphore_mem>>)
        %dma_wait3A_60 = arith.constant 0 : i32
        %dma_wait3A_61 = tpu.memref_slice %arg9[%mul3A_21, %dma_wait3A_60] : memref<163840x128xi32, #tpu.memory_space<hbm>> -> memref<128x128xi32, #tpu.memory_space<hbm>>
        %dma_wait3A_62 = arith.constant 0 : i32
        %dma_wait3A_63 = tpu.memref_slice %arg9[%mul3A_21, %dma_wait3A_62] : memref<163840x128xi32, #tpu.memory_space<hbm>> -> memref<128x128xi32, #tpu.memory_space<hbm>>
        tpu.wait_dma2 semaphore(%run_scoped3A : memref<!tpu.dma_semaphore, #tpu.memory_space<semaphore_mem>>) src(%arg14 : memref<128x128xi32, #tpu.memory_space<vmem>>) dst(%dma_wait3A_63 : memref<128x128xi32, #tpu.memory_space<hbm>>)
        tpu.yield
      }) : () -> ()
    }
    return
  }
}

module attributes {stable_mosaic.version = 14 : i64} {
  func.func @_edge_body(%arg0: i32, %arg1: memref<2000x256xf32, #tpu.memory_space<vmem>>, %arg2: memref<2000x128xi32, #tpu.memory_space<vmem>>, %arg3: memref<2000x128xi32, #tpu.memory_space<vmem>>, %arg4: memref<2000x128xi32, #tpu.memory_space<vmem>>, %arg5: memref<256x256xf32, #tpu.memory_space<vmem>>, %arg6: memref<1x256xf32, #tpu.memory_space<vmem>>, %arg7: memref<2000x128xi32, #tpu.memory_space<vmem>>, %arg8: memref<2000x128xf32, #tpu.memory_space<vmem>>, %arg9: memref<2000x128xf32, #tpu.memory_space<vmem>>, %arg10: memref<2000x128xf32, #tpu.memory_space<vmem>>, %arg11: memref<2000x128xf32, #tpu.memory_space<vmem>>, %arg12: memref<2x256xf32, #tpu.memory_space<vmem>>) attributes {dimension_semantics = [#tpu.dimension_semantics<arbitrary>], iteration_bounds = array<i64: 80>, scalar_prefetch = 0 : i64, scratch_operands = 0 : i64, tpu.core_type = #tpu.core_type<tc>, window_params = [{transform_indices = @transform_0, window_bounds = array<i64: 2000, 256>}, {transform_indices = @transform_1, window_bounds = array<i64: 2000, 128>}, {transform_indices = @transform_2, window_bounds = array<i64: 2000, 128>}, {transform_indices = @transform_3, window_bounds = array<i64: 2000, 128>}, {pipeline_mode = #tpu.pipeline_mode<synchronous>, transform_indices = @transform_4, window_bounds = array<i64: 256, 256>}, {pipeline_mode = #tpu.pipeline_mode<synchronous>, transform_indices = @transform_5, window_bounds = array<i64: 1, 256>}, {transform_indices = @transform_6, window_bounds = array<i64: 2000, 128>}, {transform_indices = @transform_7, window_bounds = array<i64: 2000, 128>}, {transform_indices = @transform_8, window_bounds = array<i64: 2000, 128>}, {transform_indices = @transform_9, window_bounds = array<i64: 2000, 128>}, {transform_indices = @transform_10, window_bounds = array<i64: 2000, 128>}, {pipeline_mode = #tpu.pipeline_mode<synchronous>, transform_indices = @transform_11, window_bounds = array<i64: 2, 256>}]} {
    %get3A = arith.constant 0 : index
    %get3A_0 = arith.constant 0 : index
    %get3A_1 = vector.load %arg1[%get3A, %get3A_0] : memref<2000x256xf32, #tpu.memory_space<vmem>>, vector<2000x256xf32>
    %get3A_2 = arith.constant 0 : index
    %get3A_3 = arith.constant 0 : index
    %get3A_4 = vector.load %arg5[%get3A_2, %get3A_3] : memref<256x256xf32, #tpu.memory_space<vmem>>, vector<256x256xf32>
    %dot_general3A = arith.constant dense<0.000000e+00> : vector<2000x256xf32>
    %dot_general3A_5 = tpu.matmul %get3A_1, %get3A_4, %dot_general3A {dimension_numbers = #tpu.dot_dimension_numbers<[1], [0], [0], [1], [0, 0, 1, 1], [], []>, transpose_lhs_hint = false} : vector<2000x256xf32>, vector<256x256xf32>, vector<2000x256xf32> -> vector<2000x256xf32>
    %get3A_6 = arith.constant 0 : index
    %get3A_7 = arith.constant 0 : index
    %get3A_8 = vector.load %arg6[%get3A_6, %get3A_7] : memref<1x256xf32, #tpu.memory_space<vmem>>, vector<1x256xf32>
    %add3A = vector.broadcast %get3A_8 : vector<1x256xf32> to vector<2000x256xf32>
    %add3A_9 = arith.addf %dot_general3A_5, %add3A : vector<2000x256xf32>
    %get3A_10 = arith.constant 0 : index
    %get3A_11 = arith.constant 0 : index
    %get3A_12 = vector.load %arg2[%get3A_10, %get3A_11] : memref<2000x128xi32, #tpu.memory_space<vmem>>, vector<2000x128xi32>
    %bitcast_convert_type3A = tpu.bitcast %get3A_12 : vector<2000x128xi32> -> vector<2000x128xi32>
    %shift_left3A = arith.constant 16 : i32
    %shift_left3A_13 = vector.broadcast %shift_left3A : i32 to vector<2000x128xi32>
    %shift_left3A_14 = arith.shli %bitcast_convert_type3A, %shift_left3A_13 : vector<2000x128xi32>
    %bitcast_convert_type3A_15 = tpu.bitcast %shift_left3A_14 : vector<2000x128xi32> -> vector<2000x128xf32>
    %and3A = arith.constant -65536 : i32
    %and3A_16 = vector.broadcast %and3A : i32 to vector<2000x128xi32>
    %and3A_17 = arith.andi %bitcast_convert_type3A, %and3A_16 : vector<2000x128xi32>
    %bitcast_convert_type3A_18 = tpu.bitcast %and3A_17 : vector<2000x128xi32> -> vector<2000x128xf32>
    %concatenate3A = tpu.concatenate %bitcast_convert_type3A_15, %bitcast_convert_type3A_18 in 1 : vector<2000x128xf32>, vector<2000x128xf32> -> vector<2000x256xf32>
    %add3A_19 = arith.addf %add3A_9, %concatenate3A : vector<2000x256xf32>
    %get3A_20 = arith.constant 0 : index
    %get3A_21 = arith.constant 0 : index
    %get3A_22 = vector.load %arg3[%get3A_20, %get3A_21] : memref<2000x128xi32, #tpu.memory_space<vmem>>, vector<2000x128xi32>
    %bitcast_convert_type3A_23 = tpu.bitcast %get3A_22 : vector<2000x128xi32> -> vector<2000x128xi32>
    %shift_left3A_24 = arith.constant 16 : i32
    %shift_left3A_25 = vector.broadcast %shift_left3A_24 : i32 to vector<2000x128xi32>
    %shift_left3A_26 = arith.shli %bitcast_convert_type3A_23, %shift_left3A_25 : vector<2000x128xi32>
    %bitcast_convert_type3A_27 = tpu.bitcast %shift_left3A_26 : vector<2000x128xi32> -> vector<2000x128xf32>
    %and3A_28 = arith.constant -65536 : i32
    %and3A_29 = vector.broadcast %and3A_28 : i32 to vector<2000x128xi32>
    %and3A_30 = arith.andi %bitcast_convert_type3A_23, %and3A_29 : vector<2000x128xi32>
    %bitcast_convert_type3A_31 = tpu.bitcast %and3A_30 : vector<2000x128xi32> -> vector<2000x128xf32>
    %concatenate3A_32 = tpu.concatenate %bitcast_convert_type3A_27, %bitcast_convert_type3A_31 in 1 : vector<2000x128xf32>, vector<2000x128xf32> -> vector<2000x256xf32>
    %add3A_33 = arith.addf %add3A_19, %concatenate3A_32 : vector<2000x256xf32>
    %logistic3A = arith.negf %add3A_33 : vector<2000x256xf32>
    %logistic3A_34 = math.exp %logistic3A : vector<2000x256xf32>
    %logistic3A_35 = arith.constant 1.000000e+00 : f32
    %logistic3A_36 = vector.broadcast %logistic3A_35 : f32 to vector<2000x256xf32>
    %logistic3A_37 = arith.addf %logistic3A_36, %logistic3A_34 : vector<2000x256xf32>
    %logistic3A_38 = arith.divf %logistic3A_36, %logistic3A_37 : vector<2000x256xf32>
    %bitcast_convert_type3A_39 = tpu.bitcast %add3A_33 : vector<2000x256xf32> -> vector<2000x256xi32>
    %add3A_40 = arith.constant 32767 : i32
    %add3A_41 = vector.broadcast %add3A_40 : i32 to vector<2000x256xi32>
    %add3A_42 = arith.addi %bitcast_convert_type3A_39, %add3A_41 : vector<2000x256xi32>
    %shift_right_logical3A = arith.constant 16 : i32
    %shift_right_logical3A_43 = vector.broadcast %shift_right_logical3A : i32 to vector<2000x256xi32>
    %shift_right_logical3A_44 = arith.shrui %bitcast_convert_type3A_39, %shift_right_logical3A_43 : vector<2000x256xi32>
    %and3A_45 = arith.constant 1 : i32
    %and3A_46 = vector.broadcast %and3A_45 : i32 to vector<2000x256xi32>
    %and3A_47 = arith.andi %shift_right_logical3A_44, %and3A_46 : vector<2000x256xi32>
    %add3A_48 = arith.addi %add3A_42, %and3A_47 : vector<2000x256xi32>
    %slice3A = vector.extract_strided_slice %add3A_48 {offsets = [0, 0], sizes = [2000, 128], strides = [1, 1]} : vector<2000x256xi32> to vector<2000x128xi32>
    %shift_right_logical3A_49 = arith.constant 16 : i32
    %shift_right_logical3A_50 = vector.broadcast %shift_right_logical3A_49 : i32 to vector<2000x128xi32>
    %shift_right_logical3A_51 = arith.shrui %slice3A, %shift_right_logical3A_50 : vector<2000x128xi32>
    %slice3A_52 = vector.extract_strided_slice %add3A_48 {offsets = [0, 128], sizes = [2000, 128], strides = [1, 1]} : vector<2000x256xi32> to vector<2000x128xi32>
    %and3A_53 = arith.constant -65536 : i32
    %and3A_54 = vector.broadcast %and3A_53 : i32 to vector<2000x128xi32>
    %and3A_55 = arith.andi %slice3A_52, %and3A_54 : vector<2000x128xi32>
    %or3A = arith.ori %and3A_55, %shift_right_logical3A_51 : vector<2000x128xi32>
    %bitcast_convert_type3A_56 = tpu.bitcast %or3A : vector<2000x128xi32> -> vector<2000x128xi32>
    %swap3A = arith.constant 0 : index
    %swap3A_57 = arith.constant 0 : index
    %swap3A_58 = vector.load %arg7[%swap3A, %swap3A_57] : memref<2000x128xi32, #tpu.memory_space<vmem>>, vector<2000x128xi32>
    tpu.vector_store %arg7[%swap3A, %swap3A_57], %bitcast_convert_type3A_56 {strides = array<i32>} : memref<2000x128xi32, #tpu.memory_space<vmem>>, vector<2000x128xi32>,
    %get3A_59 = arith.constant 0 : index
    %get3A_60 = arith.constant 0 : index
    %get3A_61 = vector.load %arg4[%get3A_59, %get3A_60] : memref<2000x128xi32, #tpu.memory_space<vmem>>, vector<2000x128xi32>
    %bitcast_convert_type3A_62 = tpu.bitcast %get3A_61 : vector<2000x128xi32> -> vector<2000x128xi32>
    %shift_left3A_63 = arith.constant 16 : i32
    %shift_left3A_64 = vector.broadcast %shift_left3A_63 : i32 to vector<2000x128xi32>
    %shift_left3A_65 = arith.shli %bitcast_convert_type3A_62, %shift_left3A_64 : vector<2000x128xi32>
    %bitcast_convert_type3A_66 = tpu.bitcast %shift_left3A_65 : vector<2000x128xi32> -> vector<2000x128xf32>
    %and3A_67 = arith.constant -65536 : i32
    %and3A_68 = vector.broadcast %and3A_67 : i32 to vector<2000x128xi32>
    %and3A_69 = arith.andi %bitcast_convert_type3A_62, %and3A_68 : vector<2000x128xi32>
    %bitcast_convert_type3A_70 = tpu.bitcast %and3A_69 : vector<2000x128xi32> -> vector<2000x128xf32>
    %concatenate3A_71 = tpu.concatenate %bitcast_convert_type3A_66, %bitcast_convert_type3A_70 in 1 : vector<2000x128xf32>, vector<2000x128xf32> -> vector<2000x256xf32>
    %mul3A = arith.mulf %logistic3A_38, %concatenate3A_71 : vector<2000x256xf32>
    %slice3A_72 = vector.extract_strided_slice %mul3A {offsets = [0, 0], sizes = [2000, 128], strides = [1, 1]} : vector<2000x256xf32> to vector<2000x128xf32>
    %swap3A_73 = arith.constant 0 : index
    %swap3A_74 = arith.constant 0 : index
    %swap3A_75 = vector.load %arg8[%swap3A_73, %swap3A_74] : memref<2000x128xf32, #tpu.memory_space<vmem>>, vector<2000x128xf32>
    tpu.vector_store %arg8[%swap3A_73, %swap3A_74], %slice3A_72 {strides = array<i32>} : memref<2000x128xf32, #tpu.memory_space<vmem>>, vector<2000x128xf32>,
    %slice3A_76 = vector.extract_strided_slice %mul3A {offsets = [0, 128], sizes = [2000, 128], strides = [1, 1]} : vector<2000x256xf32> to vector<2000x128xf32>
    %swap3A_77 = arith.constant 0 : index
    %swap3A_78 = arith.constant 0 : index
    %swap3A_79 = vector.load %arg9[%swap3A_77, %swap3A_78] : memref<2000x128xf32, #tpu.memory_space<vmem>>, vector<2000x128xf32>
    tpu.vector_store %arg9[%swap3A_77, %swap3A_78], %slice3A_76 {strides = array<i32>} : memref<2000x128xf32, #tpu.memory_space<vmem>>, vector<2000x128xf32>,
    %slice3A_80 = vector.extract_strided_slice %logistic3A_38 {offsets = [0, 0], sizes = [2000, 128], strides = [1, 1]} : vector<2000x256xf32> to vector<2000x128xf32>
    %swap3A_81 = arith.constant 0 : index
    %swap3A_82 = arith.constant 0 : index
    %swap3A_83 = vector.load %arg10[%swap3A_81, %swap3A_82] : memref<2000x128xf32, #tpu.memory_space<vmem>>, vector<2000x128xf32>
    tpu.vector_store %arg10[%swap3A_81, %swap3A_82], %slice3A_80 {strides = array<i32>} : memref<2000x128xf32, #tpu.memory_space<vmem>>, vector<2000x128xf32>,
    %slice3A_84 = vector.extract_strided_slice %logistic3A_38 {offsets = [0, 128], sizes = [2000, 128], strides = [1, 1]} : vector<2000x256xf32> to vector<2000x128xf32>
    %swap3A_85 = arith.constant 0 : index
    %swap3A_86 = arith.constant 0 : index
    %swap3A_87 = vector.load %arg11[%swap3A_85, %swap3A_86] : memref<2000x128xf32, #tpu.memory_space<vmem>>, vector<2000x128xf32>
    tpu.vector_store %arg11[%swap3A_85, %swap3A_86], %slice3A_84 {strides = array<i32>} : memref<2000x128xf32, #tpu.memory_space<vmem>>, vector<2000x128xf32>,
    %eq3A = arith.constant 0 : i32
    %eq3A_88 = arith.cmpi eq, %arg0, %eq3A : i32
    %convert_element_type3A = arith.extui %eq3A_88 : i1 to i32
    %cond3A = arith.constant 0 : i32
    %cond3A_89 = arith.cmpi ne, %convert_element_type3A, %cond3A : i32
    scf.if %cond3A_89 {
      %broadcast_in_dim3A_109 = arith.constant 0.000000e+00 : f32
      %broadcast_in_dim3A_110 = vector.broadcast %broadcast_in_dim3A_109 : f32 to vector<2x256xf32>
      %swap3A_111 = arith.constant 0 : index
      %swap3A_112 = arith.constant 0 : index
      %swap3A_113 = vector.load %arg12[%swap3A_111, %swap3A_112] : memref<2x256xf32, #tpu.memory_space<vmem>>, vector<2x256xf32>
      tpu.vector_store %arg12[%swap3A_111, %swap3A_112], %broadcast_in_dim3A_110 {strides = array<i32>} : memref<2x256xf32, #tpu.memory_space<vmem>>, vector<2x256xf32>,
    } else {
    }
    %get3A_90 = arith.constant 0 : index
    %get3A_91 = arith.constant 0 : index
    %get3A_92 = vector.load %arg12[%get3A_90, %get3A_91] : memref<2x256xf32, #tpu.memory_space<vmem>>, vector<1x256xf32>
    %reduce_sum3A = arith.constant dense<0.000000e+00> : vector<256xf32>
    %reduce_sum3A_93 = vector.multi_reduction <add>, %add3A_33, %reduce_sum3A [0] : vector<2000x256xf32> to vector<256xf32>
    %broadcast_in_dim3A = vector.shape_cast %reduce_sum3A_93 : vector<256xf32> to vector<1x256xf32>
    %add3A_94 = arith.addf %get3A_92, %broadcast_in_dim3A : vector<1x256xf32>
    %swap3A_95 = arith.constant 0 : index
    %swap3A_96 = arith.constant 0 : index
    %swap3A_97 = vector.load %arg12[%swap3A_95, %swap3A_96] : memref<2x256xf32, #tpu.memory_space<vmem>>, vector<1x256xf32>
    tpu.vector_store %arg12[%swap3A_95, %swap3A_96], %add3A_94 {strides = array<i32>} : memref<2x256xf32, #tpu.memory_space<vmem>>, vector<1x256xf32>,
    %get3A_98 = arith.constant 1 : index
    %get3A_99 = arith.constant 0 : index
    %get3A_100 = vector.load %arg12[%get3A_98, %get3A_99] : memref<2x256xf32, #tpu.memory_space<vmem>>, vector<1x256xf32>
    %mul3A_101 = arith.mulf %add3A_33, %add3A_33 : vector<2000x256xf32>
    %reduce_sum3A_102 = arith.constant dense<0.000000e+00> : vector<256xf32>
    %reduce_sum3A_103 = vector.multi_reduction <add>, %mul3A_101, %reduce_sum3A_102 [0] : vector<2000x256xf32> to vector<256xf32>
    %broadcast_in_dim3A_104 = vector.shape_cast %reduce_sum3A_103 : vector<256xf32> to vector<1x256xf32>
    %add3A_105 = arith.addf %get3A_100, %broadcast_in_dim3A_104 : vector<1x256xf32>
    %swap3A_106 = arith.constant 1 : index
    %swap3A_107 = arith.constant 0 : index
    %swap3A_108 = vector.load %arg12[%swap3A_106, %swap3A_107] : memref<2x256xf32, #tpu.memory_space<vmem>>, vector<1x256xf32>
    tpu.vector_store %arg12[%swap3A_106, %swap3A_107], %add3A_105 {strides = array<i32>} : memref<2x256xf32, #tpu.memory_space<vmem>>, vector<1x256xf32>,
    return
  }
  func.func @transform_0(%arg0: i32) -> (i32, i32) {
    %c0_i32 = arith.constant 0 : i32
    %c0_i32_0 = arith.constant 0 : i32
    return %arg0, %c0_i32 : i32, i32
  }
  func.func @transform_1(%arg0: i32) -> (i32, i32) {
    %c0_i32 = arith.constant 0 : i32
    %c0_i32_0 = arith.constant 0 : i32
    return %arg0, %c0_i32 : i32, i32
  }
  func.func @transform_2(%arg0: i32) -> (i32, i32) {
    %c0_i32 = arith.constant 0 : i32
    %c0_i32_0 = arith.constant 0 : i32
    return %arg0, %c0_i32 : i32, i32
  }
  func.func @transform_3(%arg0: i32) -> (i32, i32) {
    %c0_i32 = arith.constant 0 : i32
    %c0_i32_0 = arith.constant 0 : i32
    return %arg0, %c0_i32 : i32, i32
  }
  func.func @transform_4(%arg0: i32) -> (i32, i32) {
    %c0_i32 = arith.constant 0 : i32
    %c0_i32_0 = arith.constant 0 : i32
    %c0_i32_1 = arith.constant 0 : i32
    return %c0_i32, %c0_i32_0 : i32, i32
  }
  func.func @transform_5(%arg0: i32) -> (i32, i32) {
    %c0_i32 = arith.constant 0 : i32
    %c0_i32_0 = arith.constant 0 : i32
    %c0_i32_1 = arith.constant 0 : i32
    return %c0_i32, %c0_i32_0 : i32, i32
  }
  func.func @transform_6(%arg0: i32) -> (i32, i32) {
    %c0_i32 = arith.constant 0 : i32
    %c0_i32_0 = arith.constant 0 : i32
    return %arg0, %c0_i32 : i32, i32
  }
  func.func @transform_7(%arg0: i32) -> (i32, i32) {
    %c0_i32 = arith.constant 0 : i32
    %c0_i32_0 = arith.constant 0 : i32
    return %arg0, %c0_i32 : i32, i32
  }
  func.func @transform_8(%arg0: i32) -> (i32, i32) {
    %c0_i32 = arith.constant 0 : i32
    %c0_i32_0 = arith.constant 0 : i32
    return %arg0, %c0_i32 : i32, i32
  }
  func.func @transform_9(%arg0: i32) -> (i32, i32) {
    %c0_i32 = arith.constant 0 : i32
    %c0_i32_0 = arith.constant 0 : i32
    return %arg0, %c0_i32 : i32, i32
  }
  func.func @transform_10(%arg0: i32) -> (i32, i32) {
    %c0_i32 = arith.constant 0 : i32
    %c0_i32_0 = arith.constant 0 : i32
    return %arg0, %c0_i32 : i32, i32
  }
  func.func @transform_11(%arg0: i32) -> (i32, i32) {
    %c0_i32 = arith.constant 0 : i32
    %c0_i32_0 = arith.constant 0 : i32
    %c0_i32_1 = arith.constant 0 : i32
    return %c0_i32, %c0_i32_0 : i32, i32
  }
}

module attributes {stable_mosaic.version = 14 : i64} {
  func.func @_node_linear_body(%arg0: i32, %arg1: memref<2000x256xf32, #tpu.memory_space<vmem>>, %arg2: memref<256x1024xf32, #tpu.memory_space<vmem>>, %arg3: memref<1x1024xf32, #tpu.memory_space<vmem>>, %arg4: memref<2000x256xf32, #tpu.memory_space<vmem>>, %arg5: memref<2000x128xi32, #tpu.memory_space<vmem>>, %arg6: memref<2000x128xi32, #tpu.memory_space<vmem>>, %arg7: memref<2000x128xi32, #tpu.memory_space<vmem>>) attributes {dimension_semantics = [#tpu.dimension_semantics<arbitrary>], iteration_bounds = array<i64: 5>, scalar_prefetch = 0 : i64, scratch_operands = 0 : i64, tpu.core_type = #tpu.core_type<tc>, window_params = [{transform_indices = @transform_0, window_bounds = array<i64: 2000, 256>}, {pipeline_mode = #tpu.pipeline_mode<synchronous>, transform_indices = @transform_1, window_bounds = array<i64: 256, 1024>}, {pipeline_mode = #tpu.pipeline_mode<synchronous>, transform_indices = @transform_2, window_bounds = array<i64: 1, 1024>}, {transform_indices = @transform_3, window_bounds = array<i64: 2000, 256>}, {transform_indices = @transform_4, window_bounds = array<i64: 2000, 128>}, {transform_indices = @transform_5, window_bounds = array<i64: 2000, 128>}, {transform_indices = @transform_6, window_bounds = array<i64: 2000, 128>}]} {
    %get3A = arith.constant 0 : index
    %get3A_0 = arith.constant 0 : index
    %get3A_1 = vector.load %arg1[%get3A, %get3A_0] : memref<2000x256xf32, #tpu.memory_space<vmem>>, vector<2000x256xf32>
    %get3A_2 = arith.constant 0 : index
    %get3A_3 = arith.constant 0 : index
    %get3A_4 = vector.load %arg2[%get3A_2, %get3A_3] : memref<256x1024xf32, #tpu.memory_space<vmem>>, vector<256x1024xf32>
    %dot_general3A = arith.constant dense<0.000000e+00> : vector<2000x1024xf32>
    %dot_general3A_5 = tpu.matmul %get3A_1, %get3A_4, %dot_general3A {dimension_numbers = #tpu.dot_dimension_numbers<[1], [0], [0], [1], [0, 0, 1, 1], [], []>, transpose_lhs_hint = false} : vector<2000x256xf32>, vector<256x1024xf32>, vector<2000x1024xf32> -> vector<2000x1024xf32>
    %get3A_6 = arith.constant 0 : index
    %get3A_7 = arith.constant 0 : index
    %get3A_8 = vector.load %arg3[%get3A_6, %get3A_7] : memref<1x1024xf32, #tpu.memory_space<vmem>>, vector<1x1024xf32>
    %add3A = vector.broadcast %get3A_8 : vector<1x1024xf32> to vector<2000x1024xf32>
    %add3A_9 = arith.addf %dot_general3A_5, %add3A : vector<2000x1024xf32>
    %slice3A = vector.extract_strided_slice %add3A_9 {offsets = [0, 0], sizes = [2000, 256], strides = [1, 1]} : vector<2000x1024xf32> to vector<2000x256xf32>
    %swap3A = arith.constant 0 : index
    %swap3A_10 = arith.constant 0 : index
    %swap3A_11 = vector.load %arg4[%swap3A, %swap3A_10] : memref<2000x256xf32, #tpu.memory_space<vmem>>, vector<2000x256xf32>
    tpu.vector_store %arg4[%swap3A, %swap3A_10], %slice3A {strides = array<i32>} : memref<2000x256xf32, #tpu.memory_space<vmem>>, vector<2000x256xf32>,
    %bitcast_convert_type3A = tpu.bitcast %add3A_9 : vector<2000x1024xf32> -> vector<2000x1024xi32>
    %add3A_12 = arith.constant 32767 : i32
    %add3A_13 = vector.broadcast %add3A_12 : i32 to vector<2000x1024xi32>
    %add3A_14 = arith.addi %bitcast_convert_type3A, %add3A_13 : vector<2000x1024xi32>
    %shift_right_logical3A = arith.constant 16 : i32
    %shift_right_logical3A_15 = vector.broadcast %shift_right_logical3A : i32 to vector<2000x1024xi32>
    %shift_right_logical3A_16 = arith.shrui %bitcast_convert_type3A, %shift_right_logical3A_15 : vector<2000x1024xi32>
    %and3A = arith.constant 1 : i32
    %and3A_17 = vector.broadcast %and3A : i32 to vector<2000x1024xi32>
    %and3A_18 = arith.andi %shift_right_logical3A_16, %and3A_17 : vector<2000x1024xi32>
    %add3A_19 = arith.addi %add3A_14, %and3A_18 : vector<2000x1024xi32>
    %slice3A_20 = vector.extract_strided_slice %add3A_19 {offsets = [0, 256], sizes = [2000, 128], strides = [1, 1]} : vector<2000x1024xi32> to vector<2000x128xi32>
    %shift_right_logical3A_21 = arith.constant 16 : i32
    %shift_right_logical3A_22 = vector.broadcast %shift_right_logical3A_21 : i32 to vector<2000x128xi32>
    %shift_right_logical3A_23 = arith.shrui %slice3A_20, %shift_right_logical3A_22 : vector<2000x128xi32>
    %slice3A_24 = vector.extract_strided_slice %add3A_19 {offsets = [0, 384], sizes = [2000, 128], strides = [1, 1]} : vector<2000x1024xi32> to vector<2000x128xi32>
    %and3A_25 = arith.constant -65536 : i32
    %and3A_26 = vector.broadcast %and3A_25 : i32 to vector<2000x128xi32>
    %and3A_27 = arith.andi %slice3A_24, %and3A_26 : vector<2000x128xi32>
    %or3A = arith.ori %and3A_27, %shift_right_logical3A_23 : vector<2000x128xi32>
    %bitcast_convert_type3A_28 = tpu.bitcast %or3A : vector<2000x128xi32> -> vector<2000x128xi32>
    %swap3A_29 = arith.constant 0 : index
    %swap3A_30 = arith.constant 0 : index
    %swap3A_31 = vector.load %arg5[%swap3A_29, %swap3A_30] : memref<2000x128xi32, #tpu.memory_space<vmem>>, vector<2000x128xi32>
    tpu.vector_store %arg5[%swap3A_29, %swap3A_30], %bitcast_convert_type3A_28 {strides = array<i32>} : memref<2000x128xi32, #tpu.memory_space<vmem>>, vector<2000x128xi32>,
    %slice3A_32 = vector.extract_strided_slice %add3A_19 {offsets = [0, 512], sizes = [2000, 128], strides = [1, 1]} : vector<2000x1024xi32> to vector<2000x128xi32>
    %shift_right_logical3A_33 = arith.constant 16 : i32
    %shift_right_logical3A_34 = vector.broadcast %shift_right_logical3A_33 : i32 to vector<2000x128xi32>
    %shift_right_logical3A_35 = arith.shrui %slice3A_32, %shift_right_logical3A_34 : vector<2000x128xi32>
    %slice3A_36 = vector.extract_strided_slice %add3A_19 {offsets = [0, 640], sizes = [2000, 128], strides = [1, 1]} : vector<2000x1024xi32> to vector<2000x128xi32>
    %and3A_37 = arith.constant -65536 : i32
    %and3A_38 = vector.broadcast %and3A_37 : i32 to vector<2000x128xi32>
    %and3A_39 = arith.andi %slice3A_36, %and3A_38 : vector<2000x128xi32>
    %or3A_40 = arith.ori %and3A_39, %shift_right_logical3A_35 : vector<2000x128xi32>
    %bitcast_convert_type3A_41 = tpu.bitcast %or3A_40 : vector<2000x128xi32> -> vector<2000x128xi32>
    %swap3A_42 = arith.constant 0 : index
    %swap3A_43 = arith.constant 0 : index
    %swap3A_44 = vector.load %arg6[%swap3A_42, %swap3A_43] : memref<2000x128xi32, #tpu.memory_space<vmem>>, vector<2000x128xi32>
    tpu.vector_store %arg6[%swap3A_42, %swap3A_43], %bitcast_convert_type3A_41 {strides = array<i32>} : memref<2000x128xi32, #tpu.memory_space<vmem>>, vector<2000x128xi32>,
    %slice3A_45 = vector.extract_strided_slice %add3A_19 {offsets = [0, 768], sizes = [2000, 128], strides = [1, 1]} : vector<2000x1024xi32> to vector<2000x128xi32>
    %shift_right_logical3A_46 = arith.constant 16 : i32
    %shift_right_logical3A_47 = vector.broadcast %shift_right_logical3A_46 : i32 to vector<2000x128xi32>
    %shift_right_logical3A_48 = arith.shrui %slice3A_45, %shift_right_logical3A_47 : vector<2000x128xi32>
    %slice3A_49 = vector.extract_strided_slice %add3A_19 {offsets = [0, 896], sizes = [2000, 128], strides = [1, 1]} : vector<2000x1024xi32> to vector<2000x128xi32>
    %and3A_50 = arith.constant -65536 : i32
    %and3A_51 = vector.broadcast %and3A_50 : i32 to vector<2000x128xi32>
    %and3A_52 = arith.andi %slice3A_49, %and3A_51 : vector<2000x128xi32>
    %or3A_53 = arith.ori %and3A_52, %shift_right_logical3A_48 : vector<2000x128xi32>
    %bitcast_convert_type3A_54 = tpu.bitcast %or3A_53 : vector<2000x128xi32> -> vector<2000x128xi32>
    %swap3A_55 = arith.constant 0 : index
    %swap3A_56 = arith.constant 0 : index
    %swap3A_57 = vector.load %arg7[%swap3A_55, %swap3A_56] : memref<2000x128xi32, #tpu.memory_space<vmem>>, vector<2000x128xi32>
    tpu.vector_store %arg7[%swap3A_55, %swap3A_56], %bitcast_convert_type3A_54 {strides = array<i32>} : memref<2000x128xi32, #tpu.memory_space<vmem>>, vector<2000x128xi32>,
    return
  }
  func.func @transform_0(%arg0: i32) -> (i32, i32) {
    %c0_i32 = arith.constant 0 : i32
    %c0_i32_0 = arith.constant 0 : i32
    return %arg0, %c0_i32 : i32, i32
  }
  func.func @transform_1(%arg0: i32) -> (i32, i32) {
    %c0_i32 = arith.constant 0 : i32
    %c0_i32_0 = arith.constant 0 : i32
    %c0_i32_1 = arith.constant 0 : i32
    return %c0_i32, %c0_i32_0 : i32, i32
  }
  func.func @transform_2(%arg0: i32) -> (i32, i32) {
    %c0_i32 = arith.constant 0 : i32
    %c0_i32_0 = arith.constant 0 : i32
    %c0_i32_1 = arith.constant 0 : i32
    return %c0_i32, %c0_i32_0 : i32, i32
  }
  func.func @transform_3(%arg0: i32) -> (i32, i32) {
    %c0_i32 = arith.constant 0 : i32
    %c0_i32_0 = arith.constant 0 : i32
    return %arg0, %c0_i32 : i32, i32
  }
  func.func @transform_4(%arg0: i32) -> (i32, i32) {
    %c0_i32 = arith.constant 0 : i32
    %c0_i32_0 = arith.constant 0 : i32
    return %arg0, %c0_i32 : i32, i32
  }
  func.func @transform_5(%arg0: i32) -> (i32, i32) {
    %c0_i32 = arith.constant 0 : i32
    %c0_i32_0 = arith.constant 0 : i32
    return %arg0, %c0_i32 : i32, i32
  }
  func.func @transform_6(%arg0: i32) -> (i32, i32) {
    %c0_i32 = arith.constant 0 : i32
    %c0_i32_0 = arith.constant 0 : i32
    return %arg0, %c0_i32 : i32, i32
  }
}

module attributes {stable_mosaic.version = 14 : i64} {
  func.func @_bn_residual_body(%arg0: i32, %arg1: memref<2000x256xf32, #tpu.memory_space<vmem>>, %arg2: memref<2000x128xi32, #tpu.memory_space<vmem>>, %arg3: memref<2x256xf32, #tpu.memory_space<vmem>>, %arg4: memref<1x256xf32, #tpu.memory_space<vmem>>, %arg5: memref<1x256xf32, #tpu.memory_space<vmem>>, %arg6: memref<2000x256xf32, #tpu.memory_space<vmem>>) attributes {dimension_semantics = [#tpu.dimension_semantics<arbitrary>], iteration_bounds = array<i64: 80>, scalar_prefetch = 0 : i64, scratch_operands = 0 : i64, tpu.core_type = #tpu.core_type<tc>, window_params = [{transform_indices = @transform_0, window_bounds = array<i64: 2000, 256>}, {transform_indices = @transform_1, window_bounds = array<i64: 2000, 128>}, {pipeline_mode = #tpu.pipeline_mode<synchronous>, transform_indices = @transform_2, window_bounds = array<i64: 2, 256>}, {pipeline_mode = #tpu.pipeline_mode<synchronous>, transform_indices = @transform_3, window_bounds = array<i64: 1, 256>}, {pipeline_mode = #tpu.pipeline_mode<synchronous>, transform_indices = @transform_4, window_bounds = array<i64: 1, 256>}, {transform_indices = @transform_5, window_bounds = array<i64: 2000, 256>}]} {
    %get3A = arith.constant 0 : index
    %get3A_0 = arith.constant 0 : index
    %get3A_1 = vector.load %arg3[%get3A, %get3A_0] : memref<2x256xf32, #tpu.memory_space<vmem>>, vector<2x256xf32>
    %slice3A = vector.extract_strided_slice %get3A_1 {offsets = [0, 0], sizes = [1, 256], strides = [1, 1]} : vector<2x256xf32> to vector<1x256xf32>
    %div3A = arith.constant 1.600000e+05 : f32
    %div3A_2 = vector.broadcast %div3A : f32 to vector<1x256xf32>
    %div3A_3 = arith.divf %slice3A, %div3A_2 : vector<1x256xf32>
    %slice3A_4 = vector.extract_strided_slice %get3A_1 {offsets = [1, 0], sizes = [1, 256], strides = [1, 1]} : vector<2x256xf32> to vector<1x256xf32>
    %div3A_5 = arith.constant 1.600000e+05 : f32
    %div3A_6 = vector.broadcast %div3A_5 : f32 to vector<1x256xf32>
    %div3A_7 = arith.divf %slice3A_4, %div3A_6 : vector<1x256xf32>
    %mul3A = arith.mulf %div3A_3, %div3A_3 : vector<1x256xf32>
    %sub3A = arith.subf %div3A_7, %mul3A : vector<1x256xf32>
    %add3A = arith.constant 9.99999974E-6 : f32
    %add3A_8 = vector.broadcast %add3A : f32 to vector<1x256xf32>
    %add3A_9 = arith.addf %sub3A, %add3A_8 : vector<1x256xf32>
    %rsqrt3A = math.rsqrt %add3A_9 : vector<1x256xf32>
    %get3A_10 = arith.constant 0 : index
    %get3A_11 = arith.constant 0 : index
    %get3A_12 = vector.load %arg2[%get3A_10, %get3A_11] : memref<2000x128xi32, #tpu.memory_space<vmem>>, vector<2000x128xi32>
    %bitcast_convert_type3A = tpu.bitcast %get3A_12 : vector<2000x128xi32> -> vector<2000x128xi32>
    %shift_left3A = arith.constant 16 : i32
    %shift_left3A_13 = vector.broadcast %shift_left3A : i32 to vector<2000x128xi32>
    %shift_left3A_14 = arith.shli %bitcast_convert_type3A, %shift_left3A_13 : vector<2000x128xi32>
    %bitcast_convert_type3A_15 = tpu.bitcast %shift_left3A_14 : vector<2000x128xi32> -> vector<2000x128xf32>
    %and3A = arith.constant -65536 : i32
    %and3A_16 = vector.broadcast %and3A : i32 to vector<2000x128xi32>
    %and3A_17 = arith.andi %bitcast_convert_type3A, %and3A_16 : vector<2000x128xi32>
    %bitcast_convert_type3A_18 = tpu.bitcast %and3A_17 : vector<2000x128xi32> -> vector<2000x128xf32>
    %concatenate3A = tpu.concatenate %bitcast_convert_type3A_15, %bitcast_convert_type3A_18 in 1 : vector<2000x128xf32>, vector<2000x128xf32> -> vector<2000x256xf32>
    %sub3A_19 = vector.broadcast %div3A_3 : vector<1x256xf32> to vector<2000x256xf32>
    %sub3A_20 = arith.subf %concatenate3A, %sub3A_19 : vector<2000x256xf32>
    %mul3A_21 = vector.broadcast %rsqrt3A : vector<1x256xf32> to vector<2000x256xf32>
    %mul3A_22 = arith.mulf %sub3A_20, %mul3A_21 : vector<2000x256xf32>
    %get3A_23 = arith.constant 0 : index
    %get3A_24 = arith.constant 0 : index
    %get3A_25 = vector.load %arg4[%get3A_23, %get3A_24] : memref<1x256xf32, #tpu.memory_space<vmem>>, vector<1x256xf32>
    %mul3A_26 = vector.broadcast %get3A_25 : vector<1x256xf32> to vector<2000x256xf32>
    %mul3A_27 = arith.mulf %mul3A_22, %mul3A_26 : vector<2000x256xf32>
    %get3A_28 = arith.constant 0 : index
    %get3A_29 = arith.constant 0 : index
    %get3A_30 = vector.load %arg5[%get3A_28, %get3A_29] : memref<1x256xf32, #tpu.memory_space<vmem>>, vector<1x256xf32>
    %add3A_31 = vector.broadcast %get3A_30 : vector<1x256xf32> to vector<2000x256xf32>
    %add3A_32 = arith.addf %mul3A_27, %add3A_31 : vector<2000x256xf32>
    %get3A_33 = arith.constant 0 : index
    %get3A_34 = arith.constant 0 : index
    %get3A_35 = vector.load %arg1[%get3A_33, %get3A_34] : memref<2000x256xf32, #tpu.memory_space<vmem>>, vector<2000x256xf32>
    %max3A = arith.constant 0.000000e+00 : f32
    %max3A_36 = vector.broadcast %max3A : f32 to vector<2000x256xf32>
    %max3A_37 = arith.maximumf %add3A_32, %max3A_36 : vector<2000x256xf32>
    %add3A_38 = arith.addf %get3A_35, %max3A_37 : vector<2000x256xf32>
    %swap3A = arith.constant 0 : index
    %swap3A_39 = arith.constant 0 : index
    %swap3A_40 = vector.load %arg6[%swap3A, %swap3A_39] : memref<2000x256xf32, #tpu.memory_space<vmem>>, vector<2000x256xf32>
    tpu.vector_store %arg6[%swap3A, %swap3A_39], %add3A_38 {strides = array<i32>} : memref<2000x256xf32, #tpu.memory_space<vmem>>, vector<2000x256xf32>,
    return
  }
  func.func @transform_0(%arg0: i32) -> (i32, i32) {
    %c0_i32 = arith.constant 0 : i32
    %c0_i32_0 = arith.constant 0 : i32
    return %arg0, %c0_i32 : i32, i32
  }
  func.func @transform_1(%arg0: i32) -> (i32, i32) {
    %c0_i32 = arith.constant 0 : i32
    %c0_i32_0 = arith.constant 0 : i32
    return %arg0, %c0_i32 : i32, i32
  }
  func.func @transform_2(%arg0: i32) -> (i32, i32) {
    %c0_i32 = arith.constant 0 : i32
    %c0_i32_0 = arith.constant 0 : i32
    %c0_i32_1 = arith.constant 0 : i32
    return %c0_i32, %c0_i32_0 : i32, i32
  }
  func.func @transform_3(%arg0: i32) -> (i32, i32) {
    %c0_i32 = arith.constant 0 : i32
    %c0_i32_0 = arith.constant 0 : i32
    %c0_i32_1 = arith.constant 0 : i32
    return %c0_i32, %c0_i32_0 : i32, i32
  }
  func.func @transform_4(%arg0: i32) -> (i32, i32) {
    %c0_i32 = arith.constant 0 : i32
    %c0_i32_0 = arith.constant 0 : i32
    %c0_i32_1 = arith.constant 0 : i32
    return %c0_i32, %c0_i32_0 : i32, i32
  }
  func.func @transform_5(%arg0: i32) -> (i32, i32) {
    %c0_i32 = arith.constant 0 : i32
    %c0_i32_0 = arith.constant 0 : i32
    return %arg0, %c0_i32 : i32, i32
  }
}

module attributes {stable_mosaic.version = 14 : i64} {
  func.func @_agg_body(%arg0: i32, %arg1: memref<2000x256xf32, #tpu.memory_space<vmem>>, %arg2: memref<2x2000x256xf32, #tpu.memory_space<vmem>>, %arg3: memref<2x2000x256xf32, #tpu.memory_space<vmem>>, %arg4: memref<2000x256xf32, #tpu.memory_space<vmem>>, %arg5: memref<2x256xf32, #tpu.memory_space<vmem>>) attributes {dimension_semantics = [#tpu.dimension_semantics<arbitrary>], iteration_bounds = array<i64: 5>, scalar_prefetch = 0 : i64, scratch_operands = 0 : i64, tpu.core_type = #tpu.core_type<tc>, window_params = [{transform_indices = @transform_0, window_bounds = array<i64: 2000, 256>}, {transform_indices = @transform_1, window_bounds = array<i64: 2, 2000, 256>}, {transform_indices = @transform_2, window_bounds = array<i64: 2, 2000, 256>}, {transform_indices = @transform_3, window_bounds = array<i64: 2000, 256>}, {pipeline_mode = #tpu.pipeline_mode<synchronous>, transform_indices = @transform_4, window_bounds = array<i64: 2, 256>}]} {
    %get3A = arith.constant 0 : index
    %get3A_0 = arith.constant 0 : index
    %get3A_1 = arith.constant 0 : index
    %get3A_2 = vector.load %arg2[%get3A, %get3A_0, %get3A_1] : memref<2x2000x256xf32, #tpu.memory_space<vmem>>, vector<1x2000x256xf32>
    %get3A_3 = vector.shape_cast %get3A_2 : vector<1x2000x256xf32> to vector<2000x256xf32>
    %get3A_4 = arith.constant 1 : index
    %get3A_5 = arith.constant 0 : index
    %get3A_6 = arith.constant 0 : index
    %get3A_7 = vector.load %arg2[%get3A_4, %get3A_5, %get3A_6] : memref<2x2000x256xf32, #tpu.memory_space<vmem>>, vector<1x2000x256xf32>
    %get3A_8 = vector.shape_cast %get3A_7 : vector<1x2000x256xf32> to vector<2000x256xf32>
    %add3A = arith.addf %get3A_3, %get3A_8 : vector<2000x256xf32>
    %get3A_9 = arith.constant 0 : index
    %get3A_10 = arith.constant 0 : index
    %get3A_11 = arith.constant 0 : index
    %get3A_12 = vector.load %arg3[%get3A_9, %get3A_10, %get3A_11] : memref<2x2000x256xf32, #tpu.memory_space<vmem>>, vector<1x2000x256xf32>
    %get3A_13 = vector.shape_cast %get3A_12 : vector<1x2000x256xf32> to vector<2000x256xf32>
    %get3A_14 = arith.constant 1 : index
    %get3A_15 = arith.constant 0 : index
    %get3A_16 = arith.constant 0 : index
    %get3A_17 = vector.load %arg3[%get3A_14, %get3A_15, %get3A_16] : memref<2x2000x256xf32, #tpu.memory_space<vmem>>, vector<1x2000x256xf32>
    %get3A_18 = vector.shape_cast %get3A_17 : vector<1x2000x256xf32> to vector<2000x256xf32>
    %add3A_19 = arith.addf %get3A_13, %get3A_18 : vector<2000x256xf32>
    %get3A_20 = arith.constant 0 : index
    %get3A_21 = arith.constant 0 : index
    %get3A_22 = vector.load %arg1[%get3A_20, %get3A_21] : memref<2000x256xf32, #tpu.memory_space<vmem>>, vector<2000x256xf32>
    %add3A_23 = arith.constant 9.99999997E-7 : f32
    %add3A_24 = vector.broadcast %add3A_23 : f32 to vector<2000x256xf32>
    %add3A_25 = arith.addf %add3A_19, %add3A_24 : vector<2000x256xf32>
    %div3A = arith.divf %add3A, %add3A_25 : vector<2000x256xf32>
    %add3A_26 = arith.addf %get3A_22, %div3A : vector<2000x256xf32>
    %swap3A = arith.constant 0 : index
    %swap3A_27 = arith.constant 0 : index
    %swap3A_28 = vector.load %arg4[%swap3A, %swap3A_27] : memref<2000x256xf32, #tpu.memory_space<vmem>>, vector<2000x256xf32>
    tpu.vector_store %arg4[%swap3A, %swap3A_27], %add3A_26 {strides = array<i32>} : memref<2000x256xf32, #tpu.memory_space<vmem>>, vector<2000x256xf32>,
    %eq3A = arith.constant 0 : i32
    %eq3A_29 = arith.cmpi eq, %arg0, %eq3A : i32
    %convert_element_type3A = arith.extui %eq3A_29 : i1 to i32
    %cond3A = arith.constant 0 : i32
    %cond3A_30 = arith.cmpi ne, %convert_element_type3A, %cond3A : i32
    scf.if %cond3A_30 {
      %broadcast_in_dim3A_49 = arith.constant 0.000000e+00 : f32
      %broadcast_in_dim3A_50 = vector.broadcast %broadcast_in_dim3A_49 : f32 to vector<2x256xf32>
      %swap3A_51 = arith.constant 0 : index
      %swap3A_52 = arith.constant 0 : index
      %swap3A_53 = vector.load %arg5[%swap3A_51, %swap3A_52] : memref<2x256xf32, #tpu.memory_space<vmem>>, vector<2x256xf32>
      tpu.vector_store %arg5[%swap3A_51, %swap3A_52], %broadcast_in_dim3A_50 {strides = array<i32>} : memref<2x256xf32, #tpu.memory_space<vmem>>, vector<2x256xf32>,
    } else {
    }
    %get3A_31 = arith.constant 0 : index
    %get3A_32 = arith.constant 0 : index
    %get3A_33 = vector.load %arg5[%get3A_31, %get3A_32] : memref<2x256xf32, #tpu.memory_space<vmem>>, vector<1x256xf32>
    %reduce_sum3A = arith.constant dense<0.000000e+00> : vector<256xf32>
    %reduce_sum3A_34 = vector.multi_reduction <add>, %add3A_26, %reduce_sum3A [0] : vector<2000x256xf32> to vector<256xf32>
    %broadcast_in_dim3A = vector.shape_cast %reduce_sum3A_34 : vector<256xf32> to vector<1x256xf32>
    %add3A_35 = arith.addf %get3A_33, %broadcast_in_dim3A : vector<1x256xf32>
    %swap3A_36 = arith.constant 0 : index
    %swap3A_37 = arith.constant 0 : index
    %swap3A_38 = vector.load %arg5[%swap3A_36, %swap3A_37] : memref<2x256xf32, #tpu.memory_space<vmem>>, vector<1x256xf32>
    tpu.vector_store %arg5[%swap3A_36, %swap3A_37], %add3A_35 {strides = array<i32>} : memref<2x256xf32, #tpu.memory_space<vmem>>, vector<1x256xf32>,
    %get3A_39 = arith.constant 1 : index
    %get3A_40 = arith.constant 0 : index
    %get3A_41 = vector.load %arg5[%get3A_39, %get3A_40] : memref<2x256xf32, #tpu.memory_space<vmem>>, vector<1x256xf32>
    %mul3A = arith.mulf %add3A_26, %add3A_26 : vector<2000x256xf32>
    %reduce_sum3A_42 = arith.constant dense<0.000000e+00> : vector<256xf32>
    %reduce_sum3A_43 = vector.multi_reduction <add>, %mul3A, %reduce_sum3A_42 [0] : vector<2000x256xf32> to vector<256xf32>
    %broadcast_in_dim3A_44 = vector.shape_cast %reduce_sum3A_43 : vector<256xf32> to vector<1x256xf32>
    %add3A_45 = arith.addf %get3A_41, %broadcast_in_dim3A_44 : vector<1x256xf32>
    %swap3A_46 = arith.constant 1 : index
    %swap3A_47 = arith.constant 0 : index
    %swap3A_48 = vector.load %arg5[%swap3A_46, %swap3A_47] : memref<2x256xf32, #tpu.memory_space<vmem>>, vector<1x256xf32>
    tpu.vector_store %arg5[%swap3A_46, %swap3A_47], %add3A_45 {strides = array<i32>} : memref<2x256xf32, #tpu.memory_space<vmem>>, vector<1x256xf32>,
    return
  }
  func.func @transform_0(%arg0: i32) -> (i32, i32) {
    %c0_i32 = arith.constant 0 : i32
    %c0_i32_0 = arith.constant 0 : i32
    return %arg0, %c0_i32 : i32, i32
  }
  func.func @transform_1(%arg0: i32) -> (i32, i32, i32) {
    %c0_i32 = arith.constant 0 : i32
    %c0_i32_0 = arith.constant 0 : i32
    %c0_i32_1 = arith.constant 0 : i32
    return %c0_i32, %arg0, %c0_i32_0 : i32, i32, i32
  }
  func.func @transform_2(%arg0: i32) -> (i32, i32, i32) {
    %c0_i32 = arith.constant 0 : i32
    %c0_i32_0 = arith.constant 0 : i32
    %c0_i32_1 = arith.constant 0 : i32
    return %c0_i32, %arg0, %c0_i32_0 : i32, i32, i32
  }
  func.func @transform_3(%arg0: i32) -> (i32, i32) {
    %c0_i32 = arith.constant 0 : i32
    %c0_i32_0 = arith.constant 0 : i32
    return %arg0, %c0_i32 : i32, i32
  }
  func.func @transform_4(%arg0: i32) -> (i32, i32) {
    %c0_i32 = arith.constant 0 : i32
    %c0_i32_0 = arith.constant 0 : i32
    %c0_i32_1 = arith.constant 0 : i32
    return %c0_i32, %c0_i32_0 : i32, i32
  }
}

module attributes {stable_mosaic.version = 14 : i64} {
  func.func @_bn_residual_body(%arg0: i32, %arg1: memref<2000x256xf32, #tpu.memory_space<vmem>>, %arg2: memref<2000x256xf32, #tpu.memory_space<vmem>>, %arg3: memref<2x256xf32, #tpu.memory_space<vmem>>, %arg4: memref<1x256xf32, #tpu.memory_space<vmem>>, %arg5: memref<1x256xf32, #tpu.memory_space<vmem>>, %arg6: memref<2000x256xf32, #tpu.memory_space<vmem>>) attributes {dimension_semantics = [#tpu.dimension_semantics<arbitrary>], iteration_bounds = array<i64: 5>, scalar_prefetch = 0 : i64, scratch_operands = 0 : i64, tpu.core_type = #tpu.core_type<tc>, window_params = [{transform_indices = @transform_0, window_bounds = array<i64: 2000, 256>}, {transform_indices = @transform_1, window_bounds = array<i64: 2000, 256>}, {pipeline_mode = #tpu.pipeline_mode<synchronous>, transform_indices = @transform_2, window_bounds = array<i64: 2, 256>}, {pipeline_mode = #tpu.pipeline_mode<synchronous>, transform_indices = @transform_3, window_bounds = array<i64: 1, 256>}, {pipeline_mode = #tpu.pipeline_mode<synchronous>, transform_indices = @transform_4, window_bounds = array<i64: 1, 256>}, {transform_indices = @transform_5, window_bounds = array<i64: 2000, 256>}]} {
    %get3A = arith.constant 0 : index
    %get3A_0 = arith.constant 0 : index
    %get3A_1 = vector.load %arg3[%get3A, %get3A_0] : memref<2x256xf32, #tpu.memory_space<vmem>>, vector<2x256xf32>
    %slice3A = vector.extract_strided_slice %get3A_1 {offsets = [0, 0], sizes = [1, 256], strides = [1, 1]} : vector<2x256xf32> to vector<1x256xf32>
    %div3A = arith.constant 1.000000e+04 : f32
    %div3A_2 = vector.broadcast %div3A : f32 to vector<1x256xf32>
    %div3A_3 = arith.divf %slice3A, %div3A_2 : vector<1x256xf32>
    %slice3A_4 = vector.extract_strided_slice %get3A_1 {offsets = [1, 0], sizes = [1, 256], strides = [1, 1]} : vector<2x256xf32> to vector<1x256xf32>
    %div3A_5 = arith.constant 1.000000e+04 : f32
    %div3A_6 = vector.broadcast %div3A_5 : f32 to vector<1x256xf32>
    %div3A_7 = arith.divf %slice3A_4, %div3A_6 : vector<1x256xf32>
    %mul3A = arith.mulf %div3A_3, %div3A_3 : vector<1x256xf32>
    %sub3A = arith.subf %div3A_7, %mul3A : vector<1x256xf32>
    %add3A = arith.constant 9.99999974E-6 : f32
    %add3A_8 = vector.broadcast %add3A : f32 to vector<1x256xf32>
    %add3A_9 = arith.addf %sub3A, %add3A_8 : vector<1x256xf32>
    %rsqrt3A = math.rsqrt %add3A_9 : vector<1x256xf32>
    %get3A_10 = arith.constant 0 : index
    %get3A_11 = arith.constant 0 : index
    %get3A_12 = vector.load %arg2[%get3A_10, %get3A_11] : memref<2000x256xf32, #tpu.memory_space<vmem>>, vector<2000x256xf32>
    %sub3A_13 = vector.broadcast %div3A_3 : vector<1x256xf32> to vector<2000x256xf32>
    %sub3A_14 = arith.subf %get3A_12, %sub3A_13 : vector<2000x256xf32>
    %mul3A_15 = vector.broadcast %rsqrt3A : vector<1x256xf32> to vector<2000x256xf32>
    %mul3A_16 = arith.mulf %sub3A_14, %mul3A_15 : vector<2000x256xf32>
    %get3A_17 = arith.constant 0 : index
    %get3A_18 = arith.constant 0 : index
    %get3A_19 = vector.load %arg4[%get3A_17, %get3A_18] : memref<1x256xf32, #tpu.memory_space<vmem>>, vector<1x256xf32>
    %mul3A_20 = vector.broadcast %get3A_19 : vector<1x256xf32> to vector<2000x256xf32>
    %mul3A_21 = arith.mulf %mul3A_16, %mul3A_20 : vector<2000x256xf32>
    %get3A_22 = arith.constant 0 : index
    %get3A_23 = arith.constant 0 : index
    %get3A_24 = vector.load %arg5[%get3A_22, %get3A_23] : memref<1x256xf32, #tpu.memory_space<vmem>>, vector<1x256xf32>
    %add3A_25 = vector.broadcast %get3A_24 : vector<1x256xf32> to vector<2000x256xf32>
    %add3A_26 = arith.addf %mul3A_21, %add3A_25 : vector<2000x256xf32>
    %get3A_27 = arith.constant 0 : index
    %get3A_28 = arith.constant 0 : index
    %get3A_29 = vector.load %arg1[%get3A_27, %get3A_28] : memref<2000x256xf32, #tpu.memory_space<vmem>>, vector<2000x256xf32>
    %max3A = arith.constant 0.000000e+00 : f32
    %max3A_30 = vector.broadcast %max3A : f32 to vector<2000x256xf32>
    %max3A_31 = arith.maximumf %add3A_26, %max3A_30 : vector<2000x256xf32>
    %add3A_32 = arith.addf %get3A_29, %max3A_31 : vector<2000x256xf32>
    %swap3A = arith.constant 0 : index
    %swap3A_33 = arith.constant 0 : index
    %swap3A_34 = vector.load %arg6[%swap3A, %swap3A_33] : memref<2000x256xf32, #tpu.memory_space<vmem>>, vector<2000x256xf32>
    tpu.vector_store %arg6[%swap3A, %swap3A_33], %add3A_32 {strides = array<i32>} : memref<2000x256xf32, #tpu.memory_space<vmem>>, vector<2000x256xf32>,
    return
  }
  func.func @transform_0(%arg0: i32) -> (i32, i32) {
    %c0_i32 = arith.constant 0 : i32
    %c0_i32_0 = arith.constant 0 : i32
    return %arg0, %c0_i32 : i32, i32
  }
  func.func @transform_1(%arg0: i32) -> (i32, i32) {
    %c0_i32 = arith.constant 0 : i32
    %c0_i32_0 = arith.constant 0 : i32
    return %arg0, %c0_i32 : i32, i32
  }
  func.func @transform_2(%arg0: i32) -> (i32, i32) {
    %c0_i32 = arith.constant 0 : i32
    %c0_i32_0 = arith.constant 0 : i32
    %c0_i32_1 = arith.constant 0 : i32
    return %c0_i32, %c0_i32_0 : i32, i32
  }
  func.func @transform_3(%arg0: i32) -> (i32, i32) {
    %c0_i32 = arith.constant 0 : i32
    %c0_i32_0 = arith.constant 0 : i32
    %c0_i32_1 = arith.constant 0 : i32
    return %c0_i32, %c0_i32_0 : i32, i32
  }
  func.func @transform_4(%arg0: i32) -> (i32, i32) {
    %c0_i32 = arith.constant 0 : i32
    %c0_i32_0 = arith.constant 0 : i32
    %c0_i32_1 = arith.constant 0 : i32
    return %c0_i32, %c0_i32_0 : i32, i32
  }
  func.func @transform_5(%arg0: i32) -> (i32, i32) {
    %c0_i32 = arith.constant 0 : i32
    %c0_i32_0 = arith.constant 0 : i32
    return %arg0, %c0_i32 : i32, i32
  }
}

</mosaic_0001>

<sc_bundles>
// kernel: kernel.12.cloned.1.call-start
scs
__scs_entry_jumppad:
0x0: {  	(pc) =	sbr.rel $0x88, $3  }
0x1: {  	(tag) =	ssettag $0x0;
	lr =	simm.s32 $0x1  }
0x2: {  	[smem:$0x3F90] =	sst lr;
	_ =	strace $0xD0000000  }
0x3: {  	_ = 	snop  }
0x4: {  	_ = 	snop  }
0x5: {  	_ = 	snop  }
0x6: {  	_ = 	snop  }
0x7: {  	_ = 	snop  }
__scs_overlays_trampoline_lowered:
0x8: {  	[smem:$0x3F9F] =	sst s0  }
0x9: {  	[smem:$0x3FA0] =	sst s1  }
0xa: {  	[smem:$0x3FA1] =	sst s2  }
0xb: {  	[smem:$0x3FA2] =	sst s3  }
0xc: {  	[smem:$0x3FA3] =	sst s4  }
0xd: {  	[smem:$0x3FA4] =	sst s5  }
0xe: {  	[smem:$0x3FA5] =	sst s6  }
0xf: {  	[smem:$0x3FA6] =	sst s7  }
0x10: {  	[smem:$0x3FA7] =	sst s8  }
0x11: {  	[smem:$0x3FA8] =	sst s9;
	s0 =	simm.s32 @!p0 $0x0  }
0x12: {  	s1 =	sld [smem:$0x3F8E];
	s0 =	simm.s32 @p0 $0x1  }
0x13: {  	[smem:$0x3FA9] =	sst s0;
	s0 =	simm.s32 @!p1 $0x0  }
0x14: {  	s2 =	sld [smem:$0x3F8D];
	s0 =	simm.s32 @p1 $0x1  }
0x15: {  	[smem:$0x3FAA] =	sst s0;
	s0 =	simm.s32 @!p2 $0x0  }
0x16: {  	s3 =	sld [smem:$0x3FDB];
	s0 =	simm.s32 @p2 $0x1  }
0x17: {  	s4 =	simm.s32 $0x1BF5;
	[smem:$0x3FAC] =	sst s0  }
0x18: {  	s0 =	sld [smem:$0x3F8F];
	_ =	swait.ge [sflag:s4], $0x0  }
0x19: {  	s7 =	sld [smem:$0x3F90]  }
0x1a: {  	s8 =	sadd.s32 $0xFFFFE003, lr  }
0x1b: {  	s9 =	sadd.s32 $0xFFFFFEF7, lr;
	s5 =	simm.s32 $0xFFFFFFFF;
	p2 =	slt.u32 s8, $0xFFFFF086  }
0x1c: {  	p1 =	slt.u32 s9, $0xF7A;
	s5 =	simm.s32 @!p2 $0x0  }
0x1d: {  	s5 =	simm.s32 @p1 $0x1;
	p0 =	seq.s32 s7, s2  }
0x1e: {  	s7 =	smul.u32 @!p0 $0xF7A, s2;
	p2 =	seq.s32 @!p0 s5, $0x0  }
0x1f: {  	s9 =	smul.u32 $0xF7A, s1;
	s8 =	simm.s32 @!p0 $0x1BF5;
	p2 =	por !p2, p0  }
0x20: {  	[sflag:s8] =	ssyncset.s32 @!p0 $0xFFFFF086;
	s6 =	sadd.s32 @!p0 s3, s7;
	s7 =	simm.s32 @!p0 $0x108  }
0x21: {  	s3 =	sadd.s32 s3, s9;
	s6 =	sadd.s32 @!p0 $0x88, s6;
	s7 =	simm.s32 @p2 $0x1082  }
0x22: {  	[simem:s7], [sflag:s8] =	dma.local @!p0 [hbm:s6], $0xF7A  }
0x23: {  	s9 =	sor.u32 $0xD0000000, s2;
	s6 =	simm.s32 $0x108;
	_ =	swait.ge @!p0 [sflag:s8], $0x0  }
0x24: {  	s3 =	sadd.s32 $0x88, s3;
	s6 =	simm.s32 @!p1 $0x1082;
	[sflag:s4] =	ssyncset.s32 $0xFFFFF086  }
0x25: {  	[simem:s6], [sflag:s4] =	dma.local [hbm:s3], $0xF7A  }
0x26: {  	[smem:$0x3F90] =	sst s1;
	(tag) =	ssettag s2;
	_ =	strace s9  }
0x27: {  	s1 =	sld [smem:$0x3FA0]  }
0x28: {  	s2 =	sld [smem:$0x3FA1]  }
0x29: {  	s4 =	sld [smem:$0x3FA3]  }
0x2a: {  	p0 =	seq.s32 s5, $0x0;
	s5 =	sld [smem:$0x3FA4]  }
0x2b: {  	s6 =	sld [smem:$0x3FA5]  }
0x2c: {  	s7 =	sld [smem:$0x3FA6]  }
0x2d: {  	s3 =	simm.s32 $0x108;
	s8 =	sld [smem:$0x3FA7]  }
0x2e: {  	s3 =	simm.s32 @!p0 $0x1082;
	s9 =	sld [smem:$0x3FA8]  }
0x2f: {  	lr =	sadd.s32 s0, s3;
	s0 =	sld [smem:$0x3F9F]  }
0x30: {  	s3 =	sld [smem:$0x3FA2]  }
0x31: {  	[smem:$0x3FAB] =	sst s10  }
0x32: {  	s10 =	sld [smem:$0x3FA9];
	_ =	sdelay $0x3  }
0x33: {  	p0 =	seq.s32 s10, $0x1;
	s10 =	sld [smem:$0x3FAB];
	_ =	sdelay $0x3  }
0x34: {  	[smem:$0x3FAB] =	sst s10  }
0x35: {  	s10 =	sld [smem:$0x3FAA];
	_ =	sdelay $0x3  }
0x36: {  	p1 =	seq.s32 s10, $0x1;
	s10 =	sld [smem:$0x3FAB];
	_ =	sdelay $0x3  }
0x37: {  	[smem:$0x3FAB] =	sst s10  }
0x38: {  	s10 =	sld [smem:$0x3FAC]  }
0x39: {  	_ = 	snop;
	(pc) =	sbr.ind lr, $3  }
0x3a: {  	_ = 	snop  }
0x3b: {  	_ = 	snop  }
0x3c: {  	p2 =	seq.s32 s10, $0x1;
	s10 =	sld [smem:$0x3FAB]  }
0x3d: {  	_ =	shalt  }
0x3e: {  	_ =	shalt  }
0x3f: {  	_ =	shalt  }
0x40: {  	_ =	shalt  }
0x41: {  	_ =	shalt  }
0x42: {  	_ =	shalt  }
0x43: {  	_ =	shalt  }
0x44: {  	_ =	shalt  }
0x45: {  	_ =	shalt  }
0x46: {  	_ =	shalt  }
0x47: {  	_ =	shalt  }
0x48: {  	_ =	shalt  }
0x49: {  	_ =	shalt  }
0x4a: {  	_ =	shalt  }
0x4b: {  	_ =	shalt  }
0x4c: {  	_ =	shalt  }
0x4d: {  	_ =	shalt  }
0x4e: {  	_ =	shalt  }
0x4f: {  	_ =	shalt  }
0x50: {  	_ =	shalt  }
0x51: {  	_ =	shalt  }
0x52: {  	_ =	shalt  }
0x53: {  	_ =	shalt  }
0x54: {  	_ =	shalt  }
0x55: {  	_ =	shalt  }
0x56: {  	_ =	shalt  }
0x57: {  	_ =	shalt  }
0x58: {  	_ =	shalt  }
0x59: {  	_ =	shalt  }
0x5a: {  	_ =	shalt  }
0x5b: {  	_ =	shalt  }
0x5c: {  	_ =	shalt  }
0x5d: {  	_ =	shalt  }
0x5e: {  	_ =	shalt  }
0x5f: {  	_ =	shalt  }
0x60: {  	_ =	shalt  }
0x61: {  	_ =	shalt  }
0x62: {  	_ =	shalt  }
0x63: {  	_ =	shalt  }
0x64: {  	_ =	shalt  }
0x65: {  	_ =	shalt  }
0x66: {  	_ =	shalt  }
0x67: {  	_ =	shalt  }
0x68: {  	_ =	shalt  }
0x69: {  	_ =	shalt  }
0x6a: {  	_ =	shalt  }
0x6b: {  	_ =	shalt  }
0x6c: {  	_ =	shalt  }
0x6d: {  	_ =	shalt  }
0x6e: {  	_ =	shalt  }
0x6f: {  	_ =	shalt  }
0x70: {  	_ =	shalt  }
0x71: {  	_ =	shalt  }
0x72: {  	_ =	shalt  }
0x73: {  	_ =	shalt  }
0x74: {  	_ =	shalt  }
0x75: {  	_ =	shalt  }
0x76: {  	_ =	shalt  }
0x77: {  	_ =	shalt  }
0x78: {  	_ =	shalt  }
0x79: {  	_ =	shalt  }
0x7a: {  	_ =	shalt  }
0x7b: {  	_ =	shalt  }
0x7c: {  	_ =	shalt  }
0x7d: {  	_ =	shalt  }
0x7e: {  	_ =	shalt  }
0x7f: {  	_ =	shalt  }
0x80: {  	_ =	shalt  }
0x81: {  	_ =	shalt  }
0x82: {  	_ =	shalt  }
0x83: {  	_ =	shalt  }
0x84: {  	_ =	shalt  }
0x85: {  	_ =	shalt  }
0x86: {  	_ =	shalt  }
0x87: {  	_ =	shalt  }
.Lfunc_end0:
.L_simem_size_0:
called_computation.1_lowered:
.L_overlay_start_0:
0x88: {  	s2 =	sld [smem:$0x3FD9]  }
0x89: {  	s3 =	sld [smem:$0x3FFE];
	_ =	sdelay $0x1  }
0x8a: {  	s1 =	srdreg.scid  }
0x8b: {  	s0 =	sand.u32 $0x1, s1  }
0x8c: {  	s16 =	sshll.u32 s0, $0xA;
	s2 =	sadd.s32 s3, s2  }
0x8d: {  	s2 =	sadd.s32 s2, s16  }
0x8e: {  	[smem:$0x3FB7] =	sst s2  }
0x8f: {  	_ = 	snop  }
0x90: {  	(tm) =	ssettm $0x1  }
0x91: {  	s17 =	sld [smem:$0x3FFB];
	_ =	sdelay $0x3  }
0x92: {  	_ =	strace s17  }
0x93: {  	s2 =	sld [smem:$0x3FFC];
	_ =	sdelay $0x3  }
0x94: {  	_ =	strace s2  }
0x95: {  	s2 =	sld [smem:$0x3FFD];
	_ =	sdelay $0x3  }
0x96: {  	_ =	strace s2  }
0x97: {  	_ =	strace $0x8FFFFFFF  }
0x98: {  	s18 =	sld [smem:$0x3FDB];
	_ =	sdelay $0x1  }
0x99: {  	s19 =	simm.s32 $_scs_section_size  }
0x9a: {  	s4 =	simm.s32 $_size__tile_overlayer_lowered;
	s5 =	simm.s32 $_tile_overlayer_lowered  }
0x9b: {  	s22 =	simm.s32 $0x1BFF;
	s21 =	sshll.u32 s5, $0x1;
	s2 =	sadd.s32 s19, s18  }
0x9c: {  	s6 =	simm.s32 $0x0;
	s20 =	sshll.u32 s4, $0x1;
	s4 =	sadd.s32 s21, s2  }
0x9d: {  	[timem:s6], [sflag:s22] =	dma.local [hbm:s4], s20  }
0x9e: {  	_ =	swait.ge [sflag:s22], s20  }
0x9f: {  	s3 =	ssub.s32 $0x0, s20;
	[sflag:s22] =	ssyncset.done $0x0  }
0xa0: {  	[sflag:s22] =	ssyncadd.s32 s3;
	_ =	sdelay $0x1  }
0xa1: {  	s23 =	simm.s32 $0x1B8B  }
0xa2: {  	_ =	swait.ge [sflag:s23], $0x1  }
0xa3: {  	[sflag:s23] =	ssyncset.done $0x0  }
0xa4: {  	s25 =	simm.s32 $0x1B8E;
	s24 =	sld [smem:$0x3FFE];
	[sflag:s23] =	ssyncadd.s32 $0xFFFFFFFF  }
0xa5: {  	s26 =	simm.s32 $execute0_lowered;
	[smem:$0x3FD2] =	sst s25  }
0xa6: {  	s4 =	sshll.u32 s26, $0x1;
	_ =	strace $0x80000049;
	[dreg:$0x1] =	wrdreg $0xFFFFFFFF  }
0xa7: {  	s28 =	simm.s32 $_size_execute0_lowered;
	s2 =	sadd.s32 s2, s4;
	[dreg:$0x0] =	wrdreg $0x0  }
0xa8: {  	s4 =	sshll.u32 s28, $0x1;
	[dreg:$0x2] =	wrdreg s2  }
0xa9: {  	[dreg:$0x3] =	wrdreg s4  }
0xaa: {  	[dreg:$0x4] =	wrdreg $0xC0  }
0xab: {  	_ =	task [dreg:s6], $0x5FFFF  }
0xac: {  	[dreg:$0x1] =	wrdreg $0xFFFFFFFF  }
0xad: {  	[dreg:$0x0] =	wrdreg $0x60  }
0xae: {  	[dreg:$0x2] =	wrdreg s24  }
0xaf: {  	[dreg:$0x3] =	wrdreg $0xA8000  }
0xb0: {  	[dreg:$0x4] =	wrdreg $0x9  }
0xb1: {  	_ =	task.clear_ibuf [dreg:s6], $0x5FFFF;
	_ =	strace $0x90000049  }
0xb2: {  	s29 =	simm.s32 $0x9;
	_ =	strace $0x8000004B  }
0xb3: {  	_ =	swait.ge [sflag:s29], $0x1  }
0xb4: {  	[sflag:s29] =	ssyncadd.s32 $0xFFFFFFFF  }
0xb5: {  	_ =	strace $0x9000004B  }
0xb6: {  	_ =	sfence  }
0xb7: {  	s30 =	sld [smem:$0x0];
	_ =	sdelay $0x2  }
0xb8: {  	s31 =	sshll.u32 s1, $0xD;
	s1 =	sshrl.u32 s1, $0x2  }
0xb9: {  	s3 =	sand.u32 $0x4000, s31;
	s1 =	sadd.s32 s1, s30  }
0xba: {  	s0 =	sor.u32 s3, s0;
	s1 =	sshll.u32 s1, $0x11  }
0xbb: {  	s0 =	sor.u32 s1, s0  }
0xbc: {  	s0 =	sadd.s32 $0x8F2B, s0  }
0xbd: {  	[sflag:s0] =	ssyncadd.remote.s32 $0x1  }
0xbe: {  	_ =	sfence.sel $0xFFFF  }
0xbf: {  	[dreg:$0x0] =	wrdreg $0xFFFFFFFF;
	(pc) =	sbr.abs _section_cstart, $3  }
0xc0: {  	[dreg:$0x1] =	wrdreg $0xFFFFFFFF  }
0xc1: {  	_ =	task.clear_ibuf [dreg:s6], $0x2FFFF;
	_ =	strace $0x9FFFFFFF  }
0xc2: {  	(tm) =	ssettm $0x7FFFFFFF  }
0xc3: {  	_ =	shalt  }
tec
execute0_lowered:
.L_overlay_start_1:
0x0: {  	(tag) =	ssettag $0x1  }
0x1: {  	s0 =	srdreg.scid  }
0x2: {  	s14 =	stileid.u32;
	s3 =	rddreg [dreg:$0x0];
	s2 =	simm.s32 $0x0  }
0x3: {  	s0 =	sand.u32 $0x1, s0;
	s6 =	sadd.s32 $0x7F8000, s3;
	s10 =	smul.u32 $0x27800, s14  }
0x4: {  	s8 =	sadd.s32 $0xA78000, s3;
	s9 =	sadd.s32 $0xCF8000, s3;
	s20 =	smul.u32 $0x14000, s14  }
0x5: {  	s11 =	sadd.s32 $0xF78000, s3;
	s1 =	sshll.u32 s0, $0x4;
	s7 =	smul.u32 $0x278000, s0  }
0x6: {  	s13 =	ssub.s32 $0x2, s0;
	s0 =	smul.u32 $0x140000, s0;
	s4 =	sor.u32 s14, s1  }
0x7: {  	s12 =	sadd.s32 $0x11A00, s3;
	[smem:$0x7FF] =	sst s2;
	s5 =	smul.u32 $0x280, s4  }
0x8: {  	s1 =	rddreg [dreg:$0x1];
	s21 =	sshrl.u32 s13, $0x1;
	s4 =	smul.u32 $0x14000, s4  }
0x9: {  	s7 =	sadd.s32 s10, s7;
	s10 =	ssub.s32 s13, s21;
	s18 =	sadd.s32 s0, s6  }
0xa: {  	s19 =	sadd.s32 s0, s8;
	s21 =	sadd.s32 s0, s9;
	s0 =	sadd.s32 s0, s11  }
0xb: {  	s7 =	sshrl.u32 s7, $0x3;
	s0 =	sadd.s32 s20, s0;
	s22 =	sadd.s32 s6, s4  }
0xc: {  	s5 =	sadd.s32 s5, s3;
	s15 =	sadd.s32 s12, s7;
	[dreg:$0x3] =	wrdreg s22  }
0xd: {  	s3 =	sadd.s32 $0xAFA00, s3;
	s24 =	sadd.s32 s8, s4;
	[dreg:$0x4] =	wrdreg s15  }
0xe: {  	s23 =	sor.u32 $0x80, s7;
	s25 =	sadd.s32 s9, s4;
	[dreg:$0x5] =	wrdreg s24  }
0xf: {  	s26 =	sadd.s32 s11, s4;
	s28 =	sor.u32 $0x800, s4;
	[dreg:$0x7] =	wrdreg s25  }
0x10: {  	s4 =	sor.u32 $0x1000, s4;
	s12 =	sadd.s32 s12, s23;
	[dreg:$0x9] =	wrdreg s26  }
0x11: {  	s0 =	sadd.s32 $0x2000, s0;
	s7 =	sadd.s32 s3, s7;
	[dreg:$0x6] =	wrdreg s12  }
0x12: {  	s3 =	sadd.s32 s3, s23;
	s29 =	sadd.s32 s6, s28;
	[dreg:$0x8] =	wrdreg s7  }
0x13: {  	s30 =	sadd.s32 s6, s4;
	s13 =	sadd.s32 s8, s4;
	[dreg:$0xa] =	wrdreg s3  }
0x14: {  	s15 =	sadd.s32 s9, s28;
	s16 =	sadd.s32 s9, s4;
	[dreg:$0xb] =	wrdreg s29  }
0x15: {  	s17 =	sadd.s32 s11, s4;
	s4 =	sadd.s32 s20, s19;
	[dreg:$0xc] =	wrdreg s30  }
0x16: {  	s22 =	smul.u32 $0x4F000, s14;
	s5 =	sadd.s32 $0xCA00, s5;
	[dreg:$0xe] =	wrdreg s13  }
0x17: {  	s24 =	smax.u32 s10, $0x1;
	s14 =	simm.s32 $0x1400;
	[dreg:$0xf] =	wrdreg s15  }
0x18: {  	s12 =	sadd.s32 s8, s28;
	[dreg:$0x10] =	wrdreg s16;
	s3 =	sadd.s32 s11, s28  }
0x19: {  	[dreg:$0x12] =	wrdreg s17;
	s7 =	sadd.s32 s20, s21;
	s25 =	sadd.s32 $0x2000, s4  }
0x1a: {  	s13 =	simm.s32 $0x9400;
	s15 =	simm.s32 $0x1;
	[dreg:$0xd] =	wrdreg s12  }
0x1b: {  	s16 =	simm.s32 $0x5400;
	s17 =	simm.s32 $0x80;
	[dreg:$0x11] =	wrdreg s3  }
0x1c: {  	s3 =	sadd.s32 s20, s18;
	_ =	strace $0x8000004A;
	[dreg:$0x13] =	wrdreg s5  }
0x1d: {  	s23 =	sshrl.u32 s22, $0x2;
	s26 =	sadd.s32 $0x2000, s7;
	[dreg:$0x14] =	wrdreg s24  }
0x1e: {  	s12 =	simm.s32 $0x5;
	s18 =	simm.s32 $0x2;
	[dreg:$0x16] =	wrdreg s25  }
0x1f: {  	s20 =	simm.s32 $0x3;
	s22 =	simm.s32 $0x4;
	[dreg:$0x17] =	wrdreg s26  }
0x20: {  	s21 =	sadd.s32 s23, s1;
	s3 =	sadd.s32 $0x2000, s3;
	[dreg:$0x18] =	wrdreg s0  }
0x21: {  	s25 =	simm.s32 $0x0;
	[dreg:$0x15] =	wrdreg s3;
	s28 =	sadd.s32 $0x1400, s21  }
0x22: {  	s29 =	sadd.s32 $0x2800, s21;
	s30 =	sadd.s32 $0x3C00, s21;
	s31 =	sadd.s32 $0x5000, s21  }
.Ltmp0:
0x23: {  	s19 =	sadd.s32 $0x6400, s21;
	s0 =	sadd.s32 $0x7800, s21;
	(pc) =	sbr.rel .LBB2_1-.Ltmp0, $4  }
0x24: {  	s3 =	sadd.s32 $0x8C00, s21;
	s4 =	sadd.s32 $0xA000, s21;
	s5 =	sadd.s32 $0xB400, s21  }
0x25: {  	s6 =	sadd.s32 $0xC800, s21;
	s7 =	sadd.s32 $0xDC00, s21;
	[dreg:$0x19] =	wrdreg s28  }
0x26: {  	s8 =	sadd.s32 $0xF000, s21;
	s9 =	sadd.s32 $0x10400, s21;
	[dreg:$0x1a] =	wrdreg s29  }
0x27: {  	v0 =	vimm.f32 $0.0e+00;
	s10 =	sadd.s32 $0x11800, s21;
	s11 =	sadd.s32 $0x12C00, s21;
	[dreg:$0x1b] =	wrdreg s30  }
.LBB2_15:
0x28: {  	[spmem:s1] =	stream.indirect.scatter.add.f32 [tilespmem:s16], [sflag:$0x4], $0x80, s29, s17, $0xb8;
	[tilespmem:$0x1E400] =	vst v63  }
0x29: {  	_ =	swait.ge [sflag:s22], $0x4000  }
0x2a: {  	[sflag:s22] =	ssyncset.done $0x0  }
0x2b: {  	[sflag:s22] =	ssyncadd.s32 $0xFFFFC000  }
0x2c: {  	[bflag:$0x0] =	sbarrier.arrive $0xFFFF  }
0x2d: {  	s28 =	simm.s32 $0x8;
	s30 =	simm.s32 $0x100;
	s24 =	rddreg [dreg:$0xa]  }
0x2e: {  	[hbm:s24@s30], [sflag:s26] =	dma.strided [spmem:s23@s17], $0x2780, s28, $0x10   }
0x2f: {  	_ =	swait.ge [sflag:s12], $0x2780  }
0x30: {  	s25 =	sadd.s32 $0x1, s25;
	s30 =	rddreg [dreg:$0x14]  }
0x31: {  	p0 =	sne.s32 s25, s30  }
.Ltmp1:
0x32: {  	_ = 	snop;
	(pc) =	sbr.rel @!p0 .LBB2_16-.Ltmp1, $3  }
0x33: {  	[sflag:s12] =	ssyncset.done $0x0  }
0x34: {  	[sflag:s12] =	ssyncadd.s32 $0xFFFFD880  }
0x35: {  	[bflag:$0x0] =	sbarrier.arrive $0xFFFF;
	_ =	sdelay $0x1  }
.LBB2_1:
0x36: {  	s23 =	rddreg [dreg:$0x13]  }
0x37: {  	[tilespmem:s2], [sflag:$0x5] =	stream.linear.gather [hbm4b:s23+s2], $0x1400, $0x38;
	[tilespmem:$0x1E400] =	vst v63  }
0x38: {  	s30 =	sand.u32 $0x7E00, s2;
	s24 =	sand.u32 $0x70, s2;
	_ =	swait.ge [sflag:s12], $0x1400  }
0x39: {  	s26 =	sshrl.u32 s30, $0x2;
	s23 =	simm.s32 $0x40;
	[sflag:s12] =	ssyncset.done $0x0  }
0x3a: {  	s26 =	sor.u32 s24, s26;
	s24 =	simm.s32 $0x0;
	[sflag:s12] =	ssyncadd.s32 $0xFFFFEC00  }
.LBB2_2:
0x3b: {  	p0 =	sne.s32 s23, $0x4FC0  }
0x3c: {  	[tilespmem:s26+$0x9400] =	vst v0;
	s24 =	sadd.s32 $0x10, s24;
	s26 =	smov.u32 s23;
	s23 =	sadd.s32 $0x40, s23  }
.Ltmp2:
0x3d: {  	(pc) =	sbr.rel @p0 .LBB2_2-.Ltmp2, $4  }
0x3e: {  	_ = 	snop  }
0x3f: {  	s26 =	sand.u32 $0x7E00, s26  }
0x40: {  	s28 =	sand.u32 $0x70, s24;
	s26 =	sshrl.u32 s26, $0x2  }
0x41: {  	s26 =	sor.u32 s28, s26  }
0x42: {  	[tilespmem:s26+$0x9400] =	vst v0  }
0x43: {  	[spmem:s21] =	stream.linear.scatter [tilespmem:s13], [sflag:$0x5], $0x1400, $0x38;
	[tilespmem:$0x1E400] =	vst v63  }
0x44: {  	_ =	swait.ge [sflag:s12], $0x1400  }
0x45: {  	[sflag:s12] =	ssyncset.done $0x0  }
0x46: {  	s23 =	rddreg [dreg:$0x19];
	[sflag:s12] =	ssyncadd.s32 $0xFFFFEC00  }
0x47: {  	[spmem:s23] =	stream.linear.scatter [tilespmem:s13], [sflag:$0x5], $0x1400, $0x38;
	[tilespmem:$0x1E400] =	vst v63  }
0x48: {  	_ =	swait.ge [sflag:s12], $0x1400  }
0x49: {  	[sflag:s12] =	ssyncset.done $0x0  }
0x4a: {  	s26 =	rddreg [dreg:$0x1a];
	[sflag:s12] =	ssyncadd.s32 $0xFFFFEC00  }
0x4b: {  	[spmem:s26] =	stream.linear.scatter [tilespmem:s13], [sflag:$0x5], $0x1400, $0x38;
	[tilespmem:$0x1E400] =	vst v63  }
0x4c: {  	_ =	swait.ge [sflag:s12], $0x1400  }
0x4d: {  	[sflag:s12] =	ssyncset.done $0x0  }
0x4e: {  	s28 =	rddreg [dreg:$0x1b];
	[sflag:s12] =	ssyncadd.s32 $0xFFFFEC00  }
0x4f: {  	[spmem:s28] =	stream.linear.scatter [tilespmem:s13], [sflag:$0x5], $0x1400, $0x38;
	[tilespmem:$0x1E400] =	vst v63  }
0x50: {  	_ =	swait.ge [sflag:s12], $0x1400  }
0x51: {  	[sflag:s12] =	ssyncset.done $0x0  }
0x52: {  	[sflag:s12] =	ssyncadd.s32 $0xFFFFEC00  }
0x53: {  	[spmem:s31] =	stream.linear.scatter [tilespmem:s13], [sflag:$0x5], $0x1400, $0x38;
	[tilespmem:$0x1E400] =	vst v63  }
0x54: {  	_ =	swait.ge [sflag:s12], $0x1400  }
0x55: {  	[sflag:s12] =	ssyncset.done $0x0  }
0x56: {  	[sflag:s12] =	ssyncadd.s32 $0xFFFFEC00  }
0x57: {  	[spmem:s19] =	stream.linear.scatter [tilespmem:s13], [sflag:$0x5], $0x1400, $0x38;
	[tilespmem:$0x1E400] =	vst v63  }
0x58: {  	_ =	swait.ge [sflag:s12], $0x1400  }
0x59: {  	[sflag:s12] =	ssyncset.done $0x0  }
0x5a: {  	[sflag:s12] =	ssyncadd.s32 $0xFFFFEC00  }
0x5b: {  	[spmem:s0] =	stream.linear.scatter [tilespmem:s13], [sflag:$0x5], $0x1400, $0x38;
	[tilespmem:$0x1E400] =	vst v63  }
0x5c: {  	_ =	swait.ge [sflag:s12], $0x1400  }
0x5d: {  	[sflag:s12] =	ssyncset.done $0x0  }
0x5e: {  	[sflag:s12] =	ssyncadd.s32 $0xFFFFEC00  }
0x5f: {  	[spmem:s3] =	stream.linear.scatter [tilespmem:s13], [sflag:$0x5], $0x1400, $0x38;
	[tilespmem:$0x1E400] =	vst v63  }
0x60: {  	_ =	swait.ge [sflag:s12], $0x1400  }
0x61: {  	[sflag:s12] =	ssyncset.done $0x0  }
0x62: {  	[sflag:s12] =	ssyncadd.s32 $0xFFFFEC00  }
0x63: {  	[spmem:s4] =	stream.linear.scatter [tilespmem:s13], [sflag:$0x5], $0x1400, $0x38;
	[tilespmem:$0x1E400] =	vst v63  }
0x64: {  	_ =	swait.ge [sflag:s12], $0x1400  }
0x65: {  	[sflag:s12] =	ssyncset.done $0x0  }
0x66: {  	[sflag:s12] =	ssyncadd.s32 $0xFFFFEC00  }
0x67: {  	[spmem:s5] =	stream.linear.scatter [tilespmem:s13], [sflag:$0x5], $0x1400, $0x38;
	[tilespmem:$0x1E400] =	vst v63  }
0x68: {  	_ =	swait.ge [sflag:s12], $0x1400  }
0x69: {  	[sflag:s12] =	ssyncset.done $0x0  }
0x6a: {  	[sflag:s12] =	ssyncadd.s32 $0xFFFFEC00  }
0x6b: {  	[spmem:s6] =	stream.linear.scatter [tilespmem:s13], [sflag:$0x5], $0x1400, $0x38;
	[tilespmem:$0x1E400] =	vst v63  }
0x6c: {  	_ =	swait.ge [sflag:s12], $0x1400  }
0x6d: {  	[sflag:s12] =	ssyncset.done $0x0  }
0x6e: {  	[sflag:s12] =	ssyncadd.s32 $0xFFFFEC00  }
0x6f: {  	[spmem:s7] =	stream.linear.scatter [tilespmem:s13], [sflag:$0x5], $0x1400, $0x38;
	[tilespmem:$0x1E400] =	vst v63  }
0x70: {  	_ =	swait.ge [sflag:s12], $0x1400  }
0x71: {  	[sflag:s12] =	ssyncset.done $0x0  }
0x72: {  	[sflag:s12] =	ssyncadd.s32 $0xFFFFEC00  }
0x73: {  	[spmem:s8] =	stream.linear.scatter [tilespmem:s13], [sflag:$0x5], $0x1400, $0x38;
	[tilespmem:$0x1E400] =	vst v63  }
0x74: {  	_ =	swait.ge [sflag:s12], $0x1400  }
0x75: {  	[sflag:s12] =	ssyncset.done $0x0  }
0x76: {  	[sflag:s12] =	ssyncadd.s32 $0xFFFFEC00  }
0x77: {  	[spmem:s9] =	stream.linear.scatter [tilespmem:s13], [sflag:$0x5], $0x1400, $0x38;
	[tilespmem:$0x1E400] =	vst v63  }
0x78: {  	_ =	swait.ge [sflag:s12], $0x1400  }
0x79: {  	[sflag:s12] =	ssyncset.done $0x0  }
0x7a: {  	[sflag:s12] =	ssyncadd.s32 $0xFFFFEC00  }
0x7b: {  	[spmem:s10] =	stream.linear.scatter [tilespmem:s13], [sflag:$0x5], $0x1400, $0x38;
	[tilespmem:$0x1E400] =	vst v63  }
0x7c: {  	_ =	swait.ge [sflag:s12], $0x1400  }
0x7d: {  	[sflag:s12] =	ssyncset.done $0x0  }
0x7e: {  	[sflag:s12] =	ssyncadd.s32 $0xFFFFEC00  }
0x7f: {  	[spmem:s11] =	stream.linear.scatter [tilespmem:s13], [sflag:$0x5], $0x1000, $0x38;
	[tilespmem:$0x1E400] =	vst v63  }
0x80: {  	_ =	swait.ge [sflag:s12], $0x1000  }
0x81: {  	[sflag:s12] =	ssyncset.done $0x0  }
0x82: {  	[sflag:s12] =	ssyncadd.s32 $0xFFFFF000  }
0x83: {  	[bflag:$0x0] =	sbarrier.arrive $0xFFFF  }
0x84: {  	s23 =	simm.s32 $0x0;
	s24 =	rddreg [dreg:$0x3]  }
0x85: {  	[tilespmem:s14], [sflag:$0x1] =	stream.linear.gather [hbm4b:s24+s23], $0x4000, $0x38;
	[tilespmem:$0x1E400] =	vst v63  }
0x86: {  	_ =	swait.ge [sflag:s15], $0x4000  }
0x87: {  	[sflag:s15] =	ssyncset.done $0x0  }
0x88: {  	s29 =	rddreg [dreg:$0xb];
	[sflag:s15] =	ssyncadd.s32 $0xFFFFC000  }
0x89: {  	[tilespmem:s16], [sflag:$0x2] =	stream.linear.gather [hbm4b:s29+s23], $0x4000, $0x38;
	[tilespmem:$0x1E400] =	vst v63  }
0x8a: {  	_ = 	snop  }
0x8b: {  	[spmem:s1] =	stream.indirect.scatter.add.f32 [tilespmem:s14], [sflag:$0x3], $0x80, s23, s17, $0xb8;
	[tilespmem:$0x1E400] =	vst v63  }
0x8c: {  	_ =	swait.ge [sflag:s18], $0x4000  }
0x8d: {  	[sflag:s18] =	ssyncset.done $0x0  }
0x8e: {  	[sflag:s18] =	ssyncadd.s32 $0xFFFFC000  }
0x8f: {  	_ =	swait.ge [sflag:s20], $0x4000  }
0x90: {  	[sflag:s20] =	ssyncset.done $0x0  }
0x91: {  	s30 =	rddreg [dreg:$0xc];
	[sflag:s20] =	ssyncadd.s32 $0xFFFFC000  }
0x92: {  	[tilespmem:s14], [sflag:$0x1] =	stream.linear.gather [hbm4b:s30+s23], $0x4000, $0x38;
	[tilespmem:$0x1E400] =	vst v63  }
0x93: {  	s24 =	rddreg [dreg:$0x15]  }
0x94: {  	[spmem:s1] =	stream.indirect.scatter.add.f32 [tilespmem:s16], [sflag:$0x4], $0x80, s17, s17, $0xb8;
	[tilespmem:$0x1E400] =	vst v63  }
.LBB2_4:
0x95: {  	_ =	swait.ge [sflag:s15], $0x4000  }
0x96: {  	[sflag:s15] =	ssyncset.done $0x0  }
0x97: {  	[sflag:s15] =	ssyncadd.s32 $0xFFFFC000  }
0x98: {  	_ =	swait.ge [sflag:s22], $0x4000  }
0x99: {  	[sflag:s22] =	ssyncset.done $0x0  }
0x9a: {  	s26 =	sadd.s32 $0xFFFFF800, s24;
	s30 =	sshra.s32 s23, $0x2;
	[sflag:s22] =	ssyncadd.s32 $0xFFFFC000  }
0x9b: {  	[tilespmem:s16], [sflag:$0x2] =	stream.linear.gather [hbm4b:s26+s2], $0x4000, $0x38;
	[tilespmem:$0x1E400] =	vst v63  }
0x9c: {  	s28 =	sadd.s32 $0x100, s30  }
0x9d: {  	[spmem:s1] =	stream.indirect.scatter.add.f32 [tilespmem:s14], [sflag:$0x3], $0x80, s28, s17, $0xb8;
	[tilespmem:$0x1E400] =	vst v63  }
0x9e: {  	p0 =	seq.s32 s23, $0x4800;
	_ =	swait.ge [sflag:s18], $0x4000  }
.Ltmp3:
0x9f: {  	[sflag:s18] =	ssyncset.done $0x0;
	(pc) =	sbr.rel @p0 .LBB2_6-.Ltmp3, $4  }
0xa0: {  	[sflag:s18] =	ssyncadd.s32 $0xFFFFC000  }
0xa1: {  	_ =	swait.ge [sflag:s20], $0x4000  }
0xa2: {  	[sflag:s20] =	ssyncset.done $0x0  }
0xa3: {  	s26 =	sadd.s32 $0x180, s30;
	[sflag:s20] =	ssyncadd.s32 $0xFFFFC000  }
.Ltmp4:
0xa4: {  	(pc) =	sbr.rel .LBB2_4-.Ltmp4, $4  }
0xa5: {  	_ = 	snop  }
0xa6: {  	[tilespmem:s14], [sflag:$0x1] =	stream.linear.gather [hbm4b:s24+s2], $0x4000, $0x38;
	[tilespmem:$0x1E400] =	vst v63  }
0xa7: {  	s23 =	sadd.s32 $0x400, s23;
	s24 =	sadd.s32 $0x1000, s24  }
0xa8: {  	[spmem:s1] =	stream.indirect.scatter.add.f32 [tilespmem:s16], [sflag:$0x4], $0x80, s26, s17, $0xb8;
	[tilespmem:$0x1E400] =	vst v63  }
.LBB2_6:
0xa9: {  	[spmem:s1] =	stream.indirect.scatter.add.f32 [tilespmem:s16], [sflag:$0x4], $0x80, s26, s17, $0xb8;
	[tilespmem:$0x1E400] =	vst v63  }
0xaa: {  	_ =	swait.ge [sflag:s22], $0x4000  }
0xab: {  	[sflag:s22] =	ssyncset.done $0x0  }
0xac: {  	s23 =	stileid.u32;
	s28 =	simm.s32 $0x8;
	[sflag:s22] =	ssyncadd.s32 $0xFFFFC000  }
0xad: {  	s29 =	simm.s32 $0x100;
	s23 =	sshll.u32 s23, $0x6;
	[bflag:$0x0] =	sbarrier.arrive $0xFFFF  }
0xae: {  	s26 =	sor.u32 $0x1C05, s23;
	s23 =	sshrl.u32 s21, $0x3;
	s24 =	rddreg [dreg:$0x4]  }
0xaf: {  	[hbm:s24@s29], [sflag:s26] =	dma.strided [spmem:s23@s17], $0x2780, s28, $0x10   }
0xb0: {  	_ =	swait.ge [sflag:s12], $0x2780  }
0xb1: {  	[sflag:s12] =	ssyncset.done $0x0  }
0xb2: {  	[sflag:s12] =	ssyncadd.s32 $0xFFFFD880  }
0xb3: {  	[bflag:$0x0] =	sbarrier.arrive $0xFFFF  }
0xb4: {  	[spmem:s21] =	stream.linear.scatter [tilespmem:s13], [sflag:$0x5], $0x1400, $0x38;
	[tilespmem:$0x1E400] =	vst v63  }
0xb5: {  	_ =	swait.ge [sflag:s12], $0x1400  }
0xb6: {  	[sflag:s12] =	ssyncset.done $0x0  }
0xb7: {  	s30 =	rddreg [dreg:$0x19];
	[sflag:s12] =	ssyncadd.s32 $0xFFFFEC00  }
0xb8: {  	[spmem:s30] =	stream.linear.scatter [tilespmem:s13], [sflag:$0x5], $0x1400, $0x38;
	[tilespmem:$0x1E400] =	vst v63  }
0xb9: {  	_ =	swait.ge [sflag:s12], $0x1400  }
0xba: {  	[sflag:s12] =	ssyncset.done $0x0  }
0xbb: {  	s29 =	rddreg [dreg:$0x1a];
	[sflag:s12] =	ssyncadd.s32 $0xFFFFEC00  }
0xbc: {  	[spmem:s29] =	stream.linear.scatter [tilespmem:s13], [sflag:$0x5], $0x1400, $0x38;
	[tilespmem:$0x1E400] =	vst v63  }
0xbd: {  	_ =	swait.ge [sflag:s12], $0x1400  }
0xbe: {  	[sflag:s12] =	ssyncset.done $0x0  }
0xbf: {  	s30 =	rddreg [dreg:$0x1b];
	[sflag:s12] =	ssyncadd.s32 $0xFFFFEC00  }
0xc0: {  	[spmem:s30] =	stream.linear.scatter [tilespmem:s13], [sflag:$0x5], $0x1400, $0x38;
	[tilespmem:$0x1E400] =	vst v63  }
0xc1: {  	_ =	swait.ge [sflag:s12], $0x1400  }
0xc2: {  	[sflag:s12] =	ssyncset.done $0x0  }
0xc3: {  	[sflag:s12] =	ssyncadd.s32 $0xFFFFEC00  }
0xc4: {  	[spmem:s31] =	stream.linear.scatter [tilespmem:s13], [sflag:$0x5], $0x1400, $0x38;
	[tilespmem:$0x1E400] =	vst v63  }
0xc5: {  	_ =	swait.ge [sflag:s12], $0x1400  }
0xc6: {  	[sflag:s12] =	ssyncset.done $0x0  }
0xc7: {  	[sflag:s12] =	ssyncadd.s32 $0xFFFFEC00  }
0xc8: {  	[spmem:s19] =	stream.linear.scatter [tilespmem:s13], [sflag:$0x5], $0x1400, $0x38;
	[tilespmem:$0x1E400] =	vst v63  }
0xc9: {  	_ =	swait.ge [sflag:s12], $0x1400  }
0xca: {  	[sflag:s12] =	ssyncset.done $0x0  }
0xcb: {  	[sflag:s12] =	ssyncadd.s32 $0xFFFFEC00  }
0xcc: {  	[spmem:s0] =	stream.linear.scatter [tilespmem:s13], [sflag:$0x5], $0x1400, $0x38;
	[tilespmem:$0x1E400] =	vst v63  }
0xcd: {  	_ =	swait.ge [sflag:s12], $0x1400  }
0xce: {  	[sflag:s12] =	ssyncset.done $0x0  }
0xcf: {  	[sflag:s12] =	ssyncadd.s32 $0xFFFFEC00  }
0xd0: {  	[spmem:s3] =	stream.linear.scatter [tilespmem:s13], [sflag:$0x5], $0x1400, $0x38;
	[tilespmem:$0x1E400] =	vst v63  }
0xd1: {  	_ =	swait.ge [sflag:s12], $0x1400  }
0xd2: {  	[sflag:s12] =	ssyncset.done $0x0  }
0xd3: {  	[sflag:s12] =	ssyncadd.s32 $0xFFFFEC00  }
0xd4: {  	[spmem:s4] =	stream.linear.scatter [tilespmem:s13], [sflag:$0x5], $0x1400, $0x38;
	[tilespmem:$0x1E400] =	vst v63  }
0xd5: {  	_ =	swait.ge [sflag:s12], $0x1400  }
0xd6: {  	[sflag:s12] =	ssyncset.done $0x0  }
0xd7: {  	[sflag:s12] =	ssyncadd.s32 $0xFFFFEC00  }
0xd8: {  	[spmem:s5] =	stream.linear.scatter [tilespmem:s13], [sflag:$0x5], $0x1400, $0x38;
	[tilespmem:$0x1E400] =	vst v63  }
0xd9: {  	_ =	swait.ge [sflag:s12], $0x1400  }
0xda: {  	[sflag:s12] =	ssyncset.done $0x0  }
0xdb: {  	[sflag:s12] =	ssyncadd.s32 $0xFFFFEC00  }
0xdc: {  	[spmem:s6] =	stream.linear.scatter [tilespmem:s13], [sflag:$0x5], $0x1400, $0x38;
	[tilespmem:$0x1E400] =	vst v63  }
0xdd: {  	_ =	swait.ge [sflag:s12], $0x1400  }
0xde: {  	[sflag:s12] =	ssyncset.done $0x0  }
0xdf: {  	[sflag:s12] =	ssyncadd.s32 $0xFFFFEC00  }
0xe0: {  	[spmem:s7] =	stream.linear.scatter [tilespmem:s13], [sflag:$0x5], $0x1400, $0x38;
	[tilespmem:$0x1E400] =	vst v63  }
0xe1: {  	_ =	swait.ge [sflag:s12], $0x1400  }
0xe2: {  	[sflag:s12] =	ssyncset.done $0x0  }
0xe3: {  	[sflag:s12] =	ssyncadd.s32 $0xFFFFEC00  }
0xe4: {  	[spmem:s8] =	stream.linear.scatter [tilespmem:s13], [sflag:$0x5], $0x1400, $0x38;
	[tilespmem:$0x1E400] =	vst v63  }
0xe5: {  	_ =	swait.ge [sflag:s12], $0x1400  }
0xe6: {  	[sflag:s12] =	ssyncset.done $0x0  }
0xe7: {  	[sflag:s12] =	ssyncadd.s32 $0xFFFFEC00  }
0xe8: {  	[spmem:s9] =	stream.linear.scatter [tilespmem:s13], [sflag:$0x5], $0x1400, $0x38;
	[tilespmem:$0x1E400] =	vst v63  }
0xe9: {  	_ =	swait.ge [sflag:s12], $0x1400  }
0xea: {  	[sflag:s12] =	ssyncset.done $0x0  }
0xeb: {  	[sflag:s12] =	ssyncadd.s32 $0xFFFFEC00  }
0xec: {  	[spmem:s10] =	stream.linear.scatter [tilespmem:s13], [sflag:$0x5], $0x1400, $0x38;
	[tilespmem:$0x1E400] =	vst v63  }
0xed: {  	_ =	swait.ge [sflag:s12], $0x1400  }
0xee: {  	[sflag:s12] =	ssyncset.done $0x0  }
0xef: {  	[sflag:s12] =	ssyncadd.s32 $0xFFFFEC00  }
0xf0: {  	[spmem:s11] =	stream.linear.scatter [tilespmem:s13], [sflag:$0x5], $0x1000, $0x38;
	[tilespmem:$0x1E400] =	vst v63  }
0xf1: {  	_ =	swait.ge [sflag:s12], $0x1000  }
0xf2: {  	[sflag:s12] =	ssyncset.done $0x0  }
0xf3: {  	[sflag:s12] =	ssyncadd.s32 $0xFFFFF000  }
0xf4: {  	[bflag:$0x0] =	sbarrier.arrive $0xFFFF  }
0xf5: {  	s24 =	simm.s32 $0x0;
	s28 =	rddreg [dreg:$0x5]  }
0xf6: {  	[tilespmem:s14], [sflag:$0x1] =	stream.linear.gather [hbm4b:s28+s24], $0x4000, $0x38;
	[tilespmem:$0x1E400] =	vst v63  }
0xf7: {  	_ =	swait.ge [sflag:s15], $0x4000  }
0xf8: {  	[sflag:s15] =	ssyncset.done $0x0  }
0xf9: {  	s28 =	rddreg [dreg:$0xd];
	[sflag:s15] =	ssyncadd.s32 $0xFFFFC000  }
0xfa: {  	[tilespmem:s16], [sflag:$0x2] =	stream.linear.gather [hbm4b:s28+s24], $0x4000, $0x38;
	[tilespmem:$0x1E400] =	vst v63  }
0xfb: {  	_ = 	snop  }
0xfc: {  	[spmem:s1] =	stream.indirect.scatter.add.f32 [tilespmem:s14], [sflag:$0x3], $0x80, s24, s17, $0xb8;
	[tilespmem:$0x1E400] =	vst v63  }
0xfd: {  	_ =	swait.ge [sflag:s18], $0x4000  }
0xfe: {  	[sflag:s18] =	ssyncset.done $0x0  }
0xff: {  	[sflag:s18] =	ssyncadd.s32 $0xFFFFC000  }
0x100: {  	_ =	swait.ge [sflag:s20], $0x4000  }
0x101: {  	[sflag:s20] =	ssyncset.done $0x0  }
0x102: {  	s28 =	rddreg [dreg:$0xe];
	[sflag:s20] =	ssyncadd.s32 $0xFFFFC000  }
0x103: {  	[tilespmem:s14], [sflag:$0x1] =	stream.linear.gather [hbm4b:s28+s24], $0x4000, $0x38;
	[tilespmem:$0x1E400] =	vst v63  }
0x104: {  	s28 =	rddreg [dreg:$0x16]  }
0x105: {  	[spmem:s1] =	stream.indirect.scatter.add.f32 [tilespmem:s16], [sflag:$0x4], $0x80, s17, s17, $0xb8;
	[tilespmem:$0x1E400] =	vst v63  }
.LBB2_7:
0x106: {  	_ =	swait.ge [sflag:s15], $0x4000  }
0x107: {  	[sflag:s15] =	ssyncset.done $0x0  }
0x108: {  	[sflag:s15] =	ssyncadd.s32 $0xFFFFC000  }
0x109: {  	_ =	swait.ge [sflag:s22], $0x4000  }
0x10a: {  	[sflag:s22] =	ssyncset.done $0x0  }
0x10b: {  	s29 =	sadd.s32 $0xFFFFF800, s28;
	[sflag:s22] =	ssyncadd.s32 $0xFFFFC000  }
0x10c: {  	[tilespmem:s16], [sflag:$0x2] =	stream.linear.gather [hbm4b:s29+s2], $0x4000, $0x38;
	[tilespmem:$0x1E400] =	vst v63  }
0x10d: {  	s29 =	sshra.s32 s24, $0x2  }
0x10e: {  	s30 =	sadd.s32 $0x100, s29  }
0x10f: {  	[spmem:s1] =	stream.indirect.scatter.add.f32 [tilespmem:s14], [sflag:$0x3], $0x80, s30, s17, $0xb8;
	[tilespmem:$0x1E400] =	vst v63  }
0x110: {  	p0 =	seq.s32 s24, $0x4800;
	_ =	swait.ge [sflag:s18], $0x4000  }
.Ltmp5:
0x111: {  	[sflag:s18] =	ssyncset.done $0x0;
	(pc) =	sbr.rel @p0 .LBB2_9-.Ltmp5, $4  }
0x112: {  	[sflag:s18] =	ssyncadd.s32 $0xFFFFC000  }
0x113: {  	_ =	swait.ge [sflag:s20], $0x4000  }
0x114: {  	[sflag:s20] =	ssyncset.done $0x0  }
0x115: {  	s29 =	sadd.s32 $0x180, s29;
	[sflag:s20] =	ssyncadd.s32 $0xFFFFC000  }
.Ltmp6:
0x116: {  	(pc) =	sbr.rel .LBB2_7-.Ltmp6, $4  }
0x117: {  	_ = 	snop  }
0x118: {  	[tilespmem:s14], [sflag:$0x1] =	stream.linear.gather [hbm4b:s28+s2], $0x4000, $0x38;
	[tilespmem:$0x1E400] =	vst v63  }
0x119: {  	s24 =	sadd.s32 $0x400, s24;
	s28 =	sadd.s32 $0x1000, s28  }
0x11a: {  	[spmem:s1] =	stream.indirect.scatter.add.f32 [tilespmem:s16], [sflag:$0x4], $0x80, s29, s17, $0xb8;
	[tilespmem:$0x1E400] =	vst v63  }
.LBB2_9:
0x11b: {  	[spmem:s1] =	stream.indirect.scatter.add.f32 [tilespmem:s16], [sflag:$0x4], $0x80, s29, s17, $0xb8;
	[tilespmem:$0x1E400] =	vst v63  }
0x11c: {  	_ =	swait.ge [sflag:s22], $0x4000  }
0x11d: {  	[sflag:s22] =	ssyncset.done $0x0  }
0x11e: {  	[sflag:s22] =	ssyncadd.s32 $0xFFFFC000  }
0x11f: {  	[bflag:$0x0] =	sbarrier.arrive $0xFFFF  }
0x120: {  	s28 =	simm.s32 $0x8;
	s30 =	simm.s32 $0x100;
	s24 =	rddreg [dreg:$0x6]  }
0x121: {  	[hbm:s24@s30], [sflag:s26] =	dma.strided [spmem:s23@s17], $0x2780, s28, $0x10   }
0x122: {  	_ =	swait.ge [sflag:s12], $0x2780  }
0x123: {  	[sflag:s12] =	ssyncset.done $0x0  }
0x124: {  	[sflag:s12] =	ssyncadd.s32 $0xFFFFD880  }
0x125: {  	[bflag:$0x0] =	sbarrier.arrive $0xFFFF  }
0x126: {  	[spmem:s21] =	stream.linear.scatter [tilespmem:s13], [sflag:$0x5], $0x1400, $0x38;
	[tilespmem:$0x1E400] =	vst v63  }
0x127: {  	_ =	swait.ge [sflag:s12], $0x1400  }
0x128: {  	[sflag:s12] =	ssyncset.done $0x0  }
0x129: {  	s30 =	rddreg [dreg:$0x19];
	[sflag:s12] =	ssyncadd.s32 $0xFFFFEC00  }
0x12a: {  	[spmem:s30] =	stream.linear.scatter [tilespmem:s13], [sflag:$0x5], $0x1400, $0x38;
	[tilespmem:$0x1E400] =	vst v63  }
0x12b: {  	_ =	swait.ge [sflag:s12], $0x1400  }
0x12c: {  	[sflag:s12] =	ssyncset.done $0x0  }
0x12d: {  	s29 =	rddreg [dreg:$0x1a];
	[sflag:s12] =	ssyncadd.s32 $0xFFFFEC00  }
0x12e: {  	[spmem:s29] =	stream.linear.scatter [tilespmem:s13], [sflag:$0x5], $0x1400, $0x38;
	[tilespmem:$0x1E400] =	vst v63  }
0x12f: {  	_ =	swait.ge [sflag:s12], $0x1400  }
0x130: {  	[sflag:s12] =	ssyncset.done $0x0  }
0x131: {  	s30 =	rddreg [dreg:$0x1b];
	[sflag:s12] =	ssyncadd.s32 $0xFFFFEC00  }
0x132: {  	[spmem:s30] =	stream.linear.scatter [tilespmem:s13], [sflag:$0x5], $0x1400, $0x38;
	[tilespmem:$0x1E400] =	vst v63  }
0x133: {  	_ =	swait.ge [sflag:s12], $0x1400  }
0x134: {  	[sflag:s12] =	ssyncset.done $0x0  }
0x135: {  	[sflag:s12] =	ssyncadd.s32 $0xFFFFEC00  }
0x136: {  	[spmem:s31] =	stream.linear.scatter [tilespmem:s13], [sflag:$0x5], $0x1400, $0x38;
	[tilespmem:$0x1E400] =	vst v63  }
0x137: {  	_ =	swait.ge [sflag:s12], $0x1400  }
0x138: {  	[sflag:s12] =	ssyncset.done $0x0  }
0x139: {  	[sflag:s12] =	ssyncadd.s32 $0xFFFFEC00  }
0x13a: {  	[spmem:s19] =	stream.linear.scatter [tilespmem:s13], [sflag:$0x5], $0x1400, $0x38;
	[tilespmem:$0x1E400] =	vst v63  }
0x13b: {  	_ =	swait.ge [sflag:s12], $0x1400  }
0x13c: {  	[sflag:s12] =	ssyncset.done $0x0  }
0x13d: {  	[sflag:s12] =	ssyncadd.s32 $0xFFFFEC00  }
0x13e: {  	[spmem:s0] =	stream.linear.scatter [tilespmem:s13], [sflag:$0x5], $0x1400, $0x38;
	[tilespmem:$0x1E400] =	vst v63  }
0x13f: {  	_ =	swait.ge [sflag:s12], $0x1400  }
0x140: {  	[sflag:s12] =	ssyncset.done $0x0  }
0x141: {  	[sflag:s12] =	ssyncadd.s32 $0xFFFFEC00  }
0x142: {  	[spmem:s3] =	stream.linear.scatter [tilespmem:s13], [sflag:$0x5], $0x1400, $0x38;
	[tilespmem:$0x1E400] =	vst v63  }
0x143: {  	_ =	swait.ge [sflag:s12], $0x1400  }
0x144: {  	[sflag:s12] =	ssyncset.done $0x0  }
0x145: {  	[sflag:s12] =	ssyncadd.s32 $0xFFFFEC00  }
0x146: {  	[spmem:s4] =	stream.linear.scatter [tilespmem:s13], [sflag:$0x5], $0x1400, $0x38;
	[tilespmem:$0x1E400] =	vst v63  }
0x147: {  	_ =	swait.ge [sflag:s12], $0x1400  }
0x148: {  	[sflag:s12] =	ssyncset.done $0x0  }
0x149: {  	[sflag:s12] =	ssyncadd.s32 $0xFFFFEC00  }
0x14a: {  	[spmem:s5] =	stream.linear.scatter [tilespmem:s13], [sflag:$0x5], $0x1400, $0x38;
	[tilespmem:$0x1E400] =	vst v63  }
0x14b: {  	_ =	swait.ge [sflag:s12], $0x1400  }
0x14c: {  	[sflag:s12] =	ssyncset.done $0x0  }
0x14d: {  	[sflag:s12] =	ssyncadd.s32 $0xFFFFEC00  }
0x14e: {  	[spmem:s6] =	stream.linear.scatter [tilespmem:s13], [sflag:$0x5], $0x1400, $0x38;
	[tilespmem:$0x1E400] =	vst v63  }
0x14f: {  	_ =	swait.ge [sflag:s12], $0x1400  }
0x150: {  	[sflag:s12] =	ssyncset.done $0x0  }
0x151: {  	[sflag:s12] =	ssyncadd.s32 $0xFFFFEC00  }
0x152: {  	[spmem:s7] =	stream.linear.scatter [tilespmem:s13], [sflag:$0x5], $0x1400, $0x38;
	[tilespmem:$0x1E400] =	vst v63  }
0x153: {  	_ =	swait.ge [sflag:s12], $0x1400  }
0x154: {  	[sflag:s12] =	ssyncset.done $0x0  }
0x155: {  	[sflag:s12] =	ssyncadd.s32 $0xFFFFEC00  }
0x156: {  	[spmem:s8] =	stream.linear.scatter [tilespmem:s13], [sflag:$0x5], $0x1400, $0x38;
	[tilespmem:$0x1E400] =	vst v63  }
0x157: {  	_ =	swait.ge [sflag:s12], $0x1400  }
0x158: {  	[sflag:s12] =	ssyncset.done $0x0  }
0x159: {  	[sflag:s12] =	ssyncadd.s32 $0xFFFFEC00  }
0x15a: {  	[spmem:s9] =	stream.linear.scatter [tilespmem:s13], [sflag:$0x5], $0x1400, $0x38;
	[tilespmem:$0x1E400] =	vst v63  }
0x15b: {  	_ =	swait.ge [sflag:s12], $0x1400  }
0x15c: {  	[sflag:s12] =	ssyncset.done $0x0  }
0x15d: {  	[sflag:s12] =	ssyncadd.s32 $0xFFFFEC00  }
0x15e: {  	[spmem:s10] =	stream.linear.scatter [tilespmem:s13], [sflag:$0x5], $0x1400, $0x38;
	[tilespmem:$0x1E400] =	vst v63  }
0x15f: {  	_ =	swait.ge [sflag:s12], $0x1400  }
0x160: {  	[sflag:s12] =	ssyncset.done $0x0  }
0x161: {  	[sflag:s12] =	ssyncadd.s32 $0xFFFFEC00  }
0x162: {  	[spmem:s11] =	stream.linear.scatter [tilespmem:s13], [sflag:$0x5], $0x1000, $0x38;
	[tilespmem:$0x1E400] =	vst v63  }
0x163: {  	_ =	swait.ge [sflag:s12], $0x1000  }
0x164: {  	[sflag:s12] =	ssyncset.done $0x0  }
0x165: {  	[sflag:s12] =	ssyncadd.s32 $0xFFFFF000  }
0x166: {  	[bflag:$0x0] =	sbarrier.arrive $0xFFFF  }
0x167: {  	s24 =	simm.s32 $0x0;
	s28 =	rddreg [dreg:$0x7]  }
0x168: {  	[tilespmem:s14], [sflag:$0x1] =	stream.linear.gather [hbm4b:s28+s24], $0x4000, $0x38;
	[tilespmem:$0x1E400] =	vst v63  }
0x169: {  	_ =	swait.ge [sflag:s15], $0x4000  }
0x16a: {  	[sflag:s15] =	ssyncset.done $0x0  }
0x16b: {  	s28 =	rddreg [dreg:$0xf];
	[sflag:s15] =	ssyncadd.s32 $0xFFFFC000  }
0x16c: {  	[tilespmem:s16], [sflag:$0x2] =	stream.linear.gather [hbm4b:s28+s24], $0x4000, $0x38;
	[tilespmem:$0x1E400] =	vst v63  }
0x16d: {  	_ = 	snop  }
0x16e: {  	[spmem:s1] =	stream.indirect.scatter.add.f32 [tilespmem:s14], [sflag:$0x3], $0x80, s24, s17, $0xb8;
	[tilespmem:$0x1E400] =	vst v63  }
0x16f: {  	_ =	swait.ge [sflag:s18], $0x4000  }
0x170: {  	[sflag:s18] =	ssyncset.done $0x0  }
0x171: {  	[sflag:s18] =	ssyncadd.s32 $0xFFFFC000  }
0x172: {  	_ =	swait.ge [sflag:s20], $0x4000  }
0x173: {  	[sflag:s20] =	ssyncset.done $0x0  }
0x174: {  	s28 =	rddreg [dreg:$0x10];
	[sflag:s20] =	ssyncadd.s32 $0xFFFFC000  }
0x175: {  	[tilespmem:s14], [sflag:$0x1] =	stream.linear.gather [hbm4b:s28+s24], $0x4000, $0x38;
	[tilespmem:$0x1E400] =	vst v63  }
0x176: {  	s28 =	rddreg [dreg:$0x17]  }
0x177: {  	[spmem:s1] =	stream.indirect.scatter.add.f32 [tilespmem:s16], [sflag:$0x4], $0x80, s17, s17, $0xb8;
	[tilespmem:$0x1E400] =	vst v63  }
.LBB2_10:
0x178: {  	_ =	swait.ge [sflag:s15], $0x4000  }
0x179: {  	[sflag:s15] =	ssyncset.done $0x0  }
0x17a: {  	[sflag:s15] =	ssyncadd.s32 $0xFFFFC000  }
0x17b: {  	_ =	swait.ge [sflag:s22], $0x4000  }
0x17c: {  	[sflag:s22] =	ssyncset.done $0x0  }
0x17d: {  	s29 =	sadd.s32 $0xFFFFF800, s28;
	[sflag:s22] =	ssyncadd.s32 $0xFFFFC000  }
0x17e: {  	[tilespmem:s16], [sflag:$0x2] =	stream.linear.gather [hbm4b:s29+s2], $0x4000, $0x38;
	[tilespmem:$0x1E400] =	vst v63  }
0x17f: {  	s29 =	sshra.s32 s24, $0x2  }
0x180: {  	s30 =	sadd.s32 $0x100, s29  }
0x181: {  	[spmem:s1] =	stream.indirect.scatter.add.f32 [tilespmem:s14], [sflag:$0x3], $0x80, s30, s17, $0xb8;
	[tilespmem:$0x1E400] =	vst v63  }
0x182: {  	p0 =	seq.s32 s24, $0x4800;
	_ =	swait.ge [sflag:s18], $0x4000  }
.Ltmp7:
0x183: {  	[sflag:s18] =	ssyncset.done $0x0;
	(pc) =	sbr.rel @p0 .LBB2_12-.Ltmp7, $4  }
0x184: {  	[sflag:s18] =	ssyncadd.s32 $0xFFFFC000  }
0x185: {  	_ =	swait.ge [sflag:s20], $0x4000  }
0x186: {  	[sflag:s20] =	ssyncset.done $0x0  }
0x187: {  	s29 =	sadd.s32 $0x180, s29;
	[sflag:s20] =	ssyncadd.s32 $0xFFFFC000  }
.Ltmp8:
0x188: {  	(pc) =	sbr.rel .LBB2_10-.Ltmp8, $4  }
0x189: {  	_ = 	snop  }
0x18a: {  	[tilespmem:s14], [sflag:$0x1] =	stream.linear.gather [hbm4b:s28+s2], $0x4000, $0x38;
	[tilespmem:$0x1E400] =	vst v63  }
0x18b: {  	s24 =	sadd.s32 $0x400, s24;
	s28 =	sadd.s32 $0x1000, s28  }
0x18c: {  	[spmem:s1] =	stream.indirect.scatter.add.f32 [tilespmem:s16], [sflag:$0x4], $0x80, s29, s17, $0xb8;
	[tilespmem:$0x1E400] =	vst v63  }
.LBB2_12:
0x18d: {  	[spmem:s1] =	stream.indirect.scatter.add.f32 [tilespmem:s16], [sflag:$0x4], $0x80, s29, s17, $0xb8;
	[tilespmem:$0x1E400] =	vst v63  }
0x18e: {  	_ =	swait.ge [sflag:s22], $0x4000  }
0x18f: {  	[sflag:s22] =	ssyncset.done $0x0  }
0x190: {  	[sflag:s22] =	ssyncadd.s32 $0xFFFFC000  }
0x191: {  	[bflag:$0x0] =	sbarrier.arrive $0xFFFF  }
0x192: {  	s28 =	simm.s32 $0x8;
	s30 =	simm.s32 $0x100;
	s24 =	rddreg [dreg:$0x8]  }
0x193: {  	[hbm:s24@s30], [sflag:s26] =	dma.strided [spmem:s23@s17], $0x2780, s28, $0x10   }
0x194: {  	_ =	swait.ge [sflag:s12], $0x2780  }
0x195: {  	[sflag:s12] =	ssyncset.done $0x0  }
0x196: {  	[sflag:s12] =	ssyncadd.s32 $0xFFFFD880  }
0x197: {  	[bflag:$0x0] =	sbarrier.arrive $0xFFFF  }
0x198: {  	[spmem:s21] =	stream.linear.scatter [tilespmem:s13], [sflag:$0x5], $0x1400, $0x38;
	[tilespmem:$0x1E400] =	vst v63  }
0x199: {  	_ =	swait.ge [sflag:s12], $0x1400  }
0x19a: {  	[sflag:s12] =	ssyncset.done $0x0  }
0x19b: {  	s30 =	rddreg [dreg:$0x19];
	[sflag:s12] =	ssyncadd.s32 $0xFFFFEC00  }
0x19c: {  	[spmem:s30] =	stream.linear.scatter [tilespmem:s13], [sflag:$0x5], $0x1400, $0x38;
	[tilespmem:$0x1E400] =	vst v63  }
0x19d: {  	_ =	swait.ge [sflag:s12], $0x1400  }
0x19e: {  	[sflag:s12] =	ssyncset.done $0x0  }
0x19f: {  	s29 =	rddreg [dreg:$0x1a];
	[sflag:s12] =	ssyncadd.s32 $0xFFFFEC00  }
0x1a0: {  	[spmem:s29] =	stream.linear.scatter [tilespmem:s13], [sflag:$0x5], $0x1400, $0x38;
	[tilespmem:$0x1E400] =	vst v63  }
0x1a1: {  	_ =	swait.ge [sflag:s12], $0x1400  }
0x1a2: {  	[sflag:s12] =	ssyncset.done $0x0  }
0x1a3: {  	s30 =	rddreg [dreg:$0x1b];
	[sflag:s12] =	ssyncadd.s32 $0xFFFFEC00  }
0x1a4: {  	[spmem:s30] =	stream.linear.scatter [tilespmem:s13], [sflag:$0x5], $0x1400, $0x38;
	[tilespmem:$0x1E400] =	vst v63  }
0x1a5: {  	_ =	swait.ge [sflag:s12], $0x1400  }
0x1a6: {  	[sflag:s12] =	ssyncset.done $0x0  }
0x1a7: {  	[sflag:s12] =	ssyncadd.s32 $0xFFFFEC00  }
0x1a8: {  	[spmem:s31] =	stream.linear.scatter [tilespmem:s13], [sflag:$0x5], $0x1400, $0x38;
	[tilespmem:$0x1E400] =	vst v63  }
0x1a9: {  	_ =	swait.ge [sflag:s12], $0x1400  }
0x1aa: {  	[sflag:s12] =	ssyncset.done $0x0  }
0x1ab: {  	[sflag:s12] =	ssyncadd.s32 $0xFFFFEC00  }
0x1ac: {  	[spmem:s19] =	stream.linear.scatter [tilespmem:s13], [sflag:$0x5], $0x1400, $0x38;
	[tilespmem:$0x1E400] =	vst v63  }
0x1ad: {  	_ =	swait.ge [sflag:s12], $0x1400  }
0x1ae: {  	[sflag:s12] =	ssyncset.done $0x0  }
0x1af: {  	[sflag:s12] =	ssyncadd.s32 $0xFFFFEC00  }
0x1b0: {  	[spmem:s0] =	stream.linear.scatter [tilespmem:s13], [sflag:$0x5], $0x1400, $0x38;
	[tilespmem:$0x1E400] =	vst v63  }
0x1b1: {  	_ =	swait.ge [sflag:s12], $0x1400  }
0x1b2: {  	[sflag:s12] =	ssyncset.done $0x0  }
0x1b3: {  	[sflag:s12] =	ssyncadd.s32 $0xFFFFEC00  }
0x1b4: {  	[spmem:s3] =	stream.linear.scatter [tilespmem:s13], [sflag:$0x5], $0x1400, $0x38;
	[tilespmem:$0x1E400] =	vst v63  }
0x1b5: {  	_ =	swait.ge [sflag:s12], $0x1400  }
0x1b6: {  	[sflag:s12] =	ssyncset.done $0x0  }
0x1b7: {  	[sflag:s12] =	ssyncadd.s32 $0xFFFFEC00  }
0x1b8: {  	[spmem:s4] =	stream.linear.scatter [tilespmem:s13], [sflag:$0x5], $0x1400, $0x38;
	[tilespmem:$0x1E400] =	vst v63  }
0x1b9: {  	_ =	swait.ge [sflag:s12], $0x1400  }
0x1ba: {  	[sflag:s12] =	ssyncset.done $0x0  }
0x1bb: {  	[sflag:s12] =	ssyncadd.s32 $0xFFFFEC00  }
0x1bc: {  	[spmem:s5] =	stream.linear.scatter [tilespmem:s13], [sflag:$0x5], $0x1400, $0x38;
	[tilespmem:$0x1E400] =	vst v63  }
0x1bd: {  	_ =	swait.ge [sflag:s12], $0x1400  }
0x1be: {  	[sflag:s12] =	ssyncset.done $0x0  }
0x1bf: {  	[sflag:s12] =	ssyncadd.s32 $0xFFFFEC00  }
0x1c0: {  	[spmem:s6] =	stream.linear.scatter [tilespmem:s13], [sflag:$0x5], $0x1400, $0x38;
	[tilespmem:$0x1E400] =	vst v63  }
0x1c1: {  	_ =	swait.ge [sflag:s12], $0x1400  }
0x1c2: {  	[sflag:s12] =	ssyncset.done $0x0  }
0x1c3: {  	[sflag:s12] =	ssyncadd.s32 $0xFFFFEC00  }
0x1c4: {  	[spmem:s7] =	stream.linear.scatter [tilespmem:s13], [sflag:$0x5], $0x1400, $0x38;
	[tilespmem:$0x1E400] =	vst v63  }
0x1c5: {  	_ =	swait.ge [sflag:s12], $0x1400  }
0x1c6: {  	[sflag:s12] =	ssyncset.done $0x0  }
0x1c7: {  	[sflag:s12] =	ssyncadd.s32 $0xFFFFEC00  }
0x1c8: {  	[spmem:s8] =	stream.linear.scatter [tilespmem:s13], [sflag:$0x5], $0x1400, $0x38;
	[tilespmem:$0x1E400] =	vst v63  }
0x1c9: {  	_ =	swait.ge [sflag:s12], $0x1400  }
0x1ca: {  	[sflag:s12] =	ssyncset.done $0x0  }
0x1cb: {  	[sflag:s12] =	ssyncadd.s32 $0xFFFFEC00  }
0x1cc: {  	[spmem:s9] =	stream.linear.scatter [tilespmem:s13], [sflag:$0x5], $0x1400, $0x38;
	[tilespmem:$0x1E400] =	vst v63  }
0x1cd: {  	_ =	swait.ge [sflag:s12], $0x1400  }
0x1ce: {  	[sflag:s12] =	ssyncset.done $0x0  }
0x1cf: {  	[sflag:s12] =	ssyncadd.s32 $0xFFFFEC00  }
0x1d0: {  	[spmem:s10] =	stream.linear.scatter [tilespmem:s13], [sflag:$0x5], $0x1400, $0x38;
	[tilespmem:$0x1E400] =	vst v63  }
0x1d1: {  	_ =	swait.ge [sflag:s12], $0x1400  }
0x1d2: {  	[sflag:s12] =	ssyncset.done $0x0  }
0x1d3: {  	[sflag:s12] =	ssyncadd.s32 $0xFFFFEC00  }
0x1d4: {  	[spmem:s11] =	stream.linear.scatter [tilespmem:s13], [sflag:$0x5], $0x1000, $0x38;
	[tilespmem:$0x1E400] =	vst v63  }
0x1d5: {  	_ =	swait.ge [sflag:s12], $0x1000  }
0x1d6: {  	[sflag:s12] =	ssyncset.done $0x0  }
0x1d7: {  	[sflag:s12] =	ssyncadd.s32 $0xFFFFF000  }
0x1d8: {  	[bflag:$0x0] =	sbarrier.arrive $0xFFFF  }
0x1d9: {  	s24 =	simm.s32 $0x0;
	s28 =	rddreg [dreg:$0x9]  }
0x1da: {  	[tilespmem:s14], [sflag:$0x1] =	stream.linear.gather [hbm4b:s28+s24], $0x4000, $0x38;
	[tilespmem:$0x1E400] =	vst v63  }
0x1db: {  	_ =	swait.ge [sflag:s15], $0x4000  }
0x1dc: {  	[sflag:s15] =	ssyncset.done $0x0  }
0x1dd: {  	s28 =	rddreg [dreg:$0x11];
	[sflag:s15] =	ssyncadd.s32 $0xFFFFC000  }
0x1de: {  	[tilespmem:s16], [sflag:$0x2] =	stream.linear.gather [hbm4b:s28+s24], $0x4000, $0x38;
	[tilespmem:$0x1E400] =	vst v63  }
0x1df: {  	_ = 	snop  }
0x1e0: {  	[spmem:s1] =	stream.indirect.scatter.add.f32 [tilespmem:s14], [sflag:$0x3], $0x80, s24, s17, $0xb8;
	[tilespmem:$0x1E400] =	vst v63  }
0x1e1: {  	_ =	swait.ge [sflag:s18], $0x4000  }
0x1e2: {  	[sflag:s18] =	ssyncset.done $0x0  }
0x1e3: {  	[sflag:s18] =	ssyncadd.s32 $0xFFFFC000  }
0x1e4: {  	_ =	swait.ge [sflag:s20], $0x4000  }
0x1e5: {  	[sflag:s20] =	ssyncset.done $0x0  }
0x1e6: {  	s28 =	rddreg [dreg:$0x12];
	[sflag:s20] =	ssyncadd.s32 $0xFFFFC000  }
0x1e7: {  	[tilespmem:s14], [sflag:$0x1] =	stream.linear.gather [hbm4b:s28+s24], $0x4000, $0x38;
	[tilespmem:$0x1E400] =	vst v63  }
0x1e8: {  	s28 =	rddreg [dreg:$0x18]  }
0x1e9: {  	[spmem:s1] =	stream.indirect.scatter.add.f32 [tilespmem:s16], [sflag:$0x4], $0x80, s17, s17, $0xb8;
	[tilespmem:$0x1E400] =	vst v63  }
.LBB2_13:
0x1ea: {  	_ =	swait.ge [sflag:s15], $0x4000  }
0x1eb: {  	[sflag:s15] =	ssyncset.done $0x0  }
0x1ec: {  	[sflag:s15] =	ssyncadd.s32 $0xFFFFC000  }
0x1ed: {  	_ =	swait.ge [sflag:s22], $0x4000  }
0x1ee: {  	[sflag:s22] =	ssyncset.done $0x0  }
0x1ef: {  	s29 =	sadd.s32 $0xFFFFF800, s28;
	[sflag:s22] =	ssyncadd.s32 $0xFFFFC000  }
0x1f0: {  	[tilespmem:s16], [sflag:$0x2] =	stream.linear.gather [hbm4b:s29+s2], $0x4000, $0x38;
	[tilespmem:$0x1E400] =	vst v63  }
0x1f1: {  	s29 =	sshra.s32 s24, $0x2  }
0x1f2: {  	s30 =	sadd.s32 $0x100, s29  }
0x1f3: {  	[spmem:s1] =	stream.indirect.scatter.add.f32 [tilespmem:s14], [sflag:$0x3], $0x80, s30, s17, $0xb8;
	[tilespmem:$0x1E400] =	vst v63  }
0x1f4: {  	p0 =	seq.s32 s24, $0x4800;
	_ =	swait.ge [sflag:s18], $0x4000  }
.Ltmp9:
0x1f5: {  	[sflag:s18] =	ssyncset.done $0x0;
	(pc) =	sbr.rel @p0 .LBB2_15-.Ltmp9, $4  }
0x1f6: {  	[sflag:s18] =	ssyncadd.s32 $0xFFFFC000  }
0x1f7: {  	_ =	swait.ge [sflag:s20], $0x4000  }
0x1f8: {  	[sflag:s20] =	ssyncset.done $0x0  }
0x1f9: {  	s29 =	sadd.s32 $0x180, s29;
	[sflag:s20] =	ssyncadd.s32 $0xFFFFC000  }
.Ltmp10:
0x1fa: {  	(pc) =	sbr.rel .LBB2_13-.Ltmp10, $4  }
0x1fb: {  	_ = 	snop  }
0x1fc: {  	[tilespmem:s14], [sflag:$0x1] =	stream.linear.gather [hbm4b:s28+s2], $0x4000, $0x38;
	[tilespmem:$0x1E400] =	vst v63  }
0x1fd: {  	s24 =	sadd.s32 $0x400, s24;
	s28 =	sadd.s32 $0x1000, s28  }
0x1fe: {  	[spmem:s1] =	stream.indirect.scatter.add.f32 [tilespmem:s16], [sflag:$0x4], $0x80, s29, s17, $0xb8;
	[tilespmem:$0x1E400] =	vst v63  }
.LBB2_16:
0x1ff: {  	_ =	sfence.sel $0x180000  }
0x200: {  	[bflag:$0x0] =	sbarrier.arrive $0xFFFF  }
0x201: {  	_ =	strace $0x9000004A  }
0x202: {  	s0 =	stileid.u32;
	[bflag:$0x2] =	sbarrier.arrive $0xFFFF  }
0x203: {  	p0 =	sne.s32 s0, $0x0;
	s0 =	rddreg [dreg:$0x2]  }
0x204: {  	s0 =	sadd.s32 @!p0 $0x100000, s0  }
0x205: {  	[sflag:s0] =	ssyncadd.tile.s32 @!p0 $0x1;
	_ =	shalt  }
.Lfunc_end2:
_tile_overlayer_lowered:
.L_overlay_start_2:
0x206: {  	(tag) =	ssettag $0x2  }
0x207: {  	s0 =	rddreg [dreg:$0x0];
	s2 =	stileid.u32  }
0x208: {  	s1 =	rddreg [dreg:$0x1];
	p0 =	sne.s32 s2, $0x0  }
0x209: {  	s3 =	rddreg [dreg:$0x2];
	[bflag:$0x3] =	sbarrier.arrive $0xFFFF;
	s2 =	simm.s32 @!p0 $0x1C05  }
0x20a: {  	[timem:s3], [sflag:s2] =	dma.local @!p0 [hbm:s0], s1  }
0x20b: {  	s0 =	simm.s32 @!p0 $0x5  }
0x20c: {  	_ =	swait.ge @!p0 [sflag:s0], s1  }
0x20d: {  	s1 =	ssub.s32 @!p0 $0x0, s1;
	[sflag:s0] =	ssyncset.done @!p0 $0x0  }
0x20e: {  	[sflag:s0] =	ssyncadd.s32 @!p0 s1  }
0x20f: {  	[bflag:$0x3] =	sbarrier.arrive $0xFFFF  }
0x210: {  	_ =	shalt  }

// kernel: kernel.9.cloned.1.call-start
scs
__scs_entry_jumppad:
0x0: {  	(pc) =	sbr.rel $0x88, $3  }
0x1: {  	(tag) =	ssettag $0x0;
	lr =	simm.s32 $0x1  }
0x2: {  	[smem:$0x3F90] =	sst lr;
	_ =	strace $0xD0000000  }
0x3: {  	_ = 	snop  }
0x4: {  	_ = 	snop  }
0x5: {  	_ = 	snop  }
0x6: {  	_ = 	snop  }
0x7: {  	_ = 	snop  }
__scs_overlays_trampoline_lowered:
0x8: {  	[smem:$0x3F9F] =	sst s0  }
0x9: {  	[smem:$0x3FA0] =	sst s1  }
0xa: {  	[smem:$0x3FA1] =	sst s2  }
0xb: {  	[smem:$0x3FA2] =	sst s3  }
0xc: {  	[smem:$0x3FA3] =	sst s4  }
0xd: {  	[smem:$0x3FA4] =	sst s5  }
0xe: {  	[smem:$0x3FA5] =	sst s6  }
0xf: {  	[smem:$0x3FA6] =	sst s7  }
0x10: {  	[smem:$0x3FA7] =	sst s8  }
0x11: {  	[smem:$0x3FA8] =	sst s9;
	s0 =	simm.s32 @!p0 $0x0  }
0x12: {  	s1 =	sld [smem:$0x3F8E];
	s0 =	simm.s32 @p0 $0x1  }
0x13: {  	[smem:$0x3FA9] =	sst s0;
	s0 =	simm.s32 @!p1 $0x0  }
0x14: {  	s2 =	sld [smem:$0x3F8D];
	s0 =	simm.s32 @p1 $0x1  }
0x15: {  	[smem:$0x3FAA] =	sst s0;
	s0 =	simm.s32 @!p2 $0x0  }
0x16: {  	s3 =	sld [smem:$0x3FDB];
	s0 =	simm.s32 @p2 $0x1  }
0x17: {  	s4 =	simm.s32 $0x1BF5;
	[smem:$0x3FAC] =	sst s0  }
0x18: {  	s0 =	sld [smem:$0x3F8F];
	_ =	swait.ge [sflag:s4], $0x0  }
0x19: {  	s7 =	sld [smem:$0x3F90]  }
0x1a: {  	s8 =	sadd.s32 $0xFFFFE003, lr  }
0x1b: {  	s9 =	sadd.s32 $0xFFFFFEF7, lr;
	s5 =	simm.s32 $0xFFFFFFFF;
	p2 =	slt.u32 s8, $0xFFFFF086  }
0x1c: {  	p1 =	slt.u32 s9, $0xF7A;
	s5 =	simm.s32 @!p2 $0x0  }
0x1d: {  	s5 =	simm.s32 @p1 $0x1;
	p0 =	seq.s32 s7, s2  }
0x1e: {  	s7 =	smul.u32 @!p0 $0xF7A, s2;
	p2 =	seq.s32 @!p0 s5, $0x0  }
0x1f: {  	s9 =	smul.u32 $0xF7A, s1;
	s8 =	simm.s32 @!p0 $0x1BF5;
	p2 =	por !p2, p0  }
0x20: {  	[sflag:s8] =	ssyncset.s32 @!p0 $0xFFFFF086;
	s6 =	sadd.s32 @!p0 s3, s7;
	s7 =	simm.s32 @!p0 $0x108  }
0x21: {  	s3 =	sadd.s32 s3, s9;
	s6 =	sadd.s32 @!p0 $0x88, s6;
	s7 =	simm.s32 @p2 $0x1082  }
0x22: {  	[simem:s7], [sflag:s8] =	dma.local @!p0 [hbm:s6], $0xF7A  }
0x23: {  	s9 =	sor.u32 $0xD0000000, s2;
	s6 =	simm.s32 $0x108;
	_ =	swait.ge @!p0 [sflag:s8], $0x0  }
0x24: {  	s3 =	sadd.s32 $0x88, s3;
	s6 =	simm.s32 @!p1 $0x1082;
	[sflag:s4] =	ssyncset.s32 $0xFFFFF086  }
0x25: {  	[simem:s6], [sflag:s4] =	dma.local [hbm:s3], $0xF7A  }
0x26: {  	[smem:$0x3F90] =	sst s1;
	(tag) =	ssettag s2;
	_ =	strace s9  }
0x27: {  	s1 =	sld [smem:$0x3FA0]  }
0x28: {  	s2 =	sld [smem:$0x3FA1]  }
0x29: {  	s4 =	sld [smem:$0x3FA3]  }
0x2a: {  	p0 =	seq.s32 s5, $0x0;
	s5 =	sld [smem:$0x3FA4]  }
0x2b: {  	s6 =	sld [smem:$0x3FA5]  }
0x2c: {  	s7 =	sld [smem:$0x3FA6]  }
0x2d: {  	s3 =	simm.s32 $0x108;
	s8 =	sld [smem:$0x3FA7]  }
0x2e: {  	s3 =	simm.s32 @!p0 $0x1082;
	s9 =	sld [smem:$0x3FA8]  }
0x2f: {  	lr =	sadd.s32 s0, s3;
	s0 =	sld [smem:$0x3F9F]  }
0x30: {  	s3 =	sld [smem:$0x3FA2]  }
0x31: {  	[smem:$0x3FAB] =	sst s10  }
0x32: {  	s10 =	sld [smem:$0x3FA9];
	_ =	sdelay $0x3  }
0x33: {  	p0 =	seq.s32 s10, $0x1;
	s10 =	sld [smem:$0x3FAB];
	_ =	sdelay $0x3  }
0x34: {  	[smem:$0x3FAB] =	sst s10  }
0x35: {  	s10 =	sld [smem:$0x3FAA];
	_ =	sdelay $0x3  }
0x36: {  	p1 =	seq.s32 s10, $0x1;
	s10 =	sld [smem:$0x3FAB];
	_ =	sdelay $0x3  }
0x37: {  	[smem:$0x3FAB] =	sst s10  }
0x38: {  	s10 =	sld [smem:$0x3FAC]  }
0x39: {  	_ = 	snop;
	(pc) =	sbr.ind lr, $3  }
0x3a: {  	_ = 	snop  }
0x3b: {  	_ = 	snop  }
0x3c: {  	p2 =	seq.s32 s10, $0x1;
	s10 =	sld [smem:$0x3FAB]  }
0x3d: {  	_ =	shalt  }
0x3e: {  	_ =	shalt  }
0x3f: {  	_ =	shalt  }
0x40: {  	_ =	shalt  }
0x41: {  	_ =	shalt  }
0x42: {  	_ =	shalt  }
0x43: {  	_ =	shalt  }
0x44: {  	_ =	shalt  }
0x45: {  	_ =	shalt  }
0x46: {  	_ =	shalt  }
0x47: {  	_ =	shalt  }
0x48: {  	_ =	shalt  }
0x49: {  	_ =	shalt  }
0x4a: {  	_ =	shalt  }
0x4b: {  	_ =	shalt  }
0x4c: {  	_ =	shalt  }
0x4d: {  	_ =	shalt  }
0x4e: {  	_ =	shalt  }
0x4f: {  	_ =	shalt  }
0x50: {  	_ =	shalt  }
0x51: {  	_ =	shalt  }
0x52: {  	_ =	shalt  }
0x53: {  	_ =	shalt  }
0x54: {  	_ =	shalt  }
0x55: {  	_ =	shalt  }
0x56: {  	_ =	shalt  }
0x57: {  	_ =	shalt  }
0x58: {  	_ =	shalt  }
0x59: {  	_ =	shalt  }
0x5a: {  	_ =	shalt  }
0x5b: {  	_ =	shalt  }
0x5c: {  	_ =	shalt  }
0x5d: {  	_ =	shalt  }
0x5e: {  	_ =	shalt  }
0x5f: {  	_ =	shalt  }
0x60: {  	_ =	shalt  }
0x61: {  	_ =	shalt  }
0x62: {  	_ =	shalt  }
0x63: {  	_ =	shalt  }
0x64: {  	_ =	shalt  }
0x65: {  	_ =	shalt  }
0x66: {  	_ =	shalt  }
0x67: {  	_ =	shalt  }
0x68: {  	_ =	shalt  }
0x69: {  	_ =	shalt  }
0x6a: {  	_ =	shalt  }
0x6b: {  	_ =	shalt  }
0x6c: {  	_ =	shalt  }
0x6d: {  	_ =	shalt  }
0x6e: {  	_ =	shalt  }
0x6f: {  	_ =	shalt  }
0x70: {  	_ =	shalt  }
0x71: {  	_ =	shalt  }
0x72: {  	_ =	shalt  }
0x73: {  	_ =	shalt  }
0x74: {  	_ =	shalt  }
0x75: {  	_ =	shalt  }
0x76: {  	_ =	shalt  }
0x77: {  	_ =	shalt  }
0x78: {  	_ =	shalt  }
0x79: {  	_ =	shalt  }
0x7a: {  	_ =	shalt  }
0x7b: {  	_ =	shalt  }
0x7c: {  	_ =	shalt  }
0x7d: {  	_ =	shalt  }
0x7e: {  	_ =	shalt  }
0x7f: {  	_ =	shalt  }
0x80: {  	_ =	shalt  }
0x81: {  	_ =	shalt  }
0x82: {  	_ =	shalt  }
0x83: {  	_ =	shalt  }
0x84: {  	_ =	shalt  }
0x85: {  	_ =	shalt  }
0x86: {  	_ =	shalt  }
0x87: {  	_ =	shalt  }
.Lfunc_end0:
.L_simem_size_0:
called_computation_lowered:
.L_overlay_start_0:
0x88: {  	s2 =	sld [smem:$0x3FD9]  }
0x89: {  	s3 =	sld [smem:$0x3FFE];
	_ =	sdelay $0x1  }
0x8a: {  	s1 =	srdreg.scid  }
0x8b: {  	s0 =	sand.u32 $0x1, s1  }
0x8c: {  	s14 =	sshll.u32 s0, $0xA;
	s2 =	sadd.s32 s3, s2  }
0x8d: {  	s2 =	sadd.s32 s2, s14  }
0x8e: {  	[smem:$0x3FB7] =	sst s2  }
0x8f: {  	_ = 	snop  }
0x90: {  	s2 =	sld [smem:$0x3FD0];
	_ =	sdelay $0x2  }
0x91: {  	s15 =	simm.s32 $0xA;
	s4 =	simm.s32 $0x10  }
0x92: {  	[smem:s4], [sflag:s15] =	dma.local [hbm:s2], $0x1  }
0x93: {  	_ =	swait.eq [sflag:s15], $0x1  }
0x94: {  	[sflag:s15] =	ssyncset.done $0x0  }
0x95: {  	[sflag:s15] =	ssyncadd.s32 $0xFFFFFFFF  }
0x96: {  	s16 =	sld [smem:$0x11];
	(tm) =	ssettm $0x1  }
0x97: {  	s17 =	sld [smem:$0x3FFB];
	_ =	sdelay $0x3  }
0x98: {  	_ =	strace s17  }
0x99: {  	s3 =	sld [smem:$0x3FFC];
	_ =	sdelay $0x3  }
0x9a: {  	_ =	strace s3  }
0x9b: {  	s3 =	sld [smem:$0x3FFD];
	_ =	sdelay $0x3  }
0x9c: {  	_ =	strace s3  }
0x9d: {  	_ =	strace $0x8FFFFFFF  }
0x9e: {  	s18 =	sld [smem:$0x3FDB];
	_ =	sdelay $0x1  }
0x9f: {  	s19 =	simm.s32 $_scs_section_size  }
0xa0: {  	s5 =	simm.s32 $_size__tile_overlayer_lowered;
	s6 =	simm.s32 $_tile_overlayer_lowered  }
0xa1: {  	s22 =	simm.s32 $0x1BFF;
	s21 =	sshll.u32 s6, $0x1;
	s3 =	sadd.s32 s19, s18  }
0xa2: {  	s7 =	simm.s32 $0x0;
	s20 =	sshll.u32 s5, $0x1;
	s5 =	sadd.s32 s21, s3  }
0xa3: {  	[timem:s7], [sflag:s22] =	dma.local [hbm:s5], s20  }
0xa4: {  	_ =	swait.ge [sflag:s22], s20  }
0xa5: {  	s4 =	ssub.s32 $0x0, s20;
	[sflag:s22] =	ssyncset.done $0x0  }
0xa6: {  	[sflag:s22] =	ssyncadd.s32 s4;
	_ =	sdelay $0x1  }
0xa7: {  	s23 =	simm.s32 $0x1B8B  }
0xa8: {  	_ =	swait.ge [sflag:s23], $0x1  }
0xa9: {  	[sflag:s23] =	ssyncset.done $0x0  }
0xaa: {  	s25 =	simm.s32 $0x1B8E;
	s24 =	sld [smem:$0x3FFE];
	[sflag:s23] =	ssyncadd.s32 $0xFFFFFFFF  }
0xab: {  	s26 =	simm.s32 $execute0_lowered;
	[smem:$0x3FD2] =	sst s25  }
0xac: {  	s5 =	sshll.u32 s26, $0x1;
	_ =	strace $0x80000046;
	[dreg:$0x1] =	wrdreg $0xFFFFFFFF  }
0xad: {  	s28 =	simm.s32 $_size_execute0_lowered;
	s3 =	sadd.s32 s3, s5;
	[dreg:$0x0] =	wrdreg $0x0  }
0xae: {  	s5 =	sshll.u32 s28, $0x1;
	[dreg:$0x2] =	wrdreg s3  }
0xaf: {  	[dreg:$0x3] =	wrdreg s5  }
0xb0: {  	[dreg:$0x4] =	wrdreg $0xC0  }
0xb1: {  	_ =	task [dreg:s7], $0x5FFFF  }
0xb2: {  	[dreg:$0x1] =	wrdreg $0xFFFFFFFF  }
0xb3: {  	[dreg:$0x0] =	wrdreg $0x60  }
0xb4: {  	[dreg:$0x2] =	wrdreg s24  }
0xb5: {  	[dreg:$0x3] =	wrdreg s16  }
0xb6: {  	[dreg:$0x4] =	wrdreg $0x9  }
0xb7: {  	_ =	task.clear_ibuf [dreg:s7], $0x5FFFF;
	_ =	strace $0x90000046  }
0xb8: {  	s29 =	simm.s32 $0x9;
	_ =	strace $0x80000048  }
0xb9: {  	_ =	swait.ge [sflag:s29], $0x1  }
0xba: {  	[sflag:s29] =	ssyncadd.s32 $0xFFFFFFFF  }
0xbb: {  	_ =	strace $0x90000048  }
0xbc: {  	_ =	sfence  }
0xbd: {  	s30 =	sld [smem:$0x0];
	_ =	sdelay $0x2  }
0xbe: {  	s31 =	sshll.u32 s1, $0xD;
	s1 =	sshrl.u32 s1, $0x2  }
0xbf: {  	s3 =	sand.u32 $0x4000, s31;
	s1 =	sadd.s32 s1, s30  }
0xc0: {  	s0 =	sor.u32 s3, s0;
	s1 =	sshll.u32 s1, $0x11  }
0xc1: {  	s0 =	sor.u32 s1, s0  }
0xc2: {  	s0 =	sadd.s32 $0x8F2B, s0  }
0xc3: {  	[sflag:s0] =	ssyncadd.remote.s32 $0x1  }
0xc4: {  	_ =	sfence.sel $0xFFFF  }
0xc5: {  	[dreg:$0x0] =	wrdreg $0xFFFFFFFF;
	(pc) =	sbr.abs _section_cstart, $3  }
0xc6: {  	[dreg:$0x1] =	wrdreg $0xFFFFFFFF  }
0xc7: {  	_ =	task.clear_ibuf [dreg:s7], $0x2FFFF;
	_ =	strace $0x9FFFFFFF  }
0xc8: {  	(tm) =	ssettm $0x7FFFFFFF  }
0xc9: {  	_ =	shalt  }
tec
execute0_lowered:
.L_overlay_start_1:
0x0: {  	(tag) =	ssettag $0x1  }
0x1: {  	s6 =	rddreg [dreg:$0x0]  }
0x2: {  	s11 =	rddreg [dreg:$0x1]  }
0x3: {  	s0 =	rddreg [dreg:$0x2];
	s2 =	simm.s32 $0x0;
	s1 =	stileid.u32  }
0x4: {  	s4 =	srdreg.scid;
	s13 =	simm.s32 $0x80;
	s14 =	simm.s32 $0x2800  }
0x5: {  	s15 =	simm.s32 $0x6800;
	s16 =	simm.s32 $0xA800;
	s17 =	simm.s32 $0x1  }
0x6: {  	s18 =	simm.s32 $0x2;
	s19 =	simm.s32 $0x3;
	s20 =	simm.s32 $0x0  }
0x7: {  	[smem:$0x7FF] =	sst s2;
	s7 =	smul.u32 $0x28, s1;
	s3 =	sadd.s32 $0x11A00, s6  }
0x8: {  	s8 =	sand.u32 $0x1, s4;
	s4 =	sadd.s32 $0x5FE00, s6;
	s5 =	sadd.s32 $0x38C00, s6  }
0x9: {  	p0 =	seq.s32 s8, $0x0;
	s29 =	ssub.s32 $0x2, s8;
	s9 =	sadd.s32 $0x280, s7  }
0xa: {  	_ =	strace $0x80000047;
	s31 =	sshrl.u32 s29, $0x1;
	s9 =	smov.u32 @p0 s7  }
0xb: {  	s30 =	sshll.u32 s9, $0x4;
	s12 =	sshll.u32 s9, $0xB;
	s9 =	ssub.s32 s29, s31  }
0xc: {  	s8 =	sadd.s32 s30, s6;
	s10 =	sadd.s32 s12, s6;
	s11 =	sadd.s32 s12, s11  }
0xd: {  	s12 =	simm.s32 $0x4;
	s6 =	sadd.s32 $0x7A00, s8;
	s7 =	sadd.s32 $0x2A00, s8  }
0xe: {  	s8 =	smax.u32 s9, $0x1;
	s9 =	sadd.s32 $0x307000, s10;
	s10 =	sadd.s32 $0x87000, s10  }
.LBB2_1:
0xf: {  	[tilespmem:s2], [sflag:$0x4] =	stream.linear.gather [hbm4b:s6+s2], $0x1400, $0x38;
	[tilespmem:$0xE800] =	vst v63  }
0x10: {  	_ =	swait.ge [sflag:s12], $0x1400  }
0x11: {  	[sflag:s12] =	ssyncset.done $0x0  }
0x12: {  	s21 =	simm.s32 $0x1400;
	[sflag:s12] =	ssyncadd.s32 $0xFFFFEC00  }
0x13: {  	[tilespmem:s21], [sflag:$0x4] =	stream.linear.gather [hbm4b:s7+s2], $0x1400, $0x38;
	[tilespmem:$0xE800] =	vst v63  }
0x14: {  	_ =	swait.ge [sflag:s12], $0x1400  }
0x15: {  	[sflag:s12] =	ssyncset.done $0x0  }
0x16: {  	[sflag:s12] =	ssyncadd.s32 $0xFFFFEC00  }
0x17: {  	[tilespmem:s14], [sflag:$0x1] =	stream.indirect.gather [hbm4b:s3+s13], $0x80, s2, s13, $0xb8;
	[tilespmem:$0xE800] =	vst v63  }
0x18: {  	_ = 	snop  }
0x19: {  	[tilespmem:s15], [sflag:$0x2] =	stream.indirect.gather [hbm4b:s4+s13], $0x80, s21, s13, $0xb8;
	[tilespmem:$0xE800] =	vst v63  }
0x1a: {  	_ = 	snop  }
0x1b: {  	[tilespmem:s16], [sflag:$0x3] =	stream.indirect.gather [hbm4b:s5+s13], $0x80, s2, s13, $0xb8;
	[tilespmem:$0xE800] =	vst v63  }
0x1c: {  	_ =	swait.ge [sflag:s17], $0x4000  }
0x1d: {  	[sflag:s17] =	ssyncset.done $0x0  }
0x1e: {  	[sflag:s17] =	ssyncadd.s32 $0xFFFFC000  }
0x1f: {  	_ =	swait.ge [sflag:s18], $0x4000  }
0x20: {  	[sflag:s18] =	ssyncset.done $0x0  }
0x21: {  	[sflag:s18] =	ssyncadd.s32 $0xFFFFC000  }
0x22: {  	_ =	swait.ge [sflag:s19], $0x4000  }
0x23: {  	[sflag:s19] =	ssyncset.done $0x0  }
0x24: {  	s22 =	sadd.s32 $0x0, s11;
	[sflag:s19] =	ssyncadd.s32 $0xFFFFC000  }
0x25: {  	[hbm4b:s22+s2] =	stream.linear.scatter [tilespmem:s14], [sflag:$0x4], $0x4000, $0x38;
	[tilespmem:$0xE800] =	vst v63  }
0x26: {  	_ =	swait.ge [sflag:s12], $0x4000  }
0x27: {  	[sflag:s12] =	ssyncset.done $0x0  }
0x28: {  	s30 =	sadd.s32 $0x0, s10;
	[sflag:s12] =	ssyncadd.s32 $0xFFFFC000  }
0x29: {  	[hbm4b:s30+s2] =	stream.linear.scatter [tilespmem:s15], [sflag:$0x4], $0x4000, $0x38;
	[tilespmem:$0xE800] =	vst v63  }
0x2a: {  	_ =	swait.ge [sflag:s12], $0x4000  }
0x2b: {  	[sflag:s12] =	ssyncset.done $0x0  }
0x2c: {  	s31 =	sadd.s32 $0x0, s9;
	[sflag:s12] =	ssyncadd.s32 $0xFFFFC000  }
0x2d: {  	[hbm4b:s31+s2] =	stream.linear.scatter [tilespmem:s16], [sflag:$0x4], $0x4000, $0x38;
	[tilespmem:$0xE800] =	vst v63  }
0x2e: {  	_ =	swait.ge [sflag:s12], $0x4000  }
0x2f: {  	s23 =	simm.s32 $0x0;
	s22 =	simm.s32 $0x800;
	[sflag:s12] =	ssyncset.done $0x0  }
.LBB2_2:
0x30: {  	[sflag:s12] =	ssyncadd.s32 $0xFFFFC000;
	s23 =	sadd.s32 $0x80, s23;
	s21 =	sadd.s32 $0x80, s21  }
0x31: {  	[tilespmem:s14], [sflag:$0x1] =	stream.indirect.gather [hbm4b:s3+s13], $0x80, s23, s13, $0xb8;
	[tilespmem:$0xE800] =	vst v63  }
0x32: {  	p0 =	sne.s32 s22, $0x13800;
	s24 =	smov.u32 s22;
	s22 =	sadd.s32 $0x800, s22  }
0x33: {  	[tilespmem:s15], [sflag:$0x2] =	stream.indirect.gather [hbm4b:s4+s13], $0x80, s21, s13, $0xb8;
	[tilespmem:$0xE800] =	vst v63  }
0x34: {  	_ = 	snop  }
0x35: {  	[tilespmem:s16], [sflag:$0x3] =	stream.indirect.gather [hbm4b:s5+s13], $0x80, s23, s13, $0xb8;
	[tilespmem:$0xE800] =	vst v63  }
0x36: {  	_ =	swait.ge [sflag:s17], $0x4000  }
0x37: {  	[sflag:s17] =	ssyncset.done $0x0  }
0x38: {  	[sflag:s17] =	ssyncadd.s32 $0xFFFFC000  }
0x39: {  	_ =	swait.ge [sflag:s18], $0x4000  }
0x3a: {  	[sflag:s18] =	ssyncset.done $0x0  }
0x3b: {  	[sflag:s18] =	ssyncadd.s32 $0xFFFFC000  }
0x3c: {  	_ =	swait.ge [sflag:s19], $0x4000  }
0x3d: {  	[sflag:s19] =	ssyncset.done $0x0  }
0x3e: {  	s25 =	sadd.s32 s24, s11;
	[sflag:s19] =	ssyncadd.s32 $0xFFFFC000  }
0x3f: {  	[hbm4b:s25+s2] =	stream.linear.scatter [tilespmem:s14], [sflag:$0x4], $0x4000, $0x38;
	[tilespmem:$0xE800] =	vst v63  }
0x40: {  	_ =	swait.ge [sflag:s12], $0x4000  }
0x41: {  	[sflag:s12] =	ssyncset.done $0x0  }
0x42: {  	s25 =	sadd.s32 s24, s10;
	[sflag:s12] =	ssyncadd.s32 $0xFFFFC000  }
0x43: {  	[hbm4b:s25+s2] =	stream.linear.scatter [tilespmem:s15], [sflag:$0x4], $0x4000, $0x38;
	[tilespmem:$0xE800] =	vst v63  }
0x44: {  	_ =	swait.ge [sflag:s12], $0x4000  }
.Ltmp0:
0x45: {  	[sflag:s12] =	ssyncset.done $0x0;
	(pc) =	sbr.rel @p0 .LBB2_2-.Ltmp0, $4  }
0x46: {  	s24 =	sadd.s32 s24, s9;
	[sflag:s12] =	ssyncadd.s32 $0xFFFFC000  }
0x47: {  	[hbm4b:s24+s2] =	stream.linear.scatter [tilespmem:s16], [sflag:$0x4], $0x4000, $0x38;
	[tilespmem:$0xE800] =	vst v63  }
0x48: {  	_ =	swait.ge [sflag:s12], $0x4000  }
0x49: {  	[sflag:s12] =	ssyncset.done $0x0  }
0x4a: {  	s20 =	sadd.s32 $0x1, s20  }
0x4b: {  	p0 =	sne.s32 s20, s8  }
.Ltmp1:
0x4c: {  	_ = 	snop;
	(pc) =	sbr.rel @p0 .LBB2_1-.Ltmp1, $2  }
0x4d: {  	_ =	sdelay $0x2  }
0x4e: {  	[sflag:s12] =	ssyncadd.s32 $0xFFFFC000  }
0x4f: {  	_ =	sfence.sel $0x180000  }
0x50: {  	[bflag:$0x0] =	sbarrier.arrive $0xFFFF  }
0x51: {  	p0 =	sne.s32 s1, $0x0;
	_ =	strace $0x90000047  }
0x52: {  	s0 =	sadd.s32 @!p0 $0x100000, s0;
	[bflag:$0x2] =	sbarrier.arrive $0xFFFF  }
0x53: {  	[sflag:s0] =	ssyncadd.tile.s32 @!p0 $0x1;
	_ =	shalt  }
.Lfunc_end2:
_tile_overlayer_lowered:
.L_overlay_start_2:
0x54: {  	(tag) =	ssettag $0x2  }
0x55: {  	s0 =	rddreg [dreg:$0x0];
	s2 =	stileid.u32  }
0x56: {  	s1 =	rddreg [dreg:$0x1];
	p0 =	sne.s32 s2, $0x0  }
0x57: {  	s3 =	rddreg [dreg:$0x2];
	[bflag:$0x3] =	sbarrier.arrive $0xFFFF;
	s2 =	simm.s32 @!p0 $0x1C04  }
0x58: {  	[timem:s3], [sflag:s2] =	dma.local @!p0 [hbm:s0], s1  }
0x59: {  	s0 =	simm.s32 @!p0 $0x4  }
0x5a: {  	_ =	swait.ge @!p0 [sflag:s0], s1  }
0x5b: {  	s1 =	ssub.s32 @!p0 $0x0, s1;
	[sflag:s0] =	ssyncset.done @!p0 $0x0  }
0x5c: {  	[sflag:s0] =	ssyncadd.s32 @!p0 s1  }
0x5d: {  	[bflag:$0x3] =	sbarrier.arrive $0xFFFF  }
0x5e: {  	_ =	shalt  }

</sc_bundles>
